<compile_context>
chip_gen: v7x
topology: tpu7x:2x2x1
jax: 0.10.2.dev20260603
libtpu: 0.0.44.dev20260713+nightly
codegen_flags: <defaults>
</compile_context>

<pallas_src>
import functools

import jax
import jax.numpy as jnp
from jax import lax
from jax.experimental import pallas as pl
from jax.experimental.pallas import tpu as pltpu
from jax.experimental.pallas import tpu_sc as plsc


def _sc_pos_embed(h_embed, w_embed):
    h, d = h_embed.shape
    w, _ = w_embed.shape
    info = plsc.get_sparse_core_info()
    nc = info.num_cores
    nw = nc * info.num_subcores
    bpw = h // nw
    nbuf = 2
    tile = w // nbuf
    steps = bpw * nbuf
    lanes = info.num_lanes
    nv = d // lanes
    mesh = plsc.VectorSubcoreMesh(core_axis_name="c", subcore_axis_name="s")

    @functools.partial(
        pl.kernel,
        mesh=mesh,
        out_type=jax.ShapeDtypeStruct((h, w, 2 * d), jnp.float32),
        scratch_types=[
            pltpu.VMEM_SHARED((w, d), jnp.float32),
            pltpu.VMEM((nbuf, 1, tile, 2 * d), jnp.float32),
            pltpu.VMEM((bpw, d), jnp.float32),
            pltpu.SemaphoreType.DMA,
            pltpu.SemaphoreType.DMA,
            pltpu.SemaphoreType.DMA,
        ],
    )
    def k(h_hbm, w_hbm, out_hbm, wsh, tbuf, hrow, r_sem, p_sem, in_sem):
        sid = lax.axis_index("s")
        wid = sid * nc + lax.axis_index("c")
        i0 = wid * bpw
        hrow_get = pltpu.async_copy(h_hbm.at[pl.ds(i0, bpw)], hrow, in_sem)

        @pl.when(sid == 0)
        def _():
            pltpu.sync_copy(w_hbm, wsh)

        plsc.subcore_barrier()
        hrow_get.wait()

        puts = [None] * steps
        for li in range(bpw):
            hv = [hrow[li, pl.ds(c * lanes, lanes)] for c in range(nv)]
            for q in range(nbuf):
                step = li * nbuf + q
                if step >= nbuf:
                    puts[step - nbuf].wait()
                buf = tbuf.at[q]
                wc = pltpu.async_copy(
                    wsh.at[pl.ds(q * tile, tile)],
                    buf.at[0, :, pl.ds(d, d)], r_sem)

                def hfill(r, _, buf=buf, hv=hv):
                    for c in range(nv):
                        buf[0, r, pl.ds(c * lanes, lanes)] = hv[c]
                    return _

                lax.fori_loop(0, tile, hfill, 0)
                wc.wait()
                puts[step] = pltpu.async_copy(
                    buf,
                    out_hbm.at[pl.ds(i0 + li, 1), pl.ds(q * tile, tile)],
                    p_sem)
        for step in range(steps - nbuf, steps):
            puts[step].wait()

    return k(h_embed, w_embed)


def kernel(height, width, height_embed, width_embed):
    h, dh = height_embed.shape
    w, dw = width_embed.shape
    assert dh == dw
    out = _sc_pos_embed(height_embed, width_embed)
    return out.reshape(h * w, dh + dw)

# --- scband reference (transcript-rebuilt; emitter-appended) ---
"""Pipeline reference for scband-factorized-positional-embedding-10376640987899 (READ-ONLY COPY).

The authoritative reference and input builder live on the scoring server;
editing this copy changes nothing except your own understanding.
"""

import jax, jax.numpy as jnp
import numpy as np

MAX_HEIGHT = 128
MAX_WIDTH = 128
DIM = 768

def setup_inputs(seed: int = 0) -> dict:
    key = jax.random.key(seed)
    k1, k2 = jax.random.split(key)
    height_embed = jax.random.normal(k1, (MAX_HEIGHT, DIM // 2), dtype=jnp.float32)
    width_embed = jax.random.normal(k2, (MAX_WIDTH, DIM // 2), dtype=jnp.float32)
    return {"height": 128, "width": 128, "height_embed": height_embed, "width_embed": width_embed}

def reference(height, width, height_embed, width_embed):
    # height <= MAX_HEIGHT and width <= MAX_WIDTH, so take the slice branch
    h = height_embed.shape[0]
    w = width_embed.shape[0]
    zero = (height - h) + (width - w)
    h_embed = height_embed[:h]
    w_embed = width_embed[:w]
    h_indices = jnp.repeat(jnp.arange(h), w) + zero
    w_indices = jnp.tile(jnp.arange(w), h) + zero
    pos_embed = jnp.concatenate([h_embed[h_indices], w_embed[w_indices]], axis=-1)
    return pos_embed

if __name__ == "__main__":
    import jax
    _d = setup_inputs()
    print(jax.jit(kernel)(*tuple(_d.values())))

</pallas_src>

<mosaic_0001>
#map = affine_map<(d0, d1) -> (0, 0)>
#map1 = affine_map<(d0, d1) -> (0, 0, 0)>
module attributes {stable_mosaic.version = 14 : i64} {
  func.func @k(%arg0: i32, %arg1: i32, %arg2: memref<128x384xf32, #tpu.memory_space<hbm>>, %arg3: memref<128x384xf32, #tpu.memory_space<hbm>>, %arg4: memref<128x128x768xf32, #tpu.memory_space<hbm>>, %arg5: memref<128x384xf32, #tpu.memory_space<vmem_shared>>, %arg6: memref<2x1x64x768xf32, #tpu.memory_space<vmem>>, %arg7: memref<4x384xf32, #tpu.memory_space<vmem>>, %arg8: memref<!tpu.dma_semaphore, #tpu.memory_space<semaphore_mem>>, %arg9: memref<!tpu.dma_semaphore, #tpu.memory_space<semaphore_mem>>, %arg10: memref<!tpu.dma_semaphore, #tpu.memory_space<semaphore_mem>>) attributes {dimension_semantics = [#tpu.dimension_semantics<core_parallel>, #tpu.dimension_semantics<subcore_parallel>], iteration_bounds = array<i64: 2, 16>, scalar_prefetch = 0 : i64, scratch_operands = 6 : i64, tpu.core_type = #tpu.core_type<sc_vector_subcore>, window_params = [{transform_indices = #map}, {transform_indices = #map}, {transform_indices = #map1}]} {
    %mul3A = arith.constant 2 : i32
    %mul3A_0 = arith.muli %arg1, %mul3A : i32
    %add3A = arith.addi %mul3A_0, %arg0 : i32
    %mul3A_1 = arith.constant 4 : i32
    %mul3A_2 = arith.muli %add3A, %mul3A_1 : i32
    %dma_start3A = arith.constant 0 : i32
    %dma_start3A_3 = tpu.memref_slice %arg2[%mul3A_2, %dma_start3A] : memref<128x384xf32, #tpu.memory_space<hbm>> -> memref<4x384xf32, #tpu.memory_space<hbm>>
    %dma_start3A_4 = arith.constant 0 : i32
    %dma_start3A_5 = tpu.memref_slice %arg2[%mul3A_2, %dma_start3A_4] : memref<128x384xf32, #tpu.memory_space<hbm>> -> memref<4x384xf32, #tpu.memory_space<hbm>>
    tpu.enqueue_dma source(%dma_start3A_5 : memref<4x384xf32, #tpu.memory_space<hbm>>) target(%arg7 : memref<4x384xf32, #tpu.memory_space<vmem>>) target_semaphore(%arg10 : memref<!tpu.dma_semaphore, #tpu.memory_space<semaphore_mem>>)
    %eq3A = arith.constant 0 : i32
    %eq3A_6 = arith.cmpi eq, %arg1, %eq3A : i32
    %convert_element_type3A = arith.extui %eq3A_6 : i1 to i32
    %cond3A = arith.constant 0 : i32
    %cond3A_7 = arith.cmpi ne, %convert_element_type3A, %cond3A : i32
    scf.if %cond3A_7 {
      "tpu.region"() ({
        %run_scoped3A = tpu.sem_alloc : memref<!tpu.dma_semaphore, #tpu.memory_space<semaphore_mem>>
        tpu.enqueue_dma source(%arg3 : memref<128x384xf32, #tpu.memory_space<hbm>>) target(%arg5 : memref<128x384xf32, #tpu.memory_space<vmem_shared>>) target_semaphore(%run_scoped3A : memref<!tpu.dma_semaphore, #tpu.memory_space<semaphore_mem>>)
        tpu.wait_dma2 semaphore(%run_scoped3A : memref<!tpu.dma_semaphore, #tpu.memory_space<semaphore_mem>>) src(%arg3 : memref<128x384xf32, #tpu.memory_space<hbm>>) dst(%arg5 : memref<128x384xf32, #tpu.memory_space<vmem_shared>>)
        tpu.yield
      }) : () -> ()
    } else {
    }
    %barrier3A = arith.constant 0 : index
    tpu.barrier barrier_id(%barrier3A)
    %dma_wait3A = arith.constant 0 : i32
    %dma_wait3A_8 = tpu.memref_slice %arg2[%mul3A_2, %dma_wait3A] : memref<128x384xf32, #tpu.memory_space<hbm>> -> memref<4x384xf32, #tpu.memory_space<hbm>>
    %dma_wait3A_9 = arith.constant 0 : i32
    %dma_wait3A_10 = tpu.memref_slice %arg2[%mul3A_2, %dma_wait3A_9] : memref<128x384xf32, #tpu.memory_space<hbm>> -> memref<4x384xf32, #tpu.memory_space<hbm>>
    tpu.wait_dma2 semaphore(%arg10 : memref<!tpu.dma_semaphore, #tpu.memory_space<semaphore_mem>>) src(%dma_wait3A_10 : memref<4x384xf32, #tpu.memory_space<hbm>>) dst(%arg7 : memref<4x384xf32, #tpu.memory_space<vmem>>)
    %get3A = arith.constant 0 : i32
    %get3A_11 = arith.index_cast %get3A : i32 to index
    %get3A_12 = arith.constant 0 : index
    %get3A_13 = tpu.vector_load %arg7[%get3A_11, %get3A_12] {strides = array<i32>} : memref<4x384xf32, #tpu.memory_space<vmem>>, vector<1x16xf32>,
    %get3A_14 = vector.shape_cast %get3A_13 : vector<1x16xf32> to vector<16xf32>
    %get3A_15 = arith.constant 0 : i32
    %get3A_16 = arith.index_cast %get3A_15 : i32 to index
    %get3A_17 = arith.constant 16 : index
    %get3A_18 = tpu.vector_load %arg7[%get3A_16, %get3A_17] {strides = array<i32>} : memref<4x384xf32, #tpu.memory_space<vmem>>, vector<1x16xf32>,
    %get3A_19 = vector.shape_cast %get3A_18 : vector<1x16xf32> to vector<16xf32>
    %get3A_20 = arith.constant 0 : i32
    %get3A_21 = arith.index_cast %get3A_20 : i32 to index
    %get3A_22 = arith.constant 32 : index
    %get3A_23 = tpu.vector_load %arg7[%get3A_21, %get3A_22] {strides = array<i32>} : memref<4x384xf32, #tpu.memory_space<vmem>>, vector<1x16xf32>,
    %get3A_24 = vector.shape_cast %get3A_23 : vector<1x16xf32> to vector<16xf32>
    %get3A_25 = arith.constant 0 : i32
    %get3A_26 = arith.index_cast %get3A_25 : i32 to index
    %get3A_27 = arith.constant 48 : index
    %get3A_28 = tpu.vector_load %arg7[%get3A_26, %get3A_27] {strides = array<i32>} : memref<4x384xf32, #tpu.memory_space<vmem>>, vector<1x16xf32>,
    %get3A_29 = vector.shape_cast %get3A_28 : vector<1x16xf32> to vector<16xf32>
    %get3A_30 = arith.constant 0 : i32
    %get3A_31 = arith.index_cast %get3A_30 : i32 to index
    %get3A_32 = arith.constant 64 : index
    %get3A_33 = tpu.vector_load %arg7[%get3A_31, %get3A_32] {strides = array<i32>} : memref<4x384xf32, #tpu.memory_space<vmem>>, vector<1x16xf32>,
    %get3A_34 = vector.shape_cast %get3A_33 : vector<1x16xf32> to vector<16xf32>
    %get3A_35 = arith.constant 0 : i32
    %get3A_36 = arith.index_cast %get3A_35 : i32 to index
    %get3A_37 = arith.constant 80 : index
    %get3A_38 = tpu.vector_load %arg7[%get3A_36, %get3A_37] {strides = array<i32>} : memref<4x384xf32, #tpu.memory_space<vmem>>, vector<1x16xf32>,
    %get3A_39 = vector.shape_cast %get3A_38 : vector<1x16xf32> to vector<16xf32>
    %get3A_40 = arith.constant 0 : i32
    %get3A_41 = arith.index_cast %get3A_40 : i32 to index
    %get3A_42 = arith.constant 96 : index
    %get3A_43 = tpu.vector_load %arg7[%get3A_41, %get3A_42] {strides = array<i32>} : memref<4x384xf32, #tpu.memory_space<vmem>>, vector<1x16xf32>,
    %get3A_44 = vector.shape_cast %get3A_43 : vector<1x16xf32> to vector<16xf32>
    %get3A_45 = arith.constant 0 : i32
    %get3A_46 = arith.index_cast %get3A_45 : i32 to index
    %get3A_47 = arith.constant 112 : index
    %get3A_48 = tpu.vector_load %arg7[%get3A_46, %get3A_47] {strides = array<i32>} : memref<4x384xf32, #tpu.memory_space<vmem>>, vector<1x16xf32>,
    %get3A_49 = vector.shape_cast %get3A_48 : vector<1x16xf32> to vector<16xf32>
    %get3A_50 = arith.constant 0 : i32
    %get3A_51 = arith.index_cast %get3A_50 : i32 to index
    %get3A_52 = arith.constant 128 : index
    %get3A_53 = tpu.vector_load %arg7[%get3A_51, %get3A_52] {strides = array<i32>} : memref<4x384xf32, #tpu.memory_space<vmem>>, vector<1x16xf32>,
    %get3A_54 = vector.shape_cast %get3A_53 : vector<1x16xf32> to vector<16xf32>
    %get3A_55 = arith.constant 0 : i32
    %get3A_56 = arith.index_cast %get3A_55 : i32 to index
    %get3A_57 = arith.constant 144 : index
    %get3A_58 = tpu.vector_load %arg7[%get3A_56, %get3A_57] {strides = array<i32>} : memref<4x384xf32, #tpu.memory_space<vmem>>, vector<1x16xf32>,
    %get3A_59 = vector.shape_cast %get3A_58 : vector<1x16xf32> to vector<16xf32>
    %get3A_60 = arith.constant 0 : i32
    %get3A_61 = arith.index_cast %get3A_60 : i32 to index
    %get3A_62 = arith.constant 160 : index
    %get3A_63 = tpu.vector_load %arg7[%get3A_61, %get3A_62] {strides = array<i32>} : memref<4x384xf32, #tpu.memory_space<vmem>>, vector<1x16xf32>,
    %get3A_64 = vector.shape_cast %get3A_63 : vector<1x16xf32> to vector<16xf32>
    %get3A_65 = arith.constant 0 : i32
    %get3A_66 = arith.index_cast %get3A_65 : i32 to index
    %get3A_67 = arith.constant 176 : index
    %get3A_68 = tpu.vector_load %arg7[%get3A_66, %get3A_67] {strides = array<i32>} : memref<4x384xf32, #tpu.memory_space<vmem>>, vector<1x16xf32>,
    %get3A_69 = vector.shape_cast %get3A_68 : vector<1x16xf32> to vector<16xf32>
    %get3A_70 = arith.constant 0 : i32
    %get3A_71 = arith.index_cast %get3A_70 : i32 to index
    %get3A_72 = arith.constant 192 : index
    %get3A_73 = tpu.vector_load %arg7[%get3A_71, %get3A_72] {strides = array<i32>} : memref<4x384xf32, #tpu.memory_space<vmem>>, vector<1x16xf32>,
    %get3A_74 = vector.shape_cast %get3A_73 : vector<1x16xf32> to vector<16xf32>
    %get3A_75 = arith.constant 0 : i32
    %get3A_76 = arith.index_cast %get3A_75 : i32 to index
    %get3A_77 = arith.constant 208 : index
    %get3A_78 = tpu.vector_load %arg7[%get3A_76, %get3A_77] {strides = array<i32>} : memref<4x384xf32, #tpu.memory_space<vmem>>, vector<1x16xf32>,
    %get3A_79 = vector.shape_cast %get3A_78 : vector<1x16xf32> to vector<16xf32>
    %get3A_80 = arith.constant 0 : i32
    %get3A_81 = arith.index_cast %get3A_80 : i32 to index
    %get3A_82 = arith.constant 224 : index
    %get3A_83 = tpu.vector_load %arg7[%get3A_81, %get3A_82] {strides = array<i32>} : memref<4x384xf32, #tpu.memory_space<vmem>>, vector<1x16xf32>,
    %get3A_84 = vector.shape_cast %get3A_83 : vector<1x16xf32> to vector<16xf32>
    %get3A_85 = arith.constant 0 : i32
    %get3A_86 = arith.index_cast %get3A_85 : i32 to index
    %get3A_87 = arith.constant 240 : index
    %get3A_88 = tpu.vector_load %arg7[%get3A_86, %get3A_87] {strides = array<i32>} : memref<4x384xf32, #tpu.memory_space<vmem>>, vector<1x16xf32>,
    %get3A_89 = vector.shape_cast %get3A_88 : vector<1x16xf32> to vector<16xf32>
    %get3A_90 = arith.constant 0 : i32
    %get3A_91 = arith.index_cast %get3A_90 : i32 to index
    %get3A_92 = arith.constant 256 : index
    %get3A_93 = tpu.vector_load %arg7[%get3A_91, %get3A_92] {strides = array<i32>} : memref<4x384xf32, #tpu.memory_space<vmem>>, vector<1x16xf32>,
    %get3A_94 = vector.shape_cast %get3A_93 : vector<1x16xf32> to vector<16xf32>
    %get3A_95 = arith.constant 0 : i32
    %get3A_96 = arith.index_cast %get3A_95 : i32 to index
    %get3A_97 = arith.constant 272 : index
    %get3A_98 = tpu.vector_load %arg7[%get3A_96, %get3A_97] {strides = array<i32>} : memref<4x384xf32, #tpu.memory_space<vmem>>, vector<1x16xf32>,
    %get3A_99 = vector.shape_cast %get3A_98 : vector<1x16xf32> to vector<16xf32>
    %get3A_100 = arith.constant 0 : i32
    %get3A_101 = arith.index_cast %get3A_100 : i32 to index
    %get3A_102 = arith.constant 288 : index
    %get3A_103 = tpu.vector_load %arg7[%get3A_101, %get3A_102] {strides = array<i32>} : memref<4x384xf32, #tpu.memory_space<vmem>>, vector<1x16xf32>,
    %get3A_104 = vector.shape_cast %get3A_103 : vector<1x16xf32> to vector<16xf32>
    %get3A_105 = arith.constant 0 : i32
    %get3A_106 = arith.index_cast %get3A_105 : i32 to index
    %get3A_107 = arith.constant 304 : index
    %get3A_108 = tpu.vector_load %arg7[%get3A_106, %get3A_107] {strides = array<i32>} : memref<4x384xf32, #tpu.memory_space<vmem>>, vector<1x16xf32>,
    %get3A_109 = vector.shape_cast %get3A_108 : vector<1x16xf32> to vector<16xf32>
    %get3A_110 = arith.constant 0 : i32
    %get3A_111 = arith.index_cast %get3A_110 : i32 to index
    %get3A_112 = arith.constant 320 : index
    %get3A_113 = tpu.vector_load %arg7[%get3A_111, %get3A_112] {strides = array<i32>} : memref<4x384xf32, #tpu.memory_space<vmem>>, vector<1x16xf32>,
    %get3A_114 = vector.shape_cast %get3A_113 : vector<1x16xf32> to vector<16xf32>
    %get3A_115 = arith.constant 0 : i32
    %get3A_116 = arith.index_cast %get3A_115 : i32 to index
    %get3A_117 = arith.constant 336 : index
    %get3A_118 = tpu.vector_load %arg7[%get3A_116, %get3A_117] {strides = array<i32>} : memref<4x384xf32, #tpu.memory_space<vmem>>, vector<1x16xf32>,
    %get3A_119 = vector.shape_cast %get3A_118 : vector<1x16xf32> to vector<16xf32>
    %get3A_120 = arith.constant 0 : i32
    %get3A_121 = arith.index_cast %get3A_120 : i32 to index
    %get3A_122 = arith.constant 352 : index
    %get3A_123 = tpu.vector_load %arg7[%get3A_121, %get3A_122] {strides = array<i32>} : memref<4x384xf32, #tpu.memory_space<vmem>>, vector<1x16xf32>,
    %get3A_124 = vector.shape_cast %get3A_123 : vector<1x16xf32> to vector<16xf32>
    %get3A_125 = arith.constant 0 : i32
    %get3A_126 = arith.index_cast %get3A_125 : i32 to index
    %get3A_127 = arith.constant 368 : index
    %get3A_128 = tpu.vector_load %arg7[%get3A_126, %get3A_127] {strides = array<i32>} : memref<4x384xf32, #tpu.memory_space<vmem>>, vector<1x16xf32>,
    %get3A_129 = vector.shape_cast %get3A_128 : vector<1x16xf32> to vector<16xf32>
    %dma_start3A_130 = arith.constant 0 : i32
    %dma_start3A_131 = arith.constant 0 : i32
    %dma_start3A_132 = arith.constant 0 : i32
    %dma_start3A_133 = arith.constant 0 : i32
    %dma_start3A_134 = arith.constant 0 : i32
    %dma_start3A_135 = tpu.memref_slice %arg6[%dma_start3A_130, %dma_start3A_132, %dma_start3A_133, %dma_start3A_134] : memref<2x1x64x768xf32, #tpu.memory_space<vmem>> -> memref<1x1x64x768xf32, #tpu.memory_space<vmem>>
    %dma_start3A_136 = tpu.memref_squeeze %dma_start3A_135 : memref<1x1x64x768xf32, #tpu.memory_space<vmem>> -> memref<1x64x768xf32, #tpu.memory_space<vmem>>
    %dma_start3A_137 = arith.constant 0 : i32
    %dma_start3A_138 = arith.constant 384 : i32
    %dma_start3A_139 = tpu.memref_slice %dma_start3A_136[%dma_start3A_131, %dma_start3A_137, %dma_start3A_138] : memref<1x64x768xf32, #tpu.memory_space<vmem>> -> memref<1x64x384xf32, #tpu.memory_space<vmem>>
    %dma_start3A_140 = tpu.memref_squeeze %dma_start3A_139 : memref<1x64x384xf32, #tpu.memory_space<vmem>> -> memref<64x384xf32, #tpu.memory_space<vmem>>
    %dma_start3A_141 = arith.constant 0 : i32
    %dma_start3A_142 = arith.constant 0 : i32
    %dma_start3A_143 = tpu.memref_slice %arg5[%dma_start3A_141, %dma_start3A_142] : memref<128x384xf32, #tpu.memory_space<vmem_shared>> -> memref<64x384xf32, #tpu.memory_space<vmem_shared>>
    %dma_start3A_144 = arith.constant 0 : i32
    %dma_start3A_145 = arith.constant 0 : i32
    %dma_start3A_146 = arith.constant 0 : i32
    %dma_start3A_147 = tpu.memref_slice %arg6[%dma_start3A_130, %dma_start3A_144, %dma_start3A_145, %dma_start3A_146] : memref<2x1x64x768xf32, #tpu.memory_space<vmem>> -> memref<1x1x64x768xf32, #tpu.memory_space<vmem>>
    %dma_start3A_148 = tpu.memref_squeeze %dma_start3A_147 : memref<1x1x64x768xf32, #tpu.memory_space<vmem>> -> memref<1x64x768xf32, #tpu.memory_space<vmem>>
    %dma_start3A_149 = arith.constant 0 : i32
    %dma_start3A_150 = arith.constant 384 : i32
    %dma_start3A_151 = tpu.memref_slice %dma_start3A_148[%dma_start3A_131, %dma_start3A_149, %dma_start3A_150] : memref<1x64x768xf32, #tpu.memory_space<vmem>> -> memref<1x64x384xf32, #tpu.memory_space<vmem>>
    %dma_start3A_152 = tpu.memref_squeeze %dma_start3A_151 : memref<1x64x384xf32, #tpu.memory_space<vmem>> -> memref<64x384xf32, #tpu.memory_space<vmem>>
    %dma_start3A_153 = arith.constant 0 : i32
    %dma_start3A_154 = arith.constant 0 : i32
    %dma_start3A_155 = tpu.memref_slice %arg5[%dma_start3A_153, %dma_start3A_154] : memref<128x384xf32, #tpu.memory_space<vmem_shared>> -> memref<64x384xf32, #tpu.memory_space<vmem_shared>>
    tpu.enqueue_dma source(%dma_start3A_155 : memref<64x384xf32, #tpu.memory_space<vmem_shared>>) target(%dma_start3A_152 : memref<64x384xf32, #tpu.memory_space<vmem>>) target_semaphore(%arg8 : memref<!tpu.dma_semaphore, #tpu.memory_space<semaphore_mem>>)
    %scan3A = arith.constant 0 : i32
    %scan3A_156 = arith.constant 0 : i32
    %scan3A_157 = arith.constant 0 : i32
    %scan3A_158 = arith.constant 64 : i32
    %scan3A_159 = arith.addi %scan3A_157, %scan3A_158 : i32
    %scan3A_160 = arith.constant 1 : i32
    scf.for %scan3A_1249 = %scan3A_157 to %scan3A_159 step %scan3A_160  : i32 {
      %swap3A = arith.constant 0 : i32
      %swap3A_1250 = arith.constant 0 : i32
      %swap3A_1251 = arith.constant 0 : i32
      %swap3A_1252 = arith.constant 0 : i32
      %swap3A_1253 = tpu.memref_slice %arg6[%scan3A_156, %swap3A_1250, %swap3A_1251, %swap3A_1252] : memref<2x1x64x768xf32, #tpu.memory_space<vmem>> -> memref<1x1x64x768xf32, #tpu.memory_space<vmem>>
      %swap3A_1254 = tpu.memref_squeeze %swap3A_1253 : memref<1x1x64x768xf32, #tpu.memory_space<vmem>> -> memref<1x64x768xf32, #tpu.memory_space<vmem>>
      %swap3A_1255 = arith.index_cast %swap3A : i32 to index
      %swap3A_1256 = arith.index_cast %scan3A_1249 : i32 to index
      %swap3A_1257 = arith.constant 0 : index
      %swap3A_1258 = tpu.vector_load %swap3A_1254[%swap3A_1255, %swap3A_1256, %swap3A_1257] {strides = array<i32>} : memref<1x64x768xf32, #tpu.memory_space<vmem>>, vector<1x1x16xf32>,
      %swap3A_1259 = vector.shape_cast %swap3A_1258 : vector<1x1x16xf32> to vector<16xf32>
      %swap3A_1260 = vector.shape_cast %get3A_14 : vector<16xf32> to vector<1x1x16xf32>
      tpu.vector_store %swap3A_1254[%swap3A_1255, %swap3A_1256, %swap3A_1257], %swap3A_1260 {strides = array<i32>} : memref<1x64x768xf32, #tpu.memory_space<vmem>>, vector<1x1x16xf32>,
      %swap3A_1261 = arith.constant 0 : i32
      %swap3A_1262 = arith.constant 0 : i32
      %swap3A_1263 = arith.constant 0 : i32
      %swap3A_1264 = arith.constant 0 : i32
      %swap3A_1265 = tpu.memref_slice %arg6[%scan3A_156, %swap3A_1262, %swap3A_1263, %swap3A_1264] : memref<2x1x64x768xf32, #tpu.memory_space<vmem>> -> memref<1x1x64x768xf32, #tpu.memory_space<vmem>>
      %swap3A_1266 = tpu.memref_squeeze %swap3A_1265 : memref<1x1x64x768xf32, #tpu.memory_space<vmem>> -> memref<1x64x768xf32, #tpu.memory_space<vmem>>
      %swap3A_1267 = arith.index_cast %swap3A_1261 : i32 to index
      %swap3A_1268 = arith.index_cast %scan3A_1249 : i32 to index
      %swap3A_1269 = arith.constant 16 : index
      %swap3A_1270 = tpu.vector_load %swap3A_1266[%swap3A_1267, %swap3A_1268, %swap3A_1269] {strides = array<i32>} : memref<1x64x768xf32, #tpu.memory_space<vmem>>, vector<1x1x16xf32>,
      %swap3A_1271 = vector.shape_cast %swap3A_1270 : vector<1x1x16xf32> to vector<16xf32>
      %swap3A_1272 = vector.shape_cast %get3A_19 : vector<16xf32> to vector<1x1x16xf32>
      tpu.vector_store %swap3A_1266[%swap3A_1267, %swap3A_1268, %swap3A_1269], %swap3A_1272 {strides = array<i32>} : memref<1x64x768xf32, #tpu.memory_space<vmem>>, vector<1x1x16xf32>,
      %swap3A_1273 = arith.constant 0 : i32
      %swap3A_1274 = arith.constant 0 : i32
      %swap3A_1275 = arith.constant 0 : i32
      %swap3A_1276 = arith.constant 0 : i32
      %swap3A_1277 = tpu.memref_slice %arg6[%scan3A_156, %swap3A_1274, %swap3A_1275, %swap3A_1276] : memref<2x1x64x768xf32, #tpu.memory_space<vmem>> -> memref<1x1x64x768xf32, #tpu.memory_space<vmem>>
      %swap3A_1278 = tpu.memref_squeeze %swap3A_1277 : memref<1x1x64x768xf32, #tpu.memory_space<vmem>> -> memref<1x64x768xf32, #tpu.memory_space<vmem>>
      %swap3A_1279 = arith.index_cast %swap3A_1273 : i32 to index
      %swap3A_1280 = arith.index_cast %scan3A_1249 : i32 to index
      %swap3A_1281 = arith.constant 32 : index
      %swap3A_1282 = tpu.vector_load %swap3A_1278[%swap3A_1279, %swap3A_1280, %swap3A_1281] {strides = array<i32>} : memref<1x64x768xf32, #tpu.memory_space<vmem>>, vector<1x1x16xf32>,
      %swap3A_1283 = vector.shape_cast %swap3A_1282 : vector<1x1x16xf32> to vector<16xf32>
      %swap3A_1284 = vector.shape_cast %get3A_24 : vector<16xf32> to vector<1x1x16xf32>
      tpu.vector_store %swap3A_1278[%swap3A_1279, %swap3A_1280, %swap3A_1281], %swap3A_1284 {strides = array<i32>} : memref<1x64x768xf32, #tpu.memory_space<vmem>>, vector<1x1x16xf32>,
      %swap3A_1285 = arith.constant 0 : i32
      %swap3A_1286 = arith.constant 0 : i32
      %swap3A_1287 = arith.constant 0 : i32
      %swap3A_1288 = arith.constant 0 : i32
      %swap3A_1289 = tpu.memref_slice %arg6[%scan3A_156, %swap3A_1286, %swap3A_1287, %swap3A_1288] : memref<2x1x64x768xf32, #tpu.memory_space<vmem>> -> memref<1x1x64x768xf32, #tpu.memory_space<vmem>>
      %swap3A_1290 = tpu.memref_squeeze %swap3A_1289 : memref<1x1x64x768xf32, #tpu.memory_space<vmem>> -> memref<1x64x768xf32, #tpu.memory_space<vmem>>
      %swap3A_1291 = arith.index_cast %swap3A_1285 : i32 to index
      %swap3A_1292 = arith.index_cast %scan3A_1249 : i32 to index
      %swap3A_1293 = arith.constant 48 : index
      %swap3A_1294 = tpu.vector_load %swap3A_1290[%swap3A_1291, %swap3A_1292, %swap3A_1293] {strides = array<i32>} : memref<1x64x768xf32, #tpu.memory_space<vmem>>, vector<1x1x16xf32>,
      %swap3A_1295 = vector.shape_cast %swap3A_1294 : vector<1x1x16xf32> to vector<16xf32>
      %swap3A_1296 = vector.shape_cast %get3A_29 : vector<16xf32> to vector<1x1x16xf32>
      tpu.vector_store %swap3A_1290[%swap3A_1291, %swap3A_1292, %swap3A_1293], %swap3A_1296 {strides = array<i32>} : memref<1x64x768xf32, #tpu.memory_space<vmem>>, vector<1x1x16xf32>,
      %swap3A_1297 = arith.constant 0 : i32
      %swap3A_1298 = arith.constant 0 : i32
      %swap3A_1299 = arith.constant 0 : i32
      %swap3A_1300 = arith.constant 0 : i32
      %swap3A_1301 = tpu.memref_slice %arg6[%scan3A_156, %swap3A_1298, %swap3A_1299, %swap3A_1300] : memref<2x1x64x768xf32, #tpu.memory_space<vmem>> -> memref<1x1x64x768xf32, #tpu.memory_space<vmem>>
      %swap3A_1302 = tpu.memref_squeeze %swap3A_1301 : memref<1x1x64x768xf32, #tpu.memory_space<vmem>> -> memref<1x64x768xf32, #tpu.memory_space<vmem>>
      %swap3A_1303 = arith.index_cast %swap3A_1297 : i32 to index
      %swap3A_1304 = arith.index_cast %scan3A_1249 : i32 to index
      %swap3A_1305 = arith.constant 64 : index
      %swap3A_1306 = tpu.vector_load %swap3A_1302[%swap3A_1303, %swap3A_1304, %swap3A_1305] {strides = array<i32>} : memref<1x64x768xf32, #tpu.memory_space<vmem>>, vector<1x1x16xf32>,
      %swap3A_1307 = vector.shape_cast %swap3A_1306 : vector<1x1x16xf32> to vector<16xf32>
      %swap3A_1308 = vector.shape_cast %get3A_34 : vector<16xf32> to vector<1x1x16xf32>
      tpu.vector_store %swap3A_1302[%swap3A_1303, %swap3A_1304, %swap3A_1305], %swap3A_1308 {strides = array<i32>} : memref<1x64x768xf32, #tpu.memory_space<vmem>>, vector<1x1x16xf32>,
      %swap3A_1309 = arith.constant 0 : i32
      %swap3A_1310 = arith.constant 0 : i32
      %swap3A_1311 = arith.constant 0 : i32
      %swap3A_1312 = arith.constant 0 : i32
      %swap3A_1313 = tpu.memref_slice %arg6[%scan3A_156, %swap3A_1310, %swap3A_1311, %swap3A_1312] : memref<2x1x64x768xf32, #tpu.memory_space<vmem>> -> memref<1x1x64x768xf32, #tpu.memory_space<vmem>>
      %swap3A_1314 = tpu.memref_squeeze %swap3A_1313 : memref<1x1x64x768xf32, #tpu.memory_space<vmem>> -> memref<1x64x768xf32, #tpu.memory_space<vmem>>
      %swap3A_1315 = arith.index_cast %swap3A_1309 : i32 to index
      %swap3A_1316 = arith.index_cast %scan3A_1249 : i32 to index
      %swap3A_1317 = arith.constant 80 : index
      %swap3A_1318 = tpu.vector_load %swap3A_1314[%swap3A_1315, %swap3A_1316, %swap3A_1317] {strides = array<i32>} : memref<1x64x768xf32, #tpu.memory_space<vmem>>, vector<1x1x16xf32>,
      %swap3A_1319 = vector.shape_cast %swap3A_1318 : vector<1x1x16xf32> to vector<16xf32>
      %swap3A_1320 = vector.shape_cast %get3A_39 : vector<16xf32> to vector<1x1x16xf32>
      tpu.vector_store %swap3A_1314[%swap3A_1315, %swap3A_1316, %swap3A_1317], %swap3A_1320 {strides = array<i32>} : memref<1x64x768xf32, #tpu.memory_space<vmem>>, vector<1x1x16xf32>,
      %swap3A_1321 = arith.constant 0 : i32
      %swap3A_1322 = arith.constant 0 : i32
      %swap3A_1323 = arith.constant 0 : i32
      %swap3A_1324 = arith.constant 0 : i32
      %swap3A_1325 = tpu.memref_slice %arg6[%scan3A_156, %swap3A_1322, %swap3A_1323, %swap3A_1324] : memref<2x1x64x768xf32, #tpu.memory_space<vmem>> -> memref<1x1x64x768xf32, #tpu.memory_space<vmem>>
      %swap3A_1326 = tpu.memref_squeeze %swap3A_1325 : memref<1x1x64x768xf32, #tpu.memory_space<vmem>> -> memref<1x64x768xf32, #tpu.memory_space<vmem>>
      %swap3A_1327 = arith.index_cast %swap3A_1321 : i32 to index
      %swap3A_1328 = arith.index_cast %scan3A_1249 : i32 to index
      %swap3A_1329 = arith.constant 96 : index
      %swap3A_1330 = tpu.vector_load %swap3A_1326[%swap3A_1327, %swap3A_1328, %swap3A_1329] {strides = array<i32>} : memref<1x64x768xf32, #tpu.memory_space<vmem>>, vector<1x1x16xf32>,
      %swap3A_1331 = vector.shape_cast %swap3A_1330 : vector<1x1x16xf32> to vector<16xf32>
      %swap3A_1332 = vector.shape_cast %get3A_44 : vector<16xf32> to vector<1x1x16xf32>
      tpu.vector_store %swap3A_1326[%swap3A_1327, %swap3A_1328, %swap3A_1329], %swap3A_1332 {strides = array<i32>} : memref<1x64x768xf32, #tpu.memory_space<vmem>>, vector<1x1x16xf32>,
      %swap3A_1333 = arith.constant 0 : i32
      %swap3A_1334 = arith.constant 0 : i32
      %swap3A_1335 = arith.constant 0 : i32
      %swap3A_1336 = arith.constant 0 : i32
      %swap3A_1337 = tpu.memref_slice %arg6[%scan3A_156, %swap3A_1334, %swap3A_1335, %swap3A_1336] : memref<2x1x64x768xf32, #tpu.memory_space<vmem>> -> memref<1x1x64x768xf32, #tpu.memory_space<vmem>>
      %swap3A_1338 = tpu.memref_squeeze %swap3A_1337 : memref<1x1x64x768xf32, #tpu.memory_space<vmem>> -> memref<1x64x768xf32, #tpu.memory_space<vmem>>
      %swap3A_1339 = arith.index_cast %swap3A_1333 : i32 to index
      %swap3A_1340 = arith.index_cast %scan3A_1249 : i32 to index
      %swap3A_1341 = arith.constant 112 : index
      %swap3A_1342 = tpu.vector_load %swap3A_1338[%swap3A_1339, %swap3A_1340, %swap3A_1341] {strides = array<i32>} : memref<1x64x768xf32, #tpu.memory_space<vmem>>, vector<1x1x16xf32>,
      %swap3A_1343 = vector.shape_cast %swap3A_1342 : vector<1x1x16xf32> to vector<16xf32>
      %swap3A_1344 = vector.shape_cast %get3A_49 : vector<16xf32> to vector<1x1x16xf32>
      tpu.vector_store %swap3A_1338[%swap3A_1339, %swap3A_1340, %swap3A_1341], %swap3A_1344 {strides = array<i32>} : memref<1x64x768xf32, #tpu.memory_space<vmem>>, vector<1x1x16xf32>,
      %swap3A_1345 = arith.constant 0 : i32
      %swap3A_1346 = arith.constant 0 : i32
      %swap3A_1347 = arith.constant 0 : i32
      %swap3A_1348 = arith.constant 0 : i32
      %swap3A_1349 = tpu.memref_slice %arg6[%scan3A_156, %swap3A_1346, %swap3A_1347, %swap3A_1348] : memref<2x1x64x768xf32, #tpu.memory_space<vmem>> -> memref<1x1x64x768xf32, #tpu.memory_space<vmem>>
      %swap3A_1350 = tpu.memref_squeeze %swap3A_1349 : memref<1x1x64x768xf32, #tpu.memory_space<vmem>> -> memref<1x64x768xf32, #tpu.memory_space<vmem>>
      %swap3A_1351 = arith.index_cast %swap3A_1345 : i32 to index
      %swap3A_1352 = arith.index_cast %scan3A_1249 : i32 to index
      %swap3A_1353 = arith.constant 128 : index
      %swap3A_1354 = tpu.vector_load %swap3A_1350[%swap3A_1351, %swap3A_1352, %swap3A_1353] {strides = array<i32>} : memref<1x64x768xf32, #tpu.memory_space<vmem>>, vector<1x1x16xf32>,
      %swap3A_1355 = vector.shape_cast %swap3A_1354 : vector<1x1x16xf32> to vector<16xf32>
      %swap3A_1356 = vector.shape_cast %get3A_54 : vector<16xf32> to vector<1x1x16xf32>
      tpu.vector_store %swap3A_1350[%swap3A_1351, %swap3A_1352, %swap3A_1353], %swap3A_1356 {strides = array<i32>} : memref<1x64x768xf32, #tpu.memory_space<vmem>>, vector<1x1x16xf32>,
      %swap3A_1357 = arith.constant 0 : i32
      %swap3A_1358 = arith.constant 0 : i32
      %swap3A_1359 = arith.constant 0 : i32
      %swap3A_1360 = arith.constant 0 : i32
      %swap3A_1361 = tpu.memref_slice %arg6[%scan3A_156, %swap3A_1358, %swap3A_1359, %swap3A_1360] : memref<2x1x64x768xf32, #tpu.memory_space<vmem>> -> memref<1x1x64x768xf32, #tpu.memory_space<vmem>>
      %swap3A_1362 = tpu.memref_squeeze %swap3A_1361 : memref<1x1x64x768xf32, #tpu.memory_space<vmem>> -> memref<1x64x768xf32, #tpu.memory_space<vmem>>
      %swap3A_1363 = arith.index_cast %swap3A_1357 : i32 to index
      %swap3A_1364 = arith.index_cast %scan3A_1249 : i32 to index
      %swap3A_1365 = arith.constant 144 : index
      %swap3A_1366 = tpu.vector_load %swap3A_1362[%swap3A_1363, %swap3A_1364, %swap3A_1365] {strides = array<i32>} : memref<1x64x768xf32, #tpu.memory_space<vmem>>, vector<1x1x16xf32>,
      %swap3A_1367 = vector.shape_cast %swap3A_1366 : vector<1x1x16xf32> to vector<16xf32>
      %swap3A_1368 = vector.shape_cast %get3A_59 : vector<16xf32> to vector<1x1x16xf32>
      tpu.vector_store %swap3A_1362[%swap3A_1363, %swap3A_1364, %swap3A_1365], %swap3A_1368 {strides = array<i32>} : memref<1x64x768xf32, #tpu.memory_space<vmem>>, vector<1x1x16xf32>,
      %swap3A_1369 = arith.constant 0 : i32
      %swap3A_1370 = arith.constant 0 : i32
      %swap3A_1371 = arith.constant 0 : i32
      %swap3A_1372 = arith.constant 0 : i32
      %swap3A_1373 = tpu.memref_slice %arg6[%scan3A_156, %swap3A_1370, %swap3A_1371, %swap3A_1372] : memref<2x1x64x768xf32, #tpu.memory_space<vmem>> -> memref<1x1x64x768xf32, #tpu.memory_space<vmem>>
      %swap3A_1374 = tpu.memref_squeeze %swap3A_1373 : memref<1x1x64x768xf32, #tpu.memory_space<vmem>> -> memref<1x64x768xf32, #tpu.memory_space<vmem>>
      %swap3A_1375 = arith.index_cast %swap3A_1369 : i32 to index
      %swap3A_1376 = arith.index_cast %scan3A_1249 : i32 to index
      %swap3A_1377 = arith.constant 160 : index
      %swap3A_1378 = tpu.vector_load %swap3A_1374[%swap3A_1375, %swap3A_1376, %swap3A_1377] {strides = array<i32>} : memref<1x64x768xf32, #tpu.memory_space<vmem>>, vector<1x1x16xf32>,
      %swap3A_1379 = vector.shape_cast %swap3A_1378 : vector<1x1x16xf32> to vector<16xf32>
      %swap3A_1380 = vector.shape_cast %get3A_64 : vector<16xf32> to vector<1x1x16xf32>
      tpu.vector_store %swap3A_1374[%swap3A_1375, %swap3A_1376, %swap3A_1377], %swap3A_1380 {strides = array<i32>} : memref<1x64x768xf32, #tpu.memory_space<vmem>>, vector<1x1x16xf32>,
      %swap3A_1381 = arith.constant 0 : i32
      %swap3A_1382 = arith.constant 0 : i32
      %swap3A_1383 = arith.constant 0 : i32
      %swap3A_1384 = arith.constant 0 : i32
      %swap3A_1385 = tpu.memref_slice %arg6[%scan3A_156, %swap3A_1382, %swap3A_1383, %swap3A_1384] : memref<2x1x64x768xf32, #tpu.memory_space<vmem>> -> memref<1x1x64x768xf32, #tpu.memory_space<vmem>>
      %swap3A_1386 = tpu.memref_squeeze %swap3A_1385 : memref<1x1x64x768xf32, #tpu.memory_space<vmem>> -> memref<1x64x768xf32, #tpu.memory_space<vmem>>
      %swap3A_1387 = arith.index_cast %swap3A_1381 : i32 to index
      %swap3A_1388 = arith.index_cast %scan3A_1249 : i32 to index
      %swap3A_1389 = arith.constant 176 : index
      %swap3A_1390 = tpu.vector_load %swap3A_1386[%swap3A_1387, %swap3A_1388, %swap3A_1389] {strides = array<i32>} : memref<1x64x768xf32, #tpu.memory_space<vmem>>, vector<1x1x16xf32>,
      %swap3A_1391 = vector.shape_cast %swap3A_1390 : vector<1x1x16xf32> to vector<16xf32>
      %swap3A_1392 = vector.shape_cast %get3A_69 : vector<16xf32> to vector<1x1x16xf32>
      tpu.vector_store %swap3A_1386[%swap3A_1387, %swap3A_1388, %swap3A_1389], %swap3A_1392 {strides = array<i32>} : memref<1x64x768xf32, #tpu.memory_space<vmem>>, vector<1x1x16xf32>,
      %swap3A_1393 = arith.constant 0 : i32
      %swap3A_1394 = arith.constant 0 : i32
      %swap3A_1395 = arith.constant 0 : i32
      %swap3A_1396 = arith.constant 0 : i32
      %swap3A_1397 = tpu.memref_slice %arg6[%scan3A_156, %swap3A_1394, %swap3A_1395, %swap3A_1396] : memref<2x1x64x768xf32, #tpu.memory_space<vmem>> -> memref<1x1x64x768xf32, #tpu.memory_space<vmem>>
      %swap3A_1398 = tpu.memref_squeeze %swap3A_1397 : memref<1x1x64x768xf32, #tpu.memory_space<vmem>> -> memref<1x64x768xf32, #tpu.memory_space<vmem>>
      %swap3A_1399 = arith.index_cast %swap3A_1393 : i32 to index
      %swap3A_1400 = arith.index_cast %scan3A_1249 : i32 to index
      %swap3A_1401 = arith.constant 192 : index
      %swap3A_1402 = tpu.vector_load %swap3A_1398[%swap3A_1399, %swap3A_1400, %swap3A_1401] {strides = array<i32>} : memref<1x64x768xf32, #tpu.memory_space<vmem>>, vector<1x1x16xf32>,
      %swap3A_1403 = vector.shape_cast %swap3A_1402 : vector<1x1x16xf32> to vector<16xf32>
      %swap3A_1404 = vector.shape_cast %get3A_74 : vector<16xf32> to vector<1x1x16xf32>
      tpu.vector_store %swap3A_1398[%swap3A_1399, %swap3A_1400, %swap3A_1401], %swap3A_1404 {strides = array<i32>} : memref<1x64x768xf32, #tpu.memory_space<vmem>>, vector<1x1x16xf32>,
      %swap3A_1405 = arith.constant 0 : i32
      %swap3A_1406 = arith.constant 0 : i32
      %swap3A_1407 = arith.constant 0 : i32
      %swap3A_1408 = arith.constant 0 : i32
      %swap3A_1409 = tpu.memref_slice %arg6[%scan3A_156, %swap3A_1406, %swap3A_1407, %swap3A_1408] : memref<2x1x64x768xf32, #tpu.memory_space<vmem>> -> memref<1x1x64x768xf32, #tpu.memory_space<vmem>>
      %swap3A_1410 = tpu.memref_squeeze %swap3A_1409 : memref<1x1x64x768xf32, #tpu.memory_space<vmem>> -> memref<1x64x768xf32, #tpu.memory_space<vmem>>
      %swap3A_1411 = arith.index_cast %swap3A_1405 : i32 to index
      %swap3A_1412 = arith.index_cast %scan3A_1249 : i32 to index
      %swap3A_1413 = arith.constant 208 : index
      %swap3A_1414 = tpu.vector_load %swap3A_1410[%swap3A_1411, %swap3A_1412, %swap3A_1413] {strides = array<i32>} : memref<1x64x768xf32, #tpu.memory_space<vmem>>, vector<1x1x16xf32>,
      %swap3A_1415 = vector.shape_cast %swap3A_1414 : vector<1x1x16xf32> to vector<16xf32>
      %swap3A_1416 = vector.shape_cast %get3A_79 : vector<16xf32> to vector<1x1x16xf32>
      tpu.vector_store %swap3A_1410[%swap3A_1411, %swap3A_1412, %swap3A_1413], %swap3A_1416 {strides = array<i32>} : memref<1x64x768xf32, #tpu.memory_space<vmem>>, vector<1x1x16xf32>,
      %swap3A_1417 = arith.constant 0 : i32
      %swap3A_1418 = arith.constant 0 : i32
      %swap3A_1419 = arith.constant 0 : i32
      %swap3A_1420 = arith.constant 0 : i32
      %swap3A_1421 = tpu.memref_slice %arg6[%scan3A_156, %swap3A_1418, %swap3A_1419, %swap3A_1420] : memref<2x1x64x768xf32, #tpu.memory_space<vmem>> -> memref<1x1x64x768xf32, #tpu.memory_space<vmem>>
      %swap3A_1422 = tpu.memref_squeeze %swap3A_1421 : memref<1x1x64x768xf32, #tpu.memory_space<vmem>> -> memref<1x64x768xf32, #tpu.memory_space<vmem>>
      %swap3A_1423 = arith.index_cast %swap3A_1417 : i32 to index
      %swap3A_1424 = arith.index_cast %scan3A_1249 : i32 to index
      %swap3A_1425 = arith.constant 224 : index
      %swap3A_1426 = tpu.vector_load %swap3A_1422[%swap3A_1423, %swap3A_1424, %swap3A_1425] {strides = array<i32>} : memref<1x64x768xf32, #tpu.memory_space<vmem>>, vector<1x1x16xf32>,
      %swap3A_1427 = vector.shape_cast %swap3A_1426 : vector<1x1x16xf32> to vector<16xf32>
      %swap3A_1428 = vector.shape_cast %get3A_84 : vector<16xf32> to vector<1x1x16xf32>
      tpu.vector_store %swap3A_1422[%swap3A_1423, %swap3A_1424, %swap3A_1425], %swap3A_1428 {strides = array<i32>} : memref<1x64x768xf32, #tpu.memory_space<vmem>>, vector<1x1x16xf32>,
      %swap3A_1429 = arith.constant 0 : i32
      %swap3A_1430 = arith.constant 0 : i32
      %swap3A_1431 = arith.constant 0 : i32
      %swap3A_1432 = arith.constant 0 : i32
      %swap3A_1433 = tpu.memref_slice %arg6[%scan3A_156, %swap3A_1430, %swap3A_1431, %swap3A_1432] : memref<2x1x64x768xf32, #tpu.memory_space<vmem>> -> memref<1x1x64x768xf32, #tpu.memory_space<vmem>>
      %swap3A_1434 = tpu.memref_squeeze %swap3A_1433 : memref<1x1x64x768xf32, #tpu.memory_space<vmem>> -> memref<1x64x768xf32, #tpu.memory_space<vmem>>
      %swap3A_1435 = arith.index_cast %swap3A_1429 : i32 to index
      %swap3A_1436 = arith.index_cast %scan3A_1249 : i32 to index
      %swap3A_1437 = arith.constant 240 : index
      %swap3A_1438 = tpu.vector_load %swap3A_1434[%swap3A_1435, %swap3A_1436, %swap3A_1437] {strides = array<i32>} : memref<1x64x768xf32, #tpu.memory_space<vmem>>, vector<1x1x16xf32>,
      %swap3A_1439 = vector.shape_cast %swap3A_1438 : vector<1x1x16xf32> to vector<16xf32>
      %swap3A_1440 = vector.shape_cast %get3A_89 : vector<16xf32> to vector<1x1x16xf32>
      tpu.vector_store %swap3A_1434[%swap3A_1435, %swap3A_1436, %swap3A_1437], %swap3A_1440 {strides = array<i32>} : memref<1x64x768xf32, #tpu.memory_space<vmem>>, vector<1x1x16xf32>,
      %swap3A_1441 = arith.constant 0 : i32
      %swap3A_1442 = arith.constant 0 : i32
      %swap3A_1443 = arith.constant 0 : i32
      %swap3A_1444 = arith.constant 0 : i32
      %swap3A_1445 = tpu.memref_slice %arg6[%scan3A_156, %swap3A_1442, %swap3A_1443, %swap3A_1444] : memref<2x1x64x768xf32, #tpu.memory_space<vmem>> -> memref<1x1x64x768xf32, #tpu.memory_space<vmem>>
      %swap3A_1446 = tpu.memref_squeeze %swap3A_1445 : memref<1x1x64x768xf32, #tpu.memory_space<vmem>> -> memref<1x64x768xf32, #tpu.memory_space<vmem>>
      %swap3A_1447 = arith.index_cast %swap3A_1441 : i32 to index
      %swap3A_1448 = arith.index_cast %scan3A_1249 : i32 to index
      %swap3A_1449 = arith.constant 256 : index
      %swap3A_1450 = tpu.vector_load %swap3A_1446[%swap3A_1447, %swap3A_1448, %swap3A_1449] {strides = array<i32>} : memref<1x64x768xf32, #tpu.memory_space<vmem>>, vector<1x1x16xf32>,
      %swap3A_1451 = vector.shape_cast %swap3A_1450 : vector<1x1x16xf32> to vector<16xf32>
      %swap3A_1452 = vector.shape_cast %get3A_94 : vector<16xf32> to vector<1x1x16xf32>
      tpu.vector_store %swap3A_1446[%swap3A_1447, %swap3A_1448, %swap3A_1449], %swap3A_1452 {strides = array<i32>} : memref<1x64x768xf32, #tpu.memory_space<vmem>>, vector<1x1x16xf32>,
      %swap3A_1453 = arith.constant 0 : i32
      %swap3A_1454 = arith.constant 0 : i32
      %swap3A_1455 = arith.constant 0 : i32
      %swap3A_1456 = arith.constant 0 : i32
      %swap3A_1457 = tpu.memref_slice %arg6[%scan3A_156, %swap3A_1454, %swap3A_1455, %swap3A_1456] : memref<2x1x64x768xf32, #tpu.memory_space<vmem>> -> memref<1x1x64x768xf32, #tpu.memory_space<vmem>>
      %swap3A_1458 = tpu.memref_squeeze %swap3A_1457 : memref<1x1x64x768xf32, #tpu.memory_space<vmem>> -> memref<1x64x768xf32, #tpu.memory_space<vmem>>
      %swap3A_1459 = arith.index_cast %swap3A_1453 : i32 to index
      %swap3A_1460 = arith.index_cast %scan3A_1249 : i32 to index
      %swap3A_1461 = arith.constant 272 : index
      %swap3A_1462 = tpu.vector_load %swap3A_1458[%swap3A_1459, %swap3A_1460, %swap3A_1461] {strides = array<i32>} : memref<1x64x768xf32, #tpu.memory_space<vmem>>, vector<1x1x16xf32>,
      %swap3A_1463 = vector.shape_cast %swap3A_1462 : vector<1x1x16xf32> to vector<16xf32>
      %swap3A_1464 = vector.shape_cast %get3A_99 : vector<16xf32> to vector<1x1x16xf32>
      tpu.vector_store %swap3A_1458[%swap3A_1459, %swap3A_1460, %swap3A_1461], %swap3A_1464 {strides = array<i32>} : memref<1x64x768xf32, #tpu.memory_space<vmem>>, vector<1x1x16xf32>,
      %swap3A_1465 = arith.constant 0 : i32
      %swap3A_1466 = arith.constant 0 : i32
      %swap3A_1467 = arith.constant 0 : i32
      %swap3A_1468 = arith.constant 0 : i32
      %swap3A_1469 = tpu.memref_slice %arg6[%scan3A_156, %swap3A_1466, %swap3A_1467, %swap3A_1468] : memref<2x1x64x768xf32, #tpu.memory_space<vmem>> -> memref<1x1x64x768xf32, #tpu.memory_space<vmem>>
      %swap3A_1470 = tpu.memref_squeeze %swap3A_1469 : memref<1x1x64x768xf32, #tpu.memory_space<vmem>> -> memref<1x64x768xf32, #tpu.memory_space<vmem>>
      %swap3A_1471 = arith.index_cast %swap3A_1465 : i32 to index
      %swap3A_1472 = arith.index_cast %scan3A_1249 : i32 to index
      %swap3A_1473 = arith.constant 288 : index
      %swap3A_1474 = tpu.vector_load %swap3A_1470[%swap3A_1471, %swap3A_1472, %swap3A_1473] {strides = array<i32>} : memref<1x64x768xf32, #tpu.memory_space<vmem>>, vector<1x1x16xf32>,
      %swap3A_1475 = vector.shape_cast %swap3A_1474 : vector<1x1x16xf32> to vector<16xf32>
      %swap3A_1476 = vector.shape_cast %get3A_104 : vector<16xf32> to vector<1x1x16xf32>
      tpu.vector_store %swap3A_1470[%swap3A_1471, %swap3A_1472, %swap3A_1473], %swap3A_1476 {strides = array<i32>} : memref<1x64x768xf32, #tpu.memory_space<vmem>>, vector<1x1x16xf32>,
      %swap3A_1477 = arith.constant 0 : i32
      %swap3A_1478 = arith.constant 0 : i32
      %swap3A_1479 = arith.constant 0 : i32
      %swap3A_1480 = arith.constant 0 : i32
      %swap3A_1481 = tpu.memref_slice %arg6[%scan3A_156, %swap3A_1478, %swap3A_1479, %swap3A_1480] : memref<2x1x64x768xf32, #tpu.memory_space<vmem>> -> memref<1x1x64x768xf32, #tpu.memory_space<vmem>>
      %swap3A_1482 = tpu.memref_squeeze %swap3A_1481 : memref<1x1x64x768xf32, #tpu.memory_space<vmem>> -> memref<1x64x768xf32, #tpu.memory_space<vmem>>
      %swap3A_1483 = arith.index_cast %swap3A_1477 : i32 to index
      %swap3A_1484 = arith.index_cast %scan3A_1249 : i32 to index
      %swap3A_1485 = arith.constant 304 : index
      %swap3A_1486 = tpu.vector_load %swap3A_1482[%swap3A_1483, %swap3A_1484, %swap3A_1485] {strides = array<i32>} : memref<1x64x768xf32, #tpu.memory_space<vmem>>, vector<1x1x16xf32>,
      %swap3A_1487 = vector.shape_cast %swap3A_1486 : vector<1x1x16xf32> to vector<16xf32>
      %swap3A_1488 = vector.shape_cast %get3A_109 : vector<16xf32> to vector<1x1x16xf32>
      tpu.vector_store %swap3A_1482[%swap3A_1483, %swap3A_1484, %swap3A_1485], %swap3A_1488 {strides = array<i32>} : memref<1x64x768xf32, #tpu.memory_space<vmem>>, vector<1x1x16xf32>,
      %swap3A_1489 = arith.constant 0 : i32
      %swap3A_1490 = arith.constant 0 : i32
      %swap3A_1491 = arith.constant 0 : i32
      %swap3A_1492 = arith.constant 0 : i32
      %swap3A_1493 = tpu.memref_slice %arg6[%scan3A_156, %swap3A_1490, %swap3A_1491, %swap3A_1492] : memref<2x1x64x768xf32, #tpu.memory_space<vmem>> -> memref<1x1x64x768xf32, #tpu.memory_space<vmem>>
      %swap3A_1494 = tpu.memref_squeeze %swap3A_1493 : memref<1x1x64x768xf32, #tpu.memory_space<vmem>> -> memref<1x64x768xf32, #tpu.memory_space<vmem>>
      %swap3A_1495 = arith.index_cast %swap3A_1489 : i32 to index
      %swap3A_1496 = arith.index_cast %scan3A_1249 : i32 to index
      %swap3A_1497 = arith.constant 320 : index
      %swap3A_1498 = tpu.vector_load %swap3A_1494[%swap3A_1495, %swap3A_1496, %swap3A_1497] {strides = array<i32>} : memref<1x64x768xf32, #tpu.memory_space<vmem>>, vector<1x1x16xf32>,
      %swap3A_1499 = vector.shape_cast %swap3A_1498 : vector<1x1x16xf32> to vector<16xf32>
      %swap3A_1500 = vector.shape_cast %get3A_114 : vector<16xf32> to vector<1x1x16xf32>
      tpu.vector_store %swap3A_1494[%swap3A_1495, %swap3A_1496, %swap3A_1497], %swap3A_1500 {strides = array<i32>} : memref<1x64x768xf32, #tpu.memory_space<vmem>>, vector<1x1x16xf32>,
      %swap3A_1501 = arith.constant 0 : i32
      %swap3A_1502 = arith.constant 0 : i32
      %swap3A_1503 = arith.constant 0 : i32
      %swap3A_1504 = arith.constant 0 : i32
      %swap3A_1505 = tpu.memref_slice %arg6[%scan3A_156, %swap3A_1502, %swap3A_1503, %swap3A_1504] : memref<2x1x64x768xf32, #tpu.memory_space<vmem>> -> memref<1x1x64x768xf32, #tpu.memory_space<vmem>>
      %swap3A_1506 = tpu.memref_squeeze %swap3A_1505 : memref<1x1x64x768xf32, #tpu.memory_space<vmem>> -> memref<1x64x768xf32, #tpu.memory_space<vmem>>
      %swap3A_1507 = arith.index_cast %swap3A_1501 : i32 to index
      %swap3A_1508 = arith.index_cast %scan3A_1249 : i32 to index
      %swap3A_1509 = arith.constant 336 : index
      %swap3A_1510 = tpu.vector_load %swap3A_1506[%swap3A_1507, %swap3A_1508, %swap3A_1509] {strides = array<i32>} : memref<1x64x768xf32, #tpu.memory_space<vmem>>, vector<1x1x16xf32>,
      %swap3A_1511 = vector.shape_cast %swap3A_1510 : vector<1x1x16xf32> to vector<16xf32>
      %swap3A_1512 = vector.shape_cast %get3A_119 : vector<16xf32> to vector<1x1x16xf32>
      tpu.vector_store %swap3A_1506[%swap3A_1507, %swap3A_1508, %swap3A_1509], %swap3A_1512 {strides = array<i32>} : memref<1x64x768xf32, #tpu.memory_space<vmem>>, vector<1x1x16xf32>,
      %swap3A_1513 = arith.constant 0 : i32
      %swap3A_1514 = arith.constant 0 : i32
      %swap3A_1515 = arith.constant 0 : i32
      %swap3A_1516 = arith.constant 0 : i32
      %swap3A_1517 = tpu.memref_slice %arg6[%scan3A_156, %swap3A_1514, %swap3A_1515, %swap3A_1516] : memref<2x1x64x768xf32, #tpu.memory_space<vmem>> -> memref<1x1x64x768xf32, #tpu.memory_space<vmem>>
      %swap3A_1518 = tpu.memref_squeeze %swap3A_1517 : memref<1x1x64x768xf32, #tpu.memory_space<vmem>> -> memref<1x64x768xf32, #tpu.memory_space<vmem>>
      %swap3A_1519 = arith.index_cast %swap3A_1513 : i32 to index
      %swap3A_1520 = arith.index_cast %scan3A_1249 : i32 to index
      %swap3A_1521 = arith.constant 352 : index
      %swap3A_1522 = tpu.vector_load %swap3A_1518[%swap3A_1519, %swap3A_1520, %swap3A_1521] {strides = array<i32>} : memref<1x64x768xf32, #tpu.memory_space<vmem>>, vector<1x1x16xf32>,
      %swap3A_1523 = vector.shape_cast %swap3A_1522 : vector<1x1x16xf32> to vector<16xf32>
      %swap3A_1524 = vector.shape_cast %get3A_124 : vector<16xf32> to vector<1x1x16xf32>
      tpu.vector_store %swap3A_1518[%swap3A_1519, %swap3A_1520, %swap3A_1521], %swap3A_1524 {strides = array<i32>} : memref<1x64x768xf32, #tpu.memory_space<vmem>>, vector<1x1x16xf32>,
      %swap3A_1525 = arith.constant 0 : i32
      %swap3A_1526 = arith.constant 0 : i32
      %swap3A_1527 = arith.constant 0 : i32
      %swap3A_1528 = arith.constant 0 : i32
      %swap3A_1529 = tpu.memref_slice %arg6[%scan3A_156, %swap3A_1526, %swap3A_1527, %swap3A_1528] : memref<2x1x64x768xf32, #tpu.memory_space<vmem>> -> memref<1x1x64x768xf32, #tpu.memory_space<vmem>>
      %swap3A_1530 = tpu.memref_squeeze %swap3A_1529 : memref<1x1x64x768xf32, #tpu.memory_space<vmem>> -> memref<1x64x768xf32, #tpu.memory_space<vmem>>
      %swap3A_1531 = arith.index_cast %swap3A_1525 : i32 to index
      %swap3A_1532 = arith.index_cast %scan3A_1249 : i32 to index
      %swap3A_1533 = arith.constant 368 : index
      %swap3A_1534 = tpu.vector_load %swap3A_1530[%swap3A_1531, %swap3A_1532, %swap3A_1533] {strides = array<i32>} : memref<1x64x768xf32, #tpu.memory_space<vmem>>, vector<1x1x16xf32>,
      %swap3A_1535 = vector.shape_cast %swap3A_1534 : vector<1x1x16xf32> to vector<16xf32>
      %swap3A_1536 = vector.shape_cast %get3A_129 : vector<16xf32> to vector<1x1x16xf32>
      tpu.vector_store %swap3A_1530[%swap3A_1531, %swap3A_1532, %swap3A_1533], %swap3A_1536 {strides = array<i32>} : memref<1x64x768xf32, #tpu.memory_space<vmem>>, vector<1x1x16xf32>,
    }
    %scan3A_161 = arith.constant 64 : i32
    %dma_wait3A_162 = arith.constant 0 : i32
    %dma_wait3A_163 = arith.constant 0 : i32
    %dma_wait3A_164 = arith.constant 0 : i32
    %dma_wait3A_165 = arith.constant 0 : i32
    %dma_wait3A_166 = arith.constant 0 : i32
    %dma_wait3A_167 = tpu.memref_slice %arg6[%dma_wait3A_162, %dma_wait3A_164, %dma_wait3A_165, %dma_wait3A_166] : memref<2x1x64x768xf32, #tpu.memory_space<vmem>> -> memref<1x1x64x768xf32, #tpu.memory_space<vmem>>
    %dma_wait3A_168 = tpu.memref_squeeze %dma_wait3A_167 : memref<1x1x64x768xf32, #tpu.memory_space<vmem>> -> memref<1x64x768xf32, #tpu.memory_space<vmem>>
    %dma_wait3A_169 = arith.constant 0 : i32
    %dma_wait3A_170 = arith.constant 384 : i32
    %dma_wait3A_171 = tpu.memref_slice %dma_wait3A_168[%dma_wait3A_163, %dma_wait3A_169, %dma_wait3A_170] : memref<1x64x768xf32, #tpu.memory_space<vmem>> -> memref<1x64x384xf32, #tpu.memory_space<vmem>>
    %dma_wait3A_172 = tpu.memref_squeeze %dma_wait3A_171 : memref<1x64x384xf32, #tpu.memory_space<vmem>> -> memref<64x384xf32, #tpu.memory_space<vmem>>
    %dma_wait3A_173 = arith.constant 0 : i32
    %dma_wait3A_174 = arith.constant 0 : i32
    %dma_wait3A_175 = tpu.memref_slice %arg5[%dma_wait3A_173, %dma_wait3A_174] : memref<128x384xf32, #tpu.memory_space<vmem_shared>> -> memref<64x384xf32, #tpu.memory_space<vmem_shared>>
    %dma_wait3A_176 = arith.constant 0 : i32
    %dma_wait3A_177 = arith.constant 0 : i32
    %dma_wait3A_178 = arith.constant 0 : i32
    %dma_wait3A_179 = tpu.memref_slice %arg6[%dma_wait3A_162, %dma_wait3A_176, %dma_wait3A_177, %dma_wait3A_178] : memref<2x1x64x768xf32, #tpu.memory_space<vmem>> -> memref<1x1x64x768xf32, #tpu.memory_space<vmem>>
    %dma_wait3A_180 = tpu.memref_squeeze %dma_wait3A_179 : memref<1x1x64x768xf32, #tpu.memory_space<vmem>> -> memref<1x64x768xf32, #tpu.memory_space<vmem>>
    %dma_wait3A_181 = arith.constant 0 : i32
    %dma_wait3A_182 = arith.constant 384 : i32
    %dma_wait3A_183 = tpu.memref_slice %dma_wait3A_180[%dma_wait3A_163, %dma_wait3A_181, %dma_wait3A_182] : memref<1x64x768xf32, #tpu.memory_space<vmem>> -> memref<1x64x384xf32, #tpu.memory_space<vmem>>
    %dma_wait3A_184 = tpu.memref_squeeze %dma_wait3A_183 : memref<1x64x384xf32, #tpu.memory_space<vmem>> -> memref<64x384xf32, #tpu.memory_space<vmem>>
    %dma_wait3A_185 = arith.constant 0 : i32
    %dma_wait3A_186 = arith.constant 0 : i32
    %dma_wait3A_187 = tpu.memref_slice %arg5[%dma_wait3A_185, %dma_wait3A_186] : memref<128x384xf32, #tpu.memory_space<vmem_shared>> -> memref<64x384xf32, #tpu.memory_space<vmem_shared>>
    tpu.wait_dma2 semaphore(%arg8 : memref<!tpu.dma_semaphore, #tpu.memory_space<semaphore_mem>>) src(%dma_wait3A_187 : memref<64x384xf32, #tpu.memory_space<vmem_shared>>) dst(%dma_wait3A_184 : memref<64x384xf32, #tpu.memory_space<vmem>>)
    %add3A_188 = arith.constant 0 : i32
    %add3A_189 = arith.addi %mul3A_2, %add3A_188 : i32
    %dma_start3A_190 = arith.constant 0 : i32
    %dma_start3A_191 = arith.constant 0 : i32
    %dma_start3A_192 = arith.constant 0 : i32
    %dma_start3A_193 = arith.constant 0 : i32
    %dma_start3A_194 = tpu.memref_slice %arg6[%dma_start3A_190, %dma_start3A_191, %dma_start3A_192, %dma_start3A_193] : memref<2x1x64x768xf32, #tpu.memory_space<vmem>> -> memref<1x1x64x768xf32, #tpu.memory_space<vmem>>
    %dma_start3A_195 = tpu.memref_squeeze %dma_start3A_194 : memref<1x1x64x768xf32, #tpu.memory_space<vmem>> -> memref<1x64x768xf32, #tpu.memory_space<vmem>>
    %dma_start3A_196 = arith.constant 0 : i32
    %dma_start3A_197 = arith.constant 0 : i32
    %dma_start3A_198 = tpu.memref_slice %arg4[%add3A_189, %dma_start3A_196, %dma_start3A_197] : memref<128x128x768xf32, #tpu.memory_space<hbm>> -> memref<1x64x768xf32, #tpu.memory_space<hbm>>
    %dma_start3A_199 = arith.constant 0 : i32
    %dma_start3A_200 = arith.constant 0 : i32
    %dma_start3A_201 = tpu.memref_slice %arg4[%add3A_189, %dma_start3A_199, %dma_start3A_200] : memref<128x128x768xf32, #tpu.memory_space<hbm>> -> memref<1x64x768xf32, #tpu.memory_space<hbm>>
    %dma_start3A_202 = arith.constant 0 : i32
    %dma_start3A_203 = arith.constant 0 : i32
    %dma_start3A_204 = arith.constant 0 : i32
    %dma_start3A_205 = tpu.memref_slice %arg6[%dma_start3A_190, %dma_start3A_202, %dma_start3A_203, %dma_start3A_204] : memref<2x1x64x768xf32, #tpu.memory_space<vmem>> -> memref<1x1x64x768xf32, #tpu.memory_space<vmem>>
    %dma_start3A_206 = tpu.memref_squeeze %dma_start3A_205 : memref<1x1x64x768xf32, #tpu.memory_space<vmem>> -> memref<1x64x768xf32, #tpu.memory_space<vmem>>
    tpu.enqueue_dma source(%dma_start3A_206 : memref<1x64x768xf32, #tpu.memory_space<vmem>>) target(%dma_start3A_201 : memref<1x64x768xf32, #tpu.memory_space<hbm>>) target_semaphore(%arg9 : memref<!tpu.dma_semaphore, #tpu.memory_space<semaphore_mem>>)
    %dma_start3A_207 = arith.constant 1 : i32
    %dma_start3A_208 = arith.constant 0 : i32
    %dma_start3A_209 = arith.constant 0 : i32
    %dma_start3A_210 = arith.constant 0 : i32
    %dma_start3A_211 = arith.constant 0 : i32
    %dma_start3A_212 = tpu.memref_slice %arg6[%dma_start3A_207, %dma_start3A_209, %dma_start3A_210, %dma_start3A_211] : memref<2x1x64x768xf32, #tpu.memory_space<vmem>> -> memref<1x1x64x768xf32, #tpu.memory_space<vmem>>
    %dma_start3A_213 = tpu.memref_squeeze %dma_start3A_212 : memref<1x1x64x768xf32, #tpu.memory_space<vmem>> -> memref<1x64x768xf32, #tpu.memory_space<vmem>>
    %dma_start3A_214 = arith.constant 0 : i32
    %dma_start3A_215 = arith.constant 384 : i32
    %dma_start3A_216 = tpu.memref_slice %dma_start3A_213[%dma_start3A_208, %dma_start3A_214, %dma_start3A_215] : memref<1x64x768xf32, #tpu.memory_space<vmem>> -> memref<1x64x384xf32, #tpu.memory_space<vmem>>
    %dma_start3A_217 = tpu.memref_squeeze %dma_start3A_216 : memref<1x64x384xf32, #tpu.memory_space<vmem>> -> memref<64x384xf32, #tpu.memory_space<vmem>>
    %dma_start3A_218 = arith.constant 64 : i32
    %dma_start3A_219 = arith.constant 0 : i32
    %dma_start3A_220 = tpu.memref_slice %arg5[%dma_start3A_218, %dma_start3A_219] : memref<128x384xf32, #tpu.memory_space<vmem_shared>> -> memref<64x384xf32, #tpu.memory_space<vmem_shared>>
    %dma_start3A_221 = arith.constant 0 : i32
    %dma_start3A_222 = arith.constant 0 : i32
    %dma_start3A_223 = arith.constant 0 : i32
    %dma_start3A_224 = tpu.memref_slice %arg6[%dma_start3A_207, %dma_start3A_221, %dma_start3A_222, %dma_start3A_223] : memref<2x1x64x768xf32, #tpu.memory_space<vmem>> -> memref<1x1x64x768xf32, #tpu.memory_space<vmem>>
    %dma_start3A_225 = tpu.memref_squeeze %dma_start3A_224 : memref<1x1x64x768xf32, #tpu.memory_space<vmem>> -> memref<1x64x768xf32, #tpu.memory_space<vmem>>
    %dma_start3A_226 = arith.constant 0 : i32
    %dma_start3A_227 = arith.constant 384 : i32
    %dma_start3A_228 = tpu.memref_slice %dma_start3A_225[%dma_start3A_208, %dma_start3A_226, %dma_start3A_227] : memref<1x64x768xf32, #tpu.memory_space<vmem>> -> memref<1x64x384xf32, #tpu.memory_space<vmem>>
    %dma_start3A_229 = tpu.memref_squeeze %dma_start3A_228 : memref<1x64x384xf32, #tpu.memory_space<vmem>> -> memref<64x384xf32, #tpu.memory_space<vmem>>
    %dma_start3A_230 = arith.constant 64 : i32
    %dma_start3A_231 = arith.constant 0 : i32
    %dma_start3A_232 = tpu.memref_slice %arg5[%dma_start3A_230, %dma_start3A_231] : memref<128x384xf32, #tpu.memory_space<vmem_shared>> -> memref<64x384xf32, #tpu.memory_space<vmem_shared>>
    tpu.enqueue_dma source(%dma_start3A_232 : memref<64x384xf32, #tpu.memory_space<vmem_shared>>) target(%dma_start3A_229 : memref<64x384xf32, #tpu.memory_space<vmem>>) target_semaphore(%arg8 : memref<!tpu.dma_semaphore, #tpu.memory_space<semaphore_mem>>)
    %scan3A_233 = arith.constant 0 : i32
    %scan3A_234 = arith.constant 1 : i32
    %scan3A_235 = arith.constant 0 : i32
    %scan3A_236 = arith.constant 64 : i32
    %scan3A_237 = arith.addi %scan3A_235, %scan3A_236 : i32
    %scan3A_238 = arith.constant 1 : i32
    scf.for %scan3A_1249 = %scan3A_235 to %scan3A_237 step %scan3A_238  : i32 {
      %swap3A = arith.constant 0 : i32
      %swap3A_1250 = arith.constant 0 : i32
      %swap3A_1251 = arith.constant 0 : i32
      %swap3A_1252 = arith.constant 0 : i32
      %swap3A_1253 = tpu.memref_slice %arg6[%scan3A_234, %swap3A_1250, %swap3A_1251, %swap3A_1252] : memref<2x1x64x768xf32, #tpu.memory_space<vmem>> -> memref<1x1x64x768xf32, #tpu.memory_space<vmem>>
      %swap3A_1254 = tpu.memref_squeeze %swap3A_1253 : memref<1x1x64x768xf32, #tpu.memory_space<vmem>> -> memref<1x64x768xf32, #tpu.memory_space<vmem>>
      %swap3A_1255 = arith.index_cast %swap3A : i32 to index
      %swap3A_1256 = arith.index_cast %scan3A_1249 : i32 to index
      %swap3A_1257 = arith.constant 0 : index
      %swap3A_1258 = tpu.vector_load %swap3A_1254[%swap3A_1255, %swap3A_1256, %swap3A_1257] {strides = array<i32>} : memref<1x64x768xf32, #tpu.memory_space<vmem>>, vector<1x1x16xf32>,
      %swap3A_1259 = vector.shape_cast %swap3A_1258 : vector<1x1x16xf32> to vector<16xf32>
      %swap3A_1260 = vector.shape_cast %get3A_14 : vector<16xf32> to vector<1x1x16xf32>
      tpu.vector_store %swap3A_1254[%swap3A_1255, %swap3A_1256, %swap3A_1257], %swap3A_1260 {strides = array<i32>} : memref<1x64x768xf32, #tpu.memory_space<vmem>>, vector<1x1x16xf32>,
      %swap3A_1261 = arith.constant 0 : i32
      %swap3A_1262 = arith.constant 0 : i32
      %swap3A_1263 = arith.constant 0 : i32
      %swap3A_1264 = arith.constant 0 : i32
      %swap3A_1265 = tpu.memref_slice %arg6[%scan3A_234, %swap3A_1262, %swap3A_1263, %swap3A_1264] : memref<2x1x64x768xf32, #tpu.memory_space<vmem>> -> memref<1x1x64x768xf32, #tpu.memory_space<vmem>>
      %swap3A_1266 = tpu.memref_squeeze %swap3A_1265 : memref<1x1x64x768xf32, #tpu.memory_space<vmem>> -> memref<1x64x768xf32, #tpu.memory_space<vmem>>
      %swap3A_1267 = arith.index_cast %swap3A_1261 : i32 to index
      %swap3A_1268 = arith.index_cast %scan3A_1249 : i32 to index
      %swap3A_1269 = arith.constant 16 : index
      %swap3A_1270 = tpu.vector_load %swap3A_1266[%swap3A_1267, %swap3A_1268, %swap3A_1269] {strides = array<i32>} : memref<1x64x768xf32, #tpu.memory_space<vmem>>, vector<1x1x16xf32>,
      %swap3A_1271 = vector.shape_cast %swap3A_1270 : vector<1x1x16xf32> to vector<16xf32>
      %swap3A_1272 = vector.shape_cast %get3A_19 : vector<16xf32> to vector<1x1x16xf32>
      tpu.vector_store %swap3A_1266[%swap3A_1267, %swap3A_1268, %swap3A_1269], %swap3A_1272 {strides = array<i32>} : memref<1x64x768xf32, #tpu.memory_space<vmem>>, vector<1x1x16xf32>,
      %swap3A_1273 = arith.constant 0 : i32
      %swap3A_1274 = arith.constant 0 : i32
      %swap3A_1275 = arith.constant 0 : i32
      %swap3A_1276 = arith.constant 0 : i32
      %swap3A_1277 = tpu.memref_slice %arg6[%scan3A_234, %swap3A_1274, %swap3A_1275, %swap3A_1276] : memref<2x1x64x768xf32, #tpu.memory_space<vmem>> -> memref<1x1x64x768xf32, #tpu.memory_space<vmem>>
      %swap3A_1278 = tpu.memref_squeeze %swap3A_1277 : memref<1x1x64x768xf32, #tpu.memory_space<vmem>> -> memref<1x64x768xf32, #tpu.memory_space<vmem>>
      %swap3A_1279 = arith.index_cast %swap3A_1273 : i32 to index
      %swap3A_1280 = arith.index_cast %scan3A_1249 : i32 to index
      %swap3A_1281 = arith.constant 32 : index
      %swap3A_1282 = tpu.vector_load %swap3A_1278[%swap3A_1279, %swap3A_1280, %swap3A_1281] {strides = array<i32>} : memref<1x64x768xf32, #tpu.memory_space<vmem>>, vector<1x1x16xf32>,
      %swap3A_1283 = vector.shape_cast %swap3A_1282 : vector<1x1x16xf32> to vector<16xf32>
      %swap3A_1284 = vector.shape_cast %get3A_24 : vector<16xf32> to vector<1x1x16xf32>
      tpu.vector_store %swap3A_1278[%swap3A_1279, %swap3A_1280, %swap3A_1281], %swap3A_1284 {strides = array<i32>} : memref<1x64x768xf32, #tpu.memory_space<vmem>>, vector<1x1x16xf32>,
      %swap3A_1285 = arith.constant 0 : i32
      %swap3A_1286 = arith.constant 0 : i32
      %swap3A_1287 = arith.constant 0 : i32
      %swap3A_1288 = arith.constant 0 : i32
      %swap3A_1289 = tpu.memref_slice %arg6[%scan3A_234, %swap3A_1286, %swap3A_1287, %swap3A_1288] : memref<2x1x64x768xf32, #tpu.memory_space<vmem>> -> memref<1x1x64x768xf32, #tpu.memory_space<vmem>>
      %swap3A_1290 = tpu.memref_squeeze %swap3A_1289 : memref<1x1x64x768xf32, #tpu.memory_space<vmem>> -> memref<1x64x768xf32, #tpu.memory_space<vmem>>
      %swap3A_1291 = arith.index_cast %swap3A_1285 : i32 to index
      %swap3A_1292 = arith.index_cast %scan3A_1249 : i32 to index
      %swap3A_1293 = arith.constant 48 : index
      %swap3A_1294 = tpu.vector_load %swap3A_1290[%swap3A_1291, %swap3A_1292, %swap3A_1293] {strides = array<i32>} : memref<1x64x768xf32, #tpu.memory_space<vmem>>, vector<1x1x16xf32>,
      %swap3A_1295 = vector.shape_cast %swap3A_1294 : vector<1x1x16xf32> to vector<16xf32>
      %swap3A_1296 = vector.shape_cast %get3A_29 : vector<16xf32> to vector<1x1x16xf32>
      tpu.vector_store %swap3A_1290[%swap3A_1291, %swap3A_1292, %swap3A_1293], %swap3A_1296 {strides = array<i32>} : memref<1x64x768xf32, #tpu.memory_space<vmem>>, vector<1x1x16xf32>,
      %swap3A_1297 = arith.constant 0 : i32
      %swap3A_1298 = arith.constant 0 : i32
      %swap3A_1299 = arith.constant 0 : i32
      %swap3A_1300 = arith.constant 0 : i32
      %swap3A_1301 = tpu.memref_slice %arg6[%scan3A_234, %swap3A_1298, %swap3A_1299, %swap3A_1300] : memref<2x1x64x768xf32, #tpu.memory_space<vmem>> -> memref<1x1x64x768xf32, #tpu.memory_space<vmem>>
      %swap3A_1302 = tpu.memref_squeeze %swap3A_1301 : memref<1x1x64x768xf32, #tpu.memory_space<vmem>> -> memref<1x64x768xf32, #tpu.memory_space<vmem>>
      %swap3A_1303 = arith.index_cast %swap3A_1297 : i32 to index
      %swap3A_1304 = arith.index_cast %scan3A_1249 : i32 to index
      %swap3A_1305 = arith.constant 64 : index
      %swap3A_1306 = tpu.vector_load %swap3A_1302[%swap3A_1303, %swap3A_1304, %swap3A_1305] {strides = array<i32>} : memref<1x64x768xf32, #tpu.memory_space<vmem>>, vector<1x1x16xf32>,
      %swap3A_1307 = vector.shape_cast %swap3A_1306 : vector<1x1x16xf32> to vector<16xf32>
      %swap3A_1308 = vector.shape_cast %get3A_34 : vector<16xf32> to vector<1x1x16xf32>
      tpu.vector_store %swap3A_1302[%swap3A_1303, %swap3A_1304, %swap3A_1305], %swap3A_1308 {strides = array<i32>} : memref<1x64x768xf32, #tpu.memory_space<vmem>>, vector<1x1x16xf32>,
      %swap3A_1309 = arith.constant 0 : i32
      %swap3A_1310 = arith.constant 0 : i32
      %swap3A_1311 = arith.constant 0 : i32
      %swap3A_1312 = arith.constant 0 : i32
      %swap3A_1313 = tpu.memref_slice %arg6[%scan3A_234, %swap3A_1310, %swap3A_1311, %swap3A_1312] : memref<2x1x64x768xf32, #tpu.memory_space<vmem>> -> memref<1x1x64x768xf32, #tpu.memory_space<vmem>>
      %swap3A_1314 = tpu.memref_squeeze %swap3A_1313 : memref<1x1x64x768xf32, #tpu.memory_space<vmem>> -> memref<1x64x768xf32, #tpu.memory_space<vmem>>
      %swap3A_1315 = arith.index_cast %swap3A_1309 : i32 to index
      %swap3A_1316 = arith.index_cast %scan3A_1249 : i32 to index
      %swap3A_1317 = arith.constant 80 : index
      %swap3A_1318 = tpu.vector_load %swap3A_1314[%swap3A_1315, %swap3A_1316, %swap3A_1317] {strides = array<i32>} : memref<1x64x768xf32, #tpu.memory_space<vmem>>, vector<1x1x16xf32>,
      %swap3A_1319 = vector.shape_cast %swap3A_1318 : vector<1x1x16xf32> to vector<16xf32>
      %swap3A_1320 = vector.shape_cast %get3A_39 : vector<16xf32> to vector<1x1x16xf32>
      tpu.vector_store %swap3A_1314[%swap3A_1315, %swap3A_1316, %swap3A_1317], %swap3A_1320 {strides = array<i32>} : memref<1x64x768xf32, #tpu.memory_space<vmem>>, vector<1x1x16xf32>,
      %swap3A_1321 = arith.constant 0 : i32
      %swap3A_1322 = arith.constant 0 : i32
      %swap3A_1323 = arith.constant 0 : i32
      %swap3A_1324 = arith.constant 0 : i32
      %swap3A_1325 = tpu.memref_slice %arg6[%scan3A_234, %swap3A_1322, %swap3A_1323, %swap3A_1324] : memref<2x1x64x768xf32, #tpu.memory_space<vmem>> -> memref<1x1x64x768xf32, #tpu.memory_space<vmem>>
      %swap3A_1326 = tpu.memref_squeeze %swap3A_1325 : memref<1x1x64x768xf32, #tpu.memory_space<vmem>> -> memref<1x64x768xf32, #tpu.memory_space<vmem>>
      %swap3A_1327 = arith.index_cast %swap3A_1321 : i32 to index
      %swap3A_1328 = arith.index_cast %scan3A_1249 : i32 to index
      %swap3A_1329 = arith.constant 96 : index
      %swap3A_1330 = tpu.vector_load %swap3A_1326[%swap3A_1327, %swap3A_1328, %swap3A_1329] {strides = array<i32>} : memref<1x64x768xf32, #tpu.memory_space<vmem>>, vector<1x1x16xf32>,
      %swap3A_1331 = vector.shape_cast %swap3A_1330 : vector<1x1x16xf32> to vector<16xf32>
      %swap3A_1332 = vector.shape_cast %get3A_44 : vector<16xf32> to vector<1x1x16xf32>
      tpu.vector_store %swap3A_1326[%swap3A_1327, %swap3A_1328, %swap3A_1329], %swap3A_1332 {strides = array<i32>} : memref<1x64x768xf32, #tpu.memory_space<vmem>>, vector<1x1x16xf32>,
      %swap3A_1333 = arith.constant 0 : i32
      %swap3A_1334 = arith.constant 0 : i32
      %swap3A_1335 = arith.constant 0 : i32
      %swap3A_1336 = arith.constant 0 : i32
      %swap3A_1337 = tpu.memref_slice %arg6[%scan3A_234, %swap3A_1334, %swap3A_1335, %swap3A_1336] : memref<2x1x64x768xf32, #tpu.memory_space<vmem>> -> memref<1x1x64x768xf32, #tpu.memory_space<vmem>>
      %swap3A_1338 = tpu.memref_squeeze %swap3A_1337 : memref<1x1x64x768xf32, #tpu.memory_space<vmem>> -> memref<1x64x768xf32, #tpu.memory_space<vmem>>
      %swap3A_1339 = arith.index_cast %swap3A_1333 : i32 to index
      %swap3A_1340 = arith.index_cast %scan3A_1249 : i32 to index
      %swap3A_1341 = arith.constant 112 : index
      %swap3A_1342 = tpu.vector_load %swap3A_1338[%swap3A_1339, %swap3A_1340, %swap3A_1341] {strides = array<i32>} : memref<1x64x768xf32, #tpu.memory_space<vmem>>, vector<1x1x16xf32>,
      %swap3A_1343 = vector.shape_cast %swap3A_1342 : vector<1x1x16xf32> to vector<16xf32>
      %swap3A_1344 = vector.shape_cast %get3A_49 : vector<16xf32> to vector<1x1x16xf32>
      tpu.vector_store %swap3A_1338[%swap3A_1339, %swap3A_1340, %swap3A_1341], %swap3A_1344 {strides = array<i32>} : memref<1x64x768xf32, #tpu.memory_space<vmem>>, vector<1x1x16xf32>,
      %swap3A_1345 = arith.constant 0 : i32
      %swap3A_1346 = arith.constant 0 : i32
      %swap3A_1347 = arith.constant 0 : i32
      %swap3A_1348 = arith.constant 0 : i32
      %swap3A_1349 = tpu.memref_slice %arg6[%scan3A_234, %swap3A_1346, %swap3A_1347, %swap3A_1348] : memref<2x1x64x768xf32, #tpu.memory_space<vmem>> -> memref<1x1x64x768xf32, #tpu.memory_space<vmem>>
      %swap3A_1350 = tpu.memref_squeeze %swap3A_1349 : memref<1x1x64x768xf32, #tpu.memory_space<vmem>> -> memref<1x64x768xf32, #tpu.memory_space<vmem>>
      %swap3A_1351 = arith.index_cast %swap3A_1345 : i32 to index
      %swap3A_1352 = arith.index_cast %scan3A_1249 : i32 to index
      %swap3A_1353 = arith.constant 128 : index
      %swap3A_1354 = tpu.vector_load %swap3A_1350[%swap3A_1351, %swap3A_1352, %swap3A_1353] {strides = array<i32>} : memref<1x64x768xf32, #tpu.memory_space<vmem>>, vector<1x1x16xf32>,
      %swap3A_1355 = vector.shape_cast %swap3A_1354 : vector<1x1x16xf32> to vector<16xf32>
      %swap3A_1356 = vector.shape_cast %get3A_54 : vector<16xf32> to vector<1x1x16xf32>
      tpu.vector_store %swap3A_1350[%swap3A_1351, %swap3A_1352, %swap3A_1353], %swap3A_1356 {strides = array<i32>} : memref<1x64x768xf32, #tpu.memory_space<vmem>>, vector<1x1x16xf32>,
      %swap3A_1357 = arith.constant 0 : i32
      %swap3A_1358 = arith.constant 0 : i32
      %swap3A_1359 = arith.constant 0 : i32
      %swap3A_1360 = arith.constant 0 : i32
      %swap3A_1361 = tpu.memref_slice %arg6[%scan3A_234, %swap3A_1358, %swap3A_1359, %swap3A_1360] : memref<2x1x64x768xf32, #tpu.memory_space<vmem>> -> memref<1x1x64x768xf32, #tpu.memory_space<vmem>>
      %swap3A_1362 = tpu.memref_squeeze %swap3A_1361 : memref<1x1x64x768xf32, #tpu.memory_space<vmem>> -> memref<1x64x768xf32, #tpu.memory_space<vmem>>
      %swap3A_1363 = arith.index_cast %swap3A_1357 : i32 to index
      %swap3A_1364 = arith.index_cast %scan3A_1249 : i32 to index
      %swap3A_1365 = arith.constant 144 : index
      %swap3A_1366 = tpu.vector_load %swap3A_1362[%swap3A_1363, %swap3A_1364, %swap3A_1365] {strides = array<i32>} : memref<1x64x768xf32, #tpu.memory_space<vmem>>, vector<1x1x16xf32>,
      %swap3A_1367 = vector.shape_cast %swap3A_1366 : vector<1x1x16xf32> to vector<16xf32>
      %swap3A_1368 = vector.shape_cast %get3A_59 : vector<16xf32> to vector<1x1x16xf32>
      tpu.vector_store %swap3A_1362[%swap3A_1363, %swap3A_1364, %swap3A_1365], %swap3A_1368 {strides = array<i32>} : memref<1x64x768xf32, #tpu.memory_space<vmem>>, vector<1x1x16xf32>,
      %swap3A_1369 = arith.constant 0 : i32
      %swap3A_1370 = arith.constant 0 : i32
      %swap3A_1371 = arith.constant 0 : i32
      %swap3A_1372 = arith.constant 0 : i32
      %swap3A_1373 = tpu.memref_slice %arg6[%scan3A_234, %swap3A_1370, %swap3A_1371, %swap3A_1372] : memref<2x1x64x768xf32, #tpu.memory_space<vmem>> -> memref<1x1x64x768xf32, #tpu.memory_space<vmem>>
      %swap3A_1374 = tpu.memref_squeeze %swap3A_1373 : memref<1x1x64x768xf32, #tpu.memory_space<vmem>> -> memref<1x64x768xf32, #tpu.memory_space<vmem>>
      %swap3A_1375 = arith.index_cast %swap3A_1369 : i32 to index
      %swap3A_1376 = arith.index_cast %scan3A_1249 : i32 to index
      %swap3A_1377 = arith.constant 160 : index
      %swap3A_1378 = tpu.vector_load %swap3A_1374[%swap3A_1375, %swap3A_1376, %swap3A_1377] {strides = array<i32>} : memref<1x64x768xf32, #tpu.memory_space<vmem>>, vector<1x1x16xf32>,
      %swap3A_1379 = vector.shape_cast %swap3A_1378 : vector<1x1x16xf32> to vector<16xf32>
      %swap3A_1380 = vector.shape_cast %get3A_64 : vector<16xf32> to vector<1x1x16xf32>
      tpu.vector_store %swap3A_1374[%swap3A_1375, %swap3A_1376, %swap3A_1377], %swap3A_1380 {strides = array<i32>} : memref<1x64x768xf32, #tpu.memory_space<vmem>>, vector<1x1x16xf32>,
      %swap3A_1381 = arith.constant 0 : i32
      %swap3A_1382 = arith.constant 0 : i32
      %swap3A_1383 = arith.constant 0 : i32
      %swap3A_1384 = arith.constant 0 : i32
      %swap3A_1385 = tpu.memref_slice %arg6[%scan3A_234, %swap3A_1382, %swap3A_1383, %swap3A_1384] : memref<2x1x64x768xf32, #tpu.memory_space<vmem>> -> memref<1x1x64x768xf32, #tpu.memory_space<vmem>>
      %swap3A_1386 = tpu.memref_squeeze %swap3A_1385 : memref<1x1x64x768xf32, #tpu.memory_space<vmem>> -> memref<1x64x768xf32, #tpu.memory_space<vmem>>
      %swap3A_1387 = arith.index_cast %swap3A_1381 : i32 to index
      %swap3A_1388 = arith.index_cast %scan3A_1249 : i32 to index
      %swap3A_1389 = arith.constant 176 : index
      %swap3A_1390 = tpu.vector_load %swap3A_1386[%swap3A_1387, %swap3A_1388, %swap3A_1389] {strides = array<i32>} : memref<1x64x768xf32, #tpu.memory_space<vmem>>, vector<1x1x16xf32>,
      %swap3A_1391 = vector.shape_cast %swap3A_1390 : vector<1x1x16xf32> to vector<16xf32>
      %swap3A_1392 = vector.shape_cast %get3A_69 : vector<16xf32> to vector<1x1x16xf32>
      tpu.vector_store %swap3A_1386[%swap3A_1387, %swap3A_1388, %swap3A_1389], %swap3A_1392 {strides = array<i32>} : memref<1x64x768xf32, #tpu.memory_space<vmem>>, vector<1x1x16xf32>,
      %swap3A_1393 = arith.constant 0 : i32
      %swap3A_1394 = arith.constant 0 : i32
      %swap3A_1395 = arith.constant 0 : i32
      %swap3A_1396 = arith.constant 0 : i32
      %swap3A_1397 = tpu.memref_slice %arg6[%scan3A_234, %swap3A_1394, %swap3A_1395, %swap3A_1396] : memref<2x1x64x768xf32, #tpu.memory_space<vmem>> -> memref<1x1x64x768xf32, #tpu.memory_space<vmem>>
      %swap3A_1398 = tpu.memref_squeeze %swap3A_1397 : memref<1x1x64x768xf32, #tpu.memory_space<vmem>> -> memref<1x64x768xf32, #tpu.memory_space<vmem>>
      %swap3A_1399 = arith.index_cast %swap3A_1393 : i32 to index
      %swap3A_1400 = arith.index_cast %scan3A_1249 : i32 to index
      %swap3A_1401 = arith.constant 192 : index
      %swap3A_1402 = tpu.vector_load %swap3A_1398[%swap3A_1399, %swap3A_1400, %swap3A_1401] {strides = array<i32>} : memref<1x64x768xf32, #tpu.memory_space<vmem>>, vector<1x1x16xf32>,
      %swap3A_1403 = vector.shape_cast %swap3A_1402 : vector<1x1x16xf32> to vector<16xf32>
      %swap3A_1404 = vector.shape_cast %get3A_74 : vector<16xf32> to vector<1x1x16xf32>
      tpu.vector_store %swap3A_1398[%swap3A_1399, %swap3A_1400, %swap3A_1401], %swap3A_1404 {strides = array<i32>} : memref<1x64x768xf32, #tpu.memory_space<vmem>>, vector<1x1x16xf32>,
      %swap3A_1405 = arith.constant 0 : i32
      %swap3A_1406 = arith.constant 0 : i32
      %swap3A_1407 = arith.constant 0 : i32
      %swap3A_1408 = arith.constant 0 : i32
      %swap3A_1409 = tpu.memref_slice %arg6[%scan3A_234, %swap3A_1406, %swap3A_1407, %swap3A_1408] : memref<2x1x64x768xf32, #tpu.memory_space<vmem>> -> memref<1x1x64x768xf32, #tpu.memory_space<vmem>>
      %swap3A_1410 = tpu.memref_squeeze %swap3A_1409 : memref<1x1x64x768xf32, #tpu.memory_space<vmem>> -> memref<1x64x768xf32, #tpu.memory_space<vmem>>
      %swap3A_1411 = arith.index_cast %swap3A_1405 : i32 to index
      %swap3A_1412 = arith.index_cast %scan3A_1249 : i32 to index
      %swap3A_1413 = arith.constant 208 : index
      %swap3A_1414 = tpu.vector_load %swap3A_1410[%swap3A_1411, %swap3A_1412, %swap3A_1413] {strides = array<i32>} : memref<1x64x768xf32, #tpu.memory_space<vmem>>, vector<1x1x16xf32>,
      %swap3A_1415 = vector.shape_cast %swap3A_1414 : vector<1x1x16xf32> to vector<16xf32>
      %swap3A_1416 = vector.shape_cast %get3A_79 : vector<16xf32> to vector<1x1x16xf32>
      tpu.vector_store %swap3A_1410[%swap3A_1411, %swap3A_1412, %swap3A_1413], %swap3A_1416 {strides = array<i32>} : memref<1x64x768xf32, #tpu.memory_space<vmem>>, vector<1x1x16xf32>,
      %swap3A_1417 = arith.constant 0 : i32
      %swap3A_1418 = arith.constant 0 : i32
      %swap3A_1419 = arith.constant 0 : i32
      %swap3A_1420 = arith.constant 0 : i32
      %swap3A_1421 = tpu.memref_slice %arg6[%scan3A_234, %swap3A_1418, %swap3A_1419, %swap3A_1420] : memref<2x1x64x768xf32, #tpu.memory_space<vmem>> -> memref<1x1x64x768xf32, #tpu.memory_space<vmem>>
      %swap3A_1422 = tpu.memref_squeeze %swap3A_1421 : memref<1x1x64x768xf32, #tpu.memory_space<vmem>> -> memref<1x64x768xf32, #tpu.memory_space<vmem>>
      %swap3A_1423 = arith.index_cast %swap3A_1417 : i32 to index
      %swap3A_1424 = arith.index_cast %scan3A_1249 : i32 to index
      %swap3A_1425 = arith.constant 224 : index
      %swap3A_1426 = tpu.vector_load %swap3A_1422[%swap3A_1423, %swap3A_1424, %swap3A_1425] {strides = array<i32>} : memref<1x64x768xf32, #tpu.memory_space<vmem>>, vector<1x1x16xf32>,
      %swap3A_1427 = vector.shape_cast %swap3A_1426 : vector<1x1x16xf32> to vector<16xf32>
      %swap3A_1428 = vector.shape_cast %get3A_84 : vector<16xf32> to vector<1x1x16xf32>
      tpu.vector_store %swap3A_1422[%swap3A_1423, %swap3A_1424, %swap3A_1425], %swap3A_1428 {strides = array<i32>} : memref<1x64x768xf32, #tpu.memory_space<vmem>>, vector<1x1x16xf32>,
      %swap3A_1429 = arith.constant 0 : i32
      %swap3A_1430 = arith.constant 0 : i32
      %swap3A_1431 = arith.constant 0 : i32
      %swap3A_1432 = arith.constant 0 : i32
      %swap3A_1433 = tpu.memref_slice %arg6[%scan3A_234, %swap3A_1430, %swap3A_1431, %swap3A_1432] : memref<2x1x64x768xf32, #tpu.memory_space<vmem>> -> memref<1x1x64x768xf32, #tpu.memory_space<vmem>>
      %swap3A_1434 = tpu.memref_squeeze %swap3A_1433 : memref<1x1x64x768xf32, #tpu.memory_space<vmem>> -> memref<1x64x768xf32, #tpu.memory_space<vmem>>
      %swap3A_1435 = arith.index_cast %swap3A_1429 : i32 to index
      %swap3A_1436 = arith.index_cast %scan3A_1249 : i32 to index
      %swap3A_1437 = arith.constant 240 : index
      %swap3A_1438 = tpu.vector_load %swap3A_1434[%swap3A_1435, %swap3A_1436, %swap3A_1437] {strides = array<i32>} : memref<1x64x768xf32, #tpu.memory_space<vmem>>, vector<1x1x16xf32>,
      %swap3A_1439 = vector.shape_cast %swap3A_1438 : vector<1x1x16xf32> to vector<16xf32>
      %swap3A_1440 = vector.shape_cast %get3A_89 : vector<16xf32> to vector<1x1x16xf32>
      tpu.vector_store %swap3A_1434[%swap3A_1435, %swap3A_1436, %swap3A_1437], %swap3A_1440 {strides = array<i32>} : memref<1x64x768xf32, #tpu.memory_space<vmem>>, vector<1x1x16xf32>,
      %swap3A_1441 = arith.constant 0 : i32
      %swap3A_1442 = arith.constant 0 : i32
      %swap3A_1443 = arith.constant 0 : i32
      %swap3A_1444 = arith.constant 0 : i32
      %swap3A_1445 = tpu.memref_slice %arg6[%scan3A_234, %swap3A_1442, %swap3A_1443, %swap3A_1444] : memref<2x1x64x768xf32, #tpu.memory_space<vmem>> -> memref<1x1x64x768xf32, #tpu.memory_space<vmem>>
      %swap3A_1446 = tpu.memref_squeeze %swap3A_1445 : memref<1x1x64x768xf32, #tpu.memory_space<vmem>> -> memref<1x64x768xf32, #tpu.memory_space<vmem>>
      %swap3A_1447 = arith.index_cast %swap3A_1441 : i32 to index
      %swap3A_1448 = arith.index_cast %scan3A_1249 : i32 to index
      %swap3A_1449 = arith.constant 256 : index
      %swap3A_1450 = tpu.vector_load %swap3A_1446[%swap3A_1447, %swap3A_1448, %swap3A_1449] {strides = array<i32>} : memref<1x64x768xf32, #tpu.memory_space<vmem>>, vector<1x1x16xf32>,
      %swap3A_1451 = vector.shape_cast %swap3A_1450 : vector<1x1x16xf32> to vector<16xf32>
      %swap3A_1452 = vector.shape_cast %get3A_94 : vector<16xf32> to vector<1x1x16xf32>
      tpu.vector_store %swap3A_1446[%swap3A_1447, %swap3A_1448, %swap3A_1449], %swap3A_1452 {strides = array<i32>} : memref<1x64x768xf32, #tpu.memory_space<vmem>>, vector<1x1x16xf32>,
      %swap3A_1453 = arith.constant 0 : i32
      %swap3A_1454 = arith.constant 0 : i32
      %swap3A_1455 = arith.constant 0 : i32
      %swap3A_1456 = arith.constant 0 : i32
      %swap3A_1457 = tpu.memref_slice %arg6[%scan3A_234, %swap3A_1454, %swap3A_1455, %swap3A_1456] : memref<2x1x64x768xf32, #tpu.memory_space<vmem>> -> memref<1x1x64x768xf32, #tpu.memory_space<vmem>>
      %swap3A_1458 = tpu.memref_squeeze %swap3A_1457 : memref<1x1x64x768xf32, #tpu.memory_space<vmem>> -> memref<1x64x768xf32, #tpu.memory_space<vmem>>
      %swap3A_1459 = arith.index_cast %swap3A_1453 : i32 to index
      %swap3A_1460 = arith.index_cast %scan3A_1249 : i32 to index
      %swap3A_1461 = arith.constant 272 : index
      %swap3A_1462 = tpu.vector_load %swap3A_1458[%swap3A_1459, %swap3A_1460, %swap3A_1461] {strides = array<i32>} : memref<1x64x768xf32, #tpu.memory_space<vmem>>, vector<1x1x16xf32>,
      %swap3A_1463 = vector.shape_cast %swap3A_1462 : vector<1x1x16xf32> to vector<16xf32>
      %swap3A_1464 = vector.shape_cast %get3A_99 : vector<16xf32> to vector<1x1x16xf32>
      tpu.vector_store %swap3A_1458[%swap3A_1459, %swap3A_1460, %swap3A_1461], %swap3A_1464 {strides = array<i32>} : memref<1x64x768xf32, #tpu.memory_space<vmem>>, vector<1x1x16xf32>,
      %swap3A_1465 = arith.constant 0 : i32
      %swap3A_1466 = arith.constant 0 : i32
      %swap3A_1467 = arith.constant 0 : i32
      %swap3A_1468 = arith.constant 0 : i32
      %swap3A_1469 = tpu.memref_slice %arg6[%scan3A_234, %swap3A_1466, %swap3A_1467, %swap3A_1468] : memref<2x1x64x768xf32, #tpu.memory_space<vmem>> -> memref<1x1x64x768xf32, #tpu.memory_space<vmem>>
      %swap3A_1470 = tpu.memref_squeeze %swap3A_1469 : memref<1x1x64x768xf32, #tpu.memory_space<vmem>> -> memref<1x64x768xf32, #tpu.memory_space<vmem>>
      %swap3A_1471 = arith.index_cast %swap3A_1465 : i32 to index
      %swap3A_1472 = arith.index_cast %scan3A_1249 : i32 to index
      %swap3A_1473 = arith.constant 288 : index
      %swap3A_1474 = tpu.vector_load %swap3A_1470[%swap3A_1471, %swap3A_1472, %swap3A_1473] {strides = array<i32>} : memref<1x64x768xf32, #tpu.memory_space<vmem>>, vector<1x1x16xf32>,
      %swap3A_1475 = vector.shape_cast %swap3A_1474 : vector<1x1x16xf32> to vector<16xf32>
      %swap3A_1476 = vector.shape_cast %get3A_104 : vector<16xf32> to vector<1x1x16xf32>
      tpu.vector_store %swap3A_1470[%swap3A_1471, %swap3A_1472, %swap3A_1473], %swap3A_1476 {strides = array<i32>} : memref<1x64x768xf32, #tpu.memory_space<vmem>>, vector<1x1x16xf32>,
      %swap3A_1477 = arith.constant 0 : i32
      %swap3A_1478 = arith.constant 0 : i32
      %swap3A_1479 = arith.constant 0 : i32
      %swap3A_1480 = arith.constant 0 : i32
      %swap3A_1481 = tpu.memref_slice %arg6[%scan3A_234, %swap3A_1478, %swap3A_1479, %swap3A_1480] : memref<2x1x64x768xf32, #tpu.memory_space<vmem>> -> memref<1x1x64x768xf32, #tpu.memory_space<vmem>>
      %swap3A_1482 = tpu.memref_squeeze %swap3A_1481 : memref<1x1x64x768xf32, #tpu.memory_space<vmem>> -> memref<1x64x768xf32, #tpu.memory_space<vmem>>
      %swap3A_1483 = arith.index_cast %swap3A_1477 : i32 to index
      %swap3A_1484 = arith.index_cast %scan3A_1249 : i32 to index
      %swap3A_1485 = arith.constant 304 : index
      %swap3A_1486 = tpu.vector_load %swap3A_1482[%swap3A_1483, %swap3A_1484, %swap3A_1485] {strides = array<i32>} : memref<1x64x768xf32, #tpu.memory_space<vmem>>, vector<1x1x16xf32>,
      %swap3A_1487 = vector.shape_cast %swap3A_1486 : vector<1x1x16xf32> to vector<16xf32>
      %swap3A_1488 = vector.shape_cast %get3A_109 : vector<16xf32> to vector<1x1x16xf32>
      tpu.vector_store %swap3A_1482[%swap3A_1483, %swap3A_1484, %swap3A_1485], %swap3A_1488 {strides = array<i32>} : memref<1x64x768xf32, #tpu.memory_space<vmem>>, vector<1x1x16xf32>,
      %swap3A_1489 = arith.constant 0 : i32
      %swap3A_1490 = arith.constant 0 : i32
      %swap3A_1491 = arith.constant 0 : i32
      %swap3A_1492 = arith.constant 0 : i32
      %swap3A_1493 = tpu.memref_slice %arg6[%scan3A_234, %swap3A_1490, %swap3A_1491, %swap3A_1492] : memref<2x1x64x768xf32, #tpu.memory_space<vmem>> -> memref<1x1x64x768xf32, #tpu.memory_space<vmem>>
      %swap3A_1494 = tpu.memref_squeeze %swap3A_1493 : memref<1x1x64x768xf32, #tpu.memory_space<vmem>> -> memref<1x64x768xf32, #tpu.memory_space<vmem>>
      %swap3A_1495 = arith.index_cast %swap3A_1489 : i32 to index
      %swap3A_1496 = arith.index_cast %scan3A_1249 : i32 to index
      %swap3A_1497 = arith.constant 320 : index
      %swap3A_1498 = tpu.vector_load %swap3A_1494[%swap3A_1495, %swap3A_1496, %swap3A_1497] {strides = array<i32>} : memref<1x64x768xf32, #tpu.memory_space<vmem>>, vector<1x1x16xf32>,
      %swap3A_1499 = vector.shape_cast %swap3A_1498 : vector<1x1x16xf32> to vector<16xf32>
      %swap3A_1500 = vector.shape_cast %get3A_114 : vector<16xf32> to vector<1x1x16xf32>
      tpu.vector_store %swap3A_1494[%swap3A_1495, %swap3A_1496, %swap3A_1497], %swap3A_1500 {strides = array<i32>} : memref<1x64x768xf32, #tpu.memory_space<vmem>>, vector<1x1x16xf32>,
      %swap3A_1501 = arith.constant 0 : i32
      %swap3A_1502 = arith.constant 0 : i32
      %swap3A_1503 = arith.constant 0 : i32
      %swap3A_1504 = arith.constant 0 : i32
      %swap3A_1505 = tpu.memref_slice %arg6[%scan3A_234, %swap3A_1502, %swap3A_1503, %swap3A_1504] : memref<2x1x64x768xf32, #tpu.memory_space<vmem>> -> memref<1x1x64x768xf32, #tpu.memory_space<vmem>>
      %swap3A_1506 = tpu.memref_squeeze %swap3A_1505 : memref<1x1x64x768xf32, #tpu.memory_space<vmem>> -> memref<1x64x768xf32, #tpu.memory_space<vmem>>
      %swap3A_1507 = arith.index_cast %swap3A_1501 : i32 to index
      %swap3A_1508 = arith.index_cast %scan3A_1249 : i32 to index
      %swap3A_1509 = arith.constant 336 : index
      %swap3A_1510 = tpu.vector_load %swap3A_1506[%swap3A_1507, %swap3A_1508, %swap3A_1509] {strides = array<i32>} : memref<1x64x768xf32, #tpu.memory_space<vmem>>, vector<1x1x16xf32>,
      %swap3A_1511 = vector.shape_cast %swap3A_1510 : vector<1x1x16xf32> to vector<16xf32>
      %swap3A_1512 = vector.shape_cast %get3A_119 : vector<16xf32> to vector<1x1x16xf32>
      tpu.vector_store %swap3A_1506[%swap3A_1507, %swap3A_1508, %swap3A_1509], %swap3A_1512 {strides = array<i32>} : memref<1x64x768xf32, #tpu.memory_space<vmem>>, vector<1x1x16xf32>,
      %swap3A_1513 = arith.constant 0 : i32
      %swap3A_1514 = arith.constant 0 : i32
      %swap3A_1515 = arith.constant 0 : i32
      %swap3A_1516 = arith.constant 0 : i32
      %swap3A_1517 = tpu.memref_slice %arg6[%scan3A_234, %swap3A_1514, %swap3A_1515, %swap3A_1516] : memref<2x1x64x768xf32, #tpu.memory_space<vmem>> -> memref<1x1x64x768xf32, #tpu.memory_space<vmem>>
      %swap3A_1518 = tpu.memref_squeeze %swap3A_1517 : memref<1x1x64x768xf32, #tpu.memory_space<vmem>> -> memref<1x64x768xf32, #tpu.memory_space<vmem>>
      %swap3A_1519 = arith.index_cast %swap3A_1513 : i32 to index
      %swap3A_1520 = arith.index_cast %scan3A_1249 : i32 to index
      %swap3A_1521 = arith.constant 352 : index
      %swap3A_1522 = tpu.vector_load %swap3A_1518[%swap3A_1519, %swap3A_1520, %swap3A_1521] {strides = array<i32>} : memref<1x64x768xf32, #tpu.memory_space<vmem>>, vector<1x1x16xf32>,
      %swap3A_1523 = vector.shape_cast %swap3A_1522 : vector<1x1x16xf32> to vector<16xf32>
      %swap3A_1524 = vector.shape_cast %get3A_124 : vector<16xf32> to vector<1x1x16xf32>
      tpu.vector_store %swap3A_1518[%swap3A_1519, %swap3A_1520, %swap3A_1521], %swap3A_1524 {strides = array<i32>} : memref<1x64x768xf32, #tpu.memory_space<vmem>>, vector<1x1x16xf32>,
      %swap3A_1525 = arith.constant 0 : i32
      %swap3A_1526 = arith.constant 0 : i32
      %swap3A_1527 = arith.constant 0 : i32
      %swap3A_1528 = arith.constant 0 : i32
      %swap3A_1529 = tpu.memref_slice %arg6[%scan3A_234, %swap3A_1526, %swap3A_1527, %swap3A_1528] : memref<2x1x64x768xf32, #tpu.memory_space<vmem>> -> memref<1x1x64x768xf32, #tpu.memory_space<vmem>>
      %swap3A_1530 = tpu.memref_squeeze %swap3A_1529 : memref<1x1x64x768xf32, #tpu.memory_space<vmem>> -> memref<1x64x768xf32, #tpu.memory_space<vmem>>
      %swap3A_1531 = arith.index_cast %swap3A_1525 : i32 to index
      %swap3A_1532 = arith.index_cast %scan3A_1249 : i32 to index
      %swap3A_1533 = arith.constant 368 : index
      %swap3A_1534 = tpu.vector_load %swap3A_1530[%swap3A_1531, %swap3A_1532, %swap3A_1533] {strides = array<i32>} : memref<1x64x768xf32, #tpu.memory_space<vmem>>, vector<1x1x16xf32>,
      %swap3A_1535 = vector.shape_cast %swap3A_1534 : vector<1x1x16xf32> to vector<16xf32>
      %swap3A_1536 = vector.shape_cast %get3A_129 : vector<16xf32> to vector<1x1x16xf32>
      tpu.vector_store %swap3A_1530[%swap3A_1531, %swap3A_1532, %swap3A_1533], %swap3A_1536 {strides = array<i32>} : memref<1x64x768xf32, #tpu.memory_space<vmem>>, vector<1x1x16xf32>,
    }
    %scan3A_239 = arith.constant 64 : i32
    %dma_wait3A_240 = arith.constant 1 : i32
    %dma_wait3A_241 = arith.constant 0 : i32
    %dma_wait3A_242 = arith.constant 0 : i32
    %dma_wait3A_243 = arith.constant 0 : i32
    %dma_wait3A_244 = arith.constant 0 : i32
    %dma_wait3A_245 = tpu.memref_slice %arg6[%dma_wait3A_240, %dma_wait3A_242, %dma_wait3A_243, %dma_wait3A_244] : memref<2x1x64x768xf32, #tpu.memory_space<vmem>> -> memref<1x1x64x768xf32, #tpu.memory_space<vmem>>
    %dma_wait3A_246 = tpu.memref_squeeze %dma_wait3A_245 : memref<1x1x64x768xf32, #tpu.memory_space<vmem>> -> memref<1x64x768xf32, #tpu.memory_space<vmem>>
    %dma_wait3A_247 = arith.constant 0 : i32
    %dma_wait3A_248 = arith.constant 384 : i32
    %dma_wait3A_249 = tpu.memref_slice %dma_wait3A_246[%dma_wait3A_241, %dma_wait3A_247, %dma_wait3A_248] : memref<1x64x768xf32, #tpu.memory_space<vmem>> -> memref<1x64x384xf32, #tpu.memory_space<vmem>>
    %dma_wait3A_250 = tpu.memref_squeeze %dma_wait3A_249 : memref<1x64x384xf32, #tpu.memory_space<vmem>> -> memref<64x384xf32, #tpu.memory_space<vmem>>
    %dma_wait3A_251 = arith.constant 64 : i32
    %dma_wait3A_252 = arith.constant 0 : i32
    %dma_wait3A_253 = tpu.memref_slice %arg5[%dma_wait3A_251, %dma_wait3A_252] : memref<128x384xf32, #tpu.memory_space<vmem_shared>> -> memref<64x384xf32, #tpu.memory_space<vmem_shared>>
    %dma_wait3A_254 = arith.constant 0 : i32
    %dma_wait3A_255 = arith.constant 0 : i32
    %dma_wait3A_256 = arith.constant 0 : i32
    %dma_wait3A_257 = tpu.memref_slice %arg6[%dma_wait3A_240, %dma_wait3A_254, %dma_wait3A_255, %dma_wait3A_256] : memref<2x1x64x768xf32, #tpu.memory_space<vmem>> -> memref<1x1x64x768xf32, #tpu.memory_space<vmem>>
    %dma_wait3A_258 = tpu.memref_squeeze %dma_wait3A_257 : memref<1x1x64x768xf32, #tpu.memory_space<vmem>> -> memref<1x64x768xf32, #tpu.memory_space<vmem>>
    %dma_wait3A_259 = arith.constant 0 : i32
    %dma_wait3A_260 = arith.constant 384 : i32
    %dma_wait3A_261 = tpu.memref_slice %dma_wait3A_258[%dma_wait3A_241, %dma_wait3A_259, %dma_wait3A_260] : memref<1x64x768xf32, #tpu.memory_space<vmem>> -> memref<1x64x384xf32, #tpu.memory_space<vmem>>
    %dma_wait3A_262 = tpu.memref_squeeze %dma_wait3A_261 : memref<1x64x384xf32, #tpu.memory_space<vmem>> -> memref<64x384xf32, #tpu.memory_space<vmem>>
    %dma_wait3A_263 = arith.constant 64 : i32
    %dma_wait3A_264 = arith.constant 0 : i32
    %dma_wait3A_265 = tpu.memref_slice %arg5[%dma_wait3A_263, %dma_wait3A_264] : memref<128x384xf32, #tpu.memory_space<vmem_shared>> -> memref<64x384xf32, #tpu.memory_space<vmem_shared>>
    tpu.wait_dma2 semaphore(%arg8 : memref<!tpu.dma_semaphore, #tpu.memory_space<semaphore_mem>>) src(%dma_wait3A_265 : memref<64x384xf32, #tpu.memory_space<vmem_shared>>) dst(%dma_wait3A_262 : memref<64x384xf32, #tpu.memory_space<vmem>>)
    %add3A_266 = arith.constant 0 : i32
    %add3A_267 = arith.addi %mul3A_2, %add3A_266 : i32
    %dma_start3A_268 = arith.constant 1 : i32
    %dma_start3A_269 = arith.constant 0 : i32
    %dma_start3A_270 = arith.constant 0 : i32
    %dma_start3A_271 = arith.constant 0 : i32
    %dma_start3A_272 = tpu.memref_slice %arg6[%dma_start3A_268, %dma_start3A_269, %dma_start3A_270, %dma_start3A_271] : memref<2x1x64x768xf32, #tpu.memory_space<vmem>> -> memref<1x1x64x768xf32, #tpu.memory_space<vmem>>
    %dma_start3A_273 = tpu.memref_squeeze %dma_start3A_272 : memref<1x1x64x768xf32, #tpu.memory_space<vmem>> -> memref<1x64x768xf32, #tpu.memory_space<vmem>>
    %dma_start3A_274 = arith.constant 64 : i32
    %dma_start3A_275 = arith.constant 0 : i32
    %dma_start3A_276 = tpu.memref_slice %arg4[%add3A_267, %dma_start3A_274, %dma_start3A_275] : memref<128x128x768xf32, #tpu.memory_space<hbm>> -> memref<1x64x768xf32, #tpu.memory_space<hbm>>
    %dma_start3A_277 = arith.constant 64 : i32
    %dma_start3A_278 = arith.constant 0 : i32
    %dma_start3A_279 = tpu.memref_slice %arg4[%add3A_267, %dma_start3A_277, %dma_start3A_278] : memref<128x128x768xf32, #tpu.memory_space<hbm>> -> memref<1x64x768xf32, #tpu.memory_space<hbm>>
    %dma_start3A_280 = arith.constant 0 : i32
    %dma_start3A_281 = arith.constant 0 : i32
    %dma_start3A_282 = arith.constant 0 : i32
    %dma_start3A_283 = tpu.memref_slice %arg6[%dma_start3A_268, %dma_start3A_280, %dma_start3A_281, %dma_start3A_282] : memref<2x1x64x768xf32, #tpu.memory_space<vmem>> -> memref<1x1x64x768xf32, #tpu.memory_space<vmem>>
    %dma_start3A_284 = tpu.memref_squeeze %dma_start3A_283 : memref<1x1x64x768xf32, #tpu.memory_space<vmem>> -> memref<1x64x768xf32, #tpu.memory_space<vmem>>
    tpu.enqueue_dma source(%dma_start3A_284 : memref<1x64x768xf32, #tpu.memory_space<vmem>>) target(%dma_start3A_279 : memref<1x64x768xf32, #tpu.memory_space<hbm>>) target_semaphore(%arg9 : memref<!tpu.dma_semaphore, #tpu.memory_space<semaphore_mem>>)
    %get3A_285 = arith.constant 1 : i32
    %get3A_286 = arith.index_cast %get3A_285 : i32 to index
    %get3A_287 = arith.constant 0 : index
    %get3A_288 = tpu.vector_load %arg7[%get3A_286, %get3A_287] {strides = array<i32>} : memref<4x384xf32, #tpu.memory_space<vmem>>, vector<1x16xf32>,
    %get3A_289 = vector.shape_cast %get3A_288 : vector<1x16xf32> to vector<16xf32>
    %get3A_290 = arith.constant 1 : i32
    %get3A_291 = arith.index_cast %get3A_290 : i32 to index
    %get3A_292 = arith.constant 16 : index
    %get3A_293 = tpu.vector_load %arg7[%get3A_291, %get3A_292] {strides = array<i32>} : memref<4x384xf32, #tpu.memory_space<vmem>>, vector<1x16xf32>,
    %get3A_294 = vector.shape_cast %get3A_293 : vector<1x16xf32> to vector<16xf32>
    %get3A_295 = arith.constant 1 : i32
    %get3A_296 = arith.index_cast %get3A_295 : i32 to index
    %get3A_297 = arith.constant 32 : index
    %get3A_298 = tpu.vector_load %arg7[%get3A_296, %get3A_297] {strides = array<i32>} : memref<4x384xf32, #tpu.memory_space<vmem>>, vector<1x16xf32>,
    %get3A_299 = vector.shape_cast %get3A_298 : vector<1x16xf32> to vector<16xf32>
    %get3A_300 = arith.constant 1 : i32
    %get3A_301 = arith.index_cast %get3A_300 : i32 to index
    %get3A_302 = arith.constant 48 : index
    %get3A_303 = tpu.vector_load %arg7[%get3A_301, %get3A_302] {strides = array<i32>} : memref<4x384xf32, #tpu.memory_space<vmem>>, vector<1x16xf32>,
    %get3A_304 = vector.shape_cast %get3A_303 : vector<1x16xf32> to vector<16xf32>
    %get3A_305 = arith.constant 1 : i32
    %get3A_306 = arith.index_cast %get3A_305 : i32 to index
    %get3A_307 = arith.constant 64 : index
    %get3A_308 = tpu.vector_load %arg7[%get3A_306, %get3A_307] {strides = array<i32>} : memref<4x384xf32, #tpu.memory_space<vmem>>, vector<1x16xf32>,
    %get3A_309 = vector.shape_cast %get3A_308 : vector<1x16xf32> to vector<16xf32>
    %get3A_310 = arith.constant 1 : i32
    %get3A_311 = arith.index_cast %get3A_310 : i32 to index
    %get3A_312 = arith.constant 80 : index
    %get3A_313 = tpu.vector_load %arg7[%get3A_311, %get3A_312] {strides = array<i32>} : memref<4x384xf32, #tpu.memory_space<vmem>>, vector<1x16xf32>,
    %get3A_314 = vector.shape_cast %get3A_313 : vector<1x16xf32> to vector<16xf32>
    %get3A_315 = arith.constant 1 : i32
    %get3A_316 = arith.index_cast %get3A_315 : i32 to index
    %get3A_317 = arith.constant 96 : index
    %get3A_318 = tpu.vector_load %arg7[%get3A_316, %get3A_317] {strides = array<i32>} : memref<4x384xf32, #tpu.memory_space<vmem>>, vector<1x16xf32>,
    %get3A_319 = vector.shape_cast %get3A_318 : vector<1x16xf32> to vector<16xf32>
    %get3A_320 = arith.constant 1 : i32
    %get3A_321 = arith.index_cast %get3A_320 : i32 to index
    %get3A_322 = arith.constant 112 : index
    %get3A_323 = tpu.vector_load %arg7[%get3A_321, %get3A_322] {strides = array<i32>} : memref<4x384xf32, #tpu.memory_space<vmem>>, vector<1x16xf32>,
    %get3A_324 = vector.shape_cast %get3A_323 : vector<1x16xf32> to vector<16xf32>
    %get3A_325 = arith.constant 1 : i32
    %get3A_326 = arith.index_cast %get3A_325 : i32 to index
    %get3A_327 = arith.constant 128 : index
    %get3A_328 = tpu.vector_load %arg7[%get3A_326, %get3A_327] {strides = array<i32>} : memref<4x384xf32, #tpu.memory_space<vmem>>, vector<1x16xf32>,
    %get3A_329 = vector.shape_cast %get3A_328 : vector<1x16xf32> to vector<16xf32>
    %get3A_330 = arith.constant 1 : i32
    %get3A_331 = arith.index_cast %get3A_330 : i32 to index
    %get3A_332 = arith.constant 144 : index
    %get3A_333 = tpu.vector_load %arg7[%get3A_331, %get3A_332] {strides = array<i32>} : memref<4x384xf32, #tpu.memory_space<vmem>>, vector<1x16xf32>,
    %get3A_334 = vector.shape_cast %get3A_333 : vector<1x16xf32> to vector<16xf32>
    %get3A_335 = arith.constant 1 : i32
    %get3A_336 = arith.index_cast %get3A_335 : i32 to index
    %get3A_337 = arith.constant 160 : index
    %get3A_338 = tpu.vector_load %arg7[%get3A_336, %get3A_337] {strides = array<i32>} : memref<4x384xf32, #tpu.memory_space<vmem>>, vector<1x16xf32>,
    %get3A_339 = vector.shape_cast %get3A_338 : vector<1x16xf32> to vector<16xf32>
    %get3A_340 = arith.constant 1 : i32
    %get3A_341 = arith.index_cast %get3A_340 : i32 to index
    %get3A_342 = arith.constant 176 : index
    %get3A_343 = tpu.vector_load %arg7[%get3A_341, %get3A_342] {strides = array<i32>} : memref<4x384xf32, #tpu.memory_space<vmem>>, vector<1x16xf32>,
    %get3A_344 = vector.shape_cast %get3A_343 : vector<1x16xf32> to vector<16xf32>
    %get3A_345 = arith.constant 1 : i32
    %get3A_346 = arith.index_cast %get3A_345 : i32 to index
    %get3A_347 = arith.constant 192 : index
    %get3A_348 = tpu.vector_load %arg7[%get3A_346, %get3A_347] {strides = array<i32>} : memref<4x384xf32, #tpu.memory_space<vmem>>, vector<1x16xf32>,
    %get3A_349 = vector.shape_cast %get3A_348 : vector<1x16xf32> to vector<16xf32>
    %get3A_350 = arith.constant 1 : i32
    %get3A_351 = arith.index_cast %get3A_350 : i32 to index
    %get3A_352 = arith.constant 208 : index
    %get3A_353 = tpu.vector_load %arg7[%get3A_351, %get3A_352] {strides = array<i32>} : memref<4x384xf32, #tpu.memory_space<vmem>>, vector<1x16xf32>,
    %get3A_354 = vector.shape_cast %get3A_353 : vector<1x16xf32> to vector<16xf32>
    %get3A_355 = arith.constant 1 : i32
    %get3A_356 = arith.index_cast %get3A_355 : i32 to index
    %get3A_357 = arith.constant 224 : index
    %get3A_358 = tpu.vector_load %arg7[%get3A_356, %get3A_357] {strides = array<i32>} : memref<4x384xf32, #tpu.memory_space<vmem>>, vector<1x16xf32>,
    %get3A_359 = vector.shape_cast %get3A_358 : vector<1x16xf32> to vector<16xf32>
    %get3A_360 = arith.constant 1 : i32
    %get3A_361 = arith.index_cast %get3A_360 : i32 to index
    %get3A_362 = arith.constant 240 : index
    %get3A_363 = tpu.vector_load %arg7[%get3A_361, %get3A_362] {strides = array<i32>} : memref<4x384xf32, #tpu.memory_space<vmem>>, vector<1x16xf32>,
    %get3A_364 = vector.shape_cast %get3A_363 : vector<1x16xf32> to vector<16xf32>
    %get3A_365 = arith.constant 1 : i32
    %get3A_366 = arith.index_cast %get3A_365 : i32 to index
    %get3A_367 = arith.constant 256 : index
    %get3A_368 = tpu.vector_load %arg7[%get3A_366, %get3A_367] {strides = array<i32>} : memref<4x384xf32, #tpu.memory_space<vmem>>, vector<1x16xf32>,
    %get3A_369 = vector.shape_cast %get3A_368 : vector<1x16xf32> to vector<16xf32>
    %get3A_370 = arith.constant 1 : i32
    %get3A_371 = arith.index_cast %get3A_370 : i32 to index
    %get3A_372 = arith.constant 272 : index
    %get3A_373 = tpu.vector_load %arg7[%get3A_371, %get3A_372] {strides = array<i32>} : memref<4x384xf32, #tpu.memory_space<vmem>>, vector<1x16xf32>,
    %get3A_374 = vector.shape_cast %get3A_373 : vector<1x16xf32> to vector<16xf32>
    %get3A_375 = arith.constant 1 : i32
    %get3A_376 = arith.index_cast %get3A_375 : i32 to index
    %get3A_377 = arith.constant 288 : index
    %get3A_378 = tpu.vector_load %arg7[%get3A_376, %get3A_377] {strides = array<i32>} : memref<4x384xf32, #tpu.memory_space<vmem>>, vector<1x16xf32>,
    %get3A_379 = vector.shape_cast %get3A_378 : vector<1x16xf32> to vector<16xf32>
    %get3A_380 = arith.constant 1 : i32
    %get3A_381 = arith.index_cast %get3A_380 : i32 to index
    %get3A_382 = arith.constant 304 : index
    %get3A_383 = tpu.vector_load %arg7[%get3A_381, %get3A_382] {strides = array<i32>} : memref<4x384xf32, #tpu.memory_space<vmem>>, vector<1x16xf32>,
    %get3A_384 = vector.shape_cast %get3A_383 : vector<1x16xf32> to vector<16xf32>
    %get3A_385 = arith.constant 1 : i32
    %get3A_386 = arith.index_cast %get3A_385 : i32 to index
    %get3A_387 = arith.constant 320 : index
    %get3A_388 = tpu.vector_load %arg7[%get3A_386, %get3A_387] {strides = array<i32>} : memref<4x384xf32, #tpu.memory_space<vmem>>, vector<1x16xf32>,
    %get3A_389 = vector.shape_cast %get3A_388 : vector<1x16xf32> to vector<16xf32>
    %get3A_390 = arith.constant 1 : i32
    %get3A_391 = arith.index_cast %get3A_390 : i32 to index
    %get3A_392 = arith.constant 336 : index
    %get3A_393 = tpu.vector_load %arg7[%get3A_391, %get3A_392] {strides = array<i32>} : memref<4x384xf32, #tpu.memory_space<vmem>>, vector<1x16xf32>,
    %get3A_394 = vector.shape_cast %get3A_393 : vector<1x16xf32> to vector<16xf32>
    %get3A_395 = arith.constant 1 : i32
    %get3A_396 = arith.index_cast %get3A_395 : i32 to index
    %get3A_397 = arith.constant 352 : index
    %get3A_398 = tpu.vector_load %arg7[%get3A_396, %get3A_397] {strides = array<i32>} : memref<4x384xf32, #tpu.memory_space<vmem>>, vector<1x16xf32>,
    %get3A_399 = vector.shape_cast %get3A_398 : vector<1x16xf32> to vector<16xf32>
    %get3A_400 = arith.constant 1 : i32
    %get3A_401 = arith.index_cast %get3A_400 : i32 to index
    %get3A_402 = arith.constant 368 : index
    %get3A_403 = tpu.vector_load %arg7[%get3A_401, %get3A_402] {strides = array<i32>} : memref<4x384xf32, #tpu.memory_space<vmem>>, vector<1x16xf32>,
    %get3A_404 = vector.shape_cast %get3A_403 : vector<1x16xf32> to vector<16xf32>
    %dma_wait3A_405 = arith.constant 0 : i32
    %dma_wait3A_406 = arith.constant 0 : i32
    %dma_wait3A_407 = arith.constant 0 : i32
    %dma_wait3A_408 = arith.constant 0 : i32
    %dma_wait3A_409 = tpu.memref_slice %arg6[%dma_wait3A_405, %dma_wait3A_406, %dma_wait3A_407, %dma_wait3A_408] : memref<2x1x64x768xf32, #tpu.memory_space<vmem>> -> memref<1x1x64x768xf32, #tpu.memory_space<vmem>>
    %dma_wait3A_410 = tpu.memref_squeeze %dma_wait3A_409 : memref<1x1x64x768xf32, #tpu.memory_space<vmem>> -> memref<1x64x768xf32, #tpu.memory_space<vmem>>
    %dma_wait3A_411 = arith.constant 0 : i32
    %dma_wait3A_412 = arith.constant 0 : i32
    %dma_wait3A_413 = tpu.memref_slice %arg4[%add3A_189, %dma_wait3A_411, %dma_wait3A_412] : memref<128x128x768xf32, #tpu.memory_space<hbm>> -> memref<1x64x768xf32, #tpu.memory_space<hbm>>
    %dma_wait3A_414 = arith.constant 0 : i32
    %dma_wait3A_415 = arith.constant 0 : i32
    %dma_wait3A_416 = tpu.memref_slice %arg4[%add3A_189, %dma_wait3A_414, %dma_wait3A_415] : memref<128x128x768xf32, #tpu.memory_space<hbm>> -> memref<1x64x768xf32, #tpu.memory_space<hbm>>
    %dma_wait3A_417 = arith.constant 0 : i32
    %dma_wait3A_418 = arith.constant 0 : i32
    %dma_wait3A_419 = arith.constant 0 : i32
    %dma_wait3A_420 = tpu.memref_slice %arg6[%dma_wait3A_405, %dma_wait3A_417, %dma_wait3A_418, %dma_wait3A_419] : memref<2x1x64x768xf32, #tpu.memory_space<vmem>> -> memref<1x1x64x768xf32, #tpu.memory_space<vmem>>
    %dma_wait3A_421 = tpu.memref_squeeze %dma_wait3A_420 : memref<1x1x64x768xf32, #tpu.memory_space<vmem>> -> memref<1x64x768xf32, #tpu.memory_space<vmem>>
    tpu.wait_dma2 semaphore(%arg9 : memref<!tpu.dma_semaphore, #tpu.memory_space<semaphore_mem>>) src(%dma_wait3A_421 : memref<1x64x768xf32, #tpu.memory_space<vmem>>) dst(%dma_wait3A_416 : memref<1x64x768xf32, #tpu.memory_space<hbm>>)
    %dma_start3A_422 = arith.constant 0 : i32
    %dma_start3A_423 = arith.constant 0 : i32
    %dma_start3A_424 = arith.constant 0 : i32
    %dma_start3A_425 = arith.constant 0 : i32
    %dma_start3A_426 = arith.constant 0 : i32
    %dma_start3A_427 = tpu.memref_slice %arg6[%dma_start3A_422, %dma_start3A_424, %dma_start3A_425, %dma_start3A_426] : memref<2x1x64x768xf32, #tpu.memory_space<vmem>> -> memref<1x1x64x768xf32, #tpu.memory_space<vmem>>
    %dma_start3A_428 = tpu.memref_squeeze %dma_start3A_427 : memref<1x1x64x768xf32, #tpu.memory_space<vmem>> -> memref<1x64x768xf32, #tpu.memory_space<vmem>>
    %dma_start3A_429 = arith.constant 0 : i32
    %dma_start3A_430 = arith.constant 384 : i32
    %dma_start3A_431 = tpu.memref_slice %dma_start3A_428[%dma_start3A_423, %dma_start3A_429, %dma_start3A_430] : memref<1x64x768xf32, #tpu.memory_space<vmem>> -> memref<1x64x384xf32, #tpu.memory_space<vmem>>
    %dma_start3A_432 = tpu.memref_squeeze %dma_start3A_431 : memref<1x64x384xf32, #tpu.memory_space<vmem>> -> memref<64x384xf32, #tpu.memory_space<vmem>>
    %dma_start3A_433 = arith.constant 0 : i32
    %dma_start3A_434 = arith.constant 0 : i32
    %dma_start3A_435 = tpu.memref_slice %arg5[%dma_start3A_433, %dma_start3A_434] : memref<128x384xf32, #tpu.memory_space<vmem_shared>> -> memref<64x384xf32, #tpu.memory_space<vmem_shared>>
    %dma_start3A_436 = arith.constant 0 : i32
    %dma_start3A_437 = arith.constant 0 : i32
    %dma_start3A_438 = arith.constant 0 : i32
    %dma_start3A_439 = tpu.memref_slice %arg6[%dma_start3A_422, %dma_start3A_436, %dma_start3A_437, %dma_start3A_438] : memref<2x1x64x768xf32, #tpu.memory_space<vmem>> -> memref<1x1x64x768xf32, #tpu.memory_space<vmem>>
    %dma_start3A_440 = tpu.memref_squeeze %dma_start3A_439 : memref<1x1x64x768xf32, #tpu.memory_space<vmem>> -> memref<1x64x768xf32, #tpu.memory_space<vmem>>
    %dma_start3A_441 = arith.constant 0 : i32
    %dma_start3A_442 = arith.constant 384 : i32
    %dma_start3A_443 = tpu.memref_slice %dma_start3A_440[%dma_start3A_423, %dma_start3A_441, %dma_start3A_442] : memref<1x64x768xf32, #tpu.memory_space<vmem>> -> memref<1x64x384xf32, #tpu.memory_space<vmem>>
    %dma_start3A_444 = tpu.memref_squeeze %dma_start3A_443 : memref<1x64x384xf32, #tpu.memory_space<vmem>> -> memref<64x384xf32, #tpu.memory_space<vmem>>
    %dma_start3A_445 = arith.constant 0 : i32
    %dma_start3A_446 = arith.constant 0 : i32
    %dma_start3A_447 = tpu.memref_slice %arg5[%dma_start3A_445, %dma_start3A_446] : memref<128x384xf32, #tpu.memory_space<vmem_shared>> -> memref<64x384xf32, #tpu.memory_space<vmem_shared>>
    tpu.enqueue_dma source(%dma_start3A_447 : memref<64x384xf32, #tpu.memory_space<vmem_shared>>) target(%dma_start3A_444 : memref<64x384xf32, #tpu.memory_space<vmem>>) target_semaphore(%arg8 : memref<!tpu.dma_semaphore, #tpu.memory_space<semaphore_mem>>)
    %scan3A_448 = arith.constant 0 : i32
    %scan3A_449 = arith.constant 0 : i32
    %scan3A_450 = arith.constant 0 : i32
    %scan3A_451 = arith.constant 64 : i32
    %scan3A_452 = arith.addi %scan3A_450, %scan3A_451 : i32
    %scan3A_453 = arith.constant 1 : i32
    scf.for %scan3A_1249 = %scan3A_450 to %scan3A_452 step %scan3A_453  : i32 {
      %swap3A = arith.constant 0 : i32
      %swap3A_1250 = arith.constant 0 : i32
      %swap3A_1251 = arith.constant 0 : i32
      %swap3A_1252 = arith.constant 0 : i32
      %swap3A_1253 = tpu.memref_slice %arg6[%scan3A_449, %swap3A_1250, %swap3A_1251, %swap3A_1252] : memref<2x1x64x768xf32, #tpu.memory_space<vmem>> -> memref<1x1x64x768xf32, #tpu.memory_space<vmem>>
      %swap3A_1254 = tpu.memref_squeeze %swap3A_1253 : memref<1x1x64x768xf32, #tpu.memory_space<vmem>> -> memref<1x64x768xf32, #tpu.memory_space<vmem>>
      %swap3A_1255 = arith.index_cast %swap3A : i32 to index
      %swap3A_1256 = arith.index_cast %scan3A_1249 : i32 to index
      %swap3A_1257 = arith.constant 0 : index
      %swap3A_1258 = tpu.vector_load %swap3A_1254[%swap3A_1255, %swap3A_1256, %swap3A_1257] {strides = array<i32>} : memref<1x64x768xf32, #tpu.memory_space<vmem>>, vector<1x1x16xf32>,
      %swap3A_1259 = vector.shape_cast %swap3A_1258 : vector<1x1x16xf32> to vector<16xf32>
      %swap3A_1260 = vector.shape_cast %get3A_289 : vector<16xf32> to vector<1x1x16xf32>
      tpu.vector_store %swap3A_1254[%swap3A_1255, %swap3A_1256, %swap3A_1257], %swap3A_1260 {strides = array<i32>} : memref<1x64x768xf32, #tpu.memory_space<vmem>>, vector<1x1x16xf32>,
      %swap3A_1261 = arith.constant 0 : i32
      %swap3A_1262 = arith.constant 0 : i32
      %swap3A_1263 = arith.constant 0 : i32
      %swap3A_1264 = arith.constant 0 : i32
      %swap3A_1265 = tpu.memref_slice %arg6[%scan3A_449, %swap3A_1262, %swap3A_1263, %swap3A_1264] : memref<2x1x64x768xf32, #tpu.memory_space<vmem>> -> memref<1x1x64x768xf32, #tpu.memory_space<vmem>>
      %swap3A_1266 = tpu.memref_squeeze %swap3A_1265 : memref<1x1x64x768xf32, #tpu.memory_space<vmem>> -> memref<1x64x768xf32, #tpu.memory_space<vmem>>
      %swap3A_1267 = arith.index_cast %swap3A_1261 : i32 to index
      %swap3A_1268 = arith.index_cast %scan3A_1249 : i32 to index
      %swap3A_1269 = arith.constant 16 : index
      %swap3A_1270 = tpu.vector_load %swap3A_1266[%swap3A_1267, %swap3A_1268, %swap3A_1269] {strides = array<i32>} : memref<1x64x768xf32, #tpu.memory_space<vmem>>, vector<1x1x16xf32>,
      %swap3A_1271 = vector.shape_cast %swap3A_1270 : vector<1x1x16xf32> to vector<16xf32>
      %swap3A_1272 = vector.shape_cast %get3A_294 : vector<16xf32> to vector<1x1x16xf32>
      tpu.vector_store %swap3A_1266[%swap3A_1267, %swap3A_1268, %swap3A_1269], %swap3A_1272 {strides = array<i32>} : memref<1x64x768xf32, #tpu.memory_space<vmem>>, vector<1x1x16xf32>,
      %swap3A_1273 = arith.constant 0 : i32
      %swap3A_1274 = arith.constant 0 : i32
      %swap3A_1275 = arith.constant 0 : i32
      %swap3A_1276 = arith.constant 0 : i32
      %swap3A_1277 = tpu.memref_slice %arg6[%scan3A_449, %swap3A_1274, %swap3A_1275, %swap3A_1276] : memref<2x1x64x768xf32, #tpu.memory_space<vmem>> -> memref<1x1x64x768xf32, #tpu.memory_space<vmem>>
      %swap3A_1278 = tpu.memref_squeeze %swap3A_1277 : memref<1x1x64x768xf32, #tpu.memory_space<vmem>> -> memref<1x64x768xf32, #tpu.memory_space<vmem>>
      %swap3A_1279 = arith.index_cast %swap3A_1273 : i32 to index
      %swap3A_1280 = arith.index_cast %scan3A_1249 : i32 to index
      %swap3A_1281 = arith.constant 32 : index
      %swap3A_1282 = tpu.vector_load %swap3A_1278[%swap3A_1279, %swap3A_1280, %swap3A_1281] {strides = array<i32>} : memref<1x64x768xf32, #tpu.memory_space<vmem>>, vector<1x1x16xf32>,
      %swap3A_1283 = vector.shape_cast %swap3A_1282 : vector<1x1x16xf32> to vector<16xf32>
      %swap3A_1284 = vector.shape_cast %get3A_299 : vector<16xf32> to vector<1x1x16xf32>
      tpu.vector_store %swap3A_1278[%swap3A_1279, %swap3A_1280, %swap3A_1281], %swap3A_1284 {strides = array<i32>} : memref<1x64x768xf32, #tpu.memory_space<vmem>>, vector<1x1x16xf32>,
      %swap3A_1285 = arith.constant 0 : i32
      %swap3A_1286 = arith.constant 0 : i32
      %swap3A_1287 = arith.constant 0 : i32
      %swap3A_1288 = arith.constant 0 : i32
      %swap3A_1289 = tpu.memref_slice %arg6[%scan3A_449, %swap3A_1286, %swap3A_1287, %swap3A_1288] : memref<2x1x64x768xf32, #tpu.memory_space<vmem>> -> memref<1x1x64x768xf32, #tpu.memory_space<vmem>>
      %swap3A_1290 = tpu.memref_squeeze %swap3A_1289 : memref<1x1x64x768xf32, #tpu.memory_space<vmem>> -> memref<1x64x768xf32, #tpu.memory_space<vmem>>
      %swap3A_1291 = arith.index_cast %swap3A_1285 : i32 to index
      %swap3A_1292 = arith.index_cast %scan3A_1249 : i32 to index
      %swap3A_1293 = arith.constant 48 : index
      %swap3A_1294 = tpu.vector_load %swap3A_1290[%swap3A_1291, %swap3A_1292, %swap3A_1293] {strides = array<i32>} : memref<1x64x768xf32, #tpu.memory_space<vmem>>, vector<1x1x16xf32>,
      %swap3A_1295 = vector.shape_cast %swap3A_1294 : vector<1x1x16xf32> to vector<16xf32>
      %swap3A_1296 = vector.shape_cast %get3A_304 : vector<16xf32> to vector<1x1x16xf32>
      tpu.vector_store %swap3A_1290[%swap3A_1291, %swap3A_1292, %swap3A_1293], %swap3A_1296 {strides = array<i32>} : memref<1x64x768xf32, #tpu.memory_space<vmem>>, vector<1x1x16xf32>,
      %swap3A_1297 = arith.constant 0 : i32
      %swap3A_1298 = arith.constant 0 : i32
      %swap3A_1299 = arith.constant 0 : i32
      %swap3A_1300 = arith.constant 0 : i32
      %swap3A_1301 = tpu.memref_slice %arg6[%scan3A_449, %swap3A_1298, %swap3A_1299, %swap3A_1300] : memref<2x1x64x768xf32, #tpu.memory_space<vmem>> -> memref<1x1x64x768xf32, #tpu.memory_space<vmem>>
      %swap3A_1302 = tpu.memref_squeeze %swap3A_1301 : memref<1x1x64x768xf32, #tpu.memory_space<vmem>> -> memref<1x64x768xf32, #tpu.memory_space<vmem>>
      %swap3A_1303 = arith.index_cast %swap3A_1297 : i32 to index
      %swap3A_1304 = arith.index_cast %scan3A_1249 : i32 to index
      %swap3A_1305 = arith.constant 64 : index
      %swap3A_1306 = tpu.vector_load %swap3A_1302[%swap3A_1303, %swap3A_1304, %swap3A_1305] {strides = array<i32>} : memref<1x64x768xf32, #tpu.memory_space<vmem>>, vector<1x1x16xf32>,
      %swap3A_1307 = vector.shape_cast %swap3A_1306 : vector<1x1x16xf32> to vector<16xf32>
      %swap3A_1308 = vector.shape_cast %get3A_309 : vector<16xf32> to vector<1x1x16xf32>
      tpu.vector_store %swap3A_1302[%swap3A_1303, %swap3A_1304, %swap3A_1305], %swap3A_1308 {strides = array<i32>} : memref<1x64x768xf32, #tpu.memory_space<vmem>>, vector<1x1x16xf32>,
      %swap3A_1309 = arith.constant 0 : i32
      %swap3A_1310 = arith.constant 0 : i32
      %swap3A_1311 = arith.constant 0 : i32
      %swap3A_1312 = arith.constant 0 : i32
      %swap3A_1313 = tpu.memref_slice %arg6[%scan3A_449, %swap3A_1310, %swap3A_1311, %swap3A_1312] : memref<2x1x64x768xf32, #tpu.memory_space<vmem>> -> memref<1x1x64x768xf32, #tpu.memory_space<vmem>>
      %swap3A_1314 = tpu.memref_squeeze %swap3A_1313 : memref<1x1x64x768xf32, #tpu.memory_space<vmem>> -> memref<1x64x768xf32, #tpu.memory_space<vmem>>
      %swap3A_1315 = arith.index_cast %swap3A_1309 : i32 to index
      %swap3A_1316 = arith.index_cast %scan3A_1249 : i32 to index
      %swap3A_1317 = arith.constant 80 : index
      %swap3A_1318 = tpu.vector_load %swap3A_1314[%swap3A_1315, %swap3A_1316, %swap3A_1317] {strides = array<i32>} : memref<1x64x768xf32, #tpu.memory_space<vmem>>, vector<1x1x16xf32>,
      %swap3A_1319 = vector.shape_cast %swap3A_1318 : vector<1x1x16xf32> to vector<16xf32>
      %swap3A_1320 = vector.shape_cast %get3A_314 : vector<16xf32> to vector<1x1x16xf32>
      tpu.vector_store %swap3A_1314[%swap3A_1315, %swap3A_1316, %swap3A_1317], %swap3A_1320 {strides = array<i32>} : memref<1x64x768xf32, #tpu.memory_space<vmem>>, vector<1x1x16xf32>,
      %swap3A_1321 = arith.constant 0 : i32
      %swap3A_1322 = arith.constant 0 : i32
      %swap3A_1323 = arith.constant 0 : i32
      %swap3A_1324 = arith.constant 0 : i32
      %swap3A_1325 = tpu.memref_slice %arg6[%scan3A_449, %swap3A_1322, %swap3A_1323, %swap3A_1324] : memref<2x1x64x768xf32, #tpu.memory_space<vmem>> -> memref<1x1x64x768xf32, #tpu.memory_space<vmem>>
      %swap3A_1326 = tpu.memref_squeeze %swap3A_1325 : memref<1x1x64x768xf32, #tpu.memory_space<vmem>> -> memref<1x64x768xf32, #tpu.memory_space<vmem>>
      %swap3A_1327 = arith.index_cast %swap3A_1321 : i32 to index
      %swap3A_1328 = arith.index_cast %scan3A_1249 : i32 to index
      %swap3A_1329 = arith.constant 96 : index
      %swap3A_1330 = tpu.vector_load %swap3A_1326[%swap3A_1327, %swap3A_1328, %swap3A_1329] {strides = array<i32>} : memref<1x64x768xf32, #tpu.memory_space<vmem>>, vector<1x1x16xf32>,
      %swap3A_1331 = vector.shape_cast %swap3A_1330 : vector<1x1x16xf32> to vector<16xf32>
      %swap3A_1332 = vector.shape_cast %get3A_319 : vector<16xf32> to vector<1x1x16xf32>
      tpu.vector_store %swap3A_1326[%swap3A_1327, %swap3A_1328, %swap3A_1329], %swap3A_1332 {strides = array<i32>} : memref<1x64x768xf32, #tpu.memory_space<vmem>>, vector<1x1x16xf32>,
      %swap3A_1333 = arith.constant 0 : i32
      %swap3A_1334 = arith.constant 0 : i32
      %swap3A_1335 = arith.constant 0 : i32
      %swap3A_1336 = arith.constant 0 : i32
      %swap3A_1337 = tpu.memref_slice %arg6[%scan3A_449, %swap3A_1334, %swap3A_1335, %swap3A_1336] : memref<2x1x64x768xf32, #tpu.memory_space<vmem>> -> memref<1x1x64x768xf32, #tpu.memory_space<vmem>>
      %swap3A_1338 = tpu.memref_squeeze %swap3A_1337 : memref<1x1x64x768xf32, #tpu.memory_space<vmem>> -> memref<1x64x768xf32, #tpu.memory_space<vmem>>
      %swap3A_1339 = arith.index_cast %swap3A_1333 : i32 to index
      %swap3A_1340 = arith.index_cast %scan3A_1249 : i32 to index
      %swap3A_1341 = arith.constant 112 : index
      %swap3A_1342 = tpu.vector_load %swap3A_1338[%swap3A_1339, %swap3A_1340, %swap3A_1341] {strides = array<i32>} : memref<1x64x768xf32, #tpu.memory_space<vmem>>, vector<1x1x16xf32>,
      %swap3A_1343 = vector.shape_cast %swap3A_1342 : vector<1x1x16xf32> to vector<16xf32>
      %swap3A_1344 = vector.shape_cast %get3A_324 : vector<16xf32> to vector<1x1x16xf32>
      tpu.vector_store %swap3A_1338[%swap3A_1339, %swap3A_1340, %swap3A_1341], %swap3A_1344 {strides = array<i32>} : memref<1x64x768xf32, #tpu.memory_space<vmem>>, vector<1x1x16xf32>,
      %swap3A_1345 = arith.constant 0 : i32
      %swap3A_1346 = arith.constant 0 : i32
      %swap3A_1347 = arith.constant 0 : i32
      %swap3A_1348 = arith.constant 0 : i32
      %swap3A_1349 = tpu.memref_slice %arg6[%scan3A_449, %swap3A_1346, %swap3A_1347, %swap3A_1348] : memref<2x1x64x768xf32, #tpu.memory_space<vmem>> -> memref<1x1x64x768xf32, #tpu.memory_space<vmem>>
      %swap3A_1350 = tpu.memref_squeeze %swap3A_1349 : memref<1x1x64x768xf32, #tpu.memory_space<vmem>> -> memref<1x64x768xf32, #tpu.memory_space<vmem>>
      %swap3A_1351 = arith.index_cast %swap3A_1345 : i32 to index
      %swap3A_1352 = arith.index_cast %scan3A_1249 : i32 to index
      %swap3A_1353 = arith.constant 128 : index
      %swap3A_1354 = tpu.vector_load %swap3A_1350[%swap3A_1351, %swap3A_1352, %swap3A_1353] {strides = array<i32>} : memref<1x64x768xf32, #tpu.memory_space<vmem>>, vector<1x1x16xf32>,
      %swap3A_1355 = vector.shape_cast %swap3A_1354 : vector<1x1x16xf32> to vector<16xf32>
      %swap3A_1356 = vector.shape_cast %get3A_329 : vector<16xf32> to vector<1x1x16xf32>
      tpu.vector_store %swap3A_1350[%swap3A_1351, %swap3A_1352, %swap3A_1353], %swap3A_1356 {strides = array<i32>} : memref<1x64x768xf32, #tpu.memory_space<vmem>>, vector<1x1x16xf32>,
      %swap3A_1357 = arith.constant 0 : i32
      %swap3A_1358 = arith.constant 0 : i32
      %swap3A_1359 = arith.constant 0 : i32
      %swap3A_1360 = arith.constant 0 : i32
      %swap3A_1361 = tpu.memref_slice %arg6[%scan3A_449, %swap3A_1358, %swap3A_1359, %swap3A_1360] : memref<2x1x64x768xf32, #tpu.memory_space<vmem>> -> memref<1x1x64x768xf32, #tpu.memory_space<vmem>>
      %swap3A_1362 = tpu.memref_squeeze %swap3A_1361 : memref<1x1x64x768xf32, #tpu.memory_space<vmem>> -> memref<1x64x768xf32, #tpu.memory_space<vmem>>
      %swap3A_1363 = arith.index_cast %swap3A_1357 : i32 to index
      %swap3A_1364 = arith.index_cast %scan3A_1249 : i32 to index
      %swap3A_1365 = arith.constant 144 : index
      %swap3A_1366 = tpu.vector_load %swap3A_1362[%swap3A_1363, %swap3A_1364, %swap3A_1365] {strides = array<i32>} : memref<1x64x768xf32, #tpu.memory_space<vmem>>, vector<1x1x16xf32>,
      %swap3A_1367 = vector.shape_cast %swap3A_1366 : vector<1x1x16xf32> to vector<16xf32>
      %swap3A_1368 = vector.shape_cast %get3A_334 : vector<16xf32> to vector<1x1x16xf32>
      tpu.vector_store %swap3A_1362[%swap3A_1363, %swap3A_1364, %swap3A_1365], %swap3A_1368 {strides = array<i32>} : memref<1x64x768xf32, #tpu.memory_space<vmem>>, vector<1x1x16xf32>,
      %swap3A_1369 = arith.constant 0 : i32
      %swap3A_1370 = arith.constant 0 : i32
      %swap3A_1371 = arith.constant 0 : i32
      %swap3A_1372 = arith.constant 0 : i32
      %swap3A_1373 = tpu.memref_slice %arg6[%scan3A_449, %swap3A_1370, %swap3A_1371, %swap3A_1372] : memref<2x1x64x768xf32, #tpu.memory_space<vmem>> -> memref<1x1x64x768xf32, #tpu.memory_space<vmem>>
      %swap3A_1374 = tpu.memref_squeeze %swap3A_1373 : memref<1x1x64x768xf32, #tpu.memory_space<vmem>> -> memref<1x64x768xf32, #tpu.memory_space<vmem>>
      %swap3A_1375 = arith.index_cast %swap3A_1369 : i32 to index
      %swap3A_1376 = arith.index_cast %scan3A_1249 : i32 to index
      %swap3A_1377 = arith.constant 160 : index
      %swap3A_1378 = tpu.vector_load %swap3A_1374[%swap3A_1375, %swap3A_1376, %swap3A_1377] {strides = array<i32>} : memref<1x64x768xf32, #tpu.memory_space<vmem>>, vector<1x1x16xf32>,
      %swap3A_1379 = vector.shape_cast %swap3A_1378 : vector<1x1x16xf32> to vector<16xf32>
      %swap3A_1380 = vector.shape_cast %get3A_339 : vector<16xf32> to vector<1x1x16xf32>
      tpu.vector_store %swap3A_1374[%swap3A_1375, %swap3A_1376, %swap3A_1377], %swap3A_1380 {strides = array<i32>} : memref<1x64x768xf32, #tpu.memory_space<vmem>>, vector<1x1x16xf32>,
      %swap3A_1381 = arith.constant 0 : i32
      %swap3A_1382 = arith.constant 0 : i32
      %swap3A_1383 = arith.constant 0 : i32
      %swap3A_1384 = arith.constant 0 : i32
      %swap3A_1385 = tpu.memref_slice %arg6[%scan3A_449, %swap3A_1382, %swap3A_1383, %swap3A_1384] : memref<2x1x64x768xf32, #tpu.memory_space<vmem>> -> memref<1x1x64x768xf32, #tpu.memory_space<vmem>>
      %swap3A_1386 = tpu.memref_squeeze %swap3A_1385 : memref<1x1x64x768xf32, #tpu.memory_space<vmem>> -> memref<1x64x768xf32, #tpu.memory_space<vmem>>
      %swap3A_1387 = arith.index_cast %swap3A_1381 : i32 to index
      %swap3A_1388 = arith.index_cast %scan3A_1249 : i32 to index
      %swap3A_1389 = arith.constant 176 : index
      %swap3A_1390 = tpu.vector_load %swap3A_1386[%swap3A_1387, %swap3A_1388, %swap3A_1389] {strides = array<i32>} : memref<1x64x768xf32, #tpu.memory_space<vmem>>, vector<1x1x16xf32>,
      %swap3A_1391 = vector.shape_cast %swap3A_1390 : vector<1x1x16xf32> to vector<16xf32>
      %swap3A_1392 = vector.shape_cast %get3A_344 : vector<16xf32> to vector<1x1x16xf32>
      tpu.vector_store %swap3A_1386[%swap3A_1387, %swap3A_1388, %swap3A_1389], %swap3A_1392 {strides = array<i32>} : memref<1x64x768xf32, #tpu.memory_space<vmem>>, vector<1x1x16xf32>,
      %swap3A_1393 = arith.constant 0 : i32
      %swap3A_1394 = arith.constant 0 : i32
      %swap3A_1395 = arith.constant 0 : i32
      %swap3A_1396 = arith.constant 0 : i32
      %swap3A_1397 = tpu.memref_slice %arg6[%scan3A_449, %swap3A_1394, %swap3A_1395, %swap3A_1396] : memref<2x1x64x768xf32, #tpu.memory_space<vmem>> -> memref<1x1x64x768xf32, #tpu.memory_space<vmem>>
      %swap3A_1398 = tpu.memref_squeeze %swap3A_1397 : memref<1x1x64x768xf32, #tpu.memory_space<vmem>> -> memref<1x64x768xf32, #tpu.memory_space<vmem>>
      %swap3A_1399 = arith.index_cast %swap3A_1393 : i32 to index
      %swap3A_1400 = arith.index_cast %scan3A_1249 : i32 to index
      %swap3A_1401 = arith.constant 192 : index
      %swap3A_1402 = tpu.vector_load %swap3A_1398[%swap3A_1399, %swap3A_1400, %swap3A_1401] {strides = array<i32>} : memref<1x64x768xf32, #tpu.memory_space<vmem>>, vector<1x1x16xf32>,
      %swap3A_1403 = vector.shape_cast %swap3A_1402 : vector<1x1x16xf32> to vector<16xf32>
      %swap3A_1404 = vector.shape_cast %get3A_349 : vector<16xf32> to vector<1x1x16xf32>
      tpu.vector_store %swap3A_1398[%swap3A_1399, %swap3A_1400, %swap3A_1401], %swap3A_1404 {strides = array<i32>} : memref<1x64x768xf32, #tpu.memory_space<vmem>>, vector<1x1x16xf32>,
      %swap3A_1405 = arith.constant 0 : i32
      %swap3A_1406 = arith.constant 0 : i32
      %swap3A_1407 = arith.constant 0 : i32
      %swap3A_1408 = arith.constant 0 : i32
      %swap3A_1409 = tpu.memref_slice %arg6[%scan3A_449, %swap3A_1406, %swap3A_1407, %swap3A_1408] : memref<2x1x64x768xf32, #tpu.memory_space<vmem>> -> memref<1x1x64x768xf32, #tpu.memory_space<vmem>>
      %swap3A_1410 = tpu.memref_squeeze %swap3A_1409 : memref<1x1x64x768xf32, #tpu.memory_space<vmem>> -> memref<1x64x768xf32, #tpu.memory_space<vmem>>
      %swap3A_1411 = arith.index_cast %swap3A_1405 : i32 to index
      %swap3A_1412 = arith.index_cast %scan3A_1249 : i32 to index
      %swap3A_1413 = arith.constant 208 : index
      %swap3A_1414 = tpu.vector_load %swap3A_1410[%swap3A_1411, %swap3A_1412, %swap3A_1413] {strides = array<i32>} : memref<1x64x768xf32, #tpu.memory_space<vmem>>, vector<1x1x16xf32>,
      %swap3A_1415 = vector.shape_cast %swap3A_1414 : vector<1x1x16xf32> to vector<16xf32>
      %swap3A_1416 = vector.shape_cast %get3A_354 : vector<16xf32> to vector<1x1x16xf32>
      tpu.vector_store %swap3A_1410[%swap3A_1411, %swap3A_1412, %swap3A_1413], %swap3A_1416 {strides = array<i32>} : memref<1x64x768xf32, #tpu.memory_space<vmem>>, vector<1x1x16xf32>,
      %swap3A_1417 = arith.constant 0 : i32
      %swap3A_1418 = arith.constant 0 : i32
      %swap3A_1419 = arith.constant 0 : i32
      %swap3A_1420 = arith.constant 0 : i32
      %swap3A_1421 = tpu.memref_slice %arg6[%scan3A_449, %swap3A_1418, %swap3A_1419, %swap3A_1420] : memref<2x1x64x768xf32, #tpu.memory_space<vmem>> -> memref<1x1x64x768xf32, #tpu.memory_space<vmem>>
      %swap3A_1422 = tpu.memref_squeeze %swap3A_1421 : memref<1x1x64x768xf32, #tpu.memory_space<vmem>> -> memref<1x64x768xf32, #tpu.memory_space<vmem>>
      %swap3A_1423 = arith.index_cast %swap3A_1417 : i32 to index
      %swap3A_1424 = arith.index_cast %scan3A_1249 : i32 to index
      %swap3A_1425 = arith.constant 224 : index
      %swap3A_1426 = tpu.vector_load %swap3A_1422[%swap3A_1423, %swap3A_1424, %swap3A_1425] {strides = array<i32>} : memref<1x64x768xf32, #tpu.memory_space<vmem>>, vector<1x1x16xf32>,
      %swap3A_1427 = vector.shape_cast %swap3A_1426 : vector<1x1x16xf32> to vector<16xf32>
      %swap3A_1428 = vector.shape_cast %get3A_359 : vector<16xf32> to vector<1x1x16xf32>
      tpu.vector_store %swap3A_1422[%swap3A_1423, %swap3A_1424, %swap3A_1425], %swap3A_1428 {strides = array<i32>} : memref<1x64x768xf32, #tpu.memory_space<vmem>>, vector<1x1x16xf32>,
      %swap3A_1429 = arith.constant 0 : i32
      %swap3A_1430 = arith.constant 0 : i32
      %swap3A_1431 = arith.constant 0 : i32
      %swap3A_1432 = arith.constant 0 : i32
      %swap3A_1433 = tpu.memref_slice %arg6[%scan3A_449, %swap3A_1430, %swap3A_1431, %swap3A_1432] : memref<2x1x64x768xf32, #tpu.memory_space<vmem>> -> memref<1x1x64x768xf32, #tpu.memory_space<vmem>>
      %swap3A_1434 = tpu.memref_squeeze %swap3A_1433 : memref<1x1x64x768xf32, #tpu.memory_space<vmem>> -> memref<1x64x768xf32, #tpu.memory_space<vmem>>
      %swap3A_1435 = arith.index_cast %swap3A_1429 : i32 to index
      %swap3A_1436 = arith.index_cast %scan3A_1249 : i32 to index
      %swap3A_1437 = arith.constant 240 : index
      %swap3A_1438 = tpu.vector_load %swap3A_1434[%swap3A_1435, %swap3A_1436, %swap3A_1437] {strides = array<i32>} : memref<1x64x768xf32, #tpu.memory_space<vmem>>, vector<1x1x16xf32>,
      %swap3A_1439 = vector.shape_cast %swap3A_1438 : vector<1x1x16xf32> to vector<16xf32>
      %swap3A_1440 = vector.shape_cast %get3A_364 : vector<16xf32> to vector<1x1x16xf32>
      tpu.vector_store %swap3A_1434[%swap3A_1435, %swap3A_1436, %swap3A_1437], %swap3A_1440 {strides = array<i32>} : memref<1x64x768xf32, #tpu.memory_space<vmem>>, vector<1x1x16xf32>,
      %swap3A_1441 = arith.constant 0 : i32
      %swap3A_1442 = arith.constant 0 : i32
      %swap3A_1443 = arith.constant 0 : i32
      %swap3A_1444 = arith.constant 0 : i32
      %swap3A_1445 = tpu.memref_slice %arg6[%scan3A_449, %swap3A_1442, %swap3A_1443, %swap3A_1444] : memref<2x1x64x768xf32, #tpu.memory_space<vmem>> -> memref<1x1x64x768xf32, #tpu.memory_space<vmem>>
      %swap3A_1446 = tpu.memref_squeeze %swap3A_1445 : memref<1x1x64x768xf32, #tpu.memory_space<vmem>> -> memref<1x64x768xf32, #tpu.memory_space<vmem>>
      %swap3A_1447 = arith.index_cast %swap3A_1441 : i32 to index
      %swap3A_1448 = arith.index_cast %scan3A_1249 : i32 to index
      %swap3A_1449 = arith.constant 256 : index
      %swap3A_1450 = tpu.vector_load %swap3A_1446[%swap3A_1447, %swap3A_1448, %swap3A_1449] {strides = array<i32>} : memref<1x64x768xf32, #tpu.memory_space<vmem>>, vector<1x1x16xf32>,
      %swap3A_1451 = vector.shape_cast %swap3A_1450 : vector<1x1x16xf32> to vector<16xf32>
      %swap3A_1452 = vector.shape_cast %get3A_369 : vector<16xf32> to vector<1x1x16xf32>
      tpu.vector_store %swap3A_1446[%swap3A_1447, %swap3A_1448, %swap3A_1449], %swap3A_1452 {strides = array<i32>} : memref<1x64x768xf32, #tpu.memory_space<vmem>>, vector<1x1x16xf32>,
      %swap3A_1453 = arith.constant 0 : i32
      %swap3A_1454 = arith.constant 0 : i32
      %swap3A_1455 = arith.constant 0 : i32
      %swap3A_1456 = arith.constant 0 : i32
      %swap3A_1457 = tpu.memref_slice %arg6[%scan3A_449, %swap3A_1454, %swap3A_1455, %swap3A_1456] : memref<2x1x64x768xf32, #tpu.memory_space<vmem>> -> memref<1x1x64x768xf32, #tpu.memory_space<vmem>>
      %swap3A_1458 = tpu.memref_squeeze %swap3A_1457 : memref<1x1x64x768xf32, #tpu.memory_space<vmem>> -> memref<1x64x768xf32, #tpu.memory_space<vmem>>
      %swap3A_1459 = arith.index_cast %swap3A_1453 : i32 to index
      %swap3A_1460 = arith.index_cast %scan3A_1249 : i32 to index
      %swap3A_1461 = arith.constant 272 : index
      %swap3A_1462 = tpu.vector_load %swap3A_1458[%swap3A_1459, %swap3A_1460, %swap3A_1461] {strides = array<i32>} : memref<1x64x768xf32, #tpu.memory_space<vmem>>, vector<1x1x16xf32>,
      %swap3A_1463 = vector.shape_cast %swap3A_1462 : vector<1x1x16xf32> to vector<16xf32>
      %swap3A_1464 = vector.shape_cast %get3A_374 : vector<16xf32> to vector<1x1x16xf32>
      tpu.vector_store %swap3A_1458[%swap3A_1459, %swap3A_1460, %swap3A_1461], %swap3A_1464 {strides = array<i32>} : memref<1x64x768xf32, #tpu.memory_space<vmem>>, vector<1x1x16xf32>,
      %swap3A_1465 = arith.constant 0 : i32
      %swap3A_1466 = arith.constant 0 : i32
      %swap3A_1467 = arith.constant 0 : i32
      %swap3A_1468 = arith.constant 0 : i32
      %swap3A_1469 = tpu.memref_slice %arg6[%scan3A_449, %swap3A_1466, %swap3A_1467, %swap3A_1468] : memref<2x1x64x768xf32, #tpu.memory_space<vmem>> -> memref<1x1x64x768xf32, #tpu.memory_space<vmem>>
      %swap3A_1470 = tpu.memref_squeeze %swap3A_1469 : memref<1x1x64x768xf32, #tpu.memory_space<vmem>> -> memref<1x64x768xf32, #tpu.memory_space<vmem>>
      %swap3A_1471 = arith.index_cast %swap3A_1465 : i32 to index
      %swap3A_1472 = arith.index_cast %scan3A_1249 : i32 to index
      %swap3A_1473 = arith.constant 288 : index
      %swap3A_1474 = tpu.vector_load %swap3A_1470[%swap3A_1471, %swap3A_1472, %swap3A_1473] {strides = array<i32>} : memref<1x64x768xf32, #tpu.memory_space<vmem>>, vector<1x1x16xf32>,
      %swap3A_1475 = vector.shape_cast %swap3A_1474 : vector<1x1x16xf32> to vector<16xf32>
      %swap3A_1476 = vector.shape_cast %get3A_379 : vector<16xf32> to vector<1x1x16xf32>
      tpu.vector_store %swap3A_1470[%swap3A_1471, %swap3A_1472, %swap3A_1473], %swap3A_1476 {strides = array<i32>} : memref<1x64x768xf32, #tpu.memory_space<vmem>>, vector<1x1x16xf32>,
      %swap3A_1477 = arith.constant 0 : i32
      %swap3A_1478 = arith.constant 0 : i32
      %swap3A_1479 = arith.constant 0 : i32
      %swap3A_1480 = arith.constant 0 : i32
      %swap3A_1481 = tpu.memref_slice %arg6[%scan3A_449, %swap3A_1478, %swap3A_1479, %swap3A_1480] : memref<2x1x64x768xf32, #tpu.memory_space<vmem>> -> memref<1x1x64x768xf32, #tpu.memory_space<vmem>>
      %swap3A_1482 = tpu.memref_squeeze %swap3A_1481 : memref<1x1x64x768xf32, #tpu.memory_space<vmem>> -> memref<1x64x768xf32, #tpu.memory_space<vmem>>
      %swap3A_1483 = arith.index_cast %swap3A_1477 : i32 to index
      %swap3A_1484 = arith.index_cast %scan3A_1249 : i32 to index
      %swap3A_1485 = arith.constant 304 : index
      %swap3A_1486 = tpu.vector_load %swap3A_1482[%swap3A_1483, %swap3A_1484, %swap3A_1485] {strides = array<i32>} : memref<1x64x768xf32, #tpu.memory_space<vmem>>, vector<1x1x16xf32>,
      %swap3A_1487 = vector.shape_cast %swap3A_1486 : vector<1x1x16xf32> to vector<16xf32>
      %swap3A_1488 = vector.shape_cast %get3A_384 : vector<16xf32> to vector<1x1x16xf32>
      tpu.vector_store %swap3A_1482[%swap3A_1483, %swap3A_1484, %swap3A_1485], %swap3A_1488 {strides = array<i32>} : memref<1x64x768xf32, #tpu.memory_space<vmem>>, vector<1x1x16xf32>,
      %swap3A_1489 = arith.constant 0 : i32
      %swap3A_1490 = arith.constant 0 : i32
      %swap3A_1491 = arith.constant 0 : i32
      %swap3A_1492 = arith.constant 0 : i32
      %swap3A_1493 = tpu.memref_slice %arg6[%scan3A_449, %swap3A_1490, %swap3A_1491, %swap3A_1492] : memref<2x1x64x768xf32, #tpu.memory_space<vmem>> -> memref<1x1x64x768xf32, #tpu.memory_space<vmem>>
      %swap3A_1494 = tpu.memref_squeeze %swap3A_1493 : memref<1x1x64x768xf32, #tpu.memory_space<vmem>> -> memref<1x64x768xf32, #tpu.memory_space<vmem>>
      %swap3A_1495 = arith.index_cast %swap3A_1489 : i32 to index
      %swap3A_1496 = arith.index_cast %scan3A_1249 : i32 to index
      %swap3A_1497 = arith.constant 320 : index
      %swap3A_1498 = tpu.vector_load %swap3A_1494[%swap3A_1495, %swap3A_1496, %swap3A_1497] {strides = array<i32>} : memref<1x64x768xf32, #tpu.memory_space<vmem>>, vector<1x1x16xf32>,
      %swap3A_1499 = vector.shape_cast %swap3A_1498 : vector<1x1x16xf32> to vector<16xf32>
      %swap3A_1500 = vector.shape_cast %get3A_389 : vector<16xf32> to vector<1x1x16xf32>
      tpu.vector_store %swap3A_1494[%swap3A_1495, %swap3A_1496, %swap3A_1497], %swap3A_1500 {strides = array<i32>} : memref<1x64x768xf32, #tpu.memory_space<vmem>>, vector<1x1x16xf32>,
      %swap3A_1501 = arith.constant 0 : i32
      %swap3A_1502 = arith.constant 0 : i32
      %swap3A_1503 = arith.constant 0 : i32
      %swap3A_1504 = arith.constant 0 : i32
      %swap3A_1505 = tpu.memref_slice %arg6[%scan3A_449, %swap3A_1502, %swap3A_1503, %swap3A_1504] : memref<2x1x64x768xf32, #tpu.memory_space<vmem>> -> memref<1x1x64x768xf32, #tpu.memory_space<vmem>>
      %swap3A_1506 = tpu.memref_squeeze %swap3A_1505 : memref<1x1x64x768xf32, #tpu.memory_space<vmem>> -> memref<1x64x768xf32, #tpu.memory_space<vmem>>
      %swap3A_1507 = arith.index_cast %swap3A_1501 : i32 to index
      %swap3A_1508 = arith.index_cast %scan3A_1249 : i32 to index
      %swap3A_1509 = arith.constant 336 : index
      %swap3A_1510 = tpu.vector_load %swap3A_1506[%swap3A_1507, %swap3A_1508, %swap3A_1509] {strides = array<i32>} : memref<1x64x768xf32, #tpu.memory_space<vmem>>, vector<1x1x16xf32>,
      %swap3A_1511 = vector.shape_cast %swap3A_1510 : vector<1x1x16xf32> to vector<16xf32>
      %swap3A_1512 = vector.shape_cast %get3A_394 : vector<16xf32> to vector<1x1x16xf32>
      tpu.vector_store %swap3A_1506[%swap3A_1507, %swap3A_1508, %swap3A_1509], %swap3A_1512 {strides = array<i32>} : memref<1x64x768xf32, #tpu.memory_space<vmem>>, vector<1x1x16xf32>,
      %swap3A_1513 = arith.constant 0 : i32
      %swap3A_1514 = arith.constant 0 : i32
      %swap3A_1515 = arith.constant 0 : i32
      %swap3A_1516 = arith.constant 0 : i32
      %swap3A_1517 = tpu.memref_slice %arg6[%scan3A_449, %swap3A_1514, %swap3A_1515, %swap3A_1516] : memref<2x1x64x768xf32, #tpu.memory_space<vmem>> -> memref<1x1x64x768xf32, #tpu.memory_space<vmem>>
      %swap3A_1518 = tpu.memref_squeeze %swap3A_1517 : memref<1x1x64x768xf32, #tpu.memory_space<vmem>> -> memref<1x64x768xf32, #tpu.memory_space<vmem>>
      %swap3A_1519 = arith.index_cast %swap3A_1513 : i32 to index
      %swap3A_1520 = arith.index_cast %scan3A_1249 : i32 to index
      %swap3A_1521 = arith.constant 352 : index
      %swap3A_1522 = tpu.vector_load %swap3A_1518[%swap3A_1519, %swap3A_1520, %swap3A_1521] {strides = array<i32>} : memref<1x64x768xf32, #tpu.memory_space<vmem>>, vector<1x1x16xf32>,
      %swap3A_1523 = vector.shape_cast %swap3A_1522 : vector<1x1x16xf32> to vector<16xf32>
      %swap3A_1524 = vector.shape_cast %get3A_399 : vector<16xf32> to vector<1x1x16xf32>
      tpu.vector_store %swap3A_1518[%swap3A_1519, %swap3A_1520, %swap3A_1521], %swap3A_1524 {strides = array<i32>} : memref<1x64x768xf32, #tpu.memory_space<vmem>>, vector<1x1x16xf32>,
      %swap3A_1525 = arith.constant 0 : i32
      %swap3A_1526 = arith.constant 0 : i32
      %swap3A_1527 = arith.constant 0 : i32
      %swap3A_1528 = arith.constant 0 : i32
      %swap3A_1529 = tpu.memref_slice %arg6[%scan3A_449, %swap3A_1526, %swap3A_1527, %swap3A_1528] : memref<2x1x64x768xf32, #tpu.memory_space<vmem>> -> memref<1x1x64x768xf32, #tpu.memory_space<vmem>>
      %swap3A_1530 = tpu.memref_squeeze %swap3A_1529 : memref<1x1x64x768xf32, #tpu.memory_space<vmem>> -> memref<1x64x768xf32, #tpu.memory_space<vmem>>
      %swap3A_1531 = arith.index_cast %swap3A_1525 : i32 to index
      %swap3A_1532 = arith.index_cast %scan3A_1249 : i32 to index
      %swap3A_1533 = arith.constant 368 : index
      %swap3A_1534 = tpu.vector_load %swap3A_1530[%swap3A_1531, %swap3A_1532, %swap3A_1533] {strides = array<i32>} : memref<1x64x768xf32, #tpu.memory_space<vmem>>, vector<1x1x16xf32>,
      %swap3A_1535 = vector.shape_cast %swap3A_1534 : vector<1x1x16xf32> to vector<16xf32>
      %swap3A_1536 = vector.shape_cast %get3A_404 : vector<16xf32> to vector<1x1x16xf32>
      tpu.vector_store %swap3A_1530[%swap3A_1531, %swap3A_1532, %swap3A_1533], %swap3A_1536 {strides = array<i32>} : memref<1x64x768xf32, #tpu.memory_space<vmem>>, vector<1x1x16xf32>,
    }
    %scan3A_454 = arith.constant 64 : i32
    %dma_wait3A_455 = arith.constant 0 : i32
    %dma_wait3A_456 = arith.constant 0 : i32
    %dma_wait3A_457 = arith.constant 0 : i32
    %dma_wait3A_458 = arith.constant 0 : i32
    %dma_wait3A_459 = arith.constant 0 : i32
    %dma_wait3A_460 = tpu.memref_slice %arg6[%dma_wait3A_455, %dma_wait3A_457, %dma_wait3A_458, %dma_wait3A_459] : memref<2x1x64x768xf32, #tpu.memory_space<vmem>> -> memref<1x1x64x768xf32, #tpu.memory_space<vmem>>
    %dma_wait3A_461 = tpu.memref_squeeze %dma_wait3A_460 : memref<1x1x64x768xf32, #tpu.memory_space<vmem>> -> memref<1x64x768xf32, #tpu.memory_space<vmem>>
    %dma_wait3A_462 = arith.constant 0 : i32
    %dma_wait3A_463 = arith.constant 384 : i32
    %dma_wait3A_464 = tpu.memref_slice %dma_wait3A_461[%dma_wait3A_456, %dma_wait3A_462, %dma_wait3A_463] : memref<1x64x768xf32, #tpu.memory_space<vmem>> -> memref<1x64x384xf32, #tpu.memory_space<vmem>>
    %dma_wait3A_465 = tpu.memref_squeeze %dma_wait3A_464 : memref<1x64x384xf32, #tpu.memory_space<vmem>> -> memref<64x384xf32, #tpu.memory_space<vmem>>
    %dma_wait3A_466 = arith.constant 0 : i32
    %dma_wait3A_467 = arith.constant 0 : i32
    %dma_wait3A_468 = tpu.memref_slice %arg5[%dma_wait3A_466, %dma_wait3A_467] : memref<128x384xf32, #tpu.memory_space<vmem_shared>> -> memref<64x384xf32, #tpu.memory_space<vmem_shared>>
    %dma_wait3A_469 = arith.constant 0 : i32
    %dma_wait3A_470 = arith.constant 0 : i32
    %dma_wait3A_471 = arith.constant 0 : i32
    %dma_wait3A_472 = tpu.memref_slice %arg6[%dma_wait3A_455, %dma_wait3A_469, %dma_wait3A_470, %dma_wait3A_471] : memref<2x1x64x768xf32, #tpu.memory_space<vmem>> -> memref<1x1x64x768xf32, #tpu.memory_space<vmem>>
    %dma_wait3A_473 = tpu.memref_squeeze %dma_wait3A_472 : memref<1x1x64x768xf32, #tpu.memory_space<vmem>> -> memref<1x64x768xf32, #tpu.memory_space<vmem>>
    %dma_wait3A_474 = arith.constant 0 : i32
    %dma_wait3A_475 = arith.constant 384 : i32
    %dma_wait3A_476 = tpu.memref_slice %dma_wait3A_473[%dma_wait3A_456, %dma_wait3A_474, %dma_wait3A_475] : memref<1x64x768xf32, #tpu.memory_space<vmem>> -> memref<1x64x384xf32, #tpu.memory_space<vmem>>
    %dma_wait3A_477 = tpu.memref_squeeze %dma_wait3A_476 : memref<1x64x384xf32, #tpu.memory_space<vmem>> -> memref<64x384xf32, #tpu.memory_space<vmem>>
    %dma_wait3A_478 = arith.constant 0 : i32
    %dma_wait3A_479 = arith.constant 0 : i32
    %dma_wait3A_480 = tpu.memref_slice %arg5[%dma_wait3A_478, %dma_wait3A_479] : memref<128x384xf32, #tpu.memory_space<vmem_shared>> -> memref<64x384xf32, #tpu.memory_space<vmem_shared>>
    tpu.wait_dma2 semaphore(%arg8 : memref<!tpu.dma_semaphore, #tpu.memory_space<semaphore_mem>>) src(%dma_wait3A_480 : memref<64x384xf32, #tpu.memory_space<vmem_shared>>) dst(%dma_wait3A_477 : memref<64x384xf32, #tpu.memory_space<vmem>>)
    %add3A_481 = arith.constant 1 : i32
    %add3A_482 = arith.addi %mul3A_2, %add3A_481 : i32
    %dma_start3A_483 = arith.constant 0 : i32
    %dma_start3A_484 = arith.constant 0 : i32
    %dma_start3A_485 = arith.constant 0 : i32
    %dma_start3A_486 = arith.constant 0 : i32
    %dma_start3A_487 = tpu.memref_slice %arg6[%dma_start3A_483, %dma_start3A_484, %dma_start3A_485, %dma_start3A_486] : memref<2x1x64x768xf32, #tpu.memory_space<vmem>> -> memref<1x1x64x768xf32, #tpu.memory_space<vmem>>
    %dma_start3A_488 = tpu.memref_squeeze %dma_start3A_487 : memref<1x1x64x768xf32, #tpu.memory_space<vmem>> -> memref<1x64x768xf32, #tpu.memory_space<vmem>>
    %dma_start3A_489 = arith.constant 0 : i32
    %dma_start3A_490 = arith.constant 0 : i32
    %dma_start3A_491 = tpu.memref_slice %arg4[%add3A_482, %dma_start3A_489, %dma_start3A_490] : memref<128x128x768xf32, #tpu.memory_space<hbm>> -> memref<1x64x768xf32, #tpu.memory_space<hbm>>
    %dma_start3A_492 = arith.constant 0 : i32
    %dma_start3A_493 = arith.constant 0 : i32
    %dma_start3A_494 = tpu.memref_slice %arg4[%add3A_482, %dma_start3A_492, %dma_start3A_493] : memref<128x128x768xf32, #tpu.memory_space<hbm>> -> memref<1x64x768xf32, #tpu.memory_space<hbm>>
    %dma_start3A_495 = arith.constant 0 : i32
    %dma_start3A_496 = arith.constant 0 : i32
    %dma_start3A_497 = arith.constant 0 : i32
    %dma_start3A_498 = tpu.memref_slice %arg6[%dma_start3A_483, %dma_start3A_495, %dma_start3A_496, %dma_start3A_497] : memref<2x1x64x768xf32, #tpu.memory_space<vmem>> -> memref<1x1x64x768xf32, #tpu.memory_space<vmem>>
    %dma_start3A_499 = tpu.memref_squeeze %dma_start3A_498 : memref<1x1x64x768xf32, #tpu.memory_space<vmem>> -> memref<1x64x768xf32, #tpu.memory_space<vmem>>
    tpu.enqueue_dma source(%dma_start3A_499 : memref<1x64x768xf32, #tpu.memory_space<vmem>>) target(%dma_start3A_494 : memref<1x64x768xf32, #tpu.memory_space<hbm>>) target_semaphore(%arg9 : memref<!tpu.dma_semaphore, #tpu.memory_space<semaphore_mem>>)
    %dma_wait3A_500 = arith.constant 1 : i32
    %dma_wait3A_501 = arith.constant 0 : i32
    %dma_wait3A_502 = arith.constant 0 : i32
    %dma_wait3A_503 = arith.constant 0 : i32
    %dma_wait3A_504 = tpu.memref_slice %arg6[%dma_wait3A_500, %dma_wait3A_501, %dma_wait3A_502, %dma_wait3A_503] : memref<2x1x64x768xf32, #tpu.memory_space<vmem>> -> memref<1x1x64x768xf32, #tpu.memory_space<vmem>>
    %dma_wait3A_505 = tpu.memref_squeeze %dma_wait3A_504 : memref<1x1x64x768xf32, #tpu.memory_space<vmem>> -> memref<1x64x768xf32, #tpu.memory_space<vmem>>
    %dma_wait3A_506 = arith.constant 64 : i32
    %dma_wait3A_507 = arith.constant 0 : i32
    %dma_wait3A_508 = tpu.memref_slice %arg4[%add3A_267, %dma_wait3A_506, %dma_wait3A_507] : memref<128x128x768xf32, #tpu.memory_space<hbm>> -> memref<1x64x768xf32, #tpu.memory_space<hbm>>
    %dma_wait3A_509 = arith.constant 64 : i32
    %dma_wait3A_510 = arith.constant 0 : i32
    %dma_wait3A_511 = tpu.memref_slice %arg4[%add3A_267, %dma_wait3A_509, %dma_wait3A_510] : memref<128x128x768xf32, #tpu.memory_space<hbm>> -> memref<1x64x768xf32, #tpu.memory_space<hbm>>
    %dma_wait3A_512 = arith.constant 0 : i32
    %dma_wait3A_513 = arith.constant 0 : i32
    %dma_wait3A_514 = arith.constant 0 : i32
    %dma_wait3A_515 = tpu.memref_slice %arg6[%dma_wait3A_500, %dma_wait3A_512, %dma_wait3A_513, %dma_wait3A_514] : memref<2x1x64x768xf32, #tpu.memory_space<vmem>> -> memref<1x1x64x768xf32, #tpu.memory_space<vmem>>
    %dma_wait3A_516 = tpu.memref_squeeze %dma_wait3A_515 : memref<1x1x64x768xf32, #tpu.memory_space<vmem>> -> memref<1x64x768xf32, #tpu.memory_space<vmem>>
    tpu.wait_dma2 semaphore(%arg9 : memref<!tpu.dma_semaphore, #tpu.memory_space<semaphore_mem>>) src(%dma_wait3A_516 : memref<1x64x768xf32, #tpu.memory_space<vmem>>) dst(%dma_wait3A_511 : memref<1x64x768xf32, #tpu.memory_space<hbm>>)
    %dma_start3A_517 = arith.constant 1 : i32
    %dma_start3A_518 = arith.constant 0 : i32
    %dma_start3A_519 = arith.constant 0 : i32
    %dma_start3A_520 = arith.constant 0 : i32
    %dma_start3A_521 = arith.constant 0 : i32
    %dma_start3A_522 = tpu.memref_slice %arg6[%dma_start3A_517, %dma_start3A_519, %dma_start3A_520, %dma_start3A_521] : memref<2x1x64x768xf32, #tpu.memory_space<vmem>> -> memref<1x1x64x768xf32, #tpu.memory_space<vmem>>
    %dma_start3A_523 = tpu.memref_squeeze %dma_start3A_522 : memref<1x1x64x768xf32, #tpu.memory_space<vmem>> -> memref<1x64x768xf32, #tpu.memory_space<vmem>>
    %dma_start3A_524 = arith.constant 0 : i32
    %dma_start3A_525 = arith.constant 384 : i32
    %dma_start3A_526 = tpu.memref_slice %dma_start3A_523[%dma_start3A_518, %dma_start3A_524, %dma_start3A_525] : memref<1x64x768xf32, #tpu.memory_space<vmem>> -> memref<1x64x384xf32, #tpu.memory_space<vmem>>
    %dma_start3A_527 = tpu.memref_squeeze %dma_start3A_526 : memref<1x64x384xf32, #tpu.memory_space<vmem>> -> memref<64x384xf32, #tpu.memory_space<vmem>>
    %dma_start3A_528 = arith.constant 64 : i32
    %dma_start3A_529 = arith.constant 0 : i32
    %dma_start3A_530 = tpu.memref_slice %arg5[%dma_start3A_528, %dma_start3A_529] : memref<128x384xf32, #tpu.memory_space<vmem_shared>> -> memref<64x384xf32, #tpu.memory_space<vmem_shared>>
    %dma_start3A_531 = arith.constant 0 : i32
    %dma_start3A_532 = arith.constant 0 : i32
    %dma_start3A_533 = arith.constant 0 : i32
    %dma_start3A_534 = tpu.memref_slice %arg6[%dma_start3A_517, %dma_start3A_531, %dma_start3A_532, %dma_start3A_533] : memref<2x1x64x768xf32, #tpu.memory_space<vmem>> -> memref<1x1x64x768xf32, #tpu.memory_space<vmem>>
    %dma_start3A_535 = tpu.memref_squeeze %dma_start3A_534 : memref<1x1x64x768xf32, #tpu.memory_space<vmem>> -> memref<1x64x768xf32, #tpu.memory_space<vmem>>
    %dma_start3A_536 = arith.constant 0 : i32
    %dma_start3A_537 = arith.constant 384 : i32
    %dma_start3A_538 = tpu.memref_slice %dma_start3A_535[%dma_start3A_518, %dma_start3A_536, %dma_start3A_537] : memref<1x64x768xf32, #tpu.memory_space<vmem>> -> memref<1x64x384xf32, #tpu.memory_space<vmem>>
    %dma_start3A_539 = tpu.memref_squeeze %dma_start3A_538 : memref<1x64x384xf32, #tpu.memory_space<vmem>> -> memref<64x384xf32, #tpu.memory_space<vmem>>
    %dma_start3A_540 = arith.constant 64 : i32
    %dma_start3A_541 = arith.constant 0 : i32
    %dma_start3A_542 = tpu.memref_slice %arg5[%dma_start3A_540, %dma_start3A_541] : memref<128x384xf32, #tpu.memory_space<vmem_shared>> -> memref<64x384xf32, #tpu.memory_space<vmem_shared>>
    tpu.enqueue_dma source(%dma_start3A_542 : memref<64x384xf32, #tpu.memory_space<vmem_shared>>) target(%dma_start3A_539 : memref<64x384xf32, #tpu.memory_space<vmem>>) target_semaphore(%arg8 : memref<!tpu.dma_semaphore, #tpu.memory_space<semaphore_mem>>)
    %scan3A_543 = arith.constant 0 : i32
    %scan3A_544 = arith.constant 1 : i32
    %scan3A_545 = arith.constant 0 : i32
    %scan3A_546 = arith.constant 64 : i32
    %scan3A_547 = arith.addi %scan3A_545, %scan3A_546 : i32
    %scan3A_548 = arith.constant 1 : i32
    scf.for %scan3A_1249 = %scan3A_545 to %scan3A_547 step %scan3A_548  : i32 {
      %swap3A = arith.constant 0 : i32
      %swap3A_1250 = arith.constant 0 : i32
      %swap3A_1251 = arith.constant 0 : i32
      %swap3A_1252 = arith.constant 0 : i32
      %swap3A_1253 = tpu.memref_slice %arg6[%scan3A_544, %swap3A_1250, %swap3A_1251, %swap3A_1252] : memref<2x1x64x768xf32, #tpu.memory_space<vmem>> -> memref<1x1x64x768xf32, #tpu.memory_space<vmem>>
      %swap3A_1254 = tpu.memref_squeeze %swap3A_1253 : memref<1x1x64x768xf32, #tpu.memory_space<vmem>> -> memref<1x64x768xf32, #tpu.memory_space<vmem>>
      %swap3A_1255 = arith.index_cast %swap3A : i32 to index
      %swap3A_1256 = arith.index_cast %scan3A_1249 : i32 to index
      %swap3A_1257 = arith.constant 0 : index
      %swap3A_1258 = tpu.vector_load %swap3A_1254[%swap3A_1255, %swap3A_1256, %swap3A_1257] {strides = array<i32>} : memref<1x64x768xf32, #tpu.memory_space<vmem>>, vector<1x1x16xf32>,
      %swap3A_1259 = vector.shape_cast %swap3A_1258 : vector<1x1x16xf32> to vector<16xf32>
      %swap3A_1260 = vector.shape_cast %get3A_289 : vector<16xf32> to vector<1x1x16xf32>
      tpu.vector_store %swap3A_1254[%swap3A_1255, %swap3A_1256, %swap3A_1257], %swap3A_1260 {strides = array<i32>} : memref<1x64x768xf32, #tpu.memory_space<vmem>>, vector<1x1x16xf32>,
      %swap3A_1261 = arith.constant 0 : i32
      %swap3A_1262 = arith.constant 0 : i32
      %swap3A_1263 = arith.constant 0 : i32
      %swap3A_1264 = arith.constant 0 : i32
      %swap3A_1265 = tpu.memref_slice %arg6[%scan3A_544, %swap3A_1262, %swap3A_1263, %swap3A_1264] : memref<2x1x64x768xf32, #tpu.memory_space<vmem>> -> memref<1x1x64x768xf32, #tpu.memory_space<vmem>>
      %swap3A_1266 = tpu.memref_squeeze %swap3A_1265 : memref<1x1x64x768xf32, #tpu.memory_space<vmem>> -> memref<1x64x768xf32, #tpu.memory_space<vmem>>
      %swap3A_1267 = arith.index_cast %swap3A_1261 : i32 to index
      %swap3A_1268 = arith.index_cast %scan3A_1249 : i32 to index
      %swap3A_1269 = arith.constant 16 : index
      %swap3A_1270 = tpu.vector_load %swap3A_1266[%swap3A_1267, %swap3A_1268, %swap3A_1269] {strides = array<i32>} : memref<1x64x768xf32, #tpu.memory_space<vmem>>, vector<1x1x16xf32>,
      %swap3A_1271 = vector.shape_cast %swap3A_1270 : vector<1x1x16xf32> to vector<16xf32>
      %swap3A_1272 = vector.shape_cast %get3A_294 : vector<16xf32> to vector<1x1x16xf32>
      tpu.vector_store %swap3A_1266[%swap3A_1267, %swap3A_1268, %swap3A_1269], %swap3A_1272 {strides = array<i32>} : memref<1x64x768xf32, #tpu.memory_space<vmem>>, vector<1x1x16xf32>,
      %swap3A_1273 = arith.constant 0 : i32
      %swap3A_1274 = arith.constant 0 : i32
      %swap3A_1275 = arith.constant 0 : i32
      %swap3A_1276 = arith.constant 0 : i32
      %swap3A_1277 = tpu.memref_slice %arg6[%scan3A_544, %swap3A_1274, %swap3A_1275, %swap3A_1276] : memref<2x1x64x768xf32, #tpu.memory_space<vmem>> -> memref<1x1x64x768xf32, #tpu.memory_space<vmem>>
      %swap3A_1278 = tpu.memref_squeeze %swap3A_1277 : memref<1x1x64x768xf32, #tpu.memory_space<vmem>> -> memref<1x64x768xf32, #tpu.memory_space<vmem>>
      %swap3A_1279 = arith.index_cast %swap3A_1273 : i32 to index
      %swap3A_1280 = arith.index_cast %scan3A_1249 : i32 to index
      %swap3A_1281 = arith.constant 32 : index
      %swap3A_1282 = tpu.vector_load %swap3A_1278[%swap3A_1279, %swap3A_1280, %swap3A_1281] {strides = array<i32>} : memref<1x64x768xf32, #tpu.memory_space<vmem>>, vector<1x1x16xf32>,
      %swap3A_1283 = vector.shape_cast %swap3A_1282 : vector<1x1x16xf32> to vector<16xf32>
      %swap3A_1284 = vector.shape_cast %get3A_299 : vector<16xf32> to vector<1x1x16xf32>
      tpu.vector_store %swap3A_1278[%swap3A_1279, %swap3A_1280, %swap3A_1281], %swap3A_1284 {strides = array<i32>} : memref<1x64x768xf32, #tpu.memory_space<vmem>>, vector<1x1x16xf32>,
      %swap3A_1285 = arith.constant 0 : i32
      %swap3A_1286 = arith.constant 0 : i32
      %swap3A_1287 = arith.constant 0 : i32
      %swap3A_1288 = arith.constant 0 : i32
      %swap3A_1289 = tpu.memref_slice %arg6[%scan3A_544, %swap3A_1286, %swap3A_1287, %swap3A_1288] : memref<2x1x64x768xf32, #tpu.memory_space<vmem>> -> memref<1x1x64x768xf32, #tpu.memory_space<vmem>>
      %swap3A_1290 = tpu.memref_squeeze %swap3A_1289 : memref<1x1x64x768xf32, #tpu.memory_space<vmem>> -> memref<1x64x768xf32, #tpu.memory_space<vmem>>
      %swap3A_1291 = arith.index_cast %swap3A_1285 : i32 to index
      %swap3A_1292 = arith.index_cast %scan3A_1249 : i32 to index
      %swap3A_1293 = arith.constant 48 : index
      %swap3A_1294 = tpu.vector_load %swap3A_1290[%swap3A_1291, %swap3A_1292, %swap3A_1293] {strides = array<i32>} : memref<1x64x768xf32, #tpu.memory_space<vmem>>, vector<1x1x16xf32>,
      %swap3A_1295 = vector.shape_cast %swap3A_1294 : vector<1x1x16xf32> to vector<16xf32>
      %swap3A_1296 = vector.shape_cast %get3A_304 : vector<16xf32> to vector<1x1x16xf32>
      tpu.vector_store %swap3A_1290[%swap3A_1291, %swap3A_1292, %swap3A_1293], %swap3A_1296 {strides = array<i32>} : memref<1x64x768xf32, #tpu.memory_space<vmem>>, vector<1x1x16xf32>,
      %swap3A_1297 = arith.constant 0 : i32
      %swap3A_1298 = arith.constant 0 : i32
      %swap3A_1299 = arith.constant 0 : i32
      %swap3A_1300 = arith.constant 0 : i32
      %swap3A_1301 = tpu.memref_slice %arg6[%scan3A_544, %swap3A_1298, %swap3A_1299, %swap3A_1300] : memref<2x1x64x768xf32, #tpu.memory_space<vmem>> -> memref<1x1x64x768xf32, #tpu.memory_space<vmem>>
      %swap3A_1302 = tpu.memref_squeeze %swap3A_1301 : memref<1x1x64x768xf32, #tpu.memory_space<vmem>> -> memref<1x64x768xf32, #tpu.memory_space<vmem>>
      %swap3A_1303 = arith.index_cast %swap3A_1297 : i32 to index
      %swap3A_1304 = arith.index_cast %scan3A_1249 : i32 to index
      %swap3A_1305 = arith.constant 64 : index
      %swap3A_1306 = tpu.vector_load %swap3A_1302[%swap3A_1303, %swap3A_1304, %swap3A_1305] {strides = array<i32>} : memref<1x64x768xf32, #tpu.memory_space<vmem>>, vector<1x1x16xf32>,
      %swap3A_1307 = vector.shape_cast %swap3A_1306 : vector<1x1x16xf32> to vector<16xf32>
      %swap3A_1308 = vector.shape_cast %get3A_309 : vector<16xf32> to vector<1x1x16xf32>
      tpu.vector_store %swap3A_1302[%swap3A_1303, %swap3A_1304, %swap3A_1305], %swap3A_1308 {strides = array<i32>} : memref<1x64x768xf32, #tpu.memory_space<vmem>>, vector<1x1x16xf32>,
      %swap3A_1309 = arith.constant 0 : i32
      %swap3A_1310 = arith.constant 0 : i32
      %swap3A_1311 = arith.constant 0 : i32
      %swap3A_1312 = arith.constant 0 : i32
      %swap3A_1313 = tpu.memref_slice %arg6[%scan3A_544, %swap3A_1310, %swap3A_1311, %swap3A_1312] : memref<2x1x64x768xf32, #tpu.memory_space<vmem>> -> memref<1x1x64x768xf32, #tpu.memory_space<vmem>>
      %swap3A_1314 = tpu.memref_squeeze %swap3A_1313 : memref<1x1x64x768xf32, #tpu.memory_space<vmem>> -> memref<1x64x768xf32, #tpu.memory_space<vmem>>
      %swap3A_1315 = arith.index_cast %swap3A_1309 : i32 to index
      %swap3A_1316 = arith.index_cast %scan3A_1249 : i32 to index
      %swap3A_1317 = arith.constant 80 : index
      %swap3A_1318 = tpu.vector_load %swap3A_1314[%swap3A_1315, %swap3A_1316, %swap3A_1317] {strides = array<i32>} : memref<1x64x768xf32, #tpu.memory_space<vmem>>, vector<1x1x16xf32>,
      %swap3A_1319 = vector.shape_cast %swap3A_1318 : vector<1x1x16xf32> to vector<16xf32>
      %swap3A_1320 = vector.shape_cast %get3A_314 : vector<16xf32> to vector<1x1x16xf32>
      tpu.vector_store %swap3A_1314[%swap3A_1315, %swap3A_1316, %swap3A_1317], %swap3A_1320 {strides = array<i32>} : memref<1x64x768xf32, #tpu.memory_space<vmem>>, vector<1x1x16xf32>,
      %swap3A_1321 = arith.constant 0 : i32
      %swap3A_1322 = arith.constant 0 : i32
      %swap3A_1323 = arith.constant 0 : i32
      %swap3A_1324 = arith.constant 0 : i32
      %swap3A_1325 = tpu.memref_slice %arg6[%scan3A_544, %swap3A_1322, %swap3A_1323, %swap3A_1324] : memref<2x1x64x768xf32, #tpu.memory_space<vmem>> -> memref<1x1x64x768xf32, #tpu.memory_space<vmem>>
      %swap3A_1326 = tpu.memref_squeeze %swap3A_1325 : memref<1x1x64x768xf32, #tpu.memory_space<vmem>> -> memref<1x64x768xf32, #tpu.memory_space<vmem>>
      %swap3A_1327 = arith.index_cast %swap3A_1321 : i32 to index
      %swap3A_1328 = arith.index_cast %scan3A_1249 : i32 to index
      %swap3A_1329 = arith.constant 96 : index
      %swap3A_1330 = tpu.vector_load %swap3A_1326[%swap3A_1327, %swap3A_1328, %swap3A_1329] {strides = array<i32>} : memref<1x64x768xf32, #tpu.memory_space<vmem>>, vector<1x1x16xf32>,
      %swap3A_1331 = vector.shape_cast %swap3A_1330 : vector<1x1x16xf32> to vector<16xf32>
      %swap3A_1332 = vector.shape_cast %get3A_319 : vector<16xf32> to vector<1x1x16xf32>
      tpu.vector_store %swap3A_1326[%swap3A_1327, %swap3A_1328, %swap3A_1329], %swap3A_1332 {strides = array<i32>} : memref<1x64x768xf32, #tpu.memory_space<vmem>>, vector<1x1x16xf32>,
      %swap3A_1333 = arith.constant 0 : i32
      %swap3A_1334 = arith.constant 0 : i32
      %swap3A_1335 = arith.constant 0 : i32
      %swap3A_1336 = arith.constant 0 : i32
      %swap3A_1337 = tpu.memref_slice %arg6[%scan3A_544, %swap3A_1334, %swap3A_1335, %swap3A_1336] : memref<2x1x64x768xf32, #tpu.memory_space<vmem>> -> memref<1x1x64x768xf32, #tpu.memory_space<vmem>>
      %swap3A_1338 = tpu.memref_squeeze %swap3A_1337 : memref<1x1x64x768xf32, #tpu.memory_space<vmem>> -> memref<1x64x768xf32, #tpu.memory_space<vmem>>
      %swap3A_1339 = arith.index_cast %swap3A_1333 : i32 to index
      %swap3A_1340 = arith.index_cast %scan3A_1249 : i32 to index
      %swap3A_1341 = arith.constant 112 : index
      %swap3A_1342 = tpu.vector_load %swap3A_1338[%swap3A_1339, %swap3A_1340, %swap3A_1341] {strides = array<i32>} : memref<1x64x768xf32, #tpu.memory_space<vmem>>, vector<1x1x16xf32>,
      %swap3A_1343 = vector.shape_cast %swap3A_1342 : vector<1x1x16xf32> to vector<16xf32>
      %swap3A_1344 = vector.shape_cast %get3A_324 : vector<16xf32> to vector<1x1x16xf32>
      tpu.vector_store %swap3A_1338[%swap3A_1339, %swap3A_1340, %swap3A_1341], %swap3A_1344 {strides = array<i32>} : memref<1x64x768xf32, #tpu.memory_space<vmem>>, vector<1x1x16xf32>,
      %swap3A_1345 = arith.constant 0 : i32
      %swap3A_1346 = arith.constant 0 : i32
      %swap3A_1347 = arith.constant 0 : i32
      %swap3A_1348 = arith.constant 0 : i32
      %swap3A_1349 = tpu.memref_slice %arg6[%scan3A_544, %swap3A_1346, %swap3A_1347, %swap3A_1348] : memref<2x1x64x768xf32, #tpu.memory_space<vmem>> -> memref<1x1x64x768xf32, #tpu.memory_space<vmem>>
      %swap3A_1350 = tpu.memref_squeeze %swap3A_1349 : memref<1x1x64x768xf32, #tpu.memory_space<vmem>> -> memref<1x64x768xf32, #tpu.memory_space<vmem>>
      %swap3A_1351 = arith.index_cast %swap3A_1345 : i32 to index
      %swap3A_1352 = arith.index_cast %scan3A_1249 : i32 to index
      %swap3A_1353 = arith.constant 128 : index
      %swap3A_1354 = tpu.vector_load %swap3A_1350[%swap3A_1351, %swap3A_1352, %swap3A_1353] {strides = array<i32>} : memref<1x64x768xf32, #tpu.memory_space<vmem>>, vector<1x1x16xf32>,
      %swap3A_1355 = vector.shape_cast %swap3A_1354 : vector<1x1x16xf32> to vector<16xf32>
      %swap3A_1356 = vector.shape_cast %get3A_329 : vector<16xf32> to vector<1x1x16xf32>
      tpu.vector_store %swap3A_1350[%swap3A_1351, %swap3A_1352, %swap3A_1353], %swap3A_1356 {strides = array<i32>} : memref<1x64x768xf32, #tpu.memory_space<vmem>>, vector<1x1x16xf32>,
      %swap3A_1357 = arith.constant 0 : i32
      %swap3A_1358 = arith.constant 0 : i32
      %swap3A_1359 = arith.constant 0 : i32
      %swap3A_1360 = arith.constant 0 : i32
      %swap3A_1361 = tpu.memref_slice %arg6[%scan3A_544, %swap3A_1358, %swap3A_1359, %swap3A_1360] : memref<2x1x64x768xf32, #tpu.memory_space<vmem>> -> memref<1x1x64x768xf32, #tpu.memory_space<vmem>>
      %swap3A_1362 = tpu.memref_squeeze %swap3A_1361 : memref<1x1x64x768xf32, #tpu.memory_space<vmem>> -> memref<1x64x768xf32, #tpu.memory_space<vmem>>
      %swap3A_1363 = arith.index_cast %swap3A_1357 : i32 to index
      %swap3A_1364 = arith.index_cast %scan3A_1249 : i32 to index
      %swap3A_1365 = arith.constant 144 : index
      %swap3A_1366 = tpu.vector_load %swap3A_1362[%swap3A_1363, %swap3A_1364, %swap3A_1365] {strides = array<i32>} : memref<1x64x768xf32, #tpu.memory_space<vmem>>, vector<1x1x16xf32>,
      %swap3A_1367 = vector.shape_cast %swap3A_1366 : vector<1x1x16xf32> to vector<16xf32>
      %swap3A_1368 = vector.shape_cast %get3A_334 : vector<16xf32> to vector<1x1x16xf32>
      tpu.vector_store %swap3A_1362[%swap3A_1363, %swap3A_1364, %swap3A_1365], %swap3A_1368 {strides = array<i32>} : memref<1x64x768xf32, #tpu.memory_space<vmem>>, vector<1x1x16xf32>,
      %swap3A_1369 = arith.constant 0 : i32
      %swap3A_1370 = arith.constant 0 : i32
      %swap3A_1371 = arith.constant 0 : i32
      %swap3A_1372 = arith.constant 0 : i32
      %swap3A_1373 = tpu.memref_slice %arg6[%scan3A_544, %swap3A_1370, %swap3A_1371, %swap3A_1372] : memref<2x1x64x768xf32, #tpu.memory_space<vmem>> -> memref<1x1x64x768xf32, #tpu.memory_space<vmem>>
      %swap3A_1374 = tpu.memref_squeeze %swap3A_1373 : memref<1x1x64x768xf32, #tpu.memory_space<vmem>> -> memref<1x64x768xf32, #tpu.memory_space<vmem>>
      %swap3A_1375 = arith.index_cast %swap3A_1369 : i32 to index
      %swap3A_1376 = arith.index_cast %scan3A_1249 : i32 to index
      %swap3A_1377 = arith.constant 160 : index
      %swap3A_1378 = tpu.vector_load %swap3A_1374[%swap3A_1375, %swap3A_1376, %swap3A_1377] {strides = array<i32>} : memref<1x64x768xf32, #tpu.memory_space<vmem>>, vector<1x1x16xf32>,
      %swap3A_1379 = vector.shape_cast %swap3A_1378 : vector<1x1x16xf32> to vector<16xf32>
      %swap3A_1380 = vector.shape_cast %get3A_339 : vector<16xf32> to vector<1x1x16xf32>
      tpu.vector_store %swap3A_1374[%swap3A_1375, %swap3A_1376, %swap3A_1377], %swap3A_1380 {strides = array<i32>} : memref<1x64x768xf32, #tpu.memory_space<vmem>>, vector<1x1x16xf32>,
      %swap3A_1381 = arith.constant 0 : i32
      %swap3A_1382 = arith.constant 0 : i32
      %swap3A_1383 = arith.constant 0 : i32
      %swap3A_1384 = arith.constant 0 : i32
      %swap3A_1385 = tpu.memref_slice %arg6[%scan3A_544, %swap3A_1382, %swap3A_1383, %swap3A_1384] : memref<2x1x64x768xf32, #tpu.memory_space<vmem>> -> memref<1x1x64x768xf32, #tpu.memory_space<vmem>>
      %swap3A_1386 = tpu.memref_squeeze %swap3A_1385 : memref<1x1x64x768xf32, #tpu.memory_space<vmem>> -> memref<1x64x768xf32, #tpu.memory_space<vmem>>
      %swap3A_1387 = arith.index_cast %swap3A_1381 : i32 to index
      %swap3A_1388 = arith.index_cast %scan3A_1249 : i32 to index
      %swap3A_1389 = arith.constant 176 : index
      %swap3A_1390 = tpu.vector_load %swap3A_1386[%swap3A_1387, %swap3A_1388, %swap3A_1389] {strides = array<i32>} : memref<1x64x768xf32, #tpu.memory_space<vmem>>, vector<1x1x16xf32>,
      %swap3A_1391 = vector.shape_cast %swap3A_1390 : vector<1x1x16xf32> to vector<16xf32>
      %swap3A_1392 = vector.shape_cast %get3A_344 : vector<16xf32> to vector<1x1x16xf32>
      tpu.vector_store %swap3A_1386[%swap3A_1387, %swap3A_1388, %swap3A_1389], %swap3A_1392 {strides = array<i32>} : memref<1x64x768xf32, #tpu.memory_space<vmem>>, vector<1x1x16xf32>,
      %swap3A_1393 = arith.constant 0 : i32
      %swap3A_1394 = arith.constant 0 : i32
      %swap3A_1395 = arith.constant 0 : i32
      %swap3A_1396 = arith.constant 0 : i32
      %swap3A_1397 = tpu.memref_slice %arg6[%scan3A_544, %swap3A_1394, %swap3A_1395, %swap3A_1396] : memref<2x1x64x768xf32, #tpu.memory_space<vmem>> -> memref<1x1x64x768xf32, #tpu.memory_space<vmem>>
      %swap3A_1398 = tpu.memref_squeeze %swap3A_1397 : memref<1x1x64x768xf32, #tpu.memory_space<vmem>> -> memref<1x64x768xf32, #tpu.memory_space<vmem>>
      %swap3A_1399 = arith.index_cast %swap3A_1393 : i32 to index
      %swap3A_1400 = arith.index_cast %scan3A_1249 : i32 to index
      %swap3A_1401 = arith.constant 192 : index
      %swap3A_1402 = tpu.vector_load %swap3A_1398[%swap3A_1399, %swap3A_1400, %swap3A_1401] {strides = array<i32>} : memref<1x64x768xf32, #tpu.memory_space<vmem>>, vector<1x1x16xf32>,
      %swap3A_1403 = vector.shape_cast %swap3A_1402 : vector<1x1x16xf32> to vector<16xf32>
      %swap3A_1404 = vector.shape_cast %get3A_349 : vector<16xf32> to vector<1x1x16xf32>
      tpu.vector_store %swap3A_1398[%swap3A_1399, %swap3A_1400, %swap3A_1401], %swap3A_1404 {strides = array<i32>} : memref<1x64x768xf32, #tpu.memory_space<vmem>>, vector<1x1x16xf32>,
      %swap3A_1405 = arith.constant 0 : i32
      %swap3A_1406 = arith.constant 0 : i32
      %swap3A_1407 = arith.constant 0 : i32
      %swap3A_1408 = arith.constant 0 : i32
      %swap3A_1409 = tpu.memref_slice %arg6[%scan3A_544, %swap3A_1406, %swap3A_1407, %swap3A_1408] : memref<2x1x64x768xf32, #tpu.memory_space<vmem>> -> memref<1x1x64x768xf32, #tpu.memory_space<vmem>>
      %swap3A_1410 = tpu.memref_squeeze %swap3A_1409 : memref<1x1x64x768xf32, #tpu.memory_space<vmem>> -> memref<1x64x768xf32, #tpu.memory_space<vmem>>
      %swap3A_1411 = arith.index_cast %swap3A_1405 : i32 to index
      %swap3A_1412 = arith.index_cast %scan3A_1249 : i32 to index
      %swap3A_1413 = arith.constant 208 : index
      %swap3A_1414 = tpu.vector_load %swap3A_1410[%swap3A_1411, %swap3A_1412, %swap3A_1413] {strides = array<i32>} : memref<1x64x768xf32, #tpu.memory_space<vmem>>, vector<1x1x16xf32>,
      %swap3A_1415 = vector.shape_cast %swap3A_1414 : vector<1x1x16xf32> to vector<16xf32>
      %swap3A_1416 = vector.shape_cast %get3A_354 : vector<16xf32> to vector<1x1x16xf32>
      tpu.vector_store %swap3A_1410[%swap3A_1411, %swap3A_1412, %swap3A_1413], %swap3A_1416 {strides = array<i32>} : memref<1x64x768xf32, #tpu.memory_space<vmem>>, vector<1x1x16xf32>,
      %swap3A_1417 = arith.constant 0 : i32
      %swap3A_1418 = arith.constant 0 : i32
      %swap3A_1419 = arith.constant 0 : i32
      %swap3A_1420 = arith.constant 0 : i32
      %swap3A_1421 = tpu.memref_slice %arg6[%scan3A_544, %swap3A_1418, %swap3A_1419, %swap3A_1420] : memref<2x1x64x768xf32, #tpu.memory_space<vmem>> -> memref<1x1x64x768xf32, #tpu.memory_space<vmem>>
      %swap3A_1422 = tpu.memref_squeeze %swap3A_1421 : memref<1x1x64x768xf32, #tpu.memory_space<vmem>> -> memref<1x64x768xf32, #tpu.memory_space<vmem>>
      %swap3A_1423 = arith.index_cast %swap3A_1417 : i32 to index
      %swap3A_1424 = arith.index_cast %scan3A_1249 : i32 to index
      %swap3A_1425 = arith.constant 224 : index
      %swap3A_1426 = tpu.vector_load %swap3A_1422[%swap3A_1423, %swap3A_1424, %swap3A_1425] {strides = array<i32>} : memref<1x64x768xf32, #tpu.memory_space<vmem>>, vector<1x1x16xf32>,
      %swap3A_1427 = vector.shape_cast %swap3A_1426 : vector<1x1x16xf32> to vector<16xf32>
      %swap3A_1428 = vector.shape_cast %get3A_359 : vector<16xf32> to vector<1x1x16xf32>
      tpu.vector_store %swap3A_1422[%swap3A_1423, %swap3A_1424, %swap3A_1425], %swap3A_1428 {strides = array<i32>} : memref<1x64x768xf32, #tpu.memory_space<vmem>>, vector<1x1x16xf32>,
      %swap3A_1429 = arith.constant 0 : i32
      %swap3A_1430 = arith.constant 0 : i32
      %swap3A_1431 = arith.constant 0 : i32
      %swap3A_1432 = arith.constant 0 : i32
      %swap3A_1433 = tpu.memref_slice %arg6[%scan3A_544, %swap3A_1430, %swap3A_1431, %swap3A_1432] : memref<2x1x64x768xf32, #tpu.memory_space<vmem>> -> memref<1x1x64x768xf32, #tpu.memory_space<vmem>>
      %swap3A_1434 = tpu.memref_squeeze %swap3A_1433 : memref<1x1x64x768xf32, #tpu.memory_space<vmem>> -> memref<1x64x768xf32, #tpu.memory_space<vmem>>
      %swap3A_1435 = arith.index_cast %swap3A_1429 : i32 to index
      %swap3A_1436 = arith.index_cast %scan3A_1249 : i32 to index
      %swap3A_1437 = arith.constant 240 : index
      %swap3A_1438 = tpu.vector_load %swap3A_1434[%swap3A_1435, %swap3A_1436, %swap3A_1437] {strides = array<i32>} : memref<1x64x768xf32, #tpu.memory_space<vmem>>, vector<1x1x16xf32>,
      %swap3A_1439 = vector.shape_cast %swap3A_1438 : vector<1x1x16xf32> to vector<16xf32>
      %swap3A_1440 = vector.shape_cast %get3A_364 : vector<16xf32> to vector<1x1x16xf32>
      tpu.vector_store %swap3A_1434[%swap3A_1435, %swap3A_1436, %swap3A_1437], %swap3A_1440 {strides = array<i32>} : memref<1x64x768xf32, #tpu.memory_space<vmem>>, vector<1x1x16xf32>,
      %swap3A_1441 = arith.constant 0 : i32
      %swap3A_1442 = arith.constant 0 : i32
      %swap3A_1443 = arith.constant 0 : i32
      %swap3A_1444 = arith.constant 0 : i32
      %swap3A_1445 = tpu.memref_slice %arg6[%scan3A_544, %swap3A_1442, %swap3A_1443, %swap3A_1444] : memref<2x1x64x768xf32, #tpu.memory_space<vmem>> -> memref<1x1x64x768xf32, #tpu.memory_space<vmem>>
      %swap3A_1446 = tpu.memref_squeeze %swap3A_1445 : memref<1x1x64x768xf32, #tpu.memory_space<vmem>> -> memref<1x64x768xf32, #tpu.memory_space<vmem>>
      %swap3A_1447 = arith.index_cast %swap3A_1441 : i32 to index
      %swap3A_1448 = arith.index_cast %scan3A_1249 : i32 to index
      %swap3A_1449 = arith.constant 256 : index
      %swap3A_1450 = tpu.vector_load %swap3A_1446[%swap3A_1447, %swap3A_1448, %swap3A_1449] {strides = array<i32>} : memref<1x64x768xf32, #tpu.memory_space<vmem>>, vector<1x1x16xf32>,
      %swap3A_1451 = vector.shape_cast %swap3A_1450 : vector<1x1x16xf32> to vector<16xf32>
      %swap3A_1452 = vector.shape_cast %get3A_369 : vector<16xf32> to vector<1x1x16xf32>
      tpu.vector_store %swap3A_1446[%swap3A_1447, %swap3A_1448, %swap3A_1449], %swap3A_1452 {strides = array<i32>} : memref<1x64x768xf32, #tpu.memory_space<vmem>>, vector<1x1x16xf32>,
      %swap3A_1453 = arith.constant 0 : i32
      %swap3A_1454 = arith.constant 0 : i32
      %swap3A_1455 = arith.constant 0 : i32
      %swap3A_1456 = arith.constant 0 : i32
      %swap3A_1457 = tpu.memref_slice %arg6[%scan3A_544, %swap3A_1454, %swap3A_1455, %swap3A_1456] : memref<2x1x64x768xf32, #tpu.memory_space<vmem>> -> memref<1x1x64x768xf32, #tpu.memory_space<vmem>>
      %swap3A_1458 = tpu.memref_squeeze %swap3A_1457 : memref<1x1x64x768xf32, #tpu.memory_space<vmem>> -> memref<1x64x768xf32, #tpu.memory_space<vmem>>
      %swap3A_1459 = arith.index_cast %swap3A_1453 : i32 to index
      %swap3A_1460 = arith.index_cast %scan3A_1249 : i32 to index
      %swap3A_1461 = arith.constant 272 : index
      %swap3A_1462 = tpu.vector_load %swap3A_1458[%swap3A_1459, %swap3A_1460, %swap3A_1461] {strides = array<i32>} : memref<1x64x768xf32, #tpu.memory_space<vmem>>, vector<1x1x16xf32>,
      %swap3A_1463 = vector.shape_cast %swap3A_1462 : vector<1x1x16xf32> to vector<16xf32>
      %swap3A_1464 = vector.shape_cast %get3A_374 : vector<16xf32> to vector<1x1x16xf32>
      tpu.vector_store %swap3A_1458[%swap3A_1459, %swap3A_1460, %swap3A_1461], %swap3A_1464 {strides = array<i32>} : memref<1x64x768xf32, #tpu.memory_space<vmem>>, vector<1x1x16xf32>,
      %swap3A_1465 = arith.constant 0 : i32
      %swap3A_1466 = arith.constant 0 : i32
      %swap3A_1467 = arith.constant 0 : i32
      %swap3A_1468 = arith.constant 0 : i32
      %swap3A_1469 = tpu.memref_slice %arg6[%scan3A_544, %swap3A_1466, %swap3A_1467, %swap3A_1468] : memref<2x1x64x768xf32, #tpu.memory_space<vmem>> -> memref<1x1x64x768xf32, #tpu.memory_space<vmem>>
      %swap3A_1470 = tpu.memref_squeeze %swap3A_1469 : memref<1x1x64x768xf32, #tpu.memory_space<vmem>> -> memref<1x64x768xf32, #tpu.memory_space<vmem>>
      %swap3A_1471 = arith.index_cast %swap3A_1465 : i32 to index
      %swap3A_1472 = arith.index_cast %scan3A_1249 : i32 to index
      %swap3A_1473 = arith.constant 288 : index
      %swap3A_1474 = tpu.vector_load %swap3A_1470[%swap3A_1471, %swap3A_1472, %swap3A_1473] {strides = array<i32>} : memref<1x64x768xf32, #tpu.memory_space<vmem>>, vector<1x1x16xf32>,
      %swap3A_1475 = vector.shape_cast %swap3A_1474 : vector<1x1x16xf32> to vector<16xf32>
      %swap3A_1476 = vector.shape_cast %get3A_379 : vector<16xf32> to vector<1x1x16xf32>
      tpu.vector_store %swap3A_1470[%swap3A_1471, %swap3A_1472, %swap3A_1473], %swap3A_1476 {strides = array<i32>} : memref<1x64x768xf32, #tpu.memory_space<vmem>>, vector<1x1x16xf32>,
      %swap3A_1477 = arith.constant 0 : i32
      %swap3A_1478 = arith.constant 0 : i32
      %swap3A_1479 = arith.constant 0 : i32
      %swap3A_1480 = arith.constant 0 : i32
      %swap3A_1481 = tpu.memref_slice %arg6[%scan3A_544, %swap3A_1478, %swap3A_1479, %swap3A_1480] : memref<2x1x64x768xf32, #tpu.memory_space<vmem>> -> memref<1x1x64x768xf32, #tpu.memory_space<vmem>>
      %swap3A_1482 = tpu.memref_squeeze %swap3A_1481 : memref<1x1x64x768xf32, #tpu.memory_space<vmem>> -> memref<1x64x768xf32, #tpu.memory_space<vmem>>
      %swap3A_1483 = arith.index_cast %swap3A_1477 : i32 to index
      %swap3A_1484 = arith.index_cast %scan3A_1249 : i32 to index
      %swap3A_1485 = arith.constant 304 : index
      %swap3A_1486 = tpu.vector_load %swap3A_1482[%swap3A_1483, %swap3A_1484, %swap3A_1485] {strides = array<i32>} : memref<1x64x768xf32, #tpu.memory_space<vmem>>, vector<1x1x16xf32>,
      %swap3A_1487 = vector.shape_cast %swap3A_1486 : vector<1x1x16xf32> to vector<16xf32>
      %swap3A_1488 = vector.shape_cast %get3A_384 : vector<16xf32> to vector<1x1x16xf32>
      tpu.vector_store %swap3A_1482[%swap3A_1483, %swap3A_1484, %swap3A_1485], %swap3A_1488 {strides = array<i32>} : memref<1x64x768xf32, #tpu.memory_space<vmem>>, vector<1x1x16xf32>,
      %swap3A_1489 = arith.constant 0 : i32
      %swap3A_1490 = arith.constant 0 : i32
      %swap3A_1491 = arith.constant 0 : i32
      %swap3A_1492 = arith.constant 0 : i32
      %swap3A_1493 = tpu.memref_slice %arg6[%scan3A_544, %swap3A_1490, %swap3A_1491, %swap3A_1492] : memref<2x1x64x768xf32, #tpu.memory_space<vmem>> -> memref<1x1x64x768xf32, #tpu.memory_space<vmem>>
      %swap3A_1494 = tpu.memref_squeeze %swap3A_1493 : memref<1x1x64x768xf32, #tpu.memory_space<vmem>> -> memref<1x64x768xf32, #tpu.memory_space<vmem>>
      %swap3A_1495 = arith.index_cast %swap3A_1489 : i32 to index
      %swap3A_1496 = arith.index_cast %scan3A_1249 : i32 to index
      %swap3A_1497 = arith.constant 320 : index
      %swap3A_1498 = tpu.vector_load %swap3A_1494[%swap3A_1495, %swap3A_1496, %swap3A_1497] {strides = array<i32>} : memref<1x64x768xf32, #tpu.memory_space<vmem>>, vector<1x1x16xf32>,
      %swap3A_1499 = vector.shape_cast %swap3A_1498 : vector<1x1x16xf32> to vector<16xf32>
      %swap3A_1500 = vector.shape_cast %get3A_389 : vector<16xf32> to vector<1x1x16xf32>
      tpu.vector_store %swap3A_1494[%swap3A_1495, %swap3A_1496, %swap3A_1497], %swap3A_1500 {strides = array<i32>} : memref<1x64x768xf32, #tpu.memory_space<vmem>>, vector<1x1x16xf32>,
      %swap3A_1501 = arith.constant 0 : i32
      %swap3A_1502 = arith.constant 0 : i32
      %swap3A_1503 = arith.constant 0 : i32
      %swap3A_1504 = arith.constant 0 : i32
      %swap3A_1505 = tpu.memref_slice %arg6[%scan3A_544, %swap3A_1502, %swap3A_1503, %swap3A_1504] : memref<2x1x64x768xf32, #tpu.memory_space<vmem>> -> memref<1x1x64x768xf32, #tpu.memory_space<vmem>>
      %swap3A_1506 = tpu.memref_squeeze %swap3A_1505 : memref<1x1x64x768xf32, #tpu.memory_space<vmem>> -> memref<1x64x768xf32, #tpu.memory_space<vmem>>
      %swap3A_1507 = arith.index_cast %swap3A_1501 : i32 to index
      %swap3A_1508 = arith.index_cast %scan3A_1249 : i32 to index
      %swap3A_1509 = arith.constant 336 : index
      %swap3A_1510 = tpu.vector_load %swap3A_1506[%swap3A_1507, %swap3A_1508, %swap3A_1509] {strides = array<i32>} : memref<1x64x768xf32, #tpu.memory_space<vmem>>, vector<1x1x16xf32>,
      %swap3A_1511 = vector.shape_cast %swap3A_1510 : vector<1x1x16xf32> to vector<16xf32>
      %swap3A_1512 = vector.shape_cast %get3A_394 : vector<16xf32> to vector<1x1x16xf32>
      tpu.vector_store %swap3A_1506[%swap3A_1507, %swap3A_1508, %swap3A_1509], %swap3A_1512 {strides = array<i32>} : memref<1x64x768xf32, #tpu.memory_space<vmem>>, vector<1x1x16xf32>,
      %swap3A_1513 = arith.constant 0 : i32
      %swap3A_1514 = arith.constant 0 : i32
      %swap3A_1515 = arith.constant 0 : i32
      %swap3A_1516 = arith.constant 0 : i32
      %swap3A_1517 = tpu.memref_slice %arg6[%scan3A_544, %swap3A_1514, %swap3A_1515, %swap3A_1516] : memref<2x1x64x768xf32, #tpu.memory_space<vmem>> -> memref<1x1x64x768xf32, #tpu.memory_space<vmem>>
      %swap3A_1518 = tpu.memref_squeeze %swap3A_1517 : memref<1x1x64x768xf32, #tpu.memory_space<vmem>> -> memref<1x64x768xf32, #tpu.memory_space<vmem>>
      %swap3A_1519 = arith.index_cast %swap3A_1513 : i32 to index
      %swap3A_1520 = arith.index_cast %scan3A_1249 : i32 to index
      %swap3A_1521 = arith.constant 352 : index
      %swap3A_1522 = tpu.vector_load %swap3A_1518[%swap3A_1519, %swap3A_1520, %swap3A_1521] {strides = array<i32>} : memref<1x64x768xf32, #tpu.memory_space<vmem>>, vector<1x1x16xf32>,
      %swap3A_1523 = vector.shape_cast %swap3A_1522 : vector<1x1x16xf32> to vector<16xf32>
      %swap3A_1524 = vector.shape_cast %get3A_399 : vector<16xf32> to vector<1x1x16xf32>
      tpu.vector_store %swap3A_1518[%swap3A_1519, %swap3A_1520, %swap3A_1521], %swap3A_1524 {strides = array<i32>} : memref<1x64x768xf32, #tpu.memory_space<vmem>>, vector<1x1x16xf32>,
      %swap3A_1525 = arith.constant 0 : i32
      %swap3A_1526 = arith.constant 0 : i32
      %swap3A_1527 = arith.constant 0 : i32
      %swap3A_1528 = arith.constant 0 : i32
      %swap3A_1529 = tpu.memref_slice %arg6[%scan3A_544, %swap3A_1526, %swap3A_1527, %swap3A_1528] : memref<2x1x64x768xf32, #tpu.memory_space<vmem>> -> memref<1x1x64x768xf32, #tpu.memory_space<vmem>>
      %swap3A_1530 = tpu.memref_squeeze %swap3A_1529 : memref<1x1x64x768xf32, #tpu.memory_space<vmem>> -> memref<1x64x768xf32, #tpu.memory_space<vmem>>
      %swap3A_1531 = arith.index_cast %swap3A_1525 : i32 to index
      %swap3A_1532 = arith.index_cast %scan3A_1249 : i32 to index
      %swap3A_1533 = arith.constant 368 : index
      %swap3A_1534 = tpu.vector_load %swap3A_1530[%swap3A_1531, %swap3A_1532, %swap3A_1533] {strides = array<i32>} : memref<1x64x768xf32, #tpu.memory_space<vmem>>, vector<1x1x16xf32>,
      %swap3A_1535 = vector.shape_cast %swap3A_1534 : vector<1x1x16xf32> to vector<16xf32>
      %swap3A_1536 = vector.shape_cast %get3A_404 : vector<16xf32> to vector<1x1x16xf32>
      tpu.vector_store %swap3A_1530[%swap3A_1531, %swap3A_1532, %swap3A_1533], %swap3A_1536 {strides = array<i32>} : memref<1x64x768xf32, #tpu.memory_space<vmem>>, vector<1x1x16xf32>,
    }
    %scan3A_549 = arith.constant 64 : i32
    %dma_wait3A_550 = arith.constant 1 : i32
    %dma_wait3A_551 = arith.constant 0 : i32
    %dma_wait3A_552 = arith.constant 0 : i32
    %dma_wait3A_553 = arith.constant 0 : i32
    %dma_wait3A_554 = arith.constant 0 : i32
    %dma_wait3A_555 = tpu.memref_slice %arg6[%dma_wait3A_550, %dma_wait3A_552, %dma_wait3A_553, %dma_wait3A_554] : memref<2x1x64x768xf32, #tpu.memory_space<vmem>> -> memref<1x1x64x768xf32, #tpu.memory_space<vmem>>
    %dma_wait3A_556 = tpu.memref_squeeze %dma_wait3A_555 : memref<1x1x64x768xf32, #tpu.memory_space<vmem>> -> memref<1x64x768xf32, #tpu.memory_space<vmem>>
    %dma_wait3A_557 = arith.constant 0 : i32
    %dma_wait3A_558 = arith.constant 384 : i32
    %dma_wait3A_559 = tpu.memref_slice %dma_wait3A_556[%dma_wait3A_551, %dma_wait3A_557, %dma_wait3A_558] : memref<1x64x768xf32, #tpu.memory_space<vmem>> -> memref<1x64x384xf32, #tpu.memory_space<vmem>>
    %dma_wait3A_560 = tpu.memref_squeeze %dma_wait3A_559 : memref<1x64x384xf32, #tpu.memory_space<vmem>> -> memref<64x384xf32, #tpu.memory_space<vmem>>
    %dma_wait3A_561 = arith.constant 64 : i32
    %dma_wait3A_562 = arith.constant 0 : i32
    %dma_wait3A_563 = tpu.memref_slice %arg5[%dma_wait3A_561, %dma_wait3A_562] : memref<128x384xf32, #tpu.memory_space<vmem_shared>> -> memref<64x384xf32, #tpu.memory_space<vmem_shared>>
    %dma_wait3A_564 = arith.constant 0 : i32
    %dma_wait3A_565 = arith.constant 0 : i32
    %dma_wait3A_566 = arith.constant 0 : i32
    %dma_wait3A_567 = tpu.memref_slice %arg6[%dma_wait3A_550, %dma_wait3A_564, %dma_wait3A_565, %dma_wait3A_566] : memref<2x1x64x768xf32, #tpu.memory_space<vmem>> -> memref<1x1x64x768xf32, #tpu.memory_space<vmem>>
    %dma_wait3A_568 = tpu.memref_squeeze %dma_wait3A_567 : memref<1x1x64x768xf32, #tpu.memory_space<vmem>> -> memref<1x64x768xf32, #tpu.memory_space<vmem>>
    %dma_wait3A_569 = arith.constant 0 : i32
    %dma_wait3A_570 = arith.constant 384 : i32
    %dma_wait3A_571 = tpu.memref_slice %dma_wait3A_568[%dma_wait3A_551, %dma_wait3A_569, %dma_wait3A_570] : memref<1x64x768xf32, #tpu.memory_space<vmem>> -> memref<1x64x384xf32, #tpu.memory_space<vmem>>
    %dma_wait3A_572 = tpu.memref_squeeze %dma_wait3A_571 : memref<1x64x384xf32, #tpu.memory_space<vmem>> -> memref<64x384xf32, #tpu.memory_space<vmem>>
    %dma_wait3A_573 = arith.constant 64 : i32
    %dma_wait3A_574 = arith.constant 0 : i32
    %dma_wait3A_575 = tpu.memref_slice %arg5[%dma_wait3A_573, %dma_wait3A_574] : memref<128x384xf32, #tpu.memory_space<vmem_shared>> -> memref<64x384xf32, #tpu.memory_space<vmem_shared>>
    tpu.wait_dma2 semaphore(%arg8 : memref<!tpu.dma_semaphore, #tpu.memory_space<semaphore_mem>>) src(%dma_wait3A_575 : memref<64x384xf32, #tpu.memory_space<vmem_shared>>) dst(%dma_wait3A_572 : memref<64x384xf32, #tpu.memory_space<vmem>>)
    %add3A_576 = arith.constant 1 : i32
    %add3A_577 = arith.addi %mul3A_2, %add3A_576 : i32
    %dma_start3A_578 = arith.constant 1 : i32
    %dma_start3A_579 = arith.constant 0 : i32
    %dma_start3A_580 = arith.constant 0 : i32
    %dma_start3A_581 = arith.constant 0 : i32
    %dma_start3A_582 = tpu.memref_slice %arg6[%dma_start3A_578, %dma_start3A_579, %dma_start3A_580, %dma_start3A_581] : memref<2x1x64x768xf32, #tpu.memory_space<vmem>> -> memref<1x1x64x768xf32, #tpu.memory_space<vmem>>
    %dma_start3A_583 = tpu.memref_squeeze %dma_start3A_582 : memref<1x1x64x768xf32, #tpu.memory_space<vmem>> -> memref<1x64x768xf32, #tpu.memory_space<vmem>>
    %dma_start3A_584 = arith.constant 64 : i32
    %dma_start3A_585 = arith.constant 0 : i32
    %dma_start3A_586 = tpu.memref_slice %arg4[%add3A_577, %dma_start3A_584, %dma_start3A_585] : memref<128x128x768xf32, #tpu.memory_space<hbm>> -> memref<1x64x768xf32, #tpu.memory_space<hbm>>
    %dma_start3A_587 = arith.constant 64 : i32
    %dma_start3A_588 = arith.constant 0 : i32
    %dma_start3A_589 = tpu.memref_slice %arg4[%add3A_577, %dma_start3A_587, %dma_start3A_588] : memref<128x128x768xf32, #tpu.memory_space<hbm>> -> memref<1x64x768xf32, #tpu.memory_space<hbm>>
    %dma_start3A_590 = arith.constant 0 : i32
    %dma_start3A_591 = arith.constant 0 : i32
    %dma_start3A_592 = arith.constant 0 : i32
    %dma_start3A_593 = tpu.memref_slice %arg6[%dma_start3A_578, %dma_start3A_590, %dma_start3A_591, %dma_start3A_592] : memref<2x1x64x768xf32, #tpu.memory_space<vmem>> -> memref<1x1x64x768xf32, #tpu.memory_space<vmem>>
    %dma_start3A_594 = tpu.memref_squeeze %dma_start3A_593 : memref<1x1x64x768xf32, #tpu.memory_space<vmem>> -> memref<1x64x768xf32, #tpu.memory_space<vmem>>
    tpu.enqueue_dma source(%dma_start3A_594 : memref<1x64x768xf32, #tpu.memory_space<vmem>>) target(%dma_start3A_589 : memref<1x64x768xf32, #tpu.memory_space<hbm>>) target_semaphore(%arg9 : memref<!tpu.dma_semaphore, #tpu.memory_space<semaphore_mem>>)
    %get3A_595 = arith.constant 2 : i32
    %get3A_596 = arith.index_cast %get3A_595 : i32 to index
    %get3A_597 = arith.constant 0 : index
    %get3A_598 = tpu.vector_load %arg7[%get3A_596, %get3A_597] {strides = array<i32>} : memref<4x384xf32, #tpu.memory_space<vmem>>, vector<1x16xf32>,
    %get3A_599 = vector.shape_cast %get3A_598 : vector<1x16xf32> to vector<16xf32>
    %get3A_600 = arith.constant 2 : i32
    %get3A_601 = arith.index_cast %get3A_600 : i32 to index
    %get3A_602 = arith.constant 16 : index
    %get3A_603 = tpu.vector_load %arg7[%get3A_601, %get3A_602] {strides = array<i32>} : memref<4x384xf32, #tpu.memory_space<vmem>>, vector<1x16xf32>,
    %get3A_604 = vector.shape_cast %get3A_603 : vector<1x16xf32> to vector<16xf32>
    %get3A_605 = arith.constant 2 : i32
    %get3A_606 = arith.index_cast %get3A_605 : i32 to index
    %get3A_607 = arith.constant 32 : index
    %get3A_608 = tpu.vector_load %arg7[%get3A_606, %get3A_607] {strides = array<i32>} : memref<4x384xf32, #tpu.memory_space<vmem>>, vector<1x16xf32>,
    %get3A_609 = vector.shape_cast %get3A_608 : vector<1x16xf32> to vector<16xf32>
    %get3A_610 = arith.constant 2 : i32
    %get3A_611 = arith.index_cast %get3A_610 : i32 to index
    %get3A_612 = arith.constant 48 : index
    %get3A_613 = tpu.vector_load %arg7[%get3A_611, %get3A_612] {strides = array<i32>} : memref<4x384xf32, #tpu.memory_space<vmem>>, vector<1x16xf32>,
    %get3A_614 = vector.shape_cast %get3A_613 : vector<1x16xf32> to vector<16xf32>
    %get3A_615 = arith.constant 2 : i32
    %get3A_616 = arith.index_cast %get3A_615 : i32 to index
    %get3A_617 = arith.constant 64 : index
    %get3A_618 = tpu.vector_load %arg7[%get3A_616, %get3A_617] {strides = array<i32>} : memref<4x384xf32, #tpu.memory_space<vmem>>, vector<1x16xf32>,
    %get3A_619 = vector.shape_cast %get3A_618 : vector<1x16xf32> to vector<16xf32>
    %get3A_620 = arith.constant 2 : i32
    %get3A_621 = arith.index_cast %get3A_620 : i32 to index
    %get3A_622 = arith.constant 80 : index
    %get3A_623 = tpu.vector_load %arg7[%get3A_621, %get3A_622] {strides = array<i32>} : memref<4x384xf32, #tpu.memory_space<vmem>>, vector<1x16xf32>,
    %get3A_624 = vector.shape_cast %get3A_623 : vector<1x16xf32> to vector<16xf32>
    %get3A_625 = arith.constant 2 : i32
    %get3A_626 = arith.index_cast %get3A_625 : i32 to index
    %get3A_627 = arith.constant 96 : index
    %get3A_628 = tpu.vector_load %arg7[%get3A_626, %get3A_627] {strides = array<i32>} : memref<4x384xf32, #tpu.memory_space<vmem>>, vector<1x16xf32>,
    %get3A_629 = vector.shape_cast %get3A_628 : vector<1x16xf32> to vector<16xf32>
    %get3A_630 = arith.constant 2 : i32
    %get3A_631 = arith.index_cast %get3A_630 : i32 to index
    %get3A_632 = arith.constant 112 : index
    %get3A_633 = tpu.vector_load %arg7[%get3A_631, %get3A_632] {strides = array<i32>} : memref<4x384xf32, #tpu.memory_space<vmem>>, vector<1x16xf32>,
    %get3A_634 = vector.shape_cast %get3A_633 : vector<1x16xf32> to vector<16xf32>
    %get3A_635 = arith.constant 2 : i32
    %get3A_636 = arith.index_cast %get3A_635 : i32 to index
    %get3A_637 = arith.constant 128 : index
    %get3A_638 = tpu.vector_load %arg7[%get3A_636, %get3A_637] {strides = array<i32>} : memref<4x384xf32, #tpu.memory_space<vmem>>, vector<1x16xf32>,
    %get3A_639 = vector.shape_cast %get3A_638 : vector<1x16xf32> to vector<16xf32>
    %get3A_640 = arith.constant 2 : i32
    %get3A_641 = arith.index_cast %get3A_640 : i32 to index
    %get3A_642 = arith.constant 144 : index
    %get3A_643 = tpu.vector_load %arg7[%get3A_641, %get3A_642] {strides = array<i32>} : memref<4x384xf32, #tpu.memory_space<vmem>>, vector<1x16xf32>,
    %get3A_644 = vector.shape_cast %get3A_643 : vector<1x16xf32> to vector<16xf32>
    %get3A_645 = arith.constant 2 : i32
    %get3A_646 = arith.index_cast %get3A_645 : i32 to index
    %get3A_647 = arith.constant 160 : index
    %get3A_648 = tpu.vector_load %arg7[%get3A_646, %get3A_647] {strides = array<i32>} : memref<4x384xf32, #tpu.memory_space<vmem>>, vector<1x16xf32>,
    %get3A_649 = vector.shape_cast %get3A_648 : vector<1x16xf32> to vector<16xf32>
    %get3A_650 = arith.constant 2 : i32
    %get3A_651 = arith.index_cast %get3A_650 : i32 to index
    %get3A_652 = arith.constant 176 : index
    %get3A_653 = tpu.vector_load %arg7[%get3A_651, %get3A_652] {strides = array<i32>} : memref<4x384xf32, #tpu.memory_space<vmem>>, vector<1x16xf32>,
    %get3A_654 = vector.shape_cast %get3A_653 : vector<1x16xf32> to vector<16xf32>
    %get3A_655 = arith.constant 2 : i32
    %get3A_656 = arith.index_cast %get3A_655 : i32 to index
    %get3A_657 = arith.constant 192 : index
    %get3A_658 = tpu.vector_load %arg7[%get3A_656, %get3A_657] {strides = array<i32>} : memref<4x384xf32, #tpu.memory_space<vmem>>, vector<1x16xf32>,
    %get3A_659 = vector.shape_cast %get3A_658 : vector<1x16xf32> to vector<16xf32>
    %get3A_660 = arith.constant 2 : i32
    %get3A_661 = arith.index_cast %get3A_660 : i32 to index
    %get3A_662 = arith.constant 208 : index
    %get3A_663 = tpu.vector_load %arg7[%get3A_661, %get3A_662] {strides = array<i32>} : memref<4x384xf32, #tpu.memory_space<vmem>>, vector<1x16xf32>,
    %get3A_664 = vector.shape_cast %get3A_663 : vector<1x16xf32> to vector<16xf32>
    %get3A_665 = arith.constant 2 : i32
    %get3A_666 = arith.index_cast %get3A_665 : i32 to index
    %get3A_667 = arith.constant 224 : index
    %get3A_668 = tpu.vector_load %arg7[%get3A_666, %get3A_667] {strides = array<i32>} : memref<4x384xf32, #tpu.memory_space<vmem>>, vector<1x16xf32>,
    %get3A_669 = vector.shape_cast %get3A_668 : vector<1x16xf32> to vector<16xf32>
    %get3A_670 = arith.constant 2 : i32
    %get3A_671 = arith.index_cast %get3A_670 : i32 to index
    %get3A_672 = arith.constant 240 : index
    %get3A_673 = tpu.vector_load %arg7[%get3A_671, %get3A_672] {strides = array<i32>} : memref<4x384xf32, #tpu.memory_space<vmem>>, vector<1x16xf32>,
    %get3A_674 = vector.shape_cast %get3A_673 : vector<1x16xf32> to vector<16xf32>
    %get3A_675 = arith.constant 2 : i32
    %get3A_676 = arith.index_cast %get3A_675 : i32 to index
    %get3A_677 = arith.constant 256 : index
    %get3A_678 = tpu.vector_load %arg7[%get3A_676, %get3A_677] {strides = array<i32>} : memref<4x384xf32, #tpu.memory_space<vmem>>, vector<1x16xf32>,
    %get3A_679 = vector.shape_cast %get3A_678 : vector<1x16xf32> to vector<16xf32>
    %get3A_680 = arith.constant 2 : i32
    %get3A_681 = arith.index_cast %get3A_680 : i32 to index
    %get3A_682 = arith.constant 272 : index
    %get3A_683 = tpu.vector_load %arg7[%get3A_681, %get3A_682] {strides = array<i32>} : memref<4x384xf32, #tpu.memory_space<vmem>>, vector<1x16xf32>,
    %get3A_684 = vector.shape_cast %get3A_683 : vector<1x16xf32> to vector<16xf32>
    %get3A_685 = arith.constant 2 : i32
    %get3A_686 = arith.index_cast %get3A_685 : i32 to index
    %get3A_687 = arith.constant 288 : index
    %get3A_688 = tpu.vector_load %arg7[%get3A_686, %get3A_687] {strides = array<i32>} : memref<4x384xf32, #tpu.memory_space<vmem>>, vector<1x16xf32>,
    %get3A_689 = vector.shape_cast %get3A_688 : vector<1x16xf32> to vector<16xf32>
    %get3A_690 = arith.constant 2 : i32
    %get3A_691 = arith.index_cast %get3A_690 : i32 to index
    %get3A_692 = arith.constant 304 : index
    %get3A_693 = tpu.vector_load %arg7[%get3A_691, %get3A_692] {strides = array<i32>} : memref<4x384xf32, #tpu.memory_space<vmem>>, vector<1x16xf32>,
    %get3A_694 = vector.shape_cast %get3A_693 : vector<1x16xf32> to vector<16xf32>
    %get3A_695 = arith.constant 2 : i32
    %get3A_696 = arith.index_cast %get3A_695 : i32 to index
    %get3A_697 = arith.constant 320 : index
    %get3A_698 = tpu.vector_load %arg7[%get3A_696, %get3A_697] {strides = array<i32>} : memref<4x384xf32, #tpu.memory_space<vmem>>, vector<1x16xf32>,
    %get3A_699 = vector.shape_cast %get3A_698 : vector<1x16xf32> to vector<16xf32>
    %get3A_700 = arith.constant 2 : i32
    %get3A_701 = arith.index_cast %get3A_700 : i32 to index
    %get3A_702 = arith.constant 336 : index
    %get3A_703 = tpu.vector_load %arg7[%get3A_701, %get3A_702] {strides = array<i32>} : memref<4x384xf32, #tpu.memory_space<vmem>>, vector<1x16xf32>,
    %get3A_704 = vector.shape_cast %get3A_703 : vector<1x16xf32> to vector<16xf32>
    %get3A_705 = arith.constant 2 : i32
    %get3A_706 = arith.index_cast %get3A_705 : i32 to index
    %get3A_707 = arith.constant 352 : index
    %get3A_708 = tpu.vector_load %arg7[%get3A_706, %get3A_707] {strides = array<i32>} : memref<4x384xf32, #tpu.memory_space<vmem>>, vector<1x16xf32>,
    %get3A_709 = vector.shape_cast %get3A_708 : vector<1x16xf32> to vector<16xf32>
    %get3A_710 = arith.constant 2 : i32
    %get3A_711 = arith.index_cast %get3A_710 : i32 to index
    %get3A_712 = arith.constant 368 : index
    %get3A_713 = tpu.vector_load %arg7[%get3A_711, %get3A_712] {strides = array<i32>} : memref<4x384xf32, #tpu.memory_space<vmem>>, vector<1x16xf32>,
    %get3A_714 = vector.shape_cast %get3A_713 : vector<1x16xf32> to vector<16xf32>
    %dma_wait3A_715 = arith.constant 0 : i32
    %dma_wait3A_716 = arith.constant 0 : i32
    %dma_wait3A_717 = arith.constant 0 : i32
    %dma_wait3A_718 = arith.constant 0 : i32
    %dma_wait3A_719 = tpu.memref_slice %arg6[%dma_wait3A_715, %dma_wait3A_716, %dma_wait3A_717, %dma_wait3A_718] : memref<2x1x64x768xf32, #tpu.memory_space<vmem>> -> memref<1x1x64x768xf32, #tpu.memory_space<vmem>>
    %dma_wait3A_720 = tpu.memref_squeeze %dma_wait3A_719 : memref<1x1x64x768xf32, #tpu.memory_space<vmem>> -> memref<1x64x768xf32, #tpu.memory_space<vmem>>
    %dma_wait3A_721 = arith.constant 0 : i32
    %dma_wait3A_722 = arith.constant 0 : i32
    %dma_wait3A_723 = tpu.memref_slice %arg4[%add3A_482, %dma_wait3A_721, %dma_wait3A_722] : memref<128x128x768xf32, #tpu.memory_space<hbm>> -> memref<1x64x768xf32, #tpu.memory_space<hbm>>
    %dma_wait3A_724 = arith.constant 0 : i32
    %dma_wait3A_725 = arith.constant 0 : i32
    %dma_wait3A_726 = tpu.memref_slice %arg4[%add3A_482, %dma_wait3A_724, %dma_wait3A_725] : memref<128x128x768xf32, #tpu.memory_space<hbm>> -> memref<1x64x768xf32, #tpu.memory_space<hbm>>
    %dma_wait3A_727 = arith.constant 0 : i32
    %dma_wait3A_728 = arith.constant 0 : i32
    %dma_wait3A_729 = arith.constant 0 : i32
    %dma_wait3A_730 = tpu.memref_slice %arg6[%dma_wait3A_715, %dma_wait3A_727, %dma_wait3A_728, %dma_wait3A_729] : memref<2x1x64x768xf32, #tpu.memory_space<vmem>> -> memref<1x1x64x768xf32, #tpu.memory_space<vmem>>
    %dma_wait3A_731 = tpu.memref_squeeze %dma_wait3A_730 : memref<1x1x64x768xf32, #tpu.memory_space<vmem>> -> memref<1x64x768xf32, #tpu.memory_space<vmem>>
    tpu.wait_dma2 semaphore(%arg9 : memref<!tpu.dma_semaphore, #tpu.memory_space<semaphore_mem>>) src(%dma_wait3A_731 : memref<1x64x768xf32, #tpu.memory_space<vmem>>) dst(%dma_wait3A_726 : memref<1x64x768xf32, #tpu.memory_space<hbm>>)
    %dma_start3A_732 = arith.constant 0 : i32
    %dma_start3A_733 = arith.constant 0 : i32
    %dma_start3A_734 = arith.constant 0 : i32
    %dma_start3A_735 = arith.constant 0 : i32
    %dma_start3A_736 = arith.constant 0 : i32
    %dma_start3A_737 = tpu.memref_slice %arg6[%dma_start3A_732, %dma_start3A_734, %dma_start3A_735, %dma_start3A_736] : memref<2x1x64x768xf32, #tpu.memory_space<vmem>> -> memref<1x1x64x768xf32, #tpu.memory_space<vmem>>
    %dma_start3A_738 = tpu.memref_squeeze %dma_start3A_737 : memref<1x1x64x768xf32, #tpu.memory_space<vmem>> -> memref<1x64x768xf32, #tpu.memory_space<vmem>>
    %dma_start3A_739 = arith.constant 0 : i32
    %dma_start3A_740 = arith.constant 384 : i32
    %dma_start3A_741 = tpu.memref_slice %dma_start3A_738[%dma_start3A_733, %dma_start3A_739, %dma_start3A_740] : memref<1x64x768xf32, #tpu.memory_space<vmem>> -> memref<1x64x384xf32, #tpu.memory_space<vmem>>
    %dma_start3A_742 = tpu.memref_squeeze %dma_start3A_741 : memref<1x64x384xf32, #tpu.memory_space<vmem>> -> memref<64x384xf32, #tpu.memory_space<vmem>>
    %dma_start3A_743 = arith.constant 0 : i32
    %dma_start3A_744 = arith.constant 0 : i32
    %dma_start3A_745 = tpu.memref_slice %arg5[%dma_start3A_743, %dma_start3A_744] : memref<128x384xf32, #tpu.memory_space<vmem_shared>> -> memref<64x384xf32, #tpu.memory_space<vmem_shared>>
    %dma_start3A_746 = arith.constant 0 : i32
    %dma_start3A_747 = arith.constant 0 : i32
    %dma_start3A_748 = arith.constant 0 : i32
    %dma_start3A_749 = tpu.memref_slice %arg6[%dma_start3A_732, %dma_start3A_746, %dma_start3A_747, %dma_start3A_748] : memref<2x1x64x768xf32, #tpu.memory_space<vmem>> -> memref<1x1x64x768xf32, #tpu.memory_space<vmem>>
    %dma_start3A_750 = tpu.memref_squeeze %dma_start3A_749 : memref<1x1x64x768xf32, #tpu.memory_space<vmem>> -> memref<1x64x768xf32, #tpu.memory_space<vmem>>
    %dma_start3A_751 = arith.constant 0 : i32
    %dma_start3A_752 = arith.constant 384 : i32
    %dma_start3A_753 = tpu.memref_slice %dma_start3A_750[%dma_start3A_733, %dma_start3A_751, %dma_start3A_752] : memref<1x64x768xf32, #tpu.memory_space<vmem>> -> memref<1x64x384xf32, #tpu.memory_space<vmem>>
    %dma_start3A_754 = tpu.memref_squeeze %dma_start3A_753 : memref<1x64x384xf32, #tpu.memory_space<vmem>> -> memref<64x384xf32, #tpu.memory_space<vmem>>
    %dma_start3A_755 = arith.constant 0 : i32
    %dma_start3A_756 = arith.constant 0 : i32
    %dma_start3A_757 = tpu.memref_slice %arg5[%dma_start3A_755, %dma_start3A_756] : memref<128x384xf32, #tpu.memory_space<vmem_shared>> -> memref<64x384xf32, #tpu.memory_space<vmem_shared>>
    tpu.enqueue_dma source(%dma_start3A_757 : memref<64x384xf32, #tpu.memory_space<vmem_shared>>) target(%dma_start3A_754 : memref<64x384xf32, #tpu.memory_space<vmem>>) target_semaphore(%arg8 : memref<!tpu.dma_semaphore, #tpu.memory_space<semaphore_mem>>)
    %scan3A_758 = arith.constant 0 : i32
    %scan3A_759 = arith.constant 0 : i32
    %scan3A_760 = arith.constant 0 : i32
    %scan3A_761 = arith.constant 64 : i32
    %scan3A_762 = arith.addi %scan3A_760, %scan3A_761 : i32
    %scan3A_763 = arith.constant 1 : i32
    scf.for %scan3A_1249 = %scan3A_760 to %scan3A_762 step %scan3A_763  : i32 {
      %swap3A = arith.constant 0 : i32
      %swap3A_1250 = arith.constant 0 : i32
      %swap3A_1251 = arith.constant 0 : i32
      %swap3A_1252 = arith.constant 0 : i32
      %swap3A_1253 = tpu.memref_slice %arg6[%scan3A_759, %swap3A_1250, %swap3A_1251, %swap3A_1252] : memref<2x1x64x768xf32, #tpu.memory_space<vmem>> -> memref<1x1x64x768xf32, #tpu.memory_space<vmem>>
      %swap3A_1254 = tpu.memref_squeeze %swap3A_1253 : memref<1x1x64x768xf32, #tpu.memory_space<vmem>> -> memref<1x64x768xf32, #tpu.memory_space<vmem>>
      %swap3A_1255 = arith.index_cast %swap3A : i32 to index
      %swap3A_1256 = arith.index_cast %scan3A_1249 : i32 to index
      %swap3A_1257 = arith.constant 0 : index
      %swap3A_1258 = tpu.vector_load %swap3A_1254[%swap3A_1255, %swap3A_1256, %swap3A_1257] {strides = array<i32>} : memref<1x64x768xf32, #tpu.memory_space<vmem>>, vector<1x1x16xf32>,
      %swap3A_1259 = vector.shape_cast %swap3A_1258 : vector<1x1x16xf32> to vector<16xf32>
      %swap3A_1260 = vector.shape_cast %get3A_599 : vector<16xf32> to vector<1x1x16xf32>
      tpu.vector_store %swap3A_1254[%swap3A_1255, %swap3A_1256, %swap3A_1257], %swap3A_1260 {strides = array<i32>} : memref<1x64x768xf32, #tpu.memory_space<vmem>>, vector<1x1x16xf32>,
      %swap3A_1261 = arith.constant 0 : i32
      %swap3A_1262 = arith.constant 0 : i32
      %swap3A_1263 = arith.constant 0 : i32
      %swap3A_1264 = arith.constant 0 : i32
      %swap3A_1265 = tpu.memref_slice %arg6[%scan3A_759, %swap3A_1262, %swap3A_1263, %swap3A_1264] : memref<2x1x64x768xf32, #tpu.memory_space<vmem>> -> memref<1x1x64x768xf32, #tpu.memory_space<vmem>>
      %swap3A_1266 = tpu.memref_squeeze %swap3A_1265 : memref<1x1x64x768xf32, #tpu.memory_space<vmem>> -> memref<1x64x768xf32, #tpu.memory_space<vmem>>
      %swap3A_1267 = arith.index_cast %swap3A_1261 : i32 to index
      %swap3A_1268 = arith.index_cast %scan3A_1249 : i32 to index
      %swap3A_1269 = arith.constant 16 : index
      %swap3A_1270 = tpu.vector_load %swap3A_1266[%swap3A_1267, %swap3A_1268, %swap3A_1269] {strides = array<i32>} : memref<1x64x768xf32, #tpu.memory_space<vmem>>, vector<1x1x16xf32>,
      %swap3A_1271 = vector.shape_cast %swap3A_1270 : vector<1x1x16xf32> to vector<16xf32>
      %swap3A_1272 = vector.shape_cast %get3A_604 : vector<16xf32> to vector<1x1x16xf32>
      tpu.vector_store %swap3A_1266[%swap3A_1267, %swap3A_1268, %swap3A_1269], %swap3A_1272 {strides = array<i32>} : memref<1x64x768xf32, #tpu.memory_space<vmem>>, vector<1x1x16xf32>,
      %swap3A_1273 = arith.constant 0 : i32
      %swap3A_1274 = arith.constant 0 : i32
      %swap3A_1275 = arith.constant 0 : i32
      %swap3A_1276 = arith.constant 0 : i32
      %swap3A_1277 = tpu.memref_slice %arg6[%scan3A_759, %swap3A_1274, %swap3A_1275, %swap3A_1276] : memref<2x1x64x768xf32, #tpu.memory_space<vmem>> -> memref<1x1x64x768xf32, #tpu.memory_space<vmem>>
      %swap3A_1278 = tpu.memref_squeeze %swap3A_1277 : memref<1x1x64x768xf32, #tpu.memory_space<vmem>> -> memref<1x64x768xf32, #tpu.memory_space<vmem>>
      %swap3A_1279 = arith.index_cast %swap3A_1273 : i32 to index
      %swap3A_1280 = arith.index_cast %scan3A_1249 : i32 to index
      %swap3A_1281 = arith.constant 32 : index
      %swap3A_1282 = tpu.vector_load %swap3A_1278[%swap3A_1279, %swap3A_1280, %swap3A_1281] {strides = array<i32>} : memref<1x64x768xf32, #tpu.memory_space<vmem>>, vector<1x1x16xf32>,
      %swap3A_1283 = vector.shape_cast %swap3A_1282 : vector<1x1x16xf32> to vector<16xf32>
      %swap3A_1284 = vector.shape_cast %get3A_609 : vector<16xf32> to vector<1x1x16xf32>
      tpu.vector_store %swap3A_1278[%swap3A_1279, %swap3A_1280, %swap3A_1281], %swap3A_1284 {strides = array<i32>} : memref<1x64x768xf32, #tpu.memory_space<vmem>>, vector<1x1x16xf32>,
      %swap3A_1285 = arith.constant 0 : i32
      %swap3A_1286 = arith.constant 0 : i32
      %swap3A_1287 = arith.constant 0 : i32
      %swap3A_1288 = arith.constant 0 : i32
      %swap3A_1289 = tpu.memref_slice %arg6[%scan3A_759, %swap3A_1286, %swap3A_1287, %swap3A_1288] : memref<2x1x64x768xf32, #tpu.memory_space<vmem>> -> memref<1x1x64x768xf32, #tpu.memory_space<vmem>>
      %swap3A_1290 = tpu.memref_squeeze %swap3A_1289 : memref<1x1x64x768xf32, #tpu.memory_space<vmem>> -> memref<1x64x768xf32, #tpu.memory_space<vmem>>
      %swap3A_1291 = arith.index_cast %swap3A_1285 : i32 to index
      %swap3A_1292 = arith.index_cast %scan3A_1249 : i32 to index
      %swap3A_1293 = arith.constant 48 : index
      %swap3A_1294 = tpu.vector_load %swap3A_1290[%swap3A_1291, %swap3A_1292, %swap3A_1293] {strides = array<i32>} : memref<1x64x768xf32, #tpu.memory_space<vmem>>, vector<1x1x16xf32>,
      %swap3A_1295 = vector.shape_cast %swap3A_1294 : vector<1x1x16xf32> to vector<16xf32>
      %swap3A_1296 = vector.shape_cast %get3A_614 : vector<16xf32> to vector<1x1x16xf32>
      tpu.vector_store %swap3A_1290[%swap3A_1291, %swap3A_1292, %swap3A_1293], %swap3A_1296 {strides = array<i32>} : memref<1x64x768xf32, #tpu.memory_space<vmem>>, vector<1x1x16xf32>,
      %swap3A_1297 = arith.constant 0 : i32
      %swap3A_1298 = arith.constant 0 : i32
      %swap3A_1299 = arith.constant 0 : i32
      %swap3A_1300 = arith.constant 0 : i32
      %swap3A_1301 = tpu.memref_slice %arg6[%scan3A_759, %swap3A_1298, %swap3A_1299, %swap3A_1300] : memref<2x1x64x768xf32, #tpu.memory_space<vmem>> -> memref<1x1x64x768xf32, #tpu.memory_space<vmem>>
      %swap3A_1302 = tpu.memref_squeeze %swap3A_1301 : memref<1x1x64x768xf32, #tpu.memory_space<vmem>> -> memref<1x64x768xf32, #tpu.memory_space<vmem>>
      %swap3A_1303 = arith.index_cast %swap3A_1297 : i32 to index
      %swap3A_1304 = arith.index_cast %scan3A_1249 : i32 to index
      %swap3A_1305 = arith.constant 64 : index
      %swap3A_1306 = tpu.vector_load %swap3A_1302[%swap3A_1303, %swap3A_1304, %swap3A_1305] {strides = array<i32>} : memref<1x64x768xf32, #tpu.memory_space<vmem>>, vector<1x1x16xf32>,
      %swap3A_1307 = vector.shape_cast %swap3A_1306 : vector<1x1x16xf32> to vector<16xf32>
      %swap3A_1308 = vector.shape_cast %get3A_619 : vector<16xf32> to vector<1x1x16xf32>
      tpu.vector_store %swap3A_1302[%swap3A_1303, %swap3A_1304, %swap3A_1305], %swap3A_1308 {strides = array<i32>} : memref<1x64x768xf32, #tpu.memory_space<vmem>>, vector<1x1x16xf32>,
      %swap3A_1309 = arith.constant 0 : i32
      %swap3A_1310 = arith.constant 0 : i32
      %swap3A_1311 = arith.constant 0 : i32
      %swap3A_1312 = arith.constant 0 : i32
      %swap3A_1313 = tpu.memref_slice %arg6[%scan3A_759, %swap3A_1310, %swap3A_1311, %swap3A_1312] : memref<2x1x64x768xf32, #tpu.memory_space<vmem>> -> memref<1x1x64x768xf32, #tpu.memory_space<vmem>>
      %swap3A_1314 = tpu.memref_squeeze %swap3A_1313 : memref<1x1x64x768xf32, #tpu.memory_space<vmem>> -> memref<1x64x768xf32, #tpu.memory_space<vmem>>
      %swap3A_1315 = arith.index_cast %swap3A_1309 : i32 to index
      %swap3A_1316 = arith.index_cast %scan3A_1249 : i32 to index
      %swap3A_1317 = arith.constant 80 : index
      %swap3A_1318 = tpu.vector_load %swap3A_1314[%swap3A_1315, %swap3A_1316, %swap3A_1317] {strides = array<i32>} : memref<1x64x768xf32, #tpu.memory_space<vmem>>, vector<1x1x16xf32>,
      %swap3A_1319 = vector.shape_cast %swap3A_1318 : vector<1x1x16xf32> to vector<16xf32>
      %swap3A_1320 = vector.shape_cast %get3A_624 : vector<16xf32> to vector<1x1x16xf32>
      tpu.vector_store %swap3A_1314[%swap3A_1315, %swap3A_1316, %swap3A_1317], %swap3A_1320 {strides = array<i32>} : memref<1x64x768xf32, #tpu.memory_space<vmem>>, vector<1x1x16xf32>,
      %swap3A_1321 = arith.constant 0 : i32
      %swap3A_1322 = arith.constant 0 : i32
      %swap3A_1323 = arith.constant 0 : i32
      %swap3A_1324 = arith.constant 0 : i32
      %swap3A_1325 = tpu.memref_slice %arg6[%scan3A_759, %swap3A_1322, %swap3A_1323, %swap3A_1324] : memref<2x1x64x768xf32, #tpu.memory_space<vmem>> -> memref<1x1x64x768xf32, #tpu.memory_space<vmem>>
      %swap3A_1326 = tpu.memref_squeeze %swap3A_1325 : memref<1x1x64x768xf32, #tpu.memory_space<vmem>> -> memref<1x64x768xf32, #tpu.memory_space<vmem>>
      %swap3A_1327 = arith.index_cast %swap3A_1321 : i32 to index
      %swap3A_1328 = arith.index_cast %scan3A_1249 : i32 to index
      %swap3A_1329 = arith.constant 96 : index
      %swap3A_1330 = tpu.vector_load %swap3A_1326[%swap3A_1327, %swap3A_1328, %swap3A_1329] {strides = array<i32>} : memref<1x64x768xf32, #tpu.memory_space<vmem>>, vector<1x1x16xf32>,
      %swap3A_1331 = vector.shape_cast %swap3A_1330 : vector<1x1x16xf32> to vector<16xf32>
      %swap3A_1332 = vector.shape_cast %get3A_629 : vector<16xf32> to vector<1x1x16xf32>
      tpu.vector_store %swap3A_1326[%swap3A_1327, %swap3A_1328, %swap3A_1329], %swap3A_1332 {strides = array<i32>} : memref<1x64x768xf32, #tpu.memory_space<vmem>>, vector<1x1x16xf32>,
      %swap3A_1333 = arith.constant 0 : i32
      %swap3A_1334 = arith.constant 0 : i32
      %swap3A_1335 = arith.constant 0 : i32
      %swap3A_1336 = arith.constant 0 : i32
      %swap3A_1337 = tpu.memref_slice %arg6[%scan3A_759, %swap3A_1334, %swap3A_1335, %swap3A_1336] : memref<2x1x64x768xf32, #tpu.memory_space<vmem>> -> memref<1x1x64x768xf32, #tpu.memory_space<vmem>>
      %swap3A_1338 = tpu.memref_squeeze %swap3A_1337 : memref<1x1x64x768xf32, #tpu.memory_space<vmem>> -> memref<1x64x768xf32, #tpu.memory_space<vmem>>
      %swap3A_1339 = arith.index_cast %swap3A_1333 : i32 to index
      %swap3A_1340 = arith.index_cast %scan3A_1249 : i32 to index
      %swap3A_1341 = arith.constant 112 : index
      %swap3A_1342 = tpu.vector_load %swap3A_1338[%swap3A_1339, %swap3A_1340, %swap3A_1341] {strides = array<i32>} : memref<1x64x768xf32, #tpu.memory_space<vmem>>, vector<1x1x16xf32>,
      %swap3A_1343 = vector.shape_cast %swap3A_1342 : vector<1x1x16xf32> to vector<16xf32>
      %swap3A_1344 = vector.shape_cast %get3A_634 : vector<16xf32> to vector<1x1x16xf32>
      tpu.vector_store %swap3A_1338[%swap3A_1339, %swap3A_1340, %swap3A_1341], %swap3A_1344 {strides = array<i32>} : memref<1x64x768xf32, #tpu.memory_space<vmem>>, vector<1x1x16xf32>,
      %swap3A_1345 = arith.constant 0 : i32
      %swap3A_1346 = arith.constant 0 : i32
      %swap3A_1347 = arith.constant 0 : i32
      %swap3A_1348 = arith.constant 0 : i32
      %swap3A_1349 = tpu.memref_slice %arg6[%scan3A_759, %swap3A_1346, %swap3A_1347, %swap3A_1348] : memref<2x1x64x768xf32, #tpu.memory_space<vmem>> -> memref<1x1x64x768xf32, #tpu.memory_space<vmem>>
      %swap3A_1350 = tpu.memref_squeeze %swap3A_1349 : memref<1x1x64x768xf32, #tpu.memory_space<vmem>> -> memref<1x64x768xf32, #tpu.memory_space<vmem>>
      %swap3A_1351 = arith.index_cast %swap3A_1345 : i32 to index
      %swap3A_1352 = arith.index_cast %scan3A_1249 : i32 to index
      %swap3A_1353 = arith.constant 128 : index
      %swap3A_1354 = tpu.vector_load %swap3A_1350[%swap3A_1351, %swap3A_1352, %swap3A_1353] {strides = array<i32>} : memref<1x64x768xf32, #tpu.memory_space<vmem>>, vector<1x1x16xf32>,
      %swap3A_1355 = vector.shape_cast %swap3A_1354 : vector<1x1x16xf32> to vector<16xf32>
      %swap3A_1356 = vector.shape_cast %get3A_639 : vector<16xf32> to vector<1x1x16xf32>
      tpu.vector_store %swap3A_1350[%swap3A_1351, %swap3A_1352, %swap3A_1353], %swap3A_1356 {strides = array<i32>} : memref<1x64x768xf32, #tpu.memory_space<vmem>>, vector<1x1x16xf32>,
      %swap3A_1357 = arith.constant 0 : i32
      %swap3A_1358 = arith.constant 0 : i32
      %swap3A_1359 = arith.constant 0 : i32
      %swap3A_1360 = arith.constant 0 : i32
      %swap3A_1361 = tpu.memref_slice %arg6[%scan3A_759, %swap3A_1358, %swap3A_1359, %swap3A_1360] : memref<2x1x64x768xf32, #tpu.memory_space<vmem>> -> memref<1x1x64x768xf32, #tpu.memory_space<vmem>>
      %swap3A_1362 = tpu.memref_squeeze %swap3A_1361 : memref<1x1x64x768xf32, #tpu.memory_space<vmem>> -> memref<1x64x768xf32, #tpu.memory_space<vmem>>
      %swap3A_1363 = arith.index_cast %swap3A_1357 : i32 to index
      %swap3A_1364 = arith.index_cast %scan3A_1249 : i32 to index
      %swap3A_1365 = arith.constant 144 : index
      %swap3A_1366 = tpu.vector_load %swap3A_1362[%swap3A_1363, %swap3A_1364, %swap3A_1365] {strides = array<i32>} : memref<1x64x768xf32, #tpu.memory_space<vmem>>, vector<1x1x16xf32>,
      %swap3A_1367 = vector.shape_cast %swap3A_1366 : vector<1x1x16xf32> to vector<16xf32>
      %swap3A_1368 = vector.shape_cast %get3A_644 : vector<16xf32> to vector<1x1x16xf32>
      tpu.vector_store %swap3A_1362[%swap3A_1363, %swap3A_1364, %swap3A_1365], %swap3A_1368 {strides = array<i32>} : memref<1x64x768xf32, #tpu.memory_space<vmem>>, vector<1x1x16xf32>,
      %swap3A_1369 = arith.constant 0 : i32
      %swap3A_1370 = arith.constant 0 : i32
      %swap3A_1371 = arith.constant 0 : i32
      %swap3A_1372 = arith.constant 0 : i32
      %swap3A_1373 = tpu.memref_slice %arg6[%scan3A_759, %swap3A_1370, %swap3A_1371, %swap3A_1372] : memref<2x1x64x768xf32, #tpu.memory_space<vmem>> -> memref<1x1x64x768xf32, #tpu.memory_space<vmem>>
      %swap3A_1374 = tpu.memref_squeeze %swap3A_1373 : memref<1x1x64x768xf32, #tpu.memory_space<vmem>> -> memref<1x64x768xf32, #tpu.memory_space<vmem>>
      %swap3A_1375 = arith.index_cast %swap3A_1369 : i32 to index
      %swap3A_1376 = arith.index_cast %scan3A_1249 : i32 to index
      %swap3A_1377 = arith.constant 160 : index
      %swap3A_1378 = tpu.vector_load %swap3A_1374[%swap3A_1375, %swap3A_1376, %swap3A_1377] {strides = array<i32>} : memref<1x64x768xf32, #tpu.memory_space<vmem>>, vector<1x1x16xf32>,
      %swap3A_1379 = vector.shape_cast %swap3A_1378 : vector<1x1x16xf32> to vector<16xf32>
      %swap3A_1380 = vector.shape_cast %get3A_649 : vector<16xf32> to vector<1x1x16xf32>
      tpu.vector_store %swap3A_1374[%swap3A_1375, %swap3A_1376, %swap3A_1377], %swap3A_1380 {strides = array<i32>} : memref<1x64x768xf32, #tpu.memory_space<vmem>>, vector<1x1x16xf32>,
      %swap3A_1381 = arith.constant 0 : i32
      %swap3A_1382 = arith.constant 0 : i32
      %swap3A_1383 = arith.constant 0 : i32
      %swap3A_1384 = arith.constant 0 : i32
      %swap3A_1385 = tpu.memref_slice %arg6[%scan3A_759, %swap3A_1382, %swap3A_1383, %swap3A_1384] : memref<2x1x64x768xf32, #tpu.memory_space<vmem>> -> memref<1x1x64x768xf32, #tpu.memory_space<vmem>>
      %swap3A_1386 = tpu.memref_squeeze %swap3A_1385 : memref<1x1x64x768xf32, #tpu.memory_space<vmem>> -> memref<1x64x768xf32, #tpu.memory_space<vmem>>
      %swap3A_1387 = arith.index_cast %swap3A_1381 : i32 to index
      %swap3A_1388 = arith.index_cast %scan3A_1249 : i32 to index
      %swap3A_1389 = arith.constant 176 : index
      %swap3A_1390 = tpu.vector_load %swap3A_1386[%swap3A_1387, %swap3A_1388, %swap3A_1389] {strides = array<i32>} : memref<1x64x768xf32, #tpu.memory_space<vmem>>, vector<1x1x16xf32>,
      %swap3A_1391 = vector.shape_cast %swap3A_1390 : vector<1x1x16xf32> to vector<16xf32>
      %swap3A_1392 = vector.shape_cast %get3A_654 : vector<16xf32> to vector<1x1x16xf32>
      tpu.vector_store %swap3A_1386[%swap3A_1387, %swap3A_1388, %swap3A_1389], %swap3A_1392 {strides = array<i32>} : memref<1x64x768xf32, #tpu.memory_space<vmem>>, vector<1x1x16xf32>,
      %swap3A_1393 = arith.constant 0 : i32
      %swap3A_1394 = arith.constant 0 : i32
      %swap3A_1395 = arith.constant 0 : i32
      %swap3A_1396 = arith.constant 0 : i32
      %swap3A_1397 = tpu.memref_slice %arg6[%scan3A_759, %swap3A_1394, %swap3A_1395, %swap3A_1396] : memref<2x1x64x768xf32, #tpu.memory_space<vmem>> -> memref<1x1x64x768xf32, #tpu.memory_space<vmem>>
      %swap3A_1398 = tpu.memref_squeeze %swap3A_1397 : memref<1x1x64x768xf32, #tpu.memory_space<vmem>> -> memref<1x64x768xf32, #tpu.memory_space<vmem>>
      %swap3A_1399 = arith.index_cast %swap3A_1393 : i32 to index
      %swap3A_1400 = arith.index_cast %scan3A_1249 : i32 to index
      %swap3A_1401 = arith.constant 192 : index
      %swap3A_1402 = tpu.vector_load %swap3A_1398[%swap3A_1399, %swap3A_1400, %swap3A_1401] {strides = array<i32>} : memref<1x64x768xf32, #tpu.memory_space<vmem>>, vector<1x1x16xf32>,
      %swap3A_1403 = vector.shape_cast %swap3A_1402 : vector<1x1x16xf32> to vector<16xf32>
      %swap3A_1404 = vector.shape_cast %get3A_659 : vector<16xf32> to vector<1x1x16xf32>
      tpu.vector_store %swap3A_1398[%swap3A_1399, %swap3A_1400, %swap3A_1401], %swap3A_1404 {strides = array<i32>} : memref<1x64x768xf32, #tpu.memory_space<vmem>>, vector<1x1x16xf32>,
      %swap3A_1405 = arith.constant 0 : i32
      %swap3A_1406 = arith.constant 0 : i32
      %swap3A_1407 = arith.constant 0 : i32
      %swap3A_1408 = arith.constant 0 : i32
      %swap3A_1409 = tpu.memref_slice %arg6[%scan3A_759, %swap3A_1406, %swap3A_1407, %swap3A_1408] : memref<2x1x64x768xf32, #tpu.memory_space<vmem>> -> memref<1x1x64x768xf32, #tpu.memory_space<vmem>>
      %swap3A_1410 = tpu.memref_squeeze %swap3A_1409 : memref<1x1x64x768xf32, #tpu.memory_space<vmem>> -> memref<1x64x768xf32, #tpu.memory_space<vmem>>
      %swap3A_1411 = arith.index_cast %swap3A_1405 : i32 to index
      %swap3A_1412 = arith.index_cast %scan3A_1249 : i32 to index
      %swap3A_1413 = arith.constant 208 : index
      %swap3A_1414 = tpu.vector_load %swap3A_1410[%swap3A_1411, %swap3A_1412, %swap3A_1413] {strides = array<i32>} : memref<1x64x768xf32, #tpu.memory_space<vmem>>, vector<1x1x16xf32>,
      %swap3A_1415 = vector.shape_cast %swap3A_1414 : vector<1x1x16xf32> to vector<16xf32>
      %swap3A_1416 = vector.shape_cast %get3A_664 : vector<16xf32> to vector<1x1x16xf32>
      tpu.vector_store %swap3A_1410[%swap3A_1411, %swap3A_1412, %swap3A_1413], %swap3A_1416 {strides = array<i32>} : memref<1x64x768xf32, #tpu.memory_space<vmem>>, vector<1x1x16xf32>,
      %swap3A_1417 = arith.constant 0 : i32
      %swap3A_1418 = arith.constant 0 : i32
      %swap3A_1419 = arith.constant 0 : i32
      %swap3A_1420 = arith.constant 0 : i32
      %swap3A_1421 = tpu.memref_slice %arg6[%scan3A_759, %swap3A_1418, %swap3A_1419, %swap3A_1420] : memref<2x1x64x768xf32, #tpu.memory_space<vmem>> -> memref<1x1x64x768xf32, #tpu.memory_space<vmem>>
      %swap3A_1422 = tpu.memref_squeeze %swap3A_1421 : memref<1x1x64x768xf32, #tpu.memory_space<vmem>> -> memref<1x64x768xf32, #tpu.memory_space<vmem>>
      %swap3A_1423 = arith.index_cast %swap3A_1417 : i32 to index
      %swap3A_1424 = arith.index_cast %scan3A_1249 : i32 to index
      %swap3A_1425 = arith.constant 224 : index
      %swap3A_1426 = tpu.vector_load %swap3A_1422[%swap3A_1423, %swap3A_1424, %swap3A_1425] {strides = array<i32>} : memref<1x64x768xf32, #tpu.memory_space<vmem>>, vector<1x1x16xf32>,
      %swap3A_1427 = vector.shape_cast %swap3A_1426 : vector<1x1x16xf32> to vector<16xf32>
      %swap3A_1428 = vector.shape_cast %get3A_669 : vector<16xf32> to vector<1x1x16xf32>
      tpu.vector_store %swap3A_1422[%swap3A_1423, %swap3A_1424, %swap3A_1425], %swap3A_1428 {strides = array<i32>} : memref<1x64x768xf32, #tpu.memory_space<vmem>>, vector<1x1x16xf32>,
      %swap3A_1429 = arith.constant 0 : i32
      %swap3A_1430 = arith.constant 0 : i32
      %swap3A_1431 = arith.constant 0 : i32
      %swap3A_1432 = arith.constant 0 : i32
      %swap3A_1433 = tpu.memref_slice %arg6[%scan3A_759, %swap3A_1430, %swap3A_1431, %swap3A_1432] : memref<2x1x64x768xf32, #tpu.memory_space<vmem>> -> memref<1x1x64x768xf32, #tpu.memory_space<vmem>>
      %swap3A_1434 = tpu.memref_squeeze %swap3A_1433 : memref<1x1x64x768xf32, #tpu.memory_space<vmem>> -> memref<1x64x768xf32, #tpu.memory_space<vmem>>
      %swap3A_1435 = arith.index_cast %swap3A_1429 : i32 to index
      %swap3A_1436 = arith.index_cast %scan3A_1249 : i32 to index
      %swap3A_1437 = arith.constant 240 : index
      %swap3A_1438 = tpu.vector_load %swap3A_1434[%swap3A_1435, %swap3A_1436, %swap3A_1437] {strides = array<i32>} : memref<1x64x768xf32, #tpu.memory_space<vmem>>, vector<1x1x16xf32>,
      %swap3A_1439 = vector.shape_cast %swap3A_1438 : vector<1x1x16xf32> to vector<16xf32>
      %swap3A_1440 = vector.shape_cast %get3A_674 : vector<16xf32> to vector<1x1x16xf32>
      tpu.vector_store %swap3A_1434[%swap3A_1435, %swap3A_1436, %swap3A_1437], %swap3A_1440 {strides = array<i32>} : memref<1x64x768xf32, #tpu.memory_space<vmem>>, vector<1x1x16xf32>,
      %swap3A_1441 = arith.constant 0 : i32
      %swap3A_1442 = arith.constant 0 : i32
      %swap3A_1443 = arith.constant 0 : i32
      %swap3A_1444 = arith.constant 0 : i32
      %swap3A_1445 = tpu.memref_slice %arg6[%scan3A_759, %swap3A_1442, %swap3A_1443, %swap3A_1444] : memref<2x1x64x768xf32, #tpu.memory_space<vmem>> -> memref<1x1x64x768xf32, #tpu.memory_space<vmem>>
      %swap3A_1446 = tpu.memref_squeeze %swap3A_1445 : memref<1x1x64x768xf32, #tpu.memory_space<vmem>> -> memref<1x64x768xf32, #tpu.memory_space<vmem>>
      %swap3A_1447 = arith.index_cast %swap3A_1441 : i32 to index
      %swap3A_1448 = arith.index_cast %scan3A_1249 : i32 to index
      %swap3A_1449 = arith.constant 256 : index
      %swap3A_1450 = tpu.vector_load %swap3A_1446[%swap3A_1447, %swap3A_1448, %swap3A_1449] {strides = array<i32>} : memref<1x64x768xf32, #tpu.memory_space<vmem>>, vector<1x1x16xf32>,
      %swap3A_1451 = vector.shape_cast %swap3A_1450 : vector<1x1x16xf32> to vector<16xf32>
      %swap3A_1452 = vector.shape_cast %get3A_679 : vector<16xf32> to vector<1x1x16xf32>
      tpu.vector_store %swap3A_1446[%swap3A_1447, %swap3A_1448, %swap3A_1449], %swap3A_1452 {strides = array<i32>} : memref<1x64x768xf32, #tpu.memory_space<vmem>>, vector<1x1x16xf32>,
      %swap3A_1453 = arith.constant 0 : i32
      %swap3A_1454 = arith.constant 0 : i32
      %swap3A_1455 = arith.constant 0 : i32
      %swap3A_1456 = arith.constant 0 : i32
      %swap3A_1457 = tpu.memref_slice %arg6[%scan3A_759, %swap3A_1454, %swap3A_1455, %swap3A_1456] : memref<2x1x64x768xf32, #tpu.memory_space<vmem>> -> memref<1x1x64x768xf32, #tpu.memory_space<vmem>>
      %swap3A_1458 = tpu.memref_squeeze %swap3A_1457 : memref<1x1x64x768xf32, #tpu.memory_space<vmem>> -> memref<1x64x768xf32, #tpu.memory_space<vmem>>
      %swap3A_1459 = arith.index_cast %swap3A_1453 : i32 to index
      %swap3A_1460 = arith.index_cast %scan3A_1249 : i32 to index
      %swap3A_1461 = arith.constant 272 : index
      %swap3A_1462 = tpu.vector_load %swap3A_1458[%swap3A_1459, %swap3A_1460, %swap3A_1461] {strides = array<i32>} : memref<1x64x768xf32, #tpu.memory_space<vmem>>, vector<1x1x16xf32>,
      %swap3A_1463 = vector.shape_cast %swap3A_1462 : vector<1x1x16xf32> to vector<16xf32>
      %swap3A_1464 = vector.shape_cast %get3A_684 : vector<16xf32> to vector<1x1x16xf32>
      tpu.vector_store %swap3A_1458[%swap3A_1459, %swap3A_1460, %swap3A_1461], %swap3A_1464 {strides = array<i32>} : memref<1x64x768xf32, #tpu.memory_space<vmem>>, vector<1x1x16xf32>,
      %swap3A_1465 = arith.constant 0 : i32
      %swap3A_1466 = arith.constant 0 : i32
      %swap3A_1467 = arith.constant 0 : i32
      %swap3A_1468 = arith.constant 0 : i32
      %swap3A_1469 = tpu.memref_slice %arg6[%scan3A_759, %swap3A_1466, %swap3A_1467, %swap3A_1468] : memref<2x1x64x768xf32, #tpu.memory_space<vmem>> -> memref<1x1x64x768xf32, #tpu.memory_space<vmem>>
      %swap3A_1470 = tpu.memref_squeeze %swap3A_1469 : memref<1x1x64x768xf32, #tpu.memory_space<vmem>> -> memref<1x64x768xf32, #tpu.memory_space<vmem>>
      %swap3A_1471 = arith.index_cast %swap3A_1465 : i32 to index
      %swap3A_1472 = arith.index_cast %scan3A_1249 : i32 to index
      %swap3A_1473 = arith.constant 288 : index
      %swap3A_1474 = tpu.vector_load %swap3A_1470[%swap3A_1471, %swap3A_1472, %swap3A_1473] {strides = array<i32>} : memref<1x64x768xf32, #tpu.memory_space<vmem>>, vector<1x1x16xf32>,
      %swap3A_1475 = vector.shape_cast %swap3A_1474 : vector<1x1x16xf32> to vector<16xf32>
      %swap3A_1476 = vector.shape_cast %get3A_689 : vector<16xf32> to vector<1x1x16xf32>
      tpu.vector_store %swap3A_1470[%swap3A_1471, %swap3A_1472, %swap3A_1473], %swap3A_1476 {strides = array<i32>} : memref<1x64x768xf32, #tpu.memory_space<vmem>>, vector<1x1x16xf32>,
      %swap3A_1477 = arith.constant 0 : i32
      %swap3A_1478 = arith.constant 0 : i32
      %swap3A_1479 = arith.constant 0 : i32
      %swap3A_1480 = arith.constant 0 : i32
      %swap3A_1481 = tpu.memref_slice %arg6[%scan3A_759, %swap3A_1478, %swap3A_1479, %swap3A_1480] : memref<2x1x64x768xf32, #tpu.memory_space<vmem>> -> memref<1x1x64x768xf32, #tpu.memory_space<vmem>>
      %swap3A_1482 = tpu.memref_squeeze %swap3A_1481 : memref<1x1x64x768xf32, #tpu.memory_space<vmem>> -> memref<1x64x768xf32, #tpu.memory_space<vmem>>
      %swap3A_1483 = arith.index_cast %swap3A_1477 : i32 to index
      %swap3A_1484 = arith.index_cast %scan3A_1249 : i32 to index
      %swap3A_1485 = arith.constant 304 : index
      %swap3A_1486 = tpu.vector_load %swap3A_1482[%swap3A_1483, %swap3A_1484, %swap3A_1485] {strides = array<i32>} : memref<1x64x768xf32, #tpu.memory_space<vmem>>, vector<1x1x16xf32>,
      %swap3A_1487 = vector.shape_cast %swap3A_1486 : vector<1x1x16xf32> to vector<16xf32>
      %swap3A_1488 = vector.shape_cast %get3A_694 : vector<16xf32> to vector<1x1x16xf32>
      tpu.vector_store %swap3A_1482[%swap3A_1483, %swap3A_1484, %swap3A_1485], %swap3A_1488 {strides = array<i32>} : memref<1x64x768xf32, #tpu.memory_space<vmem>>, vector<1x1x16xf32>,
      %swap3A_1489 = arith.constant 0 : i32
      %swap3A_1490 = arith.constant 0 : i32
      %swap3A_1491 = arith.constant 0 : i32
      %swap3A_1492 = arith.constant 0 : i32
      %swap3A_1493 = tpu.memref_slice %arg6[%scan3A_759, %swap3A_1490, %swap3A_1491, %swap3A_1492] : memref<2x1x64x768xf32, #tpu.memory_space<vmem>> -> memref<1x1x64x768xf32, #tpu.memory_space<vmem>>
      %swap3A_1494 = tpu.memref_squeeze %swap3A_1493 : memref<1x1x64x768xf32, #tpu.memory_space<vmem>> -> memref<1x64x768xf32, #tpu.memory_space<vmem>>
      %swap3A_1495 = arith.index_cast %swap3A_1489 : i32 to index
      %swap3A_1496 = arith.index_cast %scan3A_1249 : i32 to index
      %swap3A_1497 = arith.constant 320 : index
      %swap3A_1498 = tpu.vector_load %swap3A_1494[%swap3A_1495, %swap3A_1496, %swap3A_1497] {strides = array<i32>} : memref<1x64x768xf32, #tpu.memory_space<vmem>>, vector<1x1x16xf32>,
      %swap3A_1499 = vector.shape_cast %swap3A_1498 : vector<1x1x16xf32> to vector<16xf32>
      %swap3A_1500 = vector.shape_cast %get3A_699 : vector<16xf32> to vector<1x1x16xf32>
      tpu.vector_store %swap3A_1494[%swap3A_1495, %swap3A_1496, %swap3A_1497], %swap3A_1500 {strides = array<i32>} : memref<1x64x768xf32, #tpu.memory_space<vmem>>, vector<1x1x16xf32>,
      %swap3A_1501 = arith.constant 0 : i32
      %swap3A_1502 = arith.constant 0 : i32
      %swap3A_1503 = arith.constant 0 : i32
      %swap3A_1504 = arith.constant 0 : i32
      %swap3A_1505 = tpu.memref_slice %arg6[%scan3A_759, %swap3A_1502, %swap3A_1503, %swap3A_1504] : memref<2x1x64x768xf32, #tpu.memory_space<vmem>> -> memref<1x1x64x768xf32, #tpu.memory_space<vmem>>
      %swap3A_1506 = tpu.memref_squeeze %swap3A_1505 : memref<1x1x64x768xf32, #tpu.memory_space<vmem>> -> memref<1x64x768xf32, #tpu.memory_space<vmem>>
      %swap3A_1507 = arith.index_cast %swap3A_1501 : i32 to index
      %swap3A_1508 = arith.index_cast %scan3A_1249 : i32 to index
      %swap3A_1509 = arith.constant 336 : index
      %swap3A_1510 = tpu.vector_load %swap3A_1506[%swap3A_1507, %swap3A_1508, %swap3A_1509] {strides = array<i32>} : memref<1x64x768xf32, #tpu.memory_space<vmem>>, vector<1x1x16xf32>,
      %swap3A_1511 = vector.shape_cast %swap3A_1510 : vector<1x1x16xf32> to vector<16xf32>
      %swap3A_1512 = vector.shape_cast %get3A_704 : vector<16xf32> to vector<1x1x16xf32>
      tpu.vector_store %swap3A_1506[%swap3A_1507, %swap3A_1508, %swap3A_1509], %swap3A_1512 {strides = array<i32>} : memref<1x64x768xf32, #tpu.memory_space<vmem>>, vector<1x1x16xf32>,
      %swap3A_1513 = arith.constant 0 : i32
      %swap3A_1514 = arith.constant 0 : i32
      %swap3A_1515 = arith.constant 0 : i32
      %swap3A_1516 = arith.constant 0 : i32
      %swap3A_1517 = tpu.memref_slice %arg6[%scan3A_759, %swap3A_1514, %swap3A_1515, %swap3A_1516] : memref<2x1x64x768xf32, #tpu.memory_space<vmem>> -> memref<1x1x64x768xf32, #tpu.memory_space<vmem>>
      %swap3A_1518 = tpu.memref_squeeze %swap3A_1517 : memref<1x1x64x768xf32, #tpu.memory_space<vmem>> -> memref<1x64x768xf32, #tpu.memory_space<vmem>>
      %swap3A_1519 = arith.index_cast %swap3A_1513 : i32 to index
      %swap3A_1520 = arith.index_cast %scan3A_1249 : i32 to index
      %swap3A_1521 = arith.constant 352 : index
      %swap3A_1522 = tpu.vector_load %swap3A_1518[%swap3A_1519, %swap3A_1520, %swap3A_1521] {strides = array<i32>} : memref<1x64x768xf32, #tpu.memory_space<vmem>>, vector<1x1x16xf32>,
      %swap3A_1523 = vector.shape_cast %swap3A_1522 : vector<1x1x16xf32> to vector<16xf32>
      %swap3A_1524 = vector.shape_cast %get3A_709 : vector<16xf32> to vector<1x1x16xf32>
      tpu.vector_store %swap3A_1518[%swap3A_1519, %swap3A_1520, %swap3A_1521], %swap3A_1524 {strides = array<i32>} : memref<1x64x768xf32, #tpu.memory_space<vmem>>, vector<1x1x16xf32>,
      %swap3A_1525 = arith.constant 0 : i32
      %swap3A_1526 = arith.constant 0 : i32
      %swap3A_1527 = arith.constant 0 : i32
      %swap3A_1528 = arith.constant 0 : i32
      %swap3A_1529 = tpu.memref_slice %arg6[%scan3A_759, %swap3A_1526, %swap3A_1527, %swap3A_1528] : memref<2x1x64x768xf32, #tpu.memory_space<vmem>> -> memref<1x1x64x768xf32, #tpu.memory_space<vmem>>
      %swap3A_1530 = tpu.memref_squeeze %swap3A_1529 : memref<1x1x64x768xf32, #tpu.memory_space<vmem>> -> memref<1x64x768xf32, #tpu.memory_space<vmem>>
      %swap3A_1531 = arith.index_cast %swap3A_1525 : i32 to index
      %swap3A_1532 = arith.index_cast %scan3A_1249 : i32 to index
      %swap3A_1533 = arith.constant 368 : index
      %swap3A_1534 = tpu.vector_load %swap3A_1530[%swap3A_1531, %swap3A_1532, %swap3A_1533] {strides = array<i32>} : memref<1x64x768xf32, #tpu.memory_space<vmem>>, vector<1x1x16xf32>,
      %swap3A_1535 = vector.shape_cast %swap3A_1534 : vector<1x1x16xf32> to vector<16xf32>
      %swap3A_1536 = vector.shape_cast %get3A_714 : vector<16xf32> to vector<1x1x16xf32>
      tpu.vector_store %swap3A_1530[%swap3A_1531, %swap3A_1532, %swap3A_1533], %swap3A_1536 {strides = array<i32>} : memref<1x64x768xf32, #tpu.memory_space<vmem>>, vector<1x1x16xf32>,
    }
    %scan3A_764 = arith.constant 64 : i32
    %dma_wait3A_765 = arith.constant 0 : i32
    %dma_wait3A_766 = arith.constant 0 : i32
    %dma_wait3A_767 = arith.constant 0 : i32
    %dma_wait3A_768 = arith.constant 0 : i32
    %dma_wait3A_769 = arith.constant 0 : i32
    %dma_wait3A_770 = tpu.memref_slice %arg6[%dma_wait3A_765, %dma_wait3A_767, %dma_wait3A_768, %dma_wait3A_769] : memref<2x1x64x768xf32, #tpu.memory_space<vmem>> -> memref<1x1x64x768xf32, #tpu.memory_space<vmem>>
    %dma_wait3A_771 = tpu.memref_squeeze %dma_wait3A_770 : memref<1x1x64x768xf32, #tpu.memory_space<vmem>> -> memref<1x64x768xf32, #tpu.memory_space<vmem>>
    %dma_wait3A_772 = arith.constant 0 : i32
    %dma_wait3A_773 = arith.constant 384 : i32
    %dma_wait3A_774 = tpu.memref_slice %dma_wait3A_771[%dma_wait3A_766, %dma_wait3A_772, %dma_wait3A_773] : memref<1x64x768xf32, #tpu.memory_space<vmem>> -> memref<1x64x384xf32, #tpu.memory_space<vmem>>
    %dma_wait3A_775 = tpu.memref_squeeze %dma_wait3A_774 : memref<1x64x384xf32, #tpu.memory_space<vmem>> -> memref<64x384xf32, #tpu.memory_space<vmem>>
    %dma_wait3A_776 = arith.constant 0 : i32
    %dma_wait3A_777 = arith.constant 0 : i32
    %dma_wait3A_778 = tpu.memref_slice %arg5[%dma_wait3A_776, %dma_wait3A_777] : memref<128x384xf32, #tpu.memory_space<vmem_shared>> -> memref<64x384xf32, #tpu.memory_space<vmem_shared>>
    %dma_wait3A_779 = arith.constant 0 : i32
    %dma_wait3A_780 = arith.constant 0 : i32
    %dma_wait3A_781 = arith.constant 0 : i32
    %dma_wait3A_782 = tpu.memref_slice %arg6[%dma_wait3A_765, %dma_wait3A_779, %dma_wait3A_780, %dma_wait3A_781] : memref<2x1x64x768xf32, #tpu.memory_space<vmem>> -> memref<1x1x64x768xf32, #tpu.memory_space<vmem>>
    %dma_wait3A_783 = tpu.memref_squeeze %dma_wait3A_782 : memref<1x1x64x768xf32, #tpu.memory_space<vmem>> -> memref<1x64x768xf32, #tpu.memory_space<vmem>>
    %dma_wait3A_784 = arith.constant 0 : i32
    %dma_wait3A_785 = arith.constant 384 : i32
    %dma_wait3A_786 = tpu.memref_slice %dma_wait3A_783[%dma_wait3A_766, %dma_wait3A_784, %dma_wait3A_785] : memref<1x64x768xf32, #tpu.memory_space<vmem>> -> memref<1x64x384xf32, #tpu.memory_space<vmem>>
    %dma_wait3A_787 = tpu.memref_squeeze %dma_wait3A_786 : memref<1x64x384xf32, #tpu.memory_space<vmem>> -> memref<64x384xf32, #tpu.memory_space<vmem>>
    %dma_wait3A_788 = arith.constant 0 : i32
    %dma_wait3A_789 = arith.constant 0 : i32
    %dma_wait3A_790 = tpu.memref_slice %arg5[%dma_wait3A_788, %dma_wait3A_789] : memref<128x384xf32, #tpu.memory_space<vmem_shared>> -> memref<64x384xf32, #tpu.memory_space<vmem_shared>>
    tpu.wait_dma2 semaphore(%arg8 : memref<!tpu.dma_semaphore, #tpu.memory_space<semaphore_mem>>) src(%dma_wait3A_790 : memref<64x384xf32, #tpu.memory_space<vmem_shared>>) dst(%dma_wait3A_787 : memref<64x384xf32, #tpu.memory_space<vmem>>)
    %add3A_791 = arith.constant 2 : i32
    %add3A_792 = arith.addi %mul3A_2, %add3A_791 : i32
    %dma_start3A_793 = arith.constant 0 : i32
    %dma_start3A_794 = arith.constant 0 : i32
    %dma_start3A_795 = arith.constant 0 : i32
    %dma_start3A_796 = arith.constant 0 : i32
    %dma_start3A_797 = tpu.memref_slice %arg6[%dma_start3A_793, %dma_start3A_794, %dma_start3A_795, %dma_start3A_796] : memref<2x1x64x768xf32, #tpu.memory_space<vmem>> -> memref<1x1x64x768xf32, #tpu.memory_space<vmem>>
    %dma_start3A_798 = tpu.memref_squeeze %dma_start3A_797 : memref<1x1x64x768xf32, #tpu.memory_space<vmem>> -> memref<1x64x768xf32, #tpu.memory_space<vmem>>
    %dma_start3A_799 = arith.constant 0 : i32
    %dma_start3A_800 = arith.constant 0 : i32
    %dma_start3A_801 = tpu.memref_slice %arg4[%add3A_792, %dma_start3A_799, %dma_start3A_800] : memref<128x128x768xf32, #tpu.memory_space<hbm>> -> memref<1x64x768xf32, #tpu.memory_space<hbm>>
    %dma_start3A_802 = arith.constant 0 : i32
    %dma_start3A_803 = arith.constant 0 : i32
    %dma_start3A_804 = tpu.memref_slice %arg4[%add3A_792, %dma_start3A_802, %dma_start3A_803] : memref<128x128x768xf32, #tpu.memory_space<hbm>> -> memref<1x64x768xf32, #tpu.memory_space<hbm>>
    %dma_start3A_805 = arith.constant 0 : i32
    %dma_start3A_806 = arith.constant 0 : i32
    %dma_start3A_807 = arith.constant 0 : i32
    %dma_start3A_808 = tpu.memref_slice %arg6[%dma_start3A_793, %dma_start3A_805, %dma_start3A_806, %dma_start3A_807] : memref<2x1x64x768xf32, #tpu.memory_space<vmem>> -> memref<1x1x64x768xf32, #tpu.memory_space<vmem>>
    %dma_start3A_809 = tpu.memref_squeeze %dma_start3A_808 : memref<1x1x64x768xf32, #tpu.memory_space<vmem>> -> memref<1x64x768xf32, #tpu.memory_space<vmem>>
    tpu.enqueue_dma source(%dma_start3A_809 : memref<1x64x768xf32, #tpu.memory_space<vmem>>) target(%dma_start3A_804 : memref<1x64x768xf32, #tpu.memory_space<hbm>>) target_semaphore(%arg9 : memref<!tpu.dma_semaphore, #tpu.memory_space<semaphore_mem>>)
    %dma_wait3A_810 = arith.constant 1 : i32
    %dma_wait3A_811 = arith.constant 0 : i32
    %dma_wait3A_812 = arith.constant 0 : i32
    %dma_wait3A_813 = arith.constant 0 : i32
    %dma_wait3A_814 = tpu.memref_slice %arg6[%dma_wait3A_810, %dma_wait3A_811, %dma_wait3A_812, %dma_wait3A_813] : memref<2x1x64x768xf32, #tpu.memory_space<vmem>> -> memref<1x1x64x768xf32, #tpu.memory_space<vmem>>
    %dma_wait3A_815 = tpu.memref_squeeze %dma_wait3A_814 : memref<1x1x64x768xf32, #tpu.memory_space<vmem>> -> memref<1x64x768xf32, #tpu.memory_space<vmem>>
    %dma_wait3A_816 = arith.constant 64 : i32
    %dma_wait3A_817 = arith.constant 0 : i32
    %dma_wait3A_818 = tpu.memref_slice %arg4[%add3A_577, %dma_wait3A_816, %dma_wait3A_817] : memref<128x128x768xf32, #tpu.memory_space<hbm>> -> memref<1x64x768xf32, #tpu.memory_space<hbm>>
    %dma_wait3A_819 = arith.constant 64 : i32
    %dma_wait3A_820 = arith.constant 0 : i32
    %dma_wait3A_821 = tpu.memref_slice %arg4[%add3A_577, %dma_wait3A_819, %dma_wait3A_820] : memref<128x128x768xf32, #tpu.memory_space<hbm>> -> memref<1x64x768xf32, #tpu.memory_space<hbm>>
    %dma_wait3A_822 = arith.constant 0 : i32
    %dma_wait3A_823 = arith.constant 0 : i32
    %dma_wait3A_824 = arith.constant 0 : i32
    %dma_wait3A_825 = tpu.memref_slice %arg6[%dma_wait3A_810, %dma_wait3A_822, %dma_wait3A_823, %dma_wait3A_824] : memref<2x1x64x768xf32, #tpu.memory_space<vmem>> -> memref<1x1x64x768xf32, #tpu.memory_space<vmem>>
    %dma_wait3A_826 = tpu.memref_squeeze %dma_wait3A_825 : memref<1x1x64x768xf32, #tpu.memory_space<vmem>> -> memref<1x64x768xf32, #tpu.memory_space<vmem>>
    tpu.wait_dma2 semaphore(%arg9 : memref<!tpu.dma_semaphore, #tpu.memory_space<semaphore_mem>>) src(%dma_wait3A_826 : memref<1x64x768xf32, #tpu.memory_space<vmem>>) dst(%dma_wait3A_821 : memref<1x64x768xf32, #tpu.memory_space<hbm>>)
    %dma_start3A_827 = arith.constant 1 : i32
    %dma_start3A_828 = arith.constant 0 : i32
    %dma_start3A_829 = arith.constant 0 : i32
    %dma_start3A_830 = arith.constant 0 : i32
    %dma_start3A_831 = arith.constant 0 : i32
    %dma_start3A_832 = tpu.memref_slice %arg6[%dma_start3A_827, %dma_start3A_829, %dma_start3A_830, %dma_start3A_831] : memref<2x1x64x768xf32, #tpu.memory_space<vmem>> -> memref<1x1x64x768xf32, #tpu.memory_space<vmem>>
    %dma_start3A_833 = tpu.memref_squeeze %dma_start3A_832 : memref<1x1x64x768xf32, #tpu.memory_space<vmem>> -> memref<1x64x768xf32, #tpu.memory_space<vmem>>
    %dma_start3A_834 = arith.constant 0 : i32
    %dma_start3A_835 = arith.constant 384 : i32
    %dma_start3A_836 = tpu.memref_slice %dma_start3A_833[%dma_start3A_828, %dma_start3A_834, %dma_start3A_835] : memref<1x64x768xf32, #tpu.memory_space<vmem>> -> memref<1x64x384xf32, #tpu.memory_space<vmem>>
    %dma_start3A_837 = tpu.memref_squeeze %dma_start3A_836 : memref<1x64x384xf32, #tpu.memory_space<vmem>> -> memref<64x384xf32, #tpu.memory_space<vmem>>
    %dma_start3A_838 = arith.constant 64 : i32
    %dma_start3A_839 = arith.constant 0 : i32
    %dma_start3A_840 = tpu.memref_slice %arg5[%dma_start3A_838, %dma_start3A_839] : memref<128x384xf32, #tpu.memory_space<vmem_shared>> -> memref<64x384xf32, #tpu.memory_space<vmem_shared>>
    %dma_start3A_841 = arith.constant 0 : i32
    %dma_start3A_842 = arith.constant 0 : i32
    %dma_start3A_843 = arith.constant 0 : i32
    %dma_start3A_844 = tpu.memref_slice %arg6[%dma_start3A_827, %dma_start3A_841, %dma_start3A_842, %dma_start3A_843] : memref<2x1x64x768xf32, #tpu.memory_space<vmem>> -> memref<1x1x64x768xf32, #tpu.memory_space<vmem>>
    %dma_start3A_845 = tpu.memref_squeeze %dma_start3A_844 : memref<1x1x64x768xf32, #tpu.memory_space<vmem>> -> memref<1x64x768xf32, #tpu.memory_space<vmem>>
    %dma_start3A_846 = arith.constant 0 : i32
    %dma_start3A_847 = arith.constant 384 : i32
    %dma_start3A_848 = tpu.memref_slice %dma_start3A_845[%dma_start3A_828, %dma_start3A_846, %dma_start3A_847] : memref<1x64x768xf32, #tpu.memory_space<vmem>> -> memref<1x64x384xf32, #tpu.memory_space<vmem>>
    %dma_start3A_849 = tpu.memref_squeeze %dma_start3A_848 : memref<1x64x384xf32, #tpu.memory_space<vmem>> -> memref<64x384xf32, #tpu.memory_space<vmem>>
    %dma_start3A_850 = arith.constant 64 : i32
    %dma_start3A_851 = arith.constant 0 : i32
    %dma_start3A_852 = tpu.memref_slice %arg5[%dma_start3A_850, %dma_start3A_851] : memref<128x384xf32, #tpu.memory_space<vmem_shared>> -> memref<64x384xf32, #tpu.memory_space<vmem_shared>>
    tpu.enqueue_dma source(%dma_start3A_852 : memref<64x384xf32, #tpu.memory_space<vmem_shared>>) target(%dma_start3A_849 : memref<64x384xf32, #tpu.memory_space<vmem>>) target_semaphore(%arg8 : memref<!tpu.dma_semaphore, #tpu.memory_space<semaphore_mem>>)
    %scan3A_853 = arith.constant 0 : i32
    %scan3A_854 = arith.constant 1 : i32
    %scan3A_855 = arith.constant 0 : i32
    %scan3A_856 = arith.constant 64 : i32
    %scan3A_857 = arith.addi %scan3A_855, %scan3A_856 : i32
    %scan3A_858 = arith.constant 1 : i32
    scf.for %scan3A_1249 = %scan3A_855 to %scan3A_857 step %scan3A_858  : i32 {
      %swap3A = arith.constant 0 : i32
      %swap3A_1250 = arith.constant 0 : i32
      %swap3A_1251 = arith.constant 0 : i32
      %swap3A_1252 = arith.constant 0 : i32
      %swap3A_1253 = tpu.memref_slice %arg6[%scan3A_854, %swap3A_1250, %swap3A_1251, %swap3A_1252] : memref<2x1x64x768xf32, #tpu.memory_space<vmem>> -> memref<1x1x64x768xf32, #tpu.memory_space<vmem>>
      %swap3A_1254 = tpu.memref_squeeze %swap3A_1253 : memref<1x1x64x768xf32, #tpu.memory_space<vmem>> -> memref<1x64x768xf32, #tpu.memory_space<vmem>>
      %swap3A_1255 = arith.index_cast %swap3A : i32 to index
      %swap3A_1256 = arith.index_cast %scan3A_1249 : i32 to index
      %swap3A_1257 = arith.constant 0 : index
      %swap3A_1258 = tpu.vector_load %swap3A_1254[%swap3A_1255, %swap3A_1256, %swap3A_1257] {strides = array<i32>} : memref<1x64x768xf32, #tpu.memory_space<vmem>>, vector<1x1x16xf32>,
      %swap3A_1259 = vector.shape_cast %swap3A_1258 : vector<1x1x16xf32> to vector<16xf32>
      %swap3A_1260 = vector.shape_cast %get3A_599 : vector<16xf32> to vector<1x1x16xf32>
      tpu.vector_store %swap3A_1254[%swap3A_1255, %swap3A_1256, %swap3A_1257], %swap3A_1260 {strides = array<i32>} : memref<1x64x768xf32, #tpu.memory_space<vmem>>, vector<1x1x16xf32>,
      %swap3A_1261 = arith.constant 0 : i32
      %swap3A_1262 = arith.constant 0 : i32
      %swap3A_1263 = arith.constant 0 : i32
      %swap3A_1264 = arith.constant 0 : i32
      %swap3A_1265 = tpu.memref_slice %arg6[%scan3A_854, %swap3A_1262, %swap3A_1263, %swap3A_1264] : memref<2x1x64x768xf32, #tpu.memory_space<vmem>> -> memref<1x1x64x768xf32, #tpu.memory_space<vmem>>
      %swap3A_1266 = tpu.memref_squeeze %swap3A_1265 : memref<1x1x64x768xf32, #tpu.memory_space<vmem>> -> memref<1x64x768xf32, #tpu.memory_space<vmem>>
      %swap3A_1267 = arith.index_cast %swap3A_1261 : i32 to index
      %swap3A_1268 = arith.index_cast %scan3A_1249 : i32 to index
      %swap3A_1269 = arith.constant 16 : index
      %swap3A_1270 = tpu.vector_load %swap3A_1266[%swap3A_1267, %swap3A_1268, %swap3A_1269] {strides = array<i32>} : memref<1x64x768xf32, #tpu.memory_space<vmem>>, vector<1x1x16xf32>,
      %swap3A_1271 = vector.shape_cast %swap3A_1270 : vector<1x1x16xf32> to vector<16xf32>
      %swap3A_1272 = vector.shape_cast %get3A_604 : vector<16xf32> to vector<1x1x16xf32>
      tpu.vector_store %swap3A_1266[%swap3A_1267, %swap3A_1268, %swap3A_1269], %swap3A_1272 {strides = array<i32>} : memref<1x64x768xf32, #tpu.memory_space<vmem>>, vector<1x1x16xf32>,
      %swap3A_1273 = arith.constant 0 : i32
      %swap3A_1274 = arith.constant 0 : i32
      %swap3A_1275 = arith.constant 0 : i32
      %swap3A_1276 = arith.constant 0 : i32
      %swap3A_1277 = tpu.memref_slice %arg6[%scan3A_854, %swap3A_1274, %swap3A_1275, %swap3A_1276] : memref<2x1x64x768xf32, #tpu.memory_space<vmem>> -> memref<1x1x64x768xf32, #tpu.memory_space<vmem>>
      %swap3A_1278 = tpu.memref_squeeze %swap3A_1277 : memref<1x1x64x768xf32, #tpu.memory_space<vmem>> -> memref<1x64x768xf32, #tpu.memory_space<vmem>>
      %swap3A_1279 = arith.index_cast %swap3A_1273 : i32 to index
      %swap3A_1280 = arith.index_cast %scan3A_1249 : i32 to index
      %swap3A_1281 = arith.constant 32 : index
      %swap3A_1282 = tpu.vector_load %swap3A_1278[%swap3A_1279, %swap3A_1280, %swap3A_1281] {strides = array<i32>} : memref<1x64x768xf32, #tpu.memory_space<vmem>>, vector<1x1x16xf32>,
      %swap3A_1283 = vector.shape_cast %swap3A_1282 : vector<1x1x16xf32> to vector<16xf32>
      %swap3A_1284 = vector.shape_cast %get3A_609 : vector<16xf32> to vector<1x1x16xf32>
      tpu.vector_store %swap3A_1278[%swap3A_1279, %swap3A_1280, %swap3A_1281], %swap3A_1284 {strides = array<i32>} : memref<1x64x768xf32, #tpu.memory_space<vmem>>, vector<1x1x16xf32>,
      %swap3A_1285 = arith.constant 0 : i32
      %swap3A_1286 = arith.constant 0 : i32
      %swap3A_1287 = arith.constant 0 : i32
      %swap3A_1288 = arith.constant 0 : i32
      %swap3A_1289 = tpu.memref_slice %arg6[%scan3A_854, %swap3A_1286, %swap3A_1287, %swap3A_1288] : memref<2x1x64x768xf32, #tpu.memory_space<vmem>> -> memref<1x1x64x768xf32, #tpu.memory_space<vmem>>
      %swap3A_1290 = tpu.memref_squeeze %swap3A_1289 : memref<1x1x64x768xf32, #tpu.memory_space<vmem>> -> memref<1x64x768xf32, #tpu.memory_space<vmem>>
      %swap3A_1291 = arith.index_cast %swap3A_1285 : i32 to index
      %swap3A_1292 = arith.index_cast %scan3A_1249 : i32 to index
      %swap3A_1293 = arith.constant 48 : index
      %swap3A_1294 = tpu.vector_load %swap3A_1290[%swap3A_1291, %swap3A_1292, %swap3A_1293] {strides = array<i32>} : memref<1x64x768xf32, #tpu.memory_space<vmem>>, vector<1x1x16xf32>,
      %swap3A_1295 = vector.shape_cast %swap3A_1294 : vector<1x1x16xf32> to vector<16xf32>
      %swap3A_1296 = vector.shape_cast %get3A_614 : vector<16xf32> to vector<1x1x16xf32>
      tpu.vector_store %swap3A_1290[%swap3A_1291, %swap3A_1292, %swap3A_1293], %swap3A_1296 {strides = array<i32>} : memref<1x64x768xf32, #tpu.memory_space<vmem>>, vector<1x1x16xf32>,
      %swap3A_1297 = arith.constant 0 : i32
      %swap3A_1298 = arith.constant 0 : i32
      %swap3A_1299 = arith.constant 0 : i32
      %swap3A_1300 = arith.constant 0 : i32
      %swap3A_1301 = tpu.memref_slice %arg6[%scan3A_854, %swap3A_1298, %swap3A_1299, %swap3A_1300] : memref<2x1x64x768xf32, #tpu.memory_space<vmem>> -> memref<1x1x64x768xf32, #tpu.memory_space<vmem>>
      %swap3A_1302 = tpu.memref_squeeze %swap3A_1301 : memref<1x1x64x768xf32, #tpu.memory_space<vmem>> -> memref<1x64x768xf32, #tpu.memory_space<vmem>>
      %swap3A_1303 = arith.index_cast %swap3A_1297 : i32 to index
      %swap3A_1304 = arith.index_cast %scan3A_1249 : i32 to index
      %swap3A_1305 = arith.constant 64 : index
      %swap3A_1306 = tpu.vector_load %swap3A_1302[%swap3A_1303, %swap3A_1304, %swap3A_1305] {strides = array<i32>} : memref<1x64x768xf32, #tpu.memory_space<vmem>>, vector<1x1x16xf32>,
      %swap3A_1307 = vector.shape_cast %swap3A_1306 : vector<1x1x16xf32> to vector<16xf32>
      %swap3A_1308 = vector.shape_cast %get3A_619 : vector<16xf32> to vector<1x1x16xf32>
      tpu.vector_store %swap3A_1302[%swap3A_1303, %swap3A_1304, %swap3A_1305], %swap3A_1308 {strides = array<i32>} : memref<1x64x768xf32, #tpu.memory_space<vmem>>, vector<1x1x16xf32>,
      %swap3A_1309 = arith.constant 0 : i32
      %swap3A_1310 = arith.constant 0 : i32
      %swap3A_1311 = arith.constant 0 : i32
      %swap3A_1312 = arith.constant 0 : i32
      %swap3A_1313 = tpu.memref_slice %arg6[%scan3A_854, %swap3A_1310, %swap3A_1311, %swap3A_1312] : memref<2x1x64x768xf32, #tpu.memory_space<vmem>> -> memref<1x1x64x768xf32, #tpu.memory_space<vmem>>
      %swap3A_1314 = tpu.memref_squeeze %swap3A_1313 : memref<1x1x64x768xf32, #tpu.memory_space<vmem>> -> memref<1x64x768xf32, #tpu.memory_space<vmem>>
      %swap3A_1315 = arith.index_cast %swap3A_1309 : i32 to index
      %swap3A_1316 = arith.index_cast %scan3A_1249 : i32 to index
      %swap3A_1317 = arith.constant 80 : index
      %swap3A_1318 = tpu.vector_load %swap3A_1314[%swap3A_1315, %swap3A_1316, %swap3A_1317] {strides = array<i32>} : memref<1x64x768xf32, #tpu.memory_space<vmem>>, vector<1x1x16xf32>,
      %swap3A_1319 = vector.shape_cast %swap3A_1318 : vector<1x1x16xf32> to vector<16xf32>
      %swap3A_1320 = vector.shape_cast %get3A_624 : vector<16xf32> to vector<1x1x16xf32>
      tpu.vector_store %swap3A_1314[%swap3A_1315, %swap3A_1316, %swap3A_1317], %swap3A_1320 {strides = array<i32>} : memref<1x64x768xf32, #tpu.memory_space<vmem>>, vector<1x1x16xf32>,
      %swap3A_1321 = arith.constant 0 : i32
      %swap3A_1322 = arith.constant 0 : i32
      %swap3A_1323 = arith.constant 0 : i32
      %swap3A_1324 = arith.constant 0 : i32
      %swap3A_1325 = tpu.memref_slice %arg6[%scan3A_854, %swap3A_1322, %swap3A_1323, %swap3A_1324] : memref<2x1x64x768xf32, #tpu.memory_space<vmem>> -> memref<1x1x64x768xf32, #tpu.memory_space<vmem>>
      %swap3A_1326 = tpu.memref_squeeze %swap3A_1325 : memref<1x1x64x768xf32, #tpu.memory_space<vmem>> -> memref<1x64x768xf32, #tpu.memory_space<vmem>>
      %swap3A_1327 = arith.index_cast %swap3A_1321 : i32 to index
      %swap3A_1328 = arith.index_cast %scan3A_1249 : i32 to index
      %swap3A_1329 = arith.constant 96 : index
      %swap3A_1330 = tpu.vector_load %swap3A_1326[%swap3A_1327, %swap3A_1328, %swap3A_1329] {strides = array<i32>} : memref<1x64x768xf32, #tpu.memory_space<vmem>>, vector<1x1x16xf32>,
      %swap3A_1331 = vector.shape_cast %swap3A_1330 : vector<1x1x16xf32> to vector<16xf32>
      %swap3A_1332 = vector.shape_cast %get3A_629 : vector<16xf32> to vector<1x1x16xf32>
      tpu.vector_store %swap3A_1326[%swap3A_1327, %swap3A_1328, %swap3A_1329], %swap3A_1332 {strides = array<i32>} : memref<1x64x768xf32, #tpu.memory_space<vmem>>, vector<1x1x16xf32>,
      %swap3A_1333 = arith.constant 0 : i32
      %swap3A_1334 = arith.constant 0 : i32
      %swap3A_1335 = arith.constant 0 : i32
      %swap3A_1336 = arith.constant 0 : i32
      %swap3A_1337 = tpu.memref_slice %arg6[%scan3A_854, %swap3A_1334, %swap3A_1335, %swap3A_1336] : memref<2x1x64x768xf32, #tpu.memory_space<vmem>> -> memref<1x1x64x768xf32, #tpu.memory_space<vmem>>
      %swap3A_1338 = tpu.memref_squeeze %swap3A_1337 : memref<1x1x64x768xf32, #tpu.memory_space<vmem>> -> memref<1x64x768xf32, #tpu.memory_space<vmem>>
      %swap3A_1339 = arith.index_cast %swap3A_1333 : i32 to index
      %swap3A_1340 = arith.index_cast %scan3A_1249 : i32 to index
      %swap3A_1341 = arith.constant 112 : index
      %swap3A_1342 = tpu.vector_load %swap3A_1338[%swap3A_1339, %swap3A_1340, %swap3A_1341] {strides = array<i32>} : memref<1x64x768xf32, #tpu.memory_space<vmem>>, vector<1x1x16xf32>,
      %swap3A_1343 = vector.shape_cast %swap3A_1342 : vector<1x1x16xf32> to vector<16xf32>
      %swap3A_1344 = vector.shape_cast %get3A_634 : vector<16xf32> to vector<1x1x16xf32>
      tpu.vector_store %swap3A_1338[%swap3A_1339, %swap3A_1340, %swap3A_1341], %swap3A_1344 {strides = array<i32>} : memref<1x64x768xf32, #tpu.memory_space<vmem>>, vector<1x1x16xf32>,
      %swap3A_1345 = arith.constant 0 : i32
      %swap3A_1346 = arith.constant 0 : i32
      %swap3A_1347 = arith.constant 0 : i32
      %swap3A_1348 = arith.constant 0 : i32
      %swap3A_1349 = tpu.memref_slice %arg6[%scan3A_854, %swap3A_1346, %swap3A_1347, %swap3A_1348] : memref<2x1x64x768xf32, #tpu.memory_space<vmem>> -> memref<1x1x64x768xf32, #tpu.memory_space<vmem>>
      %swap3A_1350 = tpu.memref_squeeze %swap3A_1349 : memref<1x1x64x768xf32, #tpu.memory_space<vmem>> -> memref<1x64x768xf32, #tpu.memory_space<vmem>>
      %swap3A_1351 = arith.index_cast %swap3A_1345 : i32 to index
      %swap3A_1352 = arith.index_cast %scan3A_1249 : i32 to index
      %swap3A_1353 = arith.constant 128 : index
      %swap3A_1354 = tpu.vector_load %swap3A_1350[%swap3A_1351, %swap3A_1352, %swap3A_1353] {strides = array<i32>} : memref<1x64x768xf32, #tpu.memory_space<vmem>>, vector<1x1x16xf32>,
      %swap3A_1355 = vector.shape_cast %swap3A_1354 : vector<1x1x16xf32> to vector<16xf32>
      %swap3A_1356 = vector.shape_cast %get3A_639 : vector<16xf32> to vector<1x1x16xf32>
      tpu.vector_store %swap3A_1350[%swap3A_1351, %swap3A_1352, %swap3A_1353], %swap3A_1356 {strides = array<i32>} : memref<1x64x768xf32, #tpu.memory_space<vmem>>, vector<1x1x16xf32>,
      %swap3A_1357 = arith.constant 0 : i32
      %swap3A_1358 = arith.constant 0 : i32
      %swap3A_1359 = arith.constant 0 : i32
      %swap3A_1360 = arith.constant 0 : i32
      %swap3A_1361 = tpu.memref_slice %arg6[%scan3A_854, %swap3A_1358, %swap3A_1359, %swap3A_1360] : memref<2x1x64x768xf32, #tpu.memory_space<vmem>> -> memref<1x1x64x768xf32, #tpu.memory_space<vmem>>
      %swap3A_1362 = tpu.memref_squeeze %swap3A_1361 : memref<1x1x64x768xf32, #tpu.memory_space<vmem>> -> memref<1x64x768xf32, #tpu.memory_space<vmem>>
      %swap3A_1363 = arith.index_cast %swap3A_1357 : i32 to index
      %swap3A_1364 = arith.index_cast %scan3A_1249 : i32 to index
      %swap3A_1365 = arith.constant 144 : index
      %swap3A_1366 = tpu.vector_load %swap3A_1362[%swap3A_1363, %swap3A_1364, %swap3A_1365] {strides = array<i32>} : memref<1x64x768xf32, #tpu.memory_space<vmem>>, vector<1x1x16xf32>,
      %swap3A_1367 = vector.shape_cast %swap3A_1366 : vector<1x1x16xf32> to vector<16xf32>
      %swap3A_1368 = vector.shape_cast %get3A_644 : vector<16xf32> to vector<1x1x16xf32>
      tpu.vector_store %swap3A_1362[%swap3A_1363, %swap3A_1364, %swap3A_1365], %swap3A_1368 {strides = array<i32>} : memref<1x64x768xf32, #tpu.memory_space<vmem>>, vector<1x1x16xf32>,
      %swap3A_1369 = arith.constant 0 : i32
      %swap3A_1370 = arith.constant 0 : i32
      %swap3A_1371 = arith.constant 0 : i32
      %swap3A_1372 = arith.constant 0 : i32
      %swap3A_1373 = tpu.memref_slice %arg6[%scan3A_854, %swap3A_1370, %swap3A_1371, %swap3A_1372] : memref<2x1x64x768xf32, #tpu.memory_space<vmem>> -> memref<1x1x64x768xf32, #tpu.memory_space<vmem>>
      %swap3A_1374 = tpu.memref_squeeze %swap3A_1373 : memref<1x1x64x768xf32, #tpu.memory_space<vmem>> -> memref<1x64x768xf32, #tpu.memory_space<vmem>>
      %swap3A_1375 = arith.index_cast %swap3A_1369 : i32 to index
      %swap3A_1376 = arith.index_cast %scan3A_1249 : i32 to index
      %swap3A_1377 = arith.constant 160 : index
      %swap3A_1378 = tpu.vector_load %swap3A_1374[%swap3A_1375, %swap3A_1376, %swap3A_1377] {strides = array<i32>} : memref<1x64x768xf32, #tpu.memory_space<vmem>>, vector<1x1x16xf32>,
      %swap3A_1379 = vector.shape_cast %swap3A_1378 : vector<1x1x16xf32> to vector<16xf32>
      %swap3A_1380 = vector.shape_cast %get3A_649 : vector<16xf32> to vector<1x1x16xf32>
      tpu.vector_store %swap3A_1374[%swap3A_1375, %swap3A_1376, %swap3A_1377], %swap3A_1380 {strides = array<i32>} : memref<1x64x768xf32, #tpu.memory_space<vmem>>, vector<1x1x16xf32>,
      %swap3A_1381 = arith.constant 0 : i32
      %swap3A_1382 = arith.constant 0 : i32
      %swap3A_1383 = arith.constant 0 : i32
      %swap3A_1384 = arith.constant 0 : i32
      %swap3A_1385 = tpu.memref_slice %arg6[%scan3A_854, %swap3A_1382, %swap3A_1383, %swap3A_1384] : memref<2x1x64x768xf32, #tpu.memory_space<vmem>> -> memref<1x1x64x768xf32, #tpu.memory_space<vmem>>
      %swap3A_1386 = tpu.memref_squeeze %swap3A_1385 : memref<1x1x64x768xf32, #tpu.memory_space<vmem>> -> memref<1x64x768xf32, #tpu.memory_space<vmem>>
      %swap3A_1387 = arith.index_cast %swap3A_1381 : i32 to index
      %swap3A_1388 = arith.index_cast %scan3A_1249 : i32 to index
      %swap3A_1389 = arith.constant 176 : index
      %swap3A_1390 = tpu.vector_load %swap3A_1386[%swap3A_1387, %swap3A_1388, %swap3A_1389] {strides = array<i32>} : memref<1x64x768xf32, #tpu.memory_space<vmem>>, vector<1x1x16xf32>,
      %swap3A_1391 = vector.shape_cast %swap3A_1390 : vector<1x1x16xf32> to vector<16xf32>
      %swap3A_1392 = vector.shape_cast %get3A_654 : vector<16xf32> to vector<1x1x16xf32>
      tpu.vector_store %swap3A_1386[%swap3A_1387, %swap3A_1388, %swap3A_1389], %swap3A_1392 {strides = array<i32>} : memref<1x64x768xf32, #tpu.memory_space<vmem>>, vector<1x1x16xf32>,
      %swap3A_1393 = arith.constant 0 : i32
      %swap3A_1394 = arith.constant 0 : i32
      %swap3A_1395 = arith.constant 0 : i32
      %swap3A_1396 = arith.constant 0 : i32
      %swap3A_1397 = tpu.memref_slice %arg6[%scan3A_854, %swap3A_1394, %swap3A_1395, %swap3A_1396] : memref<2x1x64x768xf32, #tpu.memory_space<vmem>> -> memref<1x1x64x768xf32, #tpu.memory_space<vmem>>
      %swap3A_1398 = tpu.memref_squeeze %swap3A_1397 : memref<1x1x64x768xf32, #tpu.memory_space<vmem>> -> memref<1x64x768xf32, #tpu.memory_space<vmem>>
      %swap3A_1399 = arith.index_cast %swap3A_1393 : i32 to index
      %swap3A_1400 = arith.index_cast %scan3A_1249 : i32 to index
      %swap3A_1401 = arith.constant 192 : index
      %swap3A_1402 = tpu.vector_load %swap3A_1398[%swap3A_1399, %swap3A_1400, %swap3A_1401] {strides = array<i32>} : memref<1x64x768xf32, #tpu.memory_space<vmem>>, vector<1x1x16xf32>,
      %swap3A_1403 = vector.shape_cast %swap3A_1402 : vector<1x1x16xf32> to vector<16xf32>
      %swap3A_1404 = vector.shape_cast %get3A_659 : vector<16xf32> to vector<1x1x16xf32>
      tpu.vector_store %swap3A_1398[%swap3A_1399, %swap3A_1400, %swap3A_1401], %swap3A_1404 {strides = array<i32>} : memref<1x64x768xf32, #tpu.memory_space<vmem>>, vector<1x1x16xf32>,
      %swap3A_1405 = arith.constant 0 : i32
      %swap3A_1406 = arith.constant 0 : i32
      %swap3A_1407 = arith.constant 0 : i32
      %swap3A_1408 = arith.constant 0 : i32
      %swap3A_1409 = tpu.memref_slice %arg6[%scan3A_854, %swap3A_1406, %swap3A_1407, %swap3A_1408] : memref<2x1x64x768xf32, #tpu.memory_space<vmem>> -> memref<1x1x64x768xf32, #tpu.memory_space<vmem>>
      %swap3A_1410 = tpu.memref_squeeze %swap3A_1409 : memref<1x1x64x768xf32, #tpu.memory_space<vmem>> -> memref<1x64x768xf32, #tpu.memory_space<vmem>>
      %swap3A_1411 = arith.index_cast %swap3A_1405 : i32 to index
      %swap3A_1412 = arith.index_cast %scan3A_1249 : i32 to index
      %swap3A_1413 = arith.constant 208 : index
      %swap3A_1414 = tpu.vector_load %swap3A_1410[%swap3A_1411, %swap3A_1412, %swap3A_1413] {strides = array<i32>} : memref<1x64x768xf32, #tpu.memory_space<vmem>>, vector<1x1x16xf32>,
      %swap3A_1415 = vector.shape_cast %swap3A_1414 : vector<1x1x16xf32> to vector<16xf32>
      %swap3A_1416 = vector.shape_cast %get3A_664 : vector<16xf32> to vector<1x1x16xf32>
      tpu.vector_store %swap3A_1410[%swap3A_1411, %swap3A_1412, %swap3A_1413], %swap3A_1416 {strides = array<i32>} : memref<1x64x768xf32, #tpu.memory_space<vmem>>, vector<1x1x16xf32>,
      %swap3A_1417 = arith.constant 0 : i32
      %swap3A_1418 = arith.constant 0 : i32
      %swap3A_1419 = arith.constant 0 : i32
      %swap3A_1420 = arith.constant 0 : i32
      %swap3A_1421 = tpu.memref_slice %arg6[%scan3A_854, %swap3A_1418, %swap3A_1419, %swap3A_1420] : memref<2x1x64x768xf32, #tpu.memory_space<vmem>> -> memref<1x1x64x768xf32, #tpu.memory_space<vmem>>
      %swap3A_1422 = tpu.memref_squeeze %swap3A_1421 : memref<1x1x64x768xf32, #tpu.memory_space<vmem>> -> memref<1x64x768xf32, #tpu.memory_space<vmem>>
      %swap3A_1423 = arith.index_cast %swap3A_1417 : i32 to index
      %swap3A_1424 = arith.index_cast %scan3A_1249 : i32 to index
      %swap3A_1425 = arith.constant 224 : index
      %swap3A_1426 = tpu.vector_load %swap3A_1422[%swap3A_1423, %swap3A_1424, %swap3A_1425] {strides = array<i32>} : memref<1x64x768xf32, #tpu.memory_space<vmem>>, vector<1x1x16xf32>,
      %swap3A_1427 = vector.shape_cast %swap3A_1426 : vector<1x1x16xf32> to vector<16xf32>
      %swap3A_1428 = vector.shape_cast %get3A_669 : vector<16xf32> to vector<1x1x16xf32>
      tpu.vector_store %swap3A_1422[%swap3A_1423, %swap3A_1424, %swap3A_1425], %swap3A_1428 {strides = array<i32>} : memref<1x64x768xf32, #tpu.memory_space<vmem>>, vector<1x1x16xf32>,
      %swap3A_1429 = arith.constant 0 : i32
      %swap3A_1430 = arith.constant 0 : i32
      %swap3A_1431 = arith.constant 0 : i32
      %swap3A_1432 = arith.constant 0 : i32
      %swap3A_1433 = tpu.memref_slice %arg6[%scan3A_854, %swap3A_1430, %swap3A_1431, %swap3A_1432] : memref<2x1x64x768xf32, #tpu.memory_space<vmem>> -> memref<1x1x64x768xf32, #tpu.memory_space<vmem>>
      %swap3A_1434 = tpu.memref_squeeze %swap3A_1433 : memref<1x1x64x768xf32, #tpu.memory_space<vmem>> -> memref<1x64x768xf32, #tpu.memory_space<vmem>>
      %swap3A_1435 = arith.index_cast %swap3A_1429 : i32 to index
      %swap3A_1436 = arith.index_cast %scan3A_1249 : i32 to index
      %swap3A_1437 = arith.constant 240 : index
      %swap3A_1438 = tpu.vector_load %swap3A_1434[%swap3A_1435, %swap3A_1436, %swap3A_1437] {strides = array<i32>} : memref<1x64x768xf32, #tpu.memory_space<vmem>>, vector<1x1x16xf32>,
      %swap3A_1439 = vector.shape_cast %swap3A_1438 : vector<1x1x16xf32> to vector<16xf32>
      %swap3A_1440 = vector.shape_cast %get3A_674 : vector<16xf32> to vector<1x1x16xf32>
      tpu.vector_store %swap3A_1434[%swap3A_1435, %swap3A_1436, %swap3A_1437], %swap3A_1440 {strides = array<i32>} : memref<1x64x768xf32, #tpu.memory_space<vmem>>, vector<1x1x16xf32>,
      %swap3A_1441 = arith.constant 0 : i32
      %swap3A_1442 = arith.constant 0 : i32
      %swap3A_1443 = arith.constant 0 : i32
      %swap3A_1444 = arith.constant 0 : i32
      %swap3A_1445 = tpu.memref_slice %arg6[%scan3A_854, %swap3A_1442, %swap3A_1443, %swap3A_1444] : memref<2x1x64x768xf32, #tpu.memory_space<vmem>> -> memref<1x1x64x768xf32, #tpu.memory_space<vmem>>
      %swap3A_1446 = tpu.memref_squeeze %swap3A_1445 : memref<1x1x64x768xf32, #tpu.memory_space<vmem>> -> memref<1x64x768xf32, #tpu.memory_space<vmem>>
      %swap3A_1447 = arith.index_cast %swap3A_1441 : i32 to index
      %swap3A_1448 = arith.index_cast %scan3A_1249 : i32 to index
      %swap3A_1449 = arith.constant 256 : index
      %swap3A_1450 = tpu.vector_load %swap3A_1446[%swap3A_1447, %swap3A_1448, %swap3A_1449] {strides = array<i32>} : memref<1x64x768xf32, #tpu.memory_space<vmem>>, vector<1x1x16xf32>,
      %swap3A_1451 = vector.shape_cast %swap3A_1450 : vector<1x1x16xf32> to vector<16xf32>
      %swap3A_1452 = vector.shape_cast %get3A_679 : vector<16xf32> to vector<1x1x16xf32>
      tpu.vector_store %swap3A_1446[%swap3A_1447, %swap3A_1448, %swap3A_1449], %swap3A_1452 {strides = array<i32>} : memref<1x64x768xf32, #tpu.memory_space<vmem>>, vector<1x1x16xf32>,
      %swap3A_1453 = arith.constant 0 : i32
      %swap3A_1454 = arith.constant 0 : i32
      %swap3A_1455 = arith.constant 0 : i32
      %swap3A_1456 = arith.constant 0 : i32
      %swap3A_1457 = tpu.memref_slice %arg6[%scan3A_854, %swap3A_1454, %swap3A_1455, %swap3A_1456] : memref<2x1x64x768xf32, #tpu.memory_space<vmem>> -> memref<1x1x64x768xf32, #tpu.memory_space<vmem>>
      %swap3A_1458 = tpu.memref_squeeze %swap3A_1457 : memref<1x1x64x768xf32, #tpu.memory_space<vmem>> -> memref<1x64x768xf32, #tpu.memory_space<vmem>>
      %swap3A_1459 = arith.index_cast %swap3A_1453 : i32 to index
      %swap3A_1460 = arith.index_cast %scan3A_1249 : i32 to index
      %swap3A_1461 = arith.constant 272 : index
      %swap3A_1462 = tpu.vector_load %swap3A_1458[%swap3A_1459, %swap3A_1460, %swap3A_1461] {strides = array<i32>} : memref<1x64x768xf32, #tpu.memory_space<vmem>>, vector<1x1x16xf32>,
      %swap3A_1463 = vector.shape_cast %swap3A_1462 : vector<1x1x16xf32> to vector<16xf32>
      %swap3A_1464 = vector.shape_cast %get3A_684 : vector<16xf32> to vector<1x1x16xf32>
      tpu.vector_store %swap3A_1458[%swap3A_1459, %swap3A_1460, %swap3A_1461], %swap3A_1464 {strides = array<i32>} : memref<1x64x768xf32, #tpu.memory_space<vmem>>, vector<1x1x16xf32>,
      %swap3A_1465 = arith.constant 0 : i32
      %swap3A_1466 = arith.constant 0 : i32
      %swap3A_1467 = arith.constant 0 : i32
      %swap3A_1468 = arith.constant 0 : i32
      %swap3A_1469 = tpu.memref_slice %arg6[%scan3A_854, %swap3A_1466, %swap3A_1467, %swap3A_1468] : memref<2x1x64x768xf32, #tpu.memory_space<vmem>> -> memref<1x1x64x768xf32, #tpu.memory_space<vmem>>
      %swap3A_1470 = tpu.memref_squeeze %swap3A_1469 : memref<1x1x64x768xf32, #tpu.memory_space<vmem>> -> memref<1x64x768xf32, #tpu.memory_space<vmem>>
      %swap3A_1471 = arith.index_cast %swap3A_1465 : i32 to index
      %swap3A_1472 = arith.index_cast %scan3A_1249 : i32 to index
      %swap3A_1473 = arith.constant 288 : index
      %swap3A_1474 = tpu.vector_load %swap3A_1470[%swap3A_1471, %swap3A_1472, %swap3A_1473] {strides = array<i32>} : memref<1x64x768xf32, #tpu.memory_space<vmem>>, vector<1x1x16xf32>,
      %swap3A_1475 = vector.shape_cast %swap3A_1474 : vector<1x1x16xf32> to vector<16xf32>
      %swap3A_1476 = vector.shape_cast %get3A_689 : vector<16xf32> to vector<1x1x16xf32>
      tpu.vector_store %swap3A_1470[%swap3A_1471, %swap3A_1472, %swap3A_1473], %swap3A_1476 {strides = array<i32>} : memref<1x64x768xf32, #tpu.memory_space<vmem>>, vector<1x1x16xf32>,
      %swap3A_1477 = arith.constant 0 : i32
      %swap3A_1478 = arith.constant 0 : i32
      %swap3A_1479 = arith.constant 0 : i32
      %swap3A_1480 = arith.constant 0 : i32
      %swap3A_1481 = tpu.memref_slice %arg6[%scan3A_854, %swap3A_1478, %swap3A_1479, %swap3A_1480] : memref<2x1x64x768xf32, #tpu.memory_space<vmem>> -> memref<1x1x64x768xf32, #tpu.memory_space<vmem>>
      %swap3A_1482 = tpu.memref_squeeze %swap3A_1481 : memref<1x1x64x768xf32, #tpu.memory_space<vmem>> -> memref<1x64x768xf32, #tpu.memory_space<vmem>>
      %swap3A_1483 = arith.index_cast %swap3A_1477 : i32 to index
      %swap3A_1484 = arith.index_cast %scan3A_1249 : i32 to index
      %swap3A_1485 = arith.constant 304 : index
      %swap3A_1486 = tpu.vector_load %swap3A_1482[%swap3A_1483, %swap3A_1484, %swap3A_1485] {strides = array<i32>} : memref<1x64x768xf32, #tpu.memory_space<vmem>>, vector<1x1x16xf32>,
      %swap3A_1487 = vector.shape_cast %swap3A_1486 : vector<1x1x16xf32> to vector<16xf32>
      %swap3A_1488 = vector.shape_cast %get3A_694 : vector<16xf32> to vector<1x1x16xf32>
      tpu.vector_store %swap3A_1482[%swap3A_1483, %swap3A_1484, %swap3A_1485], %swap3A_1488 {strides = array<i32>} : memref<1x64x768xf32, #tpu.memory_space<vmem>>, vector<1x1x16xf32>,
      %swap3A_1489 = arith.constant 0 : i32
      %swap3A_1490 = arith.constant 0 : i32
      %swap3A_1491 = arith.constant 0 : i32
      %swap3A_1492 = arith.constant 0 : i32
      %swap3A_1493 = tpu.memref_slice %arg6[%scan3A_854, %swap3A_1490, %swap3A_1491, %swap3A_1492] : memref<2x1x64x768xf32, #tpu.memory_space<vmem>> -> memref<1x1x64x768xf32, #tpu.memory_space<vmem>>
      %swap3A_1494 = tpu.memref_squeeze %swap3A_1493 : memref<1x1x64x768xf32, #tpu.memory_space<vmem>> -> memref<1x64x768xf32, #tpu.memory_space<vmem>>
      %swap3A_1495 = arith.index_cast %swap3A_1489 : i32 to index
      %swap3A_1496 = arith.index_cast %scan3A_1249 : i32 to index
      %swap3A_1497 = arith.constant 320 : index
      %swap3A_1498 = tpu.vector_load %swap3A_1494[%swap3A_1495, %swap3A_1496, %swap3A_1497] {strides = array<i32>} : memref<1x64x768xf32, #tpu.memory_space<vmem>>, vector<1x1x16xf32>,
      %swap3A_1499 = vector.shape_cast %swap3A_1498 : vector<1x1x16xf32> to vector<16xf32>
      %swap3A_1500 = vector.shape_cast %get3A_699 : vector<16xf32> to vector<1x1x16xf32>
      tpu.vector_store %swap3A_1494[%swap3A_1495, %swap3A_1496, %swap3A_1497], %swap3A_1500 {strides = array<i32>} : memref<1x64x768xf32, #tpu.memory_space<vmem>>, vector<1x1x16xf32>,
      %swap3A_1501 = arith.constant 0 : i32
      %swap3A_1502 = arith.constant 0 : i32
      %swap3A_1503 = arith.constant 0 : i32
      %swap3A_1504 = arith.constant 0 : i32
      %swap3A_1505 = tpu.memref_slice %arg6[%scan3A_854, %swap3A_1502, %swap3A_1503, %swap3A_1504] : memref<2x1x64x768xf32, #tpu.memory_space<vmem>> -> memref<1x1x64x768xf32, #tpu.memory_space<vmem>>
      %swap3A_1506 = tpu.memref_squeeze %swap3A_1505 : memref<1x1x64x768xf32, #tpu.memory_space<vmem>> -> memref<1x64x768xf32, #tpu.memory_space<vmem>>
      %swap3A_1507 = arith.index_cast %swap3A_1501 : i32 to index
      %swap3A_1508 = arith.index_cast %scan3A_1249 : i32 to index
      %swap3A_1509 = arith.constant 336 : index
      %swap3A_1510 = tpu.vector_load %swap3A_1506[%swap3A_1507, %swap3A_1508, %swap3A_1509] {strides = array<i32>} : memref<1x64x768xf32, #tpu.memory_space<vmem>>, vector<1x1x16xf32>,
      %swap3A_1511 = vector.shape_cast %swap3A_1510 : vector<1x1x16xf32> to vector<16xf32>
      %swap3A_1512 = vector.shape_cast %get3A_704 : vector<16xf32> to vector<1x1x16xf32>
      tpu.vector_store %swap3A_1506[%swap3A_1507, %swap3A_1508, %swap3A_1509], %swap3A_1512 {strides = array<i32>} : memref<1x64x768xf32, #tpu.memory_space<vmem>>, vector<1x1x16xf32>,
      %swap3A_1513 = arith.constant 0 : i32
      %swap3A_1514 = arith.constant 0 : i32
      %swap3A_1515 = arith.constant 0 : i32
      %swap3A_1516 = arith.constant 0 : i32
      %swap3A_1517 = tpu.memref_slice %arg6[%scan3A_854, %swap3A_1514, %swap3A_1515, %swap3A_1516] : memref<2x1x64x768xf32, #tpu.memory_space<vmem>> -> memref<1x1x64x768xf32, #tpu.memory_space<vmem>>
      %swap3A_1518 = tpu.memref_squeeze %swap3A_1517 : memref<1x1x64x768xf32, #tpu.memory_space<vmem>> -> memref<1x64x768xf32, #tpu.memory_space<vmem>>
      %swap3A_1519 = arith.index_cast %swap3A_1513 : i32 to index
      %swap3A_1520 = arith.index_cast %scan3A_1249 : i32 to index
      %swap3A_1521 = arith.constant 352 : index
      %swap3A_1522 = tpu.vector_load %swap3A_1518[%swap3A_1519, %swap3A_1520, %swap3A_1521] {strides = array<i32>} : memref<1x64x768xf32, #tpu.memory_space<vmem>>, vector<1x1x16xf32>,
      %swap3A_1523 = vector.shape_cast %swap3A_1522 : vector<1x1x16xf32> to vector<16xf32>
      %swap3A_1524 = vector.shape_cast %get3A_709 : vector<16xf32> to vector<1x1x16xf32>
      tpu.vector_store %swap3A_1518[%swap3A_1519, %swap3A_1520, %swap3A_1521], %swap3A_1524 {strides = array<i32>} : memref<1x64x768xf32, #tpu.memory_space<vmem>>, vector<1x1x16xf32>,
      %swap3A_1525 = arith.constant 0 : i32
      %swap3A_1526 = arith.constant 0 : i32
      %swap3A_1527 = arith.constant 0 : i32
      %swap3A_1528 = arith.constant 0 : i32
      %swap3A_1529 = tpu.memref_slice %arg6[%scan3A_854, %swap3A_1526, %swap3A_1527, %swap3A_1528] : memref<2x1x64x768xf32, #tpu.memory_space<vmem>> -> memref<1x1x64x768xf32, #tpu.memory_space<vmem>>
      %swap3A_1530 = tpu.memref_squeeze %swap3A_1529 : memref<1x1x64x768xf32, #tpu.memory_space<vmem>> -> memref<1x64x768xf32, #tpu.memory_space<vmem>>
      %swap3A_1531 = arith.index_cast %swap3A_1525 : i32 to index
      %swap3A_1532 = arith.index_cast %scan3A_1249 : i32 to index
      %swap3A_1533 = arith.constant 368 : index
      %swap3A_1534 = tpu.vector_load %swap3A_1530[%swap3A_1531, %swap3A_1532, %swap3A_1533] {strides = array<i32>} : memref<1x64x768xf32, #tpu.memory_space<vmem>>, vector<1x1x16xf32>,
      %swap3A_1535 = vector.shape_cast %swap3A_1534 : vector<1x1x16xf32> to vector<16xf32>
      %swap3A_1536 = vector.shape_cast %get3A_714 : vector<16xf32> to vector<1x1x16xf32>
      tpu.vector_store %swap3A_1530[%swap3A_1531, %swap3A_1532, %swap3A_1533], %swap3A_1536 {strides = array<i32>} : memref<1x64x768xf32, #tpu.memory_space<vmem>>, vector<1x1x16xf32>,
    }
    %scan3A_859 = arith.constant 64 : i32
    %dma_wait3A_860 = arith.constant 1 : i32
    %dma_wait3A_861 = arith.constant 0 : i32
    %dma_wait3A_862 = arith.constant 0 : i32
    %dma_wait3A_863 = arith.constant 0 : i32
    %dma_wait3A_864 = arith.constant 0 : i32
    %dma_wait3A_865 = tpu.memref_slice %arg6[%dma_wait3A_860, %dma_wait3A_862, %dma_wait3A_863, %dma_wait3A_864] : memref<2x1x64x768xf32, #tpu.memory_space<vmem>> -> memref<1x1x64x768xf32, #tpu.memory_space<vmem>>
    %dma_wait3A_866 = tpu.memref_squeeze %dma_wait3A_865 : memref<1x1x64x768xf32, #tpu.memory_space<vmem>> -> memref<1x64x768xf32, #tpu.memory_space<vmem>>
    %dma_wait3A_867 = arith.constant 0 : i32
    %dma_wait3A_868 = arith.constant 384 : i32
    %dma_wait3A_869 = tpu.memref_slice %dma_wait3A_866[%dma_wait3A_861, %dma_wait3A_867, %dma_wait3A_868] : memref<1x64x768xf32, #tpu.memory_space<vmem>> -> memref<1x64x384xf32, #tpu.memory_space<vmem>>
    %dma_wait3A_870 = tpu.memref_squeeze %dma_wait3A_869 : memref<1x64x384xf32, #tpu.memory_space<vmem>> -> memref<64x384xf32, #tpu.memory_space<vmem>>
    %dma_wait3A_871 = arith.constant 64 : i32
    %dma_wait3A_872 = arith.constant 0 : i32
    %dma_wait3A_873 = tpu.memref_slice %arg5[%dma_wait3A_871, %dma_wait3A_872] : memref<128x384xf32, #tpu.memory_space<vmem_shared>> -> memref<64x384xf32, #tpu.memory_space<vmem_shared>>
    %dma_wait3A_874 = arith.constant 0 : i32
    %dma_wait3A_875 = arith.constant 0 : i32
    %dma_wait3A_876 = arith.constant 0 : i32
    %dma_wait3A_877 = tpu.memref_slice %arg6[%dma_wait3A_860, %dma_wait3A_874, %dma_wait3A_875, %dma_wait3A_876] : memref<2x1x64x768xf32, #tpu.memory_space<vmem>> -> memref<1x1x64x768xf32, #tpu.memory_space<vmem>>
    %dma_wait3A_878 = tpu.memref_squeeze %dma_wait3A_877 : memref<1x1x64x768xf32, #tpu.memory_space<vmem>> -> memref<1x64x768xf32, #tpu.memory_space<vmem>>
    %dma_wait3A_879 = arith.constant 0 : i32
    %dma_wait3A_880 = arith.constant 384 : i32
    %dma_wait3A_881 = tpu.memref_slice %dma_wait3A_878[%dma_wait3A_861, %dma_wait3A_879, %dma_wait3A_880] : memref<1x64x768xf32, #tpu.memory_space<vmem>> -> memref<1x64x384xf32, #tpu.memory_space<vmem>>
    %dma_wait3A_882 = tpu.memref_squeeze %dma_wait3A_881 : memref<1x64x384xf32, #tpu.memory_space<vmem>> -> memref<64x384xf32, #tpu.memory_space<vmem>>
    %dma_wait3A_883 = arith.constant 64 : i32
    %dma_wait3A_884 = arith.constant 0 : i32
    %dma_wait3A_885 = tpu.memref_slice %arg5[%dma_wait3A_883, %dma_wait3A_884] : memref<128x384xf32, #tpu.memory_space<vmem_shared>> -> memref<64x384xf32, #tpu.memory_space<vmem_shared>>
    tpu.wait_dma2 semaphore(%arg8 : memref<!tpu.dma_semaphore, #tpu.memory_space<semaphore_mem>>) src(%dma_wait3A_885 : memref<64x384xf32, #tpu.memory_space<vmem_shared>>) dst(%dma_wait3A_882 : memref<64x384xf32, #tpu.memory_space<vmem>>)
    %add3A_886 = arith.constant 2 : i32
    %add3A_887 = arith.addi %mul3A_2, %add3A_886 : i32
    %dma_start3A_888 = arith.constant 1 : i32
    %dma_start3A_889 = arith.constant 0 : i32
    %dma_start3A_890 = arith.constant 0 : i32
    %dma_start3A_891 = arith.constant 0 : i32
    %dma_start3A_892 = tpu.memref_slice %arg6[%dma_start3A_888, %dma_start3A_889, %dma_start3A_890, %dma_start3A_891] : memref<2x1x64x768xf32, #tpu.memory_space<vmem>> -> memref<1x1x64x768xf32, #tpu.memory_space<vmem>>
    %dma_start3A_893 = tpu.memref_squeeze %dma_start3A_892 : memref<1x1x64x768xf32, #tpu.memory_space<vmem>> -> memref<1x64x768xf32, #tpu.memory_space<vmem>>
    %dma_start3A_894 = arith.constant 64 : i32
    %dma_start3A_895 = arith.constant 0 : i32
    %dma_start3A_896 = tpu.memref_slice %arg4[%add3A_887, %dma_start3A_894, %dma_start3A_895] : memref<128x128x768xf32, #tpu.memory_space<hbm>> -> memref<1x64x768xf32, #tpu.memory_space<hbm>>
    %dma_start3A_897 = arith.constant 64 : i32
    %dma_start3A_898 = arith.constant 0 : i32
    %dma_start3A_899 = tpu.memref_slice %arg4[%add3A_887, %dma_start3A_897, %dma_start3A_898] : memref<128x128x768xf32, #tpu.memory_space<hbm>> -> memref<1x64x768xf32, #tpu.memory_space<hbm>>
    %dma_start3A_900 = arith.constant 0 : i32
    %dma_start3A_901 = arith.constant 0 : i32
    %dma_start3A_902 = arith.constant 0 : i32
    %dma_start3A_903 = tpu.memref_slice %arg6[%dma_start3A_888, %dma_start3A_900, %dma_start3A_901, %dma_start3A_902] : memref<2x1x64x768xf32, #tpu.memory_space<vmem>> -> memref<1x1x64x768xf32, #tpu.memory_space<vmem>>
    %dma_start3A_904 = tpu.memref_squeeze %dma_start3A_903 : memref<1x1x64x768xf32, #tpu.memory_space<vmem>> -> memref<1x64x768xf32, #tpu.memory_space<vmem>>
    tpu.enqueue_dma source(%dma_start3A_904 : memref<1x64x768xf32, #tpu.memory_space<vmem>>) target(%dma_start3A_899 : memref<1x64x768xf32, #tpu.memory_space<hbm>>) target_semaphore(%arg9 : memref<!tpu.dma_semaphore, #tpu.memory_space<semaphore_mem>>)
    %get3A_905 = arith.constant 3 : i32
    %get3A_906 = arith.index_cast %get3A_905 : i32 to index
    %get3A_907 = arith.constant 0 : index
    %get3A_908 = tpu.vector_load %arg7[%get3A_906, %get3A_907] {strides = array<i32>} : memref<4x384xf32, #tpu.memory_space<vmem>>, vector<1x16xf32>,
    %get3A_909 = vector.shape_cast %get3A_908 : vector<1x16xf32> to vector<16xf32>
    %get3A_910 = arith.constant 3 : i32
    %get3A_911 = arith.index_cast %get3A_910 : i32 to index
    %get3A_912 = arith.constant 16 : index
    %get3A_913 = tpu.vector_load %arg7[%get3A_911, %get3A_912] {strides = array<i32>} : memref<4x384xf32, #tpu.memory_space<vmem>>, vector<1x16xf32>,
    %get3A_914 = vector.shape_cast %get3A_913 : vector<1x16xf32> to vector<16xf32>
    %get3A_915 = arith.constant 3 : i32
    %get3A_916 = arith.index_cast %get3A_915 : i32 to index
    %get3A_917 = arith.constant 32 : index
    %get3A_918 = tpu.vector_load %arg7[%get3A_916, %get3A_917] {strides = array<i32>} : memref<4x384xf32, #tpu.memory_space<vmem>>, vector<1x16xf32>,
    %get3A_919 = vector.shape_cast %get3A_918 : vector<1x16xf32> to vector<16xf32>
    %get3A_920 = arith.constant 3 : i32
    %get3A_921 = arith.index_cast %get3A_920 : i32 to index
    %get3A_922 = arith.constant 48 : index
    %get3A_923 = tpu.vector_load %arg7[%get3A_921, %get3A_922] {strides = array<i32>} : memref<4x384xf32, #tpu.memory_space<vmem>>, vector<1x16xf32>,
    %get3A_924 = vector.shape_cast %get3A_923 : vector<1x16xf32> to vector<16xf32>
    %get3A_925 = arith.constant 3 : i32
    %get3A_926 = arith.index_cast %get3A_925 : i32 to index
    %get3A_927 = arith.constant 64 : index
    %get3A_928 = tpu.vector_load %arg7[%get3A_926, %get3A_927] {strides = array<i32>} : memref<4x384xf32, #tpu.memory_space<vmem>>, vector<1x16xf32>,
    %get3A_929 = vector.shape_cast %get3A_928 : vector<1x16xf32> to vector<16xf32>
    %get3A_930 = arith.constant 3 : i32
    %get3A_931 = arith.index_cast %get3A_930 : i32 to index
    %get3A_932 = arith.constant 80 : index
    %get3A_933 = tpu.vector_load %arg7[%get3A_931, %get3A_932] {strides = array<i32>} : memref<4x384xf32, #tpu.memory_space<vmem>>, vector<1x16xf32>,
    %get3A_934 = vector.shape_cast %get3A_933 : vector<1x16xf32> to vector<16xf32>
    %get3A_935 = arith.constant 3 : i32
    %get3A_936 = arith.index_cast %get3A_935 : i32 to index
    %get3A_937 = arith.constant 96 : index
    %get3A_938 = tpu.vector_load %arg7[%get3A_936, %get3A_937] {strides = array<i32>} : memref<4x384xf32, #tpu.memory_space<vmem>>, vector<1x16xf32>,
    %get3A_939 = vector.shape_cast %get3A_938 : vector<1x16xf32> to vector<16xf32>
    %get3A_940 = arith.constant 3 : i32
    %get3A_941 = arith.index_cast %get3A_940 : i32 to index
    %get3A_942 = arith.constant 112 : index
    %get3A_943 = tpu.vector_load %arg7[%get3A_941, %get3A_942] {strides = array<i32>} : memref<4x384xf32, #tpu.memory_space<vmem>>, vector<1x16xf32>,
    %get3A_944 = vector.shape_cast %get3A_943 : vector<1x16xf32> to vector<16xf32>
    %get3A_945 = arith.constant 3 : i32
    %get3A_946 = arith.index_cast %get3A_945 : i32 to index
    %get3A_947 = arith.constant 128 : index
    %get3A_948 = tpu.vector_load %arg7[%get3A_946, %get3A_947] {strides = array<i32>} : memref<4x384xf32, #tpu.memory_space<vmem>>, vector<1x16xf32>,
    %get3A_949 = vector.shape_cast %get3A_948 : vector<1x16xf32> to vector<16xf32>
    %get3A_950 = arith.constant 3 : i32
    %get3A_951 = arith.index_cast %get3A_950 : i32 to index
    %get3A_952 = arith.constant 144 : index
    %get3A_953 = tpu.vector_load %arg7[%get3A_951, %get3A_952] {strides = array<i32>} : memref<4x384xf32, #tpu.memory_space<vmem>>, vector<1x16xf32>,
    %get3A_954 = vector.shape_cast %get3A_953 : vector<1x16xf32> to vector<16xf32>
    %get3A_955 = arith.constant 3 : i32
    %get3A_956 = arith.index_cast %get3A_955 : i32 to index
    %get3A_957 = arith.constant 160 : index
    %get3A_958 = tpu.vector_load %arg7[%get3A_956, %get3A_957] {strides = array<i32>} : memref<4x384xf32, #tpu.memory_space<vmem>>, vector<1x16xf32>,
    %get3A_959 = vector.shape_cast %get3A_958 : vector<1x16xf32> to vector<16xf32>
    %get3A_960 = arith.constant 3 : i32
    %get3A_961 = arith.index_cast %get3A_960 : i32 to index
    %get3A_962 = arith.constant 176 : index
    %get3A_963 = tpu.vector_load %arg7[%get3A_961, %get3A_962] {strides = array<i32>} : memref<4x384xf32, #tpu.memory_space<vmem>>, vector<1x16xf32>,
    %get3A_964 = vector.shape_cast %get3A_963 : vector<1x16xf32> to vector<16xf32>
    %get3A_965 = arith.constant 3 : i32
    %get3A_966 = arith.index_cast %get3A_965 : i32 to index
    %get3A_967 = arith.constant 192 : index
    %get3A_968 = tpu.vector_load %arg7[%get3A_966, %get3A_967] {strides = array<i32>} : memref<4x384xf32, #tpu.memory_space<vmem>>, vector<1x16xf32>,
    %get3A_969 = vector.shape_cast %get3A_968 : vector<1x16xf32> to vector<16xf32>
    %get3A_970 = arith.constant 3 : i32
    %get3A_971 = arith.index_cast %get3A_970 : i32 to index
    %get3A_972 = arith.constant 208 : index
    %get3A_973 = tpu.vector_load %arg7[%get3A_971, %get3A_972] {strides = array<i32>} : memref<4x384xf32, #tpu.memory_space<vmem>>, vector<1x16xf32>,
    %get3A_974 = vector.shape_cast %get3A_973 : vector<1x16xf32> to vector<16xf32>
    %get3A_975 = arith.constant 3 : i32
    %get3A_976 = arith.index_cast %get3A_975 : i32 to index
    %get3A_977 = arith.constant 224 : index
    %get3A_978 = tpu.vector_load %arg7[%get3A_976, %get3A_977] {strides = array<i32>} : memref<4x384xf32, #tpu.memory_space<vmem>>, vector<1x16xf32>,
    %get3A_979 = vector.shape_cast %get3A_978 : vector<1x16xf32> to vector<16xf32>
    %get3A_980 = arith.constant 3 : i32
    %get3A_981 = arith.index_cast %get3A_980 : i32 to index
    %get3A_982 = arith.constant 240 : index
    %get3A_983 = tpu.vector_load %arg7[%get3A_981, %get3A_982] {strides = array<i32>} : memref<4x384xf32, #tpu.memory_space<vmem>>, vector<1x16xf32>,
    %get3A_984 = vector.shape_cast %get3A_983 : vector<1x16xf32> to vector<16xf32>
    %get3A_985 = arith.constant 3 : i32
    %get3A_986 = arith.index_cast %get3A_985 : i32 to index
    %get3A_987 = arith.constant 256 : index
    %get3A_988 = tpu.vector_load %arg7[%get3A_986, %get3A_987] {strides = array<i32>} : memref<4x384xf32, #tpu.memory_space<vmem>>, vector<1x16xf32>,
    %get3A_989 = vector.shape_cast %get3A_988 : vector<1x16xf32> to vector<16xf32>
    %get3A_990 = arith.constant 3 : i32
    %get3A_991 = arith.index_cast %get3A_990 : i32 to index
    %get3A_992 = arith.constant 272 : index
    %get3A_993 = tpu.vector_load %arg7[%get3A_991, %get3A_992] {strides = array<i32>} : memref<4x384xf32, #tpu.memory_space<vmem>>, vector<1x16xf32>,
    %get3A_994 = vector.shape_cast %get3A_993 : vector<1x16xf32> to vector<16xf32>
    %get3A_995 = arith.constant 3 : i32
    %get3A_996 = arith.index_cast %get3A_995 : i32 to index
    %get3A_997 = arith.constant 288 : index
    %get3A_998 = tpu.vector_load %arg7[%get3A_996, %get3A_997] {strides = array<i32>} : memref<4x384xf32, #tpu.memory_space<vmem>>, vector<1x16xf32>,
    %get3A_999 = vector.shape_cast %get3A_998 : vector<1x16xf32> to vector<16xf32>
    %get3A_1000 = arith.constant 3 : i32
    %get3A_1001 = arith.index_cast %get3A_1000 : i32 to index
    %get3A_1002 = arith.constant 304 : index
    %get3A_1003 = tpu.vector_load %arg7[%get3A_1001, %get3A_1002] {strides = array<i32>} : memref<4x384xf32, #tpu.memory_space<vmem>>, vector<1x16xf32>,
    %get3A_1004 = vector.shape_cast %get3A_1003 : vector<1x16xf32> to vector<16xf32>
    %get3A_1005 = arith.constant 3 : i32
    %get3A_1006 = arith.index_cast %get3A_1005 : i32 to index
    %get3A_1007 = arith.constant 320 : index
    %get3A_1008 = tpu.vector_load %arg7[%get3A_1006, %get3A_1007] {strides = array<i32>} : memref<4x384xf32, #tpu.memory_space<vmem>>, vector<1x16xf32>,
    %get3A_1009 = vector.shape_cast %get3A_1008 : vector<1x16xf32> to vector<16xf32>
    %get3A_1010 = arith.constant 3 : i32
    %get3A_1011 = arith.index_cast %get3A_1010 : i32 to index
    %get3A_1012 = arith.constant 336 : index
    %get3A_1013 = tpu.vector_load %arg7[%get3A_1011, %get3A_1012] {strides = array<i32>} : memref<4x384xf32, #tpu.memory_space<vmem>>, vector<1x16xf32>,
    %get3A_1014 = vector.shape_cast %get3A_1013 : vector<1x16xf32> to vector<16xf32>
    %get3A_1015 = arith.constant 3 : i32
    %get3A_1016 = arith.index_cast %get3A_1015 : i32 to index
    %get3A_1017 = arith.constant 352 : index
    %get3A_1018 = tpu.vector_load %arg7[%get3A_1016, %get3A_1017] {strides = array<i32>} : memref<4x384xf32, #tpu.memory_space<vmem>>, vector<1x16xf32>,
    %get3A_1019 = vector.shape_cast %get3A_1018 : vector<1x16xf32> to vector<16xf32>
    %get3A_1020 = arith.constant 3 : i32
    %get3A_1021 = arith.index_cast %get3A_1020 : i32 to index
    %get3A_1022 = arith.constant 368 : index
    %get3A_1023 = tpu.vector_load %arg7[%get3A_1021, %get3A_1022] {strides = array<i32>} : memref<4x384xf32, #tpu.memory_space<vmem>>, vector<1x16xf32>,
    %get3A_1024 = vector.shape_cast %get3A_1023 : vector<1x16xf32> to vector<16xf32>
    %dma_wait3A_1025 = arith.constant 0 : i32
    %dma_wait3A_1026 = arith.constant 0 : i32
    %dma_wait3A_1027 = arith.constant 0 : i32
    %dma_wait3A_1028 = arith.constant 0 : i32
    %dma_wait3A_1029 = tpu.memref_slice %arg6[%dma_wait3A_1025, %dma_wait3A_1026, %dma_wait3A_1027, %dma_wait3A_1028] : memref<2x1x64x768xf32, #tpu.memory_space<vmem>> -> memref<1x1x64x768xf32, #tpu.memory_space<vmem>>
    %dma_wait3A_1030 = tpu.memref_squeeze %dma_wait3A_1029 : memref<1x1x64x768xf32, #tpu.memory_space<vmem>> -> memref<1x64x768xf32, #tpu.memory_space<vmem>>
    %dma_wait3A_1031 = arith.constant 0 : i32
    %dma_wait3A_1032 = arith.constant 0 : i32
    %dma_wait3A_1033 = tpu.memref_slice %arg4[%add3A_792, %dma_wait3A_1031, %dma_wait3A_1032] : memref<128x128x768xf32, #tpu.memory_space<hbm>> -> memref<1x64x768xf32, #tpu.memory_space<hbm>>
    %dma_wait3A_1034 = arith.constant 0 : i32
    %dma_wait3A_1035 = arith.constant 0 : i32
    %dma_wait3A_1036 = tpu.memref_slice %arg4[%add3A_792, %dma_wait3A_1034, %dma_wait3A_1035] : memref<128x128x768xf32, #tpu.memory_space<hbm>> -> memref<1x64x768xf32, #tpu.memory_space<hbm>>
    %dma_wait3A_1037 = arith.constant 0 : i32
    %dma_wait3A_1038 = arith.constant 0 : i32
    %dma_wait3A_1039 = arith.constant 0 : i32
    %dma_wait3A_1040 = tpu.memref_slice %arg6[%dma_wait3A_1025, %dma_wait3A_1037, %dma_wait3A_1038, %dma_wait3A_1039] : memref<2x1x64x768xf32, #tpu.memory_space<vmem>> -> memref<1x1x64x768xf32, #tpu.memory_space<vmem>>
    %dma_wait3A_1041 = tpu.memref_squeeze %dma_wait3A_1040 : memref<1x1x64x768xf32, #tpu.memory_space<vmem>> -> memref<1x64x768xf32, #tpu.memory_space<vmem>>
    tpu.wait_dma2 semaphore(%arg9 : memref<!tpu.dma_semaphore, #tpu.memory_space<semaphore_mem>>) src(%dma_wait3A_1041 : memref<1x64x768xf32, #tpu.memory_space<vmem>>) dst(%dma_wait3A_1036 : memref<1x64x768xf32, #tpu.memory_space<hbm>>)
    %dma_start3A_1042 = arith.constant 0 : i32
    %dma_start3A_1043 = arith.constant 0 : i32
    %dma_start3A_1044 = arith.constant 0 : i32
    %dma_start3A_1045 = arith.constant 0 : i32
    %dma_start3A_1046 = arith.constant 0 : i32
    %dma_start3A_1047 = tpu.memref_slice %arg6[%dma_start3A_1042, %dma_start3A_1044, %dma_start3A_1045, %dma_start3A_1046] : memref<2x1x64x768xf32, #tpu.memory_space<vmem>> -> memref<1x1x64x768xf32, #tpu.memory_space<vmem>>
    %dma_start3A_1048 = tpu.memref_squeeze %dma_start3A_1047 : memref<1x1x64x768xf32, #tpu.memory_space<vmem>> -> memref<1x64x768xf32, #tpu.memory_space<vmem>>
    %dma_start3A_1049 = arith.constant 0 : i32
    %dma_start3A_1050 = arith.constant 384 : i32
    %dma_start3A_1051 = tpu.memref_slice %dma_start3A_1048[%dma_start3A_1043, %dma_start3A_1049, %dma_start3A_1050] : memref<1x64x768xf32, #tpu.memory_space<vmem>> -> memref<1x64x384xf32, #tpu.memory_space<vmem>>
    %dma_start3A_1052 = tpu.memref_squeeze %dma_start3A_1051 : memref<1x64x384xf32, #tpu.memory_space<vmem>> -> memref<64x384xf32, #tpu.memory_space<vmem>>
    %dma_start3A_1053 = arith.constant 0 : i32
    %dma_start3A_1054 = arith.constant 0 : i32
    %dma_start3A_1055 = tpu.memref_slice %arg5[%dma_start3A_1053, %dma_start3A_1054] : memref<128x384xf32, #tpu.memory_space<vmem_shared>> -> memref<64x384xf32, #tpu.memory_space<vmem_shared>>
    %dma_start3A_1056 = arith.constant 0 : i32
    %dma_start3A_1057 = arith.constant 0 : i32
    %dma_start3A_1058 = arith.constant 0 : i32
    %dma_start3A_1059 = tpu.memref_slice %arg6[%dma_start3A_1042, %dma_start3A_1056, %dma_start3A_1057, %dma_start3A_1058] : memref<2x1x64x768xf32, #tpu.memory_space<vmem>> -> memref<1x1x64x768xf32, #tpu.memory_space<vmem>>
    %dma_start3A_1060 = tpu.memref_squeeze %dma_start3A_1059 : memref<1x1x64x768xf32, #tpu.memory_space<vmem>> -> memref<1x64x768xf32, #tpu.memory_space<vmem>>
    %dma_start3A_1061 = arith.constant 0 : i32
    %dma_start3A_1062 = arith.constant 384 : i32
    %dma_start3A_1063 = tpu.memref_slice %dma_start3A_1060[%dma_start3A_1043, %dma_start3A_1061, %dma_start3A_1062] : memref<1x64x768xf32, #tpu.memory_space<vmem>> -> memref<1x64x384xf32, #tpu.memory_space<vmem>>
    %dma_start3A_1064 = tpu.memref_squeeze %dma_start3A_1063 : memref<1x64x384xf32, #tpu.memory_space<vmem>> -> memref<64x384xf32, #tpu.memory_space<vmem>>
    %dma_start3A_1065 = arith.constant 0 : i32
    %dma_start3A_1066 = arith.constant 0 : i32
    %dma_start3A_1067 = tpu.memref_slice %arg5[%dma_start3A_1065, %dma_start3A_1066] : memref<128x384xf32, #tpu.memory_space<vmem_shared>> -> memref<64x384xf32, #tpu.memory_space<vmem_shared>>
    tpu.enqueue_dma source(%dma_start3A_1067 : memref<64x384xf32, #tpu.memory_space<vmem_shared>>) target(%dma_start3A_1064 : memref<64x384xf32, #tpu.memory_space<vmem>>) target_semaphore(%arg8 : memref<!tpu.dma_semaphore, #tpu.memory_space<semaphore_mem>>)
    %scan3A_1068 = arith.constant 0 : i32
    %scan3A_1069 = arith.constant 0 : i32
    %scan3A_1070 = arith.constant 0 : i32
    %scan3A_1071 = arith.constant 64 : i32
    %scan3A_1072 = arith.addi %scan3A_1070, %scan3A_1071 : i32
    %scan3A_1073 = arith.constant 1 : i32
    scf.for %scan3A_1249 = %scan3A_1070 to %scan3A_1072 step %scan3A_1073  : i32 {
      %swap3A = arith.constant 0 : i32
      %swap3A_1250 = arith.constant 0 : i32
      %swap3A_1251 = arith.constant 0 : i32
      %swap3A_1252 = arith.constant 0 : i32
      %swap3A_1253 = tpu.memref_slice %arg6[%scan3A_1069, %swap3A_1250, %swap3A_1251, %swap3A_1252] : memref<2x1x64x768xf32, #tpu.memory_space<vmem>> -> memref<1x1x64x768xf32, #tpu.memory_space<vmem>>
      %swap3A_1254 = tpu.memref_squeeze %swap3A_1253 : memref<1x1x64x768xf32, #tpu.memory_space<vmem>> -> memref<1x64x768xf32, #tpu.memory_space<vmem>>
      %swap3A_1255 = arith.index_cast %swap3A : i32 to index
      %swap3A_1256 = arith.index_cast %scan3A_1249 : i32 to index
      %swap3A_1257 = arith.constant 0 : index
      %swap3A_1258 = tpu.vector_load %swap3A_1254[%swap3A_1255, %swap3A_1256, %swap3A_1257] {strides = array<i32>} : memref<1x64x768xf32, #tpu.memory_space<vmem>>, vector<1x1x16xf32>,
      %swap3A_1259 = vector.shape_cast %swap3A_1258 : vector<1x1x16xf32> to vector<16xf32>
      %swap3A_1260 = vector.shape_cast %get3A_909 : vector<16xf32> to vector<1x1x16xf32>
      tpu.vector_store %swap3A_1254[%swap3A_1255, %swap3A_1256, %swap3A_1257], %swap3A_1260 {strides = array<i32>} : memref<1x64x768xf32, #tpu.memory_space<vmem>>, vector<1x1x16xf32>,
      %swap3A_1261 = arith.constant 0 : i32
      %swap3A_1262 = arith.constant 0 : i32
      %swap3A_1263 = arith.constant 0 : i32
      %swap3A_1264 = arith.constant 0 : i32
      %swap3A_1265 = tpu.memref_slice %arg6[%scan3A_1069, %swap3A_1262, %swap3A_1263, %swap3A_1264] : memref<2x1x64x768xf32, #tpu.memory_space<vmem>> -> memref<1x1x64x768xf32, #tpu.memory_space<vmem>>
      %swap3A_1266 = tpu.memref_squeeze %swap3A_1265 : memref<1x1x64x768xf32, #tpu.memory_space<vmem>> -> memref<1x64x768xf32, #tpu.memory_space<vmem>>
      %swap3A_1267 = arith.index_cast %swap3A_1261 : i32 to index
      %swap3A_1268 = arith.index_cast %scan3A_1249 : i32 to index
      %swap3A_1269 = arith.constant 16 : index
      %swap3A_1270 = tpu.vector_load %swap3A_1266[%swap3A_1267, %swap3A_1268, %swap3A_1269] {strides = array<i32>} : memref<1x64x768xf32, #tpu.memory_space<vmem>>, vector<1x1x16xf32>,
      %swap3A_1271 = vector.shape_cast %swap3A_1270 : vector<1x1x16xf32> to vector<16xf32>
      %swap3A_1272 = vector.shape_cast %get3A_914 : vector<16xf32> to vector<1x1x16xf32>
      tpu.vector_store %swap3A_1266[%swap3A_1267, %swap3A_1268, %swap3A_1269], %swap3A_1272 {strides = array<i32>} : memref<1x64x768xf32, #tpu.memory_space<vmem>>, vector<1x1x16xf32>,
      %swap3A_1273 = arith.constant 0 : i32
      %swap3A_1274 = arith.constant 0 : i32
      %swap3A_1275 = arith.constant 0 : i32
      %swap3A_1276 = arith.constant 0 : i32
      %swap3A_1277 = tpu.memref_slice %arg6[%scan3A_1069, %swap3A_1274, %swap3A_1275, %swap3A_1276] : memref<2x1x64x768xf32, #tpu.memory_space<vmem>> -> memref<1x1x64x768xf32, #tpu.memory_space<vmem>>
      %swap3A_1278 = tpu.memref_squeeze %swap3A_1277 : memref<1x1x64x768xf32, #tpu.memory_space<vmem>> -> memref<1x64x768xf32, #tpu.memory_space<vmem>>
      %swap3A_1279 = arith.index_cast %swap3A_1273 : i32 to index
      %swap3A_1280 = arith.index_cast %scan3A_1249 : i32 to index
      %swap3A_1281 = arith.constant 32 : index
      %swap3A_1282 = tpu.vector_load %swap3A_1278[%swap3A_1279, %swap3A_1280, %swap3A_1281] {strides = array<i32>} : memref<1x64x768xf32, #tpu.memory_space<vmem>>, vector<1x1x16xf32>,
      %swap3A_1283 = vector.shape_cast %swap3A_1282 : vector<1x1x16xf32> to vector<16xf32>
      %swap3A_1284 = vector.shape_cast %get3A_919 : vector<16xf32> to vector<1x1x16xf32>
      tpu.vector_store %swap3A_1278[%swap3A_1279, %swap3A_1280, %swap3A_1281], %swap3A_1284 {strides = array<i32>} : memref<1x64x768xf32, #tpu.memory_space<vmem>>, vector<1x1x16xf32>,
      %swap3A_1285 = arith.constant 0 : i32
      %swap3A_1286 = arith.constant 0 : i32
      %swap3A_1287 = arith.constant 0 : i32
      %swap3A_1288 = arith.constant 0 : i32
      %swap3A_1289 = tpu.memref_slice %arg6[%scan3A_1069, %swap3A_1286, %swap3A_1287, %swap3A_1288] : memref<2x1x64x768xf32, #tpu.memory_space<vmem>> -> memref<1x1x64x768xf32, #tpu.memory_space<vmem>>
      %swap3A_1290 = tpu.memref_squeeze %swap3A_1289 : memref<1x1x64x768xf32, #tpu.memory_space<vmem>> -> memref<1x64x768xf32, #tpu.memory_space<vmem>>
      %swap3A_1291 = arith.index_cast %swap3A_1285 : i32 to index
      %swap3A_1292 = arith.index_cast %scan3A_1249 : i32 to index
      %swap3A_1293 = arith.constant 48 : index
      %swap3A_1294 = tpu.vector_load %swap3A_1290[%swap3A_1291, %swap3A_1292, %swap3A_1293] {strides = array<i32>} : memref<1x64x768xf32, #tpu.memory_space<vmem>>, vector<1x1x16xf32>,
      %swap3A_1295 = vector.shape_cast %swap3A_1294 : vector<1x1x16xf32> to vector<16xf32>
      %swap3A_1296 = vector.shape_cast %get3A_924 : vector<16xf32> to vector<1x1x16xf32>
      tpu.vector_store %swap3A_1290[%swap3A_1291, %swap3A_1292, %swap3A_1293], %swap3A_1296 {strides = array<i32>} : memref<1x64x768xf32, #tpu.memory_space<vmem>>, vector<1x1x16xf32>,
      %swap3A_1297 = arith.constant 0 : i32
      %swap3A_1298 = arith.constant 0 : i32
      %swap3A_1299 = arith.constant 0 : i32
      %swap3A_1300 = arith.constant 0 : i32
      %swap3A_1301 = tpu.memref_slice %arg6[%scan3A_1069, %swap3A_1298, %swap3A_1299, %swap3A_1300] : memref<2x1x64x768xf32, #tpu.memory_space<vmem>> -> memref<1x1x64x768xf32, #tpu.memory_space<vmem>>
      %swap3A_1302 = tpu.memref_squeeze %swap3A_1301 : memref<1x1x64x768xf32, #tpu.memory_space<vmem>> -> memref<1x64x768xf32, #tpu.memory_space<vmem>>
      %swap3A_1303 = arith.index_cast %swap3A_1297 : i32 to index
      %swap3A_1304 = arith.index_cast %scan3A_1249 : i32 to index
      %swap3A_1305 = arith.constant 64 : index
      %swap3A_1306 = tpu.vector_load %swap3A_1302[%swap3A_1303, %swap3A_1304, %swap3A_1305] {strides = array<i32>} : memref<1x64x768xf32, #tpu.memory_space<vmem>>, vector<1x1x16xf32>,
      %swap3A_1307 = vector.shape_cast %swap3A_1306 : vector<1x1x16xf32> to vector<16xf32>
      %swap3A_1308 = vector.shape_cast %get3A_929 : vector<16xf32> to vector<1x1x16xf32>
      tpu.vector_store %swap3A_1302[%swap3A_1303, %swap3A_1304, %swap3A_1305], %swap3A_1308 {strides = array<i32>} : memref<1x64x768xf32, #tpu.memory_space<vmem>>, vector<1x1x16xf32>,
      %swap3A_1309 = arith.constant 0 : i32
      %swap3A_1310 = arith.constant 0 : i32
      %swap3A_1311 = arith.constant 0 : i32
      %swap3A_1312 = arith.constant 0 : i32
      %swap3A_1313 = tpu.memref_slice %arg6[%scan3A_1069, %swap3A_1310, %swap3A_1311, %swap3A_1312] : memref<2x1x64x768xf32, #tpu.memory_space<vmem>> -> memref<1x1x64x768xf32, #tpu.memory_space<vmem>>
      %swap3A_1314 = tpu.memref_squeeze %swap3A_1313 : memref<1x1x64x768xf32, #tpu.memory_space<vmem>> -> memref<1x64x768xf32, #tpu.memory_space<vmem>>
      %swap3A_1315 = arith.index_cast %swap3A_1309 : i32 to index
      %swap3A_1316 = arith.index_cast %scan3A_1249 : i32 to index
      %swap3A_1317 = arith.constant 80 : index
      %swap3A_1318 = tpu.vector_load %swap3A_1314[%swap3A_1315, %swap3A_1316, %swap3A_1317] {strides = array<i32>} : memref<1x64x768xf32, #tpu.memory_space<vmem>>, vector<1x1x16xf32>,
      %swap3A_1319 = vector.shape_cast %swap3A_1318 : vector<1x1x16xf32> to vector<16xf32>
      %swap3A_1320 = vector.shape_cast %get3A_934 : vector<16xf32> to vector<1x1x16xf32>
      tpu.vector_store %swap3A_1314[%swap3A_1315, %swap3A_1316, %swap3A_1317], %swap3A_1320 {strides = array<i32>} : memref<1x64x768xf32, #tpu.memory_space<vmem>>, vector<1x1x16xf32>,
      %swap3A_1321 = arith.constant 0 : i32
      %swap3A_1322 = arith.constant 0 : i32
      %swap3A_1323 = arith.constant 0 : i32
      %swap3A_1324 = arith.constant 0 : i32
      %swap3A_1325 = tpu.memref_slice %arg6[%scan3A_1069, %swap3A_1322, %swap3A_1323, %swap3A_1324] : memref<2x1x64x768xf32, #tpu.memory_space<vmem>> -> memref<1x1x64x768xf32, #tpu.memory_space<vmem>>
      %swap3A_1326 = tpu.memref_squeeze %swap3A_1325 : memref<1x1x64x768xf32, #tpu.memory_space<vmem>> -> memref<1x64x768xf32, #tpu.memory_space<vmem>>
      %swap3A_1327 = arith.index_cast %swap3A_1321 : i32 to index
      %swap3A_1328 = arith.index_cast %scan3A_1249 : i32 to index
      %swap3A_1329 = arith.constant 96 : index
      %swap3A_1330 = tpu.vector_load %swap3A_1326[%swap3A_1327, %swap3A_1328, %swap3A_1329] {strides = array<i32>} : memref<1x64x768xf32, #tpu.memory_space<vmem>>, vector<1x1x16xf32>,
      %swap3A_1331 = vector.shape_cast %swap3A_1330 : vector<1x1x16xf32> to vector<16xf32>
      %swap3A_1332 = vector.shape_cast %get3A_939 : vector<16xf32> to vector<1x1x16xf32>
      tpu.vector_store %swap3A_1326[%swap3A_1327, %swap3A_1328, %swap3A_1329], %swap3A_1332 {strides = array<i32>} : memref<1x64x768xf32, #tpu.memory_space<vmem>>, vector<1x1x16xf32>,
      %swap3A_1333 = arith.constant 0 : i32
      %swap3A_1334 = arith.constant 0 : i32
      %swap3A_1335 = arith.constant 0 : i32
      %swap3A_1336 = arith.constant 0 : i32
      %swap3A_1337 = tpu.memref_slice %arg6[%scan3A_1069, %swap3A_1334, %swap3A_1335, %swap3A_1336] : memref<2x1x64x768xf32, #tpu.memory_space<vmem>> -> memref<1x1x64x768xf32, #tpu.memory_space<vmem>>
      %swap3A_1338 = tpu.memref_squeeze %swap3A_1337 : memref<1x1x64x768xf32, #tpu.memory_space<vmem>> -> memref<1x64x768xf32, #tpu.memory_space<vmem>>
      %swap3A_1339 = arith.index_cast %swap3A_1333 : i32 to index
      %swap3A_1340 = arith.index_cast %scan3A_1249 : i32 to index
      %swap3A_1341 = arith.constant 112 : index
      %swap3A_1342 = tpu.vector_load %swap3A_1338[%swap3A_1339, %swap3A_1340, %swap3A_1341] {strides = array<i32>} : memref<1x64x768xf32, #tpu.memory_space<vmem>>, vector<1x1x16xf32>,
      %swap3A_1343 = vector.shape_cast %swap3A_1342 : vector<1x1x16xf32> to vector<16xf32>
      %swap3A_1344 = vector.shape_cast %get3A_944 : vector<16xf32> to vector<1x1x16xf32>
      tpu.vector_store %swap3A_1338[%swap3A_1339, %swap3A_1340, %swap3A_1341], %swap3A_1344 {strides = array<i32>} : memref<1x64x768xf32, #tpu.memory_space<vmem>>, vector<1x1x16xf32>,
      %swap3A_1345 = arith.constant 0 : i32
      %swap3A_1346 = arith.constant 0 : i32
      %swap3A_1347 = arith.constant 0 : i32
      %swap3A_1348 = arith.constant 0 : i32
      %swap3A_1349 = tpu.memref_slice %arg6[%scan3A_1069, %swap3A_1346, %swap3A_1347, %swap3A_1348] : memref<2x1x64x768xf32, #tpu.memory_space<vmem>> -> memref<1x1x64x768xf32, #tpu.memory_space<vmem>>
      %swap3A_1350 = tpu.memref_squeeze %swap3A_1349 : memref<1x1x64x768xf32, #tpu.memory_space<vmem>> -> memref<1x64x768xf32, #tpu.memory_space<vmem>>
      %swap3A_1351 = arith.index_cast %swap3A_1345 : i32 to index
      %swap3A_1352 = arith.index_cast %scan3A_1249 : i32 to index
      %swap3A_1353 = arith.constant 128 : index
      %swap3A_1354 = tpu.vector_load %swap3A_1350[%swap3A_1351, %swap3A_1352, %swap3A_1353] {strides = array<i32>} : memref<1x64x768xf32, #tpu.memory_space<vmem>>, vector<1x1x16xf32>,
      %swap3A_1355 = vector.shape_cast %swap3A_1354 : vector<1x1x16xf32> to vector<16xf32>
      %swap3A_1356 = vector.shape_cast %get3A_949 : vector<16xf32> to vector<1x1x16xf32>
      tpu.vector_store %swap3A_1350[%swap3A_1351, %swap3A_1352, %swap3A_1353], %swap3A_1356 {strides = array<i32>} : memref<1x64x768xf32, #tpu.memory_space<vmem>>, vector<1x1x16xf32>,
      %swap3A_1357 = arith.constant 0 : i32
      %swap3A_1358 = arith.constant 0 : i32
      %swap3A_1359 = arith.constant 0 : i32
      %swap3A_1360 = arith.constant 0 : i32
      %swap3A_1361 = tpu.memref_slice %arg6[%scan3A_1069, %swap3A_1358, %swap3A_1359, %swap3A_1360] : memref<2x1x64x768xf32, #tpu.memory_space<vmem>> -> memref<1x1x64x768xf32, #tpu.memory_space<vmem>>
      %swap3A_1362 = tpu.memref_squeeze %swap3A_1361 : memref<1x1x64x768xf32, #tpu.memory_space<vmem>> -> memref<1x64x768xf32, #tpu.memory_space<vmem>>
      %swap3A_1363 = arith.index_cast %swap3A_1357 : i32 to index
      %swap3A_1364 = arith.index_cast %scan3A_1249 : i32 to index
      %swap3A_1365 = arith.constant 144 : index
      %swap3A_1366 = tpu.vector_load %swap3A_1362[%swap3A_1363, %swap3A_1364, %swap3A_1365] {strides = array<i32>} : memref<1x64x768xf32, #tpu.memory_space<vmem>>, vector<1x1x16xf32>,
      %swap3A_1367 = vector.shape_cast %swap3A_1366 : vector<1x1x16xf32> to vector<16xf32>
      %swap3A_1368 = vector.shape_cast %get3A_954 : vector<16xf32> to vector<1x1x16xf32>
      tpu.vector_store %swap3A_1362[%swap3A_1363, %swap3A_1364, %swap3A_1365], %swap3A_1368 {strides = array<i32>} : memref<1x64x768xf32, #tpu.memory_space<vmem>>, vector<1x1x16xf32>,
      %swap3A_1369 = arith.constant 0 : i32
      %swap3A_1370 = arith.constant 0 : i32
      %swap3A_1371 = arith.constant 0 : i32
      %swap3A_1372 = arith.constant 0 : i32
      %swap3A_1373 = tpu.memref_slice %arg6[%scan3A_1069, %swap3A_1370, %swap3A_1371, %swap3A_1372] : memref<2x1x64x768xf32, #tpu.memory_space<vmem>> -> memref<1x1x64x768xf32, #tpu.memory_space<vmem>>
      %swap3A_1374 = tpu.memref_squeeze %swap3A_1373 : memref<1x1x64x768xf32, #tpu.memory_space<vmem>> -> memref<1x64x768xf32, #tpu.memory_space<vmem>>
      %swap3A_1375 = arith.index_cast %swap3A_1369 : i32 to index
      %swap3A_1376 = arith.index_cast %scan3A_1249 : i32 to index
      %swap3A_1377 = arith.constant 160 : index
      %swap3A_1378 = tpu.vector_load %swap3A_1374[%swap3A_1375, %swap3A_1376, %swap3A_1377] {strides = array<i32>} : memref<1x64x768xf32, #tpu.memory_space<vmem>>, vector<1x1x16xf32>,
      %swap3A_1379 = vector.shape_cast %swap3A_1378 : vector<1x1x16xf32> to vector<16xf32>
      %swap3A_1380 = vector.shape_cast %get3A_959 : vector<16xf32> to vector<1x1x16xf32>
      tpu.vector_store %swap3A_1374[%swap3A_1375, %swap3A_1376, %swap3A_1377], %swap3A_1380 {strides = array<i32>} : memref<1x64x768xf32, #tpu.memory_space<vmem>>, vector<1x1x16xf32>,
      %swap3A_1381 = arith.constant 0 : i32
      %swap3A_1382 = arith.constant 0 : i32
      %swap3A_1383 = arith.constant 0 : i32
      %swap3A_1384 = arith.constant 0 : i32
      %swap3A_1385 = tpu.memref_slice %arg6[%scan3A_1069, %swap3A_1382, %swap3A_1383, %swap3A_1384] : memref<2x1x64x768xf32, #tpu.memory_space<vmem>> -> memref<1x1x64x768xf32, #tpu.memory_space<vmem>>
      %swap3A_1386 = tpu.memref_squeeze %swap3A_1385 : memref<1x1x64x768xf32, #tpu.memory_space<vmem>> -> memref<1x64x768xf32, #tpu.memory_space<vmem>>
      %swap3A_1387 = arith.index_cast %swap3A_1381 : i32 to index
      %swap3A_1388 = arith.index_cast %scan3A_1249 : i32 to index
      %swap3A_1389 = arith.constant 176 : index
      %swap3A_1390 = tpu.vector_load %swap3A_1386[%swap3A_1387, %swap3A_1388, %swap3A_1389] {strides = array<i32>} : memref<1x64x768xf32, #tpu.memory_space<vmem>>, vector<1x1x16xf32>,
      %swap3A_1391 = vector.shape_cast %swap3A_1390 : vector<1x1x16xf32> to vector<16xf32>
      %swap3A_1392 = vector.shape_cast %get3A_964 : vector<16xf32> to vector<1x1x16xf32>
      tpu.vector_store %swap3A_1386[%swap3A_1387, %swap3A_1388, %swap3A_1389], %swap3A_1392 {strides = array<i32>} : memref<1x64x768xf32, #tpu.memory_space<vmem>>, vector<1x1x16xf32>,
      %swap3A_1393 = arith.constant 0 : i32
      %swap3A_1394 = arith.constant 0 : i32
      %swap3A_1395 = arith.constant 0 : i32
      %swap3A_1396 = arith.constant 0 : i32
      %swap3A_1397 = tpu.memref_slice %arg6[%scan3A_1069, %swap3A_1394, %swap3A_1395, %swap3A_1396] : memref<2x1x64x768xf32, #tpu.memory_space<vmem>> -> memref<1x1x64x768xf32, #tpu.memory_space<vmem>>
      %swap3A_1398 = tpu.memref_squeeze %swap3A_1397 : memref<1x1x64x768xf32, #tpu.memory_space<vmem>> -> memref<1x64x768xf32, #tpu.memory_space<vmem>>
      %swap3A_1399 = arith.index_cast %swap3A_1393 : i32 to index
      %swap3A_1400 = arith.index_cast %scan3A_1249 : i32 to index
      %swap3A_1401 = arith.constant 192 : index
      %swap3A_1402 = tpu.vector_load %swap3A_1398[%swap3A_1399, %swap3A_1400, %swap3A_1401] {strides = array<i32>} : memref<1x64x768xf32, #tpu.memory_space<vmem>>, vector<1x1x16xf32>,
      %swap3A_1403 = vector.shape_cast %swap3A_1402 : vector<1x1x16xf32> to vector<16xf32>
      %swap3A_1404 = vector.shape_cast %get3A_969 : vector<16xf32> to vector<1x1x16xf32>
      tpu.vector_store %swap3A_1398[%swap3A_1399, %swap3A_1400, %swap3A_1401], %swap3A_1404 {strides = array<i32>} : memref<1x64x768xf32, #tpu.memory_space<vmem>>, vector<1x1x16xf32>,
      %swap3A_1405 = arith.constant 0 : i32
      %swap3A_1406 = arith.constant 0 : i32
      %swap3A_1407 = arith.constant 0 : i32
      %swap3A_1408 = arith.constant 0 : i32
      %swap3A_1409 = tpu.memref_slice %arg6[%scan3A_1069, %swap3A_1406, %swap3A_1407, %swap3A_1408] : memref<2x1x64x768xf32, #tpu.memory_space<vmem>> -> memref<1x1x64x768xf32, #tpu.memory_space<vmem>>
      %swap3A_1410 = tpu.memref_squeeze %swap3A_1409 : memref<1x1x64x768xf32, #tpu.memory_space<vmem>> -> memref<1x64x768xf32, #tpu.memory_space<vmem>>
      %swap3A_1411 = arith.index_cast %swap3A_1405 : i32 to index
      %swap3A_1412 = arith.index_cast %scan3A_1249 : i32 to index
      %swap3A_1413 = arith.constant 208 : index
      %swap3A_1414 = tpu.vector_load %swap3A_1410[%swap3A_1411, %swap3A_1412, %swap3A_1413] {strides = array<i32>} : memref<1x64x768xf32, #tpu.memory_space<vmem>>, vector<1x1x16xf32>,
      %swap3A_1415 = vector.shape_cast %swap3A_1414 : vector<1x1x16xf32> to vector<16xf32>
      %swap3A_1416 = vector.shape_cast %get3A_974 : vector<16xf32> to vector<1x1x16xf32>
      tpu.vector_store %swap3A_1410[%swap3A_1411, %swap3A_1412, %swap3A_1413], %swap3A_1416 {strides = array<i32>} : memref<1x64x768xf32, #tpu.memory_space<vmem>>, vector<1x1x16xf32>,
      %swap3A_1417 = arith.constant 0 : i32
      %swap3A_1418 = arith.constant 0 : i32
      %swap3A_1419 = arith.constant 0 : i32
      %swap3A_1420 = arith.constant 0 : i32
      %swap3A_1421 = tpu.memref_slice %arg6[%scan3A_1069, %swap3A_1418, %swap3A_1419, %swap3A_1420] : memref<2x1x64x768xf32, #tpu.memory_space<vmem>> -> memref<1x1x64x768xf32, #tpu.memory_space<vmem>>
      %swap3A_1422 = tpu.memref_squeeze %swap3A_1421 : memref<1x1x64x768xf32, #tpu.memory_space<vmem>> -> memref<1x64x768xf32, #tpu.memory_space<vmem>>
      %swap3A_1423 = arith.index_cast %swap3A_1417 : i32 to index
      %swap3A_1424 = arith.index_cast %scan3A_1249 : i32 to index
      %swap3A_1425 = arith.constant 224 : index
      %swap3A_1426 = tpu.vector_load %swap3A_1422[%swap3A_1423, %swap3A_1424, %swap3A_1425] {strides = array<i32>} : memref<1x64x768xf32, #tpu.memory_space<vmem>>, vector<1x1x16xf32>,
      %swap3A_1427 = vector.shape_cast %swap3A_1426 : vector<1x1x16xf32> to vector<16xf32>
      %swap3A_1428 = vector.shape_cast %get3A_979 : vector<16xf32> to vector<1x1x16xf32>
      tpu.vector_store %swap3A_1422[%swap3A_1423, %swap3A_1424, %swap3A_1425], %swap3A_1428 {strides = array<i32>} : memref<1x64x768xf32, #tpu.memory_space<vmem>>, vector<1x1x16xf32>,
      %swap3A_1429 = arith.constant 0 : i32
      %swap3A_1430 = arith.constant 0 : i32
      %swap3A_1431 = arith.constant 0 : i32
      %swap3A_1432 = arith.constant 0 : i32
      %swap3A_1433 = tpu.memref_slice %arg6[%scan3A_1069, %swap3A_1430, %swap3A_1431, %swap3A_1432] : memref<2x1x64x768xf32, #tpu.memory_space<vmem>> -> memref<1x1x64x768xf32, #tpu.memory_space<vmem>>
      %swap3A_1434 = tpu.memref_squeeze %swap3A_1433 : memref<1x1x64x768xf32, #tpu.memory_space<vmem>> -> memref<1x64x768xf32, #tpu.memory_space<vmem>>
      %swap3A_1435 = arith.index_cast %swap3A_1429 : i32 to index
      %swap3A_1436 = arith.index_cast %scan3A_1249 : i32 to index
      %swap3A_1437 = arith.constant 240 : index
      %swap3A_1438 = tpu.vector_load %swap3A_1434[%swap3A_1435, %swap3A_1436, %swap3A_1437] {strides = array<i32>} : memref<1x64x768xf32, #tpu.memory_space<vmem>>, vector<1x1x16xf32>,
      %swap3A_1439 = vector.shape_cast %swap3A_1438 : vector<1x1x16xf32> to vector<16xf32>
      %swap3A_1440 = vector.shape_cast %get3A_984 : vector<16xf32> to vector<1x1x16xf32>
      tpu.vector_store %swap3A_1434[%swap3A_1435, %swap3A_1436, %swap3A_1437], %swap3A_1440 {strides = array<i32>} : memref<1x64x768xf32, #tpu.memory_space<vmem>>, vector<1x1x16xf32>,
      %swap3A_1441 = arith.constant 0 : i32
      %swap3A_1442 = arith.constant 0 : i32
      %swap3A_1443 = arith.constant 0 : i32
      %swap3A_1444 = arith.constant 0 : i32
      %swap3A_1445 = tpu.memref_slice %arg6[%scan3A_1069, %swap3A_1442, %swap3A_1443, %swap3A_1444] : memref<2x1x64x768xf32, #tpu.memory_space<vmem>> -> memref<1x1x64x768xf32, #tpu.memory_space<vmem>>
      %swap3A_1446 = tpu.memref_squeeze %swap3A_1445 : memref<1x1x64x768xf32, #tpu.memory_space<vmem>> -> memref<1x64x768xf32, #tpu.memory_space<vmem>>
      %swap3A_1447 = arith.index_cast %swap3A_1441 : i32 to index
      %swap3A_1448 = arith.index_cast %scan3A_1249 : i32 to index
      %swap3A_1449 = arith.constant 256 : index
      %swap3A_1450 = tpu.vector_load %swap3A_1446[%swap3A_1447, %swap3A_1448, %swap3A_1449] {strides = array<i32>} : memref<1x64x768xf32, #tpu.memory_space<vmem>>, vector<1x1x16xf32>,
      %swap3A_1451 = vector.shape_cast %swap3A_1450 : vector<1x1x16xf32> to vector<16xf32>
      %swap3A_1452 = vector.shape_cast %get3A_989 : vector<16xf32> to vector<1x1x16xf32>
      tpu.vector_store %swap3A_1446[%swap3A_1447, %swap3A_1448, %swap3A_1449], %swap3A_1452 {strides = array<i32>} : memref<1x64x768xf32, #tpu.memory_space<vmem>>, vector<1x1x16xf32>,
      %swap3A_1453 = arith.constant 0 : i32
      %swap3A_1454 = arith.constant 0 : i32
      %swap3A_1455 = arith.constant 0 : i32
      %swap3A_1456 = arith.constant 0 : i32
      %swap3A_1457 = tpu.memref_slice %arg6[%scan3A_1069, %swap3A_1454, %swap3A_1455, %swap3A_1456] : memref<2x1x64x768xf32, #tpu.memory_space<vmem>> -> memref<1x1x64x768xf32, #tpu.memory_space<vmem>>
      %swap3A_1458 = tpu.memref_squeeze %swap3A_1457 : memref<1x1x64x768xf32, #tpu.memory_space<vmem>> -> memref<1x64x768xf32, #tpu.memory_space<vmem>>
      %swap3A_1459 = arith.index_cast %swap3A_1453 : i32 to index
      %swap3A_1460 = arith.index_cast %scan3A_1249 : i32 to index
      %swap3A_1461 = arith.constant 272 : index
      %swap3A_1462 = tpu.vector_load %swap3A_1458[%swap3A_1459, %swap3A_1460, %swap3A_1461] {strides = array<i32>} : memref<1x64x768xf32, #tpu.memory_space<vmem>>, vector<1x1x16xf32>,
      %swap3A_1463 = vector.shape_cast %swap3A_1462 : vector<1x1x16xf32> to vector<16xf32>
      %swap3A_1464 = vector.shape_cast %get3A_994 : vector<16xf32> to vector<1x1x16xf32>
      tpu.vector_store %swap3A_1458[%swap3A_1459, %swap3A_1460, %swap3A_1461], %swap3A_1464 {strides = array<i32>} : memref<1x64x768xf32, #tpu.memory_space<vmem>>, vector<1x1x16xf32>,
      %swap3A_1465 = arith.constant 0 : i32
      %swap3A_1466 = arith.constant 0 : i32
      %swap3A_1467 = arith.constant 0 : i32
      %swap3A_1468 = arith.constant 0 : i32
      %swap3A_1469 = tpu.memref_slice %arg6[%scan3A_1069, %swap3A_1466, %swap3A_1467, %swap3A_1468] : memref<2x1x64x768xf32, #tpu.memory_space<vmem>> -> memref<1x1x64x768xf32, #tpu.memory_space<vmem>>
      %swap3A_1470 = tpu.memref_squeeze %swap3A_1469 : memref<1x1x64x768xf32, #tpu.memory_space<vmem>> -> memref<1x64x768xf32, #tpu.memory_space<vmem>>
      %swap3A_1471 = arith.index_cast %swap3A_1465 : i32 to index
      %swap3A_1472 = arith.index_cast %scan3A_1249 : i32 to index
      %swap3A_1473 = arith.constant 288 : index
      %swap3A_1474 = tpu.vector_load %swap3A_1470[%swap3A_1471, %swap3A_1472, %swap3A_1473] {strides = array<i32>} : memref<1x64x768xf32, #tpu.memory_space<vmem>>, vector<1x1x16xf32>,
      %swap3A_1475 = vector.shape_cast %swap3A_1474 : vector<1x1x16xf32> to vector<16xf32>
      %swap3A_1476 = vector.shape_cast %get3A_999 : vector<16xf32> to vector<1x1x16xf32>
      tpu.vector_store %swap3A_1470[%swap3A_1471, %swap3A_1472, %swap3A_1473], %swap3A_1476 {strides = array<i32>} : memref<1x64x768xf32, #tpu.memory_space<vmem>>, vector<1x1x16xf32>,
      %swap3A_1477 = arith.constant 0 : i32
      %swap3A_1478 = arith.constant 0 : i32
      %swap3A_1479 = arith.constant 0 : i32
      %swap3A_1480 = arith.constant 0 : i32
      %swap3A_1481 = tpu.memref_slice %arg6[%scan3A_1069, %swap3A_1478, %swap3A_1479, %swap3A_1480] : memref<2x1x64x768xf32, #tpu.memory_space<vmem>> -> memref<1x1x64x768xf32, #tpu.memory_space<vmem>>
      %swap3A_1482 = tpu.memref_squeeze %swap3A_1481 : memref<1x1x64x768xf32, #tpu.memory_space<vmem>> -> memref<1x64x768xf32, #tpu.memory_space<vmem>>
      %swap3A_1483 = arith.index_cast %swap3A_1477 : i32 to index
      %swap3A_1484 = arith.index_cast %scan3A_1249 : i32 to index
      %swap3A_1485 = arith.constant 304 : index
      %swap3A_1486 = tpu.vector_load %swap3A_1482[%swap3A_1483, %swap3A_1484, %swap3A_1485] {strides = array<i32>} : memref<1x64x768xf32, #tpu.memory_space<vmem>>, vector<1x1x16xf32>,
      %swap3A_1487 = vector.shape_cast %swap3A_1486 : vector<1x1x16xf32> to vector<16xf32>
      %swap3A_1488 = vector.shape_cast %get3A_1004 : vector<16xf32> to vector<1x1x16xf32>
      tpu.vector_store %swap3A_1482[%swap3A_1483, %swap3A_1484, %swap3A_1485], %swap3A_1488 {strides = array<i32>} : memref<1x64x768xf32, #tpu.memory_space<vmem>>, vector<1x1x16xf32>,
      %swap3A_1489 = arith.constant 0 : i32
      %swap3A_1490 = arith.constant 0 : i32
      %swap3A_1491 = arith.constant 0 : i32
      %swap3A_1492 = arith.constant 0 : i32
      %swap3A_1493 = tpu.memref_slice %arg6[%scan3A_1069, %swap3A_1490, %swap3A_1491, %swap3A_1492] : memref<2x1x64x768xf32, #tpu.memory_space<vmem>> -> memref<1x1x64x768xf32, #tpu.memory_space<vmem>>
      %swap3A_1494 = tpu.memref_squeeze %swap3A_1493 : memref<1x1x64x768xf32, #tpu.memory_space<vmem>> -> memref<1x64x768xf32, #tpu.memory_space<vmem>>
      %swap3A_1495 = arith.index_cast %swap3A_1489 : i32 to index
      %swap3A_1496 = arith.index_cast %scan3A_1249 : i32 to index
      %swap3A_1497 = arith.constant 320 : index
      %swap3A_1498 = tpu.vector_load %swap3A_1494[%swap3A_1495, %swap3A_1496, %swap3A_1497] {strides = array<i32>} : memref<1x64x768xf32, #tpu.memory_space<vmem>>, vector<1x1x16xf32>,
      %swap3A_1499 = vector.shape_cast %swap3A_1498 : vector<1x1x16xf32> to vector<16xf32>
      %swap3A_1500 = vector.shape_cast %get3A_1009 : vector<16xf32> to vector<1x1x16xf32>
      tpu.vector_store %swap3A_1494[%swap3A_1495, %swap3A_1496, %swap3A_1497], %swap3A_1500 {strides = array<i32>} : memref<1x64x768xf32, #tpu.memory_space<vmem>>, vector<1x1x16xf32>,
      %swap3A_1501 = arith.constant 0 : i32
      %swap3A_1502 = arith.constant 0 : i32
      %swap3A_1503 = arith.constant 0 : i32
      %swap3A_1504 = arith.constant 0 : i32
      %swap3A_1505 = tpu.memref_slice %arg6[%scan3A_1069, %swap3A_1502, %swap3A_1503, %swap3A_1504] : memref<2x1x64x768xf32, #tpu.memory_space<vmem>> -> memref<1x1x64x768xf32, #tpu.memory_space<vmem>>
      %swap3A_1506 = tpu.memref_squeeze %swap3A_1505 : memref<1x1x64x768xf32, #tpu.memory_space<vmem>> -> memref<1x64x768xf32, #tpu.memory_space<vmem>>
      %swap3A_1507 = arith.index_cast %swap3A_1501 : i32 to index
      %swap3A_1508 = arith.index_cast %scan3A_1249 : i32 to index
      %swap3A_1509 = arith.constant 336 : index
      %swap3A_1510 = tpu.vector_load %swap3A_1506[%swap3A_1507, %swap3A_1508, %swap3A_1509] {strides = array<i32>} : memref<1x64x768xf32, #tpu.memory_space<vmem>>, vector<1x1x16xf32>,
      %swap3A_1511 = vector.shape_cast %swap3A_1510 : vector<1x1x16xf32> to vector<16xf32>
      %swap3A_1512 = vector.shape_cast %get3A_1014 : vector<16xf32> to vector<1x1x16xf32>
      tpu.vector_store %swap3A_1506[%swap3A_1507, %swap3A_1508, %swap3A_1509], %swap3A_1512 {strides = array<i32>} : memref<1x64x768xf32, #tpu.memory_space<vmem>>, vector<1x1x16xf32>,
      %swap3A_1513 = arith.constant 0 : i32
      %swap3A_1514 = arith.constant 0 : i32
      %swap3A_1515 = arith.constant 0 : i32
      %swap3A_1516 = arith.constant 0 : i32
      %swap3A_1517 = tpu.memref_slice %arg6[%scan3A_1069, %swap3A_1514, %swap3A_1515, %swap3A_1516] : memref<2x1x64x768xf32, #tpu.memory_space<vmem>> -> memref<1x1x64x768xf32, #tpu.memory_space<vmem>>
      %swap3A_1518 = tpu.memref_squeeze %swap3A_1517 : memref<1x1x64x768xf32, #tpu.memory_space<vmem>> -> memref<1x64x768xf32, #tpu.memory_space<vmem>>
      %swap3A_1519 = arith.index_cast %swap3A_1513 : i32 to index
      %swap3A_1520 = arith.index_cast %scan3A_1249 : i32 to index
      %swap3A_1521 = arith.constant 352 : index
      %swap3A_1522 = tpu.vector_load %swap3A_1518[%swap3A_1519, %swap3A_1520, %swap3A_1521] {strides = array<i32>} : memref<1x64x768xf32, #tpu.memory_space<vmem>>, vector<1x1x16xf32>,
      %swap3A_1523 = vector.shape_cast %swap3A_1522 : vector<1x1x16xf32> to vector<16xf32>
      %swap3A_1524 = vector.shape_cast %get3A_1019 : vector<16xf32> to vector<1x1x16xf32>
      tpu.vector_store %swap3A_1518[%swap3A_1519, %swap3A_1520, %swap3A_1521], %swap3A_1524 {strides = array<i32>} : memref<1x64x768xf32, #tpu.memory_space<vmem>>, vector<1x1x16xf32>,
      %swap3A_1525 = arith.constant 0 : i32
      %swap3A_1526 = arith.constant 0 : i32
      %swap3A_1527 = arith.constant 0 : i32
      %swap3A_1528 = arith.constant 0 : i32
      %swap3A_1529 = tpu.memref_slice %arg6[%scan3A_1069, %swap3A_1526, %swap3A_1527, %swap3A_1528] : memref<2x1x64x768xf32, #tpu.memory_space<vmem>> -> memref<1x1x64x768xf32, #tpu.memory_space<vmem>>
      %swap3A_1530 = tpu.memref_squeeze %swap3A_1529 : memref<1x1x64x768xf32, #tpu.memory_space<vmem>> -> memref<1x64x768xf32, #tpu.memory_space<vmem>>
      %swap3A_1531 = arith.index_cast %swap3A_1525 : i32 to index
      %swap3A_1532 = arith.index_cast %scan3A_1249 : i32 to index
      %swap3A_1533 = arith.constant 368 : index
      %swap3A_1534 = tpu.vector_load %swap3A_1530[%swap3A_1531, %swap3A_1532, %swap3A_1533] {strides = array<i32>} : memref<1x64x768xf32, #tpu.memory_space<vmem>>, vector<1x1x16xf32>,
      %swap3A_1535 = vector.shape_cast %swap3A_1534 : vector<1x1x16xf32> to vector<16xf32>
      %swap3A_1536 = vector.shape_cast %get3A_1024 : vector<16xf32> to vector<1x1x16xf32>
      tpu.vector_store %swap3A_1530[%swap3A_1531, %swap3A_1532, %swap3A_1533], %swap3A_1536 {strides = array<i32>} : memref<1x64x768xf32, #tpu.memory_space<vmem>>, vector<1x1x16xf32>,
    }
    %scan3A_1074 = arith.constant 64 : i32
    %dma_wait3A_1075 = arith.constant 0 : i32
    %dma_wait3A_1076 = arith.constant 0 : i32
    %dma_wait3A_1077 = arith.constant 0 : i32
    %dma_wait3A_1078 = arith.constant 0 : i32
    %dma_wait3A_1079 = arith.constant 0 : i32
    %dma_wait3A_1080 = tpu.memref_slice %arg6[%dma_wait3A_1075, %dma_wait3A_1077, %dma_wait3A_1078, %dma_wait3A_1079] : memref<2x1x64x768xf32, #tpu.memory_space<vmem>> -> memref<1x1x64x768xf32, #tpu.memory_space<vmem>>
    %dma_wait3A_1081 = tpu.memref_squeeze %dma_wait3A_1080 : memref<1x1x64x768xf32, #tpu.memory_space<vmem>> -> memref<1x64x768xf32, #tpu.memory_space<vmem>>
    %dma_wait3A_1082 = arith.constant 0 : i32
    %dma_wait3A_1083 = arith.constant 384 : i32
    %dma_wait3A_1084 = tpu.memref_slice %dma_wait3A_1081[%dma_wait3A_1076, %dma_wait3A_1082, %dma_wait3A_1083] : memref<1x64x768xf32, #tpu.memory_space<vmem>> -> memref<1x64x384xf32, #tpu.memory_space<vmem>>
    %dma_wait3A_1085 = tpu.memref_squeeze %dma_wait3A_1084 : memref<1x64x384xf32, #tpu.memory_space<vmem>> -> memref<64x384xf32, #tpu.memory_space<vmem>>
    %dma_wait3A_1086 = arith.constant 0 : i32
    %dma_wait3A_1087 = arith.constant 0 : i32
    %dma_wait3A_1088 = tpu.memref_slice %arg5[%dma_wait3A_1086, %dma_wait3A_1087] : memref<128x384xf32, #tpu.memory_space<vmem_shared>> -> memref<64x384xf32, #tpu.memory_space<vmem_shared>>
    %dma_wait3A_1089 = arith.constant 0 : i32
    %dma_wait3A_1090 = arith.constant 0 : i32
    %dma_wait3A_1091 = arith.constant 0 : i32
    %dma_wait3A_1092 = tpu.memref_slice %arg6[%dma_wait3A_1075, %dma_wait3A_1089, %dma_wait3A_1090, %dma_wait3A_1091] : memref<2x1x64x768xf32, #tpu.memory_space<vmem>> -> memref<1x1x64x768xf32, #tpu.memory_space<vmem>>
    %dma_wait3A_1093 = tpu.memref_squeeze %dma_wait3A_1092 : memref<1x1x64x768xf32, #tpu.memory_space<vmem>> -> memref<1x64x768xf32, #tpu.memory_space<vmem>>
    %dma_wait3A_1094 = arith.constant 0 : i32
    %dma_wait3A_1095 = arith.constant 384 : i32
    %dma_wait3A_1096 = tpu.memref_slice %dma_wait3A_1093[%dma_wait3A_1076, %dma_wait3A_1094, %dma_wait3A_1095] : memref<1x64x768xf32, #tpu.memory_space<vmem>> -> memref<1x64x384xf32, #tpu.memory_space<vmem>>
    %dma_wait3A_1097 = tpu.memref_squeeze %dma_wait3A_1096 : memref<1x64x384xf32, #tpu.memory_space<vmem>> -> memref<64x384xf32, #tpu.memory_space<vmem>>
    %dma_wait3A_1098 = arith.constant 0 : i32
    %dma_wait3A_1099 = arith.constant 0 : i32
    %dma_wait3A_1100 = tpu.memref_slice %arg5[%dma_wait3A_1098, %dma_wait3A_1099] : memref<128x384xf32, #tpu.memory_space<vmem_shared>> -> memref<64x384xf32, #tpu.memory_space<vmem_shared>>
    tpu.wait_dma2 semaphore(%arg8 : memref<!tpu.dma_semaphore, #tpu.memory_space<semaphore_mem>>) src(%dma_wait3A_1100 : memref<64x384xf32, #tpu.memory_space<vmem_shared>>) dst(%dma_wait3A_1097 : memref<64x384xf32, #tpu.memory_space<vmem>>)
    %add3A_1101 = arith.constant 3 : i32
    %add3A_1102 = arith.addi %mul3A_2, %add3A_1101 : i32
    %dma_start3A_1103 = arith.constant 0 : i32
    %dma_start3A_1104 = arith.constant 0 : i32
    %dma_start3A_1105 = arith.constant 0 : i32
    %dma_start3A_1106 = arith.constant 0 : i32
    %dma_start3A_1107 = tpu.memref_slice %arg6[%dma_start3A_1103, %dma_start3A_1104, %dma_start3A_1105, %dma_start3A_1106] : memref<2x1x64x768xf32, #tpu.memory_space<vmem>> -> memref<1x1x64x768xf32, #tpu.memory_space<vmem>>
    %dma_start3A_1108 = tpu.memref_squeeze %dma_start3A_1107 : memref<1x1x64x768xf32, #tpu.memory_space<vmem>> -> memref<1x64x768xf32, #tpu.memory_space<vmem>>
    %dma_start3A_1109 = arith.constant 0 : i32
    %dma_start3A_1110 = arith.constant 0 : i32
    %dma_start3A_1111 = tpu.memref_slice %arg4[%add3A_1102, %dma_start3A_1109, %dma_start3A_1110] : memref<128x128x768xf32, #tpu.memory_space<hbm>> -> memref<1x64x768xf32, #tpu.memory_space<hbm>>
    %dma_start3A_1112 = arith.constant 0 : i32
    %dma_start3A_1113 = arith.constant 0 : i32
    %dma_start3A_1114 = tpu.memref_slice %arg4[%add3A_1102, %dma_start3A_1112, %dma_start3A_1113] : memref<128x128x768xf32, #tpu.memory_space<hbm>> -> memref<1x64x768xf32, #tpu.memory_space<hbm>>
    %dma_start3A_1115 = arith.constant 0 : i32
    %dma_start3A_1116 = arith.constant 0 : i32
    %dma_start3A_1117 = arith.constant 0 : i32
    %dma_start3A_1118 = tpu.memref_slice %arg6[%dma_start3A_1103, %dma_start3A_1115, %dma_start3A_1116, %dma_start3A_1117] : memref<2x1x64x768xf32, #tpu.memory_space<vmem>> -> memref<1x1x64x768xf32, #tpu.memory_space<vmem>>
    %dma_start3A_1119 = tpu.memref_squeeze %dma_start3A_1118 : memref<1x1x64x768xf32, #tpu.memory_space<vmem>> -> memref<1x64x768xf32, #tpu.memory_space<vmem>>
    tpu.enqueue_dma source(%dma_start3A_1119 : memref<1x64x768xf32, #tpu.memory_space<vmem>>) target(%dma_start3A_1114 : memref<1x64x768xf32, #tpu.memory_space<hbm>>) target_semaphore(%arg9 : memref<!tpu.dma_semaphore, #tpu.memory_space<semaphore_mem>>)
    %dma_wait3A_1120 = arith.constant 1 : i32
    %dma_wait3A_1121 = arith.constant 0 : i32
    %dma_wait3A_1122 = arith.constant 0 : i32
    %dma_wait3A_1123 = arith.constant 0 : i32
    %dma_wait3A_1124 = tpu.memref_slice %arg6[%dma_wait3A_1120, %dma_wait3A_1121, %dma_wait3A_1122, %dma_wait3A_1123] : memref<2x1x64x768xf32, #tpu.memory_space<vmem>> -> memref<1x1x64x768xf32, #tpu.memory_space<vmem>>
    %dma_wait3A_1125 = tpu.memref_squeeze %dma_wait3A_1124 : memref<1x1x64x768xf32, #tpu.memory_space<vmem>> -> memref<1x64x768xf32, #tpu.memory_space<vmem>>
    %dma_wait3A_1126 = arith.constant 64 : i32
    %dma_wait3A_1127 = arith.constant 0 : i32
    %dma_wait3A_1128 = tpu.memref_slice %arg4[%add3A_887, %dma_wait3A_1126, %dma_wait3A_1127] : memref<128x128x768xf32, #tpu.memory_space<hbm>> -> memref<1x64x768xf32, #tpu.memory_space<hbm>>
    %dma_wait3A_1129 = arith.constant 64 : i32
    %dma_wait3A_1130 = arith.constant 0 : i32
    %dma_wait3A_1131 = tpu.memref_slice %arg4[%add3A_887, %dma_wait3A_1129, %dma_wait3A_1130] : memref<128x128x768xf32, #tpu.memory_space<hbm>> -> memref<1x64x768xf32, #tpu.memory_space<hbm>>
    %dma_wait3A_1132 = arith.constant 0 : i32
    %dma_wait3A_1133 = arith.constant 0 : i32
    %dma_wait3A_1134 = arith.constant 0 : i32
    %dma_wait3A_1135 = tpu.memref_slice %arg6[%dma_wait3A_1120, %dma_wait3A_1132, %dma_wait3A_1133, %dma_wait3A_1134] : memref<2x1x64x768xf32, #tpu.memory_space<vmem>> -> memref<1x1x64x768xf32, #tpu.memory_space<vmem>>
    %dma_wait3A_1136 = tpu.memref_squeeze %dma_wait3A_1135 : memref<1x1x64x768xf32, #tpu.memory_space<vmem>> -> memref<1x64x768xf32, #tpu.memory_space<vmem>>
    tpu.wait_dma2 semaphore(%arg9 : memref<!tpu.dma_semaphore, #tpu.memory_space<semaphore_mem>>) src(%dma_wait3A_1136 : memref<1x64x768xf32, #tpu.memory_space<vmem>>) dst(%dma_wait3A_1131 : memref<1x64x768xf32, #tpu.memory_space<hbm>>)
    %dma_start3A_1137 = arith.constant 1 : i32
    %dma_start3A_1138 = arith.constant 0 : i32
    %dma_start3A_1139 = arith.constant 0 : i32
    %dma_start3A_1140 = arith.constant 0 : i32
    %dma_start3A_1141 = arith.constant 0 : i32
    %dma_start3A_1142 = tpu.memref_slice %arg6[%dma_start3A_1137, %dma_start3A_1139, %dma_start3A_1140, %dma_start3A_1141] : memref<2x1x64x768xf32, #tpu.memory_space<vmem>> -> memref<1x1x64x768xf32, #tpu.memory_space<vmem>>
    %dma_start3A_1143 = tpu.memref_squeeze %dma_start3A_1142 : memref<1x1x64x768xf32, #tpu.memory_space<vmem>> -> memref<1x64x768xf32, #tpu.memory_space<vmem>>
    %dma_start3A_1144 = arith.constant 0 : i32
    %dma_start3A_1145 = arith.constant 384 : i32
    %dma_start3A_1146 = tpu.memref_slice %dma_start3A_1143[%dma_start3A_1138, %dma_start3A_1144, %dma_start3A_1145] : memref<1x64x768xf32, #tpu.memory_space<vmem>> -> memref<1x64x384xf32, #tpu.memory_space<vmem>>
    %dma_start3A_1147 = tpu.memref_squeeze %dma_start3A_1146 : memref<1x64x384xf32, #tpu.memory_space<vmem>> -> memref<64x384xf32, #tpu.memory_space<vmem>>
    %dma_start3A_1148 = arith.constant 64 : i32
    %dma_start3A_1149 = arith.constant 0 : i32
    %dma_start3A_1150 = tpu.memref_slice %arg5[%dma_start3A_1148, %dma_start3A_1149] : memref<128x384xf32, #tpu.memory_space<vmem_shared>> -> memref<64x384xf32, #tpu.memory_space<vmem_shared>>
    %dma_start3A_1151 = arith.constant 0 : i32
    %dma_start3A_1152 = arith.constant 0 : i32
    %dma_start3A_1153 = arith.constant 0 : i32
    %dma_start3A_1154 = tpu.memref_slice %arg6[%dma_start3A_1137, %dma_start3A_1151, %dma_start3A_1152, %dma_start3A_1153] : memref<2x1x64x768xf32, #tpu.memory_space<vmem>> -> memref<1x1x64x768xf32, #tpu.memory_space<vmem>>
    %dma_start3A_1155 = tpu.memref_squeeze %dma_start3A_1154 : memref<1x1x64x768xf32, #tpu.memory_space<vmem>> -> memref<1x64x768xf32, #tpu.memory_space<vmem>>
    %dma_start3A_1156 = arith.constant 0 : i32
    %dma_start3A_1157 = arith.constant 384 : i32
    %dma_start3A_1158 = tpu.memref_slice %dma_start3A_1155[%dma_start3A_1138, %dma_start3A_1156, %dma_start3A_1157] : memref<1x64x768xf32, #tpu.memory_space<vmem>> -> memref<1x64x384xf32, #tpu.memory_space<vmem>>
    %dma_start3A_1159 = tpu.memref_squeeze %dma_start3A_1158 : memref<1x64x384xf32, #tpu.memory_space<vmem>> -> memref<64x384xf32, #tpu.memory_space<vmem>>
    %dma_start3A_1160 = arith.constant 64 : i32
    %dma_start3A_1161 = arith.constant 0 : i32
    %dma_start3A_1162 = tpu.memref_slice %arg5[%dma_start3A_1160, %dma_start3A_1161] : memref<128x384xf32, #tpu.memory_space<vmem_shared>> -> memref<64x384xf32, #tpu.memory_space<vmem_shared>>
    tpu.enqueue_dma source(%dma_start3A_1162 : memref<64x384xf32, #tpu.memory_space<vmem_shared>>) target(%dma_start3A_1159 : memref<64x384xf32, #tpu.memory_space<vmem>>) target_semaphore(%arg8 : memref<!tpu.dma_semaphore, #tpu.memory_space<semaphore_mem>>)
    %scan3A_1163 = arith.constant 0 : i32
    %scan3A_1164 = arith.constant 1 : i32
    %scan3A_1165 = arith.constant 0 : i32
    %scan3A_1166 = arith.constant 64 : i32
    %scan3A_1167 = arith.addi %scan3A_1165, %scan3A_1166 : i32
    %scan3A_1168 = arith.constant 1 : i32
    scf.for %scan3A_1249 = %scan3A_1165 to %scan3A_1167 step %scan3A_1168  : i32 {
      %swap3A = arith.constant 0 : i32
      %swap3A_1250 = arith.constant 0 : i32
      %swap3A_1251 = arith.constant 0 : i32
      %swap3A_1252 = arith.constant 0 : i32
      %swap3A_1253 = tpu.memref_slice %arg6[%scan3A_1164, %swap3A_1250, %swap3A_1251, %swap3A_1252] : memref<2x1x64x768xf32, #tpu.memory_space<vmem>> -> memref<1x1x64x768xf32, #tpu.memory_space<vmem>>
      %swap3A_1254 = tpu.memref_squeeze %swap3A_1253 : memref<1x1x64x768xf32, #tpu.memory_space<vmem>> -> memref<1x64x768xf32, #tpu.memory_space<vmem>>
      %swap3A_1255 = arith.index_cast %swap3A : i32 to index
      %swap3A_1256 = arith.index_cast %scan3A_1249 : i32 to index
      %swap3A_1257 = arith.constant 0 : index
      %swap3A_1258 = tpu.vector_load %swap3A_1254[%swap3A_1255, %swap3A_1256, %swap3A_1257] {strides = array<i32>} : memref<1x64x768xf32, #tpu.memory_space<vmem>>, vector<1x1x16xf32>,
      %swap3A_1259 = vector.shape_cast %swap3A_1258 : vector<1x1x16xf32> to vector<16xf32>
      %swap3A_1260 = vector.shape_cast %get3A_909 : vector<16xf32> to vector<1x1x16xf32>
      tpu.vector_store %swap3A_1254[%swap3A_1255, %swap3A_1256, %swap3A_1257], %swap3A_1260 {strides = array<i32>} : memref<1x64x768xf32, #tpu.memory_space<vmem>>, vector<1x1x16xf32>,
      %swap3A_1261 = arith.constant 0 : i32
      %swap3A_1262 = arith.constant 0 : i32
      %swap3A_1263 = arith.constant 0 : i32
      %swap3A_1264 = arith.constant 0 : i32
      %swap3A_1265 = tpu.memref_slice %arg6[%scan3A_1164, %swap3A_1262, %swap3A_1263, %swap3A_1264] : memref<2x1x64x768xf32, #tpu.memory_space<vmem>> -> memref<1x1x64x768xf32, #tpu.memory_space<vmem>>
      %swap3A_1266 = tpu.memref_squeeze %swap3A_1265 : memref<1x1x64x768xf32, #tpu.memory_space<vmem>> -> memref<1x64x768xf32, #tpu.memory_space<vmem>>
      %swap3A_1267 = arith.index_cast %swap3A_1261 : i32 to index
      %swap3A_1268 = arith.index_cast %scan3A_1249 : i32 to index
      %swap3A_1269 = arith.constant 16 : index
      %swap3A_1270 = tpu.vector_load %swap3A_1266[%swap3A_1267, %swap3A_1268, %swap3A_1269] {strides = array<i32>} : memref<1x64x768xf32, #tpu.memory_space<vmem>>, vector<1x1x16xf32>,
      %swap3A_1271 = vector.shape_cast %swap3A_1270 : vector<1x1x16xf32> to vector<16xf32>
      %swap3A_1272 = vector.shape_cast %get3A_914 : vector<16xf32> to vector<1x1x16xf32>
      tpu.vector_store %swap3A_1266[%swap3A_1267, %swap3A_1268, %swap3A_1269], %swap3A_1272 {strides = array<i32>} : memref<1x64x768xf32, #tpu.memory_space<vmem>>, vector<1x1x16xf32>,
      %swap3A_1273 = arith.constant 0 : i32
      %swap3A_1274 = arith.constant 0 : i32
      %swap3A_1275 = arith.constant 0 : i32
      %swap3A_1276 = arith.constant 0 : i32
      %swap3A_1277 = tpu.memref_slice %arg6[%scan3A_1164, %swap3A_1274, %swap3A_1275, %swap3A_1276] : memref<2x1x64x768xf32, #tpu.memory_space<vmem>> -> memref<1x1x64x768xf32, #tpu.memory_space<vmem>>
      %swap3A_1278 = tpu.memref_squeeze %swap3A_1277 : memref<1x1x64x768xf32, #tpu.memory_space<vmem>> -> memref<1x64x768xf32, #tpu.memory_space<vmem>>
      %swap3A_1279 = arith.index_cast %swap3A_1273 : i32 to index
      %swap3A_1280 = arith.index_cast %scan3A_1249 : i32 to index
      %swap3A_1281 = arith.constant 32 : index
      %swap3A_1282 = tpu.vector_load %swap3A_1278[%swap3A_1279, %swap3A_1280, %swap3A_1281] {strides = array<i32>} : memref<1x64x768xf32, #tpu.memory_space<vmem>>, vector<1x1x16xf32>,
      %swap3A_1283 = vector.shape_cast %swap3A_1282 : vector<1x1x16xf32> to vector<16xf32>
      %swap3A_1284 = vector.shape_cast %get3A_919 : vector<16xf32> to vector<1x1x16xf32>
      tpu.vector_store %swap3A_1278[%swap3A_1279, %swap3A_1280, %swap3A_1281], %swap3A_1284 {strides = array<i32>} : memref<1x64x768xf32, #tpu.memory_space<vmem>>, vector<1x1x16xf32>,
      %swap3A_1285 = arith.constant 0 : i32
      %swap3A_1286 = arith.constant 0 : i32
      %swap3A_1287 = arith.constant 0 : i32
      %swap3A_1288 = arith.constant 0 : i32
      %swap3A_1289 = tpu.memref_slice %arg6[%scan3A_1164, %swap3A_1286, %swap3A_1287, %swap3A_1288] : memref<2x1x64x768xf32, #tpu.memory_space<vmem>> -> memref<1x1x64x768xf32, #tpu.memory_space<vmem>>
      %swap3A_1290 = tpu.memref_squeeze %swap3A_1289 : memref<1x1x64x768xf32, #tpu.memory_space<vmem>> -> memref<1x64x768xf32, #tpu.memory_space<vmem>>
      %swap3A_1291 = arith.index_cast %swap3A_1285 : i32 to index
      %swap3A_1292 = arith.index_cast %scan3A_1249 : i32 to index
      %swap3A_1293 = arith.constant 48 : index
      %swap3A_1294 = tpu.vector_load %swap3A_1290[%swap3A_1291, %swap3A_1292, %swap3A_1293] {strides = array<i32>} : memref<1x64x768xf32, #tpu.memory_space<vmem>>, vector<1x1x16xf32>,
      %swap3A_1295 = vector.shape_cast %swap3A_1294 : vector<1x1x16xf32> to vector<16xf32>
      %swap3A_1296 = vector.shape_cast %get3A_924 : vector<16xf32> to vector<1x1x16xf32>
      tpu.vector_store %swap3A_1290[%swap3A_1291, %swap3A_1292, %swap3A_1293], %swap3A_1296 {strides = array<i32>} : memref<1x64x768xf32, #tpu.memory_space<vmem>>, vector<1x1x16xf32>,
      %swap3A_1297 = arith.constant 0 : i32
      %swap3A_1298 = arith.constant 0 : i32
      %swap3A_1299 = arith.constant 0 : i32
      %swap3A_1300 = arith.constant 0 : i32
      %swap3A_1301 = tpu.memref_slice %arg6[%scan3A_1164, %swap3A_1298, %swap3A_1299, %swap3A_1300] : memref<2x1x64x768xf32, #tpu.memory_space<vmem>> -> memref<1x1x64x768xf32, #tpu.memory_space<vmem>>
      %swap3A_1302 = tpu.memref_squeeze %swap3A_1301 : memref<1x1x64x768xf32, #tpu.memory_space<vmem>> -> memref<1x64x768xf32, #tpu.memory_space<vmem>>
      %swap3A_1303 = arith.index_cast %swap3A_1297 : i32 to index
      %swap3A_1304 = arith.index_cast %scan3A_1249 : i32 to index
      %swap3A_1305 = arith.constant 64 : index
      %swap3A_1306 = tpu.vector_load %swap3A_1302[%swap3A_1303, %swap3A_1304, %swap3A_1305] {strides = array<i32>} : memref<1x64x768xf32, #tpu.memory_space<vmem>>, vector<1x1x16xf32>,
      %swap3A_1307 = vector.shape_cast %swap3A_1306 : vector<1x1x16xf32> to vector<16xf32>
      %swap3A_1308 = vector.shape_cast %get3A_929 : vector<16xf32> to vector<1x1x16xf32>
      tpu.vector_store %swap3A_1302[%swap3A_1303, %swap3A_1304, %swap3A_1305], %swap3A_1308 {strides = array<i32>} : memref<1x64x768xf32, #tpu.memory_space<vmem>>, vector<1x1x16xf32>,
      %swap3A_1309 = arith.constant 0 : i32
      %swap3A_1310 = arith.constant 0 : i32
      %swap3A_1311 = arith.constant 0 : i32
      %swap3A_1312 = arith.constant 0 : i32
      %swap3A_1313 = tpu.memref_slice %arg6[%scan3A_1164, %swap3A_1310, %swap3A_1311, %swap3A_1312] : memref<2x1x64x768xf32, #tpu.memory_space<vmem>> -> memref<1x1x64x768xf32, #tpu.memory_space<vmem>>
      %swap3A_1314 = tpu.memref_squeeze %swap3A_1313 : memref<1x1x64x768xf32, #tpu.memory_space<vmem>> -> memref<1x64x768xf32, #tpu.memory_space<vmem>>
      %swap3A_1315 = arith.index_cast %swap3A_1309 : i32 to index
      %swap3A_1316 = arith.index_cast %scan3A_1249 : i32 to index
      %swap3A_1317 = arith.constant 80 : index
      %swap3A_1318 = tpu.vector_load %swap3A_1314[%swap3A_1315, %swap3A_1316, %swap3A_1317] {strides = array<i32>} : memref<1x64x768xf32, #tpu.memory_space<vmem>>, vector<1x1x16xf32>,
      %swap3A_1319 = vector.shape_cast %swap3A_1318 : vector<1x1x16xf32> to vector<16xf32>
      %swap3A_1320 = vector.shape_cast %get3A_934 : vector<16xf32> to vector<1x1x16xf32>
      tpu.vector_store %swap3A_1314[%swap3A_1315, %swap3A_1316, %swap3A_1317], %swap3A_1320 {strides = array<i32>} : memref<1x64x768xf32, #tpu.memory_space<vmem>>, vector<1x1x16xf32>,
      %swap3A_1321 = arith.constant 0 : i32
      %swap3A_1322 = arith.constant 0 : i32
      %swap3A_1323 = arith.constant 0 : i32
      %swap3A_1324 = arith.constant 0 : i32
      %swap3A_1325 = tpu.memref_slice %arg6[%scan3A_1164, %swap3A_1322, %swap3A_1323, %swap3A_1324] : memref<2x1x64x768xf32, #tpu.memory_space<vmem>> -> memref<1x1x64x768xf32, #tpu.memory_space<vmem>>
      %swap3A_1326 = tpu.memref_squeeze %swap3A_1325 : memref<1x1x64x768xf32, #tpu.memory_space<vmem>> -> memref<1x64x768xf32, #tpu.memory_space<vmem>>
      %swap3A_1327 = arith.index_cast %swap3A_1321 : i32 to index
      %swap3A_1328 = arith.index_cast %scan3A_1249 : i32 to index
      %swap3A_1329 = arith.constant 96 : index
      %swap3A_1330 = tpu.vector_load %swap3A_1326[%swap3A_1327, %swap3A_1328, %swap3A_1329] {strides = array<i32>} : memref<1x64x768xf32, #tpu.memory_space<vmem>>, vector<1x1x16xf32>,
      %swap3A_1331 = vector.shape_cast %swap3A_1330 : vector<1x1x16xf32> to vector<16xf32>
      %swap3A_1332 = vector.shape_cast %get3A_939 : vector<16xf32> to vector<1x1x16xf32>
      tpu.vector_store %swap3A_1326[%swap3A_1327, %swap3A_1328, %swap3A_1329], %swap3A_1332 {strides = array<i32>} : memref<1x64x768xf32, #tpu.memory_space<vmem>>, vector<1x1x16xf32>,
      %swap3A_1333 = arith.constant 0 : i32
      %swap3A_1334 = arith.constant 0 : i32
      %swap3A_1335 = arith.constant 0 : i32
      %swap3A_1336 = arith.constant 0 : i32
      %swap3A_1337 = tpu.memref_slice %arg6[%scan3A_1164, %swap3A_1334, %swap3A_1335, %swap3A_1336] : memref<2x1x64x768xf32, #tpu.memory_space<vmem>> -> memref<1x1x64x768xf32, #tpu.memory_space<vmem>>
      %swap3A_1338 = tpu.memref_squeeze %swap3A_1337 : memref<1x1x64x768xf32, #tpu.memory_space<vmem>> -> memref<1x64x768xf32, #tpu.memory_space<vmem>>
      %swap3A_1339 = arith.index_cast %swap3A_1333 : i32 to index
      %swap3A_1340 = arith.index_cast %scan3A_1249 : i32 to index
      %swap3A_1341 = arith.constant 112 : index
      %swap3A_1342 = tpu.vector_load %swap3A_1338[%swap3A_1339, %swap3A_1340, %swap3A_1341] {strides = array<i32>} : memref<1x64x768xf32, #tpu.memory_space<vmem>>, vector<1x1x16xf32>,
      %swap3A_1343 = vector.shape_cast %swap3A_1342 : vector<1x1x16xf32> to vector<16xf32>
      %swap3A_1344 = vector.shape_cast %get3A_944 : vector<16xf32> to vector<1x1x16xf32>
      tpu.vector_store %swap3A_1338[%swap3A_1339, %swap3A_1340, %swap3A_1341], %swap3A_1344 {strides = array<i32>} : memref<1x64x768xf32, #tpu.memory_space<vmem>>, vector<1x1x16xf32>,
      %swap3A_1345 = arith.constant 0 : i32
      %swap3A_1346 = arith.constant 0 : i32
      %swap3A_1347 = arith.constant 0 : i32
      %swap3A_1348 = arith.constant 0 : i32
      %swap3A_1349 = tpu.memref_slice %arg6[%scan3A_1164, %swap3A_1346, %swap3A_1347, %swap3A_1348] : memref<2x1x64x768xf32, #tpu.memory_space<vmem>> -> memref<1x1x64x768xf32, #tpu.memory_space<vmem>>
      %swap3A_1350 = tpu.memref_squeeze %swap3A_1349 : memref<1x1x64x768xf32, #tpu.memory_space<vmem>> -> memref<1x64x768xf32, #tpu.memory_space<vmem>>
      %swap3A_1351 = arith.index_cast %swap3A_1345 : i32 to index
      %swap3A_1352 = arith.index_cast %scan3A_1249 : i32 to index
      %swap3A_1353 = arith.constant 128 : index
      %swap3A_1354 = tpu.vector_load %swap3A_1350[%swap3A_1351, %swap3A_1352, %swap3A_1353] {strides = array<i32>} : memref<1x64x768xf32, #tpu.memory_space<vmem>>, vector<1x1x16xf32>,
      %swap3A_1355 = vector.shape_cast %swap3A_1354 : vector<1x1x16xf32> to vector<16xf32>
      %swap3A_1356 = vector.shape_cast %get3A_949 : vector<16xf32> to vector<1x1x16xf32>
      tpu.vector_store %swap3A_1350[%swap3A_1351, %swap3A_1352, %swap3A_1353], %swap3A_1356 {strides = array<i32>} : memref<1x64x768xf32, #tpu.memory_space<vmem>>, vector<1x1x16xf32>,
      %swap3A_1357 = arith.constant 0 : i32
      %swap3A_1358 = arith.constant 0 : i32
      %swap3A_1359 = arith.constant 0 : i32
      %swap3A_1360 = arith.constant 0 : i32
      %swap3A_1361 = tpu.memref_slice %arg6[%scan3A_1164, %swap3A_1358, %swap3A_1359, %swap3A_1360] : memref<2x1x64x768xf32, #tpu.memory_space<vmem>> -> memref<1x1x64x768xf32, #tpu.memory_space<vmem>>
      %swap3A_1362 = tpu.memref_squeeze %swap3A_1361 : memref<1x1x64x768xf32, #tpu.memory_space<vmem>> -> memref<1x64x768xf32, #tpu.memory_space<vmem>>
      %swap3A_1363 = arith.index_cast %swap3A_1357 : i32 to index
      %swap3A_1364 = arith.index_cast %scan3A_1249 : i32 to index
      %swap3A_1365 = arith.constant 144 : index
      %swap3A_1366 = tpu.vector_load %swap3A_1362[%swap3A_1363, %swap3A_1364, %swap3A_1365] {strides = array<i32>} : memref<1x64x768xf32, #tpu.memory_space<vmem>>, vector<1x1x16xf32>,
      %swap3A_1367 = vector.shape_cast %swap3A_1366 : vector<1x1x16xf32> to vector<16xf32>
      %swap3A_1368 = vector.shape_cast %get3A_954 : vector<16xf32> to vector<1x1x16xf32>
      tpu.vector_store %swap3A_1362[%swap3A_1363, %swap3A_1364, %swap3A_1365], %swap3A_1368 {strides = array<i32>} : memref<1x64x768xf32, #tpu.memory_space<vmem>>, vector<1x1x16xf32>,
      %swap3A_1369 = arith.constant 0 : i32
      %swap3A_1370 = arith.constant 0 : i32
      %swap3A_1371 = arith.constant 0 : i32
      %swap3A_1372 = arith.constant 0 : i32
      %swap3A_1373 = tpu.memref_slice %arg6[%scan3A_1164, %swap3A_1370, %swap3A_1371, %swap3A_1372] : memref<2x1x64x768xf32, #tpu.memory_space<vmem>> -> memref<1x1x64x768xf32, #tpu.memory_space<vmem>>
      %swap3A_1374 = tpu.memref_squeeze %swap3A_1373 : memref<1x1x64x768xf32, #tpu.memory_space<vmem>> -> memref<1x64x768xf32, #tpu.memory_space<vmem>>
      %swap3A_1375 = arith.index_cast %swap3A_1369 : i32 to index
      %swap3A_1376 = arith.index_cast %scan3A_1249 : i32 to index
      %swap3A_1377 = arith.constant 160 : index
      %swap3A_1378 = tpu.vector_load %swap3A_1374[%swap3A_1375, %swap3A_1376, %swap3A_1377] {strides = array<i32>} : memref<1x64x768xf32, #tpu.memory_space<vmem>>, vector<1x1x16xf32>,
      %swap3A_1379 = vector.shape_cast %swap3A_1378 : vector<1x1x16xf32> to vector<16xf32>
      %swap3A_1380 = vector.shape_cast %get3A_959 : vector<16xf32> to vector<1x1x16xf32>
      tpu.vector_store %swap3A_1374[%swap3A_1375, %swap3A_1376, %swap3A_1377], %swap3A_1380 {strides = array<i32>} : memref<1x64x768xf32, #tpu.memory_space<vmem>>, vector<1x1x16xf32>,
      %swap3A_1381 = arith.constant 0 : i32
      %swap3A_1382 = arith.constant 0 : i32
      %swap3A_1383 = arith.constant 0 : i32
      %swap3A_1384 = arith.constant 0 : i32
      %swap3A_1385 = tpu.memref_slice %arg6[%scan3A_1164, %swap3A_1382, %swap3A_1383, %swap3A_1384] : memref<2x1x64x768xf32, #tpu.memory_space<vmem>> -> memref<1x1x64x768xf32, #tpu.memory_space<vmem>>
      %swap3A_1386 = tpu.memref_squeeze %swap3A_1385 : memref<1x1x64x768xf32, #tpu.memory_space<vmem>> -> memref<1x64x768xf32, #tpu.memory_space<vmem>>
      %swap3A_1387 = arith.index_cast %swap3A_1381 : i32 to index
      %swap3A_1388 = arith.index_cast %scan3A_1249 : i32 to index
      %swap3A_1389 = arith.constant 176 : index
      %swap3A_1390 = tpu.vector_load %swap3A_1386[%swap3A_1387, %swap3A_1388, %swap3A_1389] {strides = array<i32>} : memref<1x64x768xf32, #tpu.memory_space<vmem>>, vector<1x1x16xf32>,
      %swap3A_1391 = vector.shape_cast %swap3A_1390 : vector<1x1x16xf32> to vector<16xf32>
      %swap3A_1392 = vector.shape_cast %get3A_964 : vector<16xf32> to vector<1x1x16xf32>
      tpu.vector_store %swap3A_1386[%swap3A_1387, %swap3A_1388, %swap3A_1389], %swap3A_1392 {strides = array<i32>} : memref<1x64x768xf32, #tpu.memory_space<vmem>>, vector<1x1x16xf32>,
      %swap3A_1393 = arith.constant 0 : i32
      %swap3A_1394 = arith.constant 0 : i32
      %swap3A_1395 = arith.constant 0 : i32
      %swap3A_1396 = arith.constant 0 : i32
      %swap3A_1397 = tpu.memref_slice %arg6[%scan3A_1164, %swap3A_1394, %swap3A_1395, %swap3A_1396] : memref<2x1x64x768xf32, #tpu.memory_space<vmem>> -> memref<1x1x64x768xf32, #tpu.memory_space<vmem>>
      %swap3A_1398 = tpu.memref_squeeze %swap3A_1397 : memref<1x1x64x768xf32, #tpu.memory_space<vmem>> -> memref<1x64x768xf32, #tpu.memory_space<vmem>>
      %swap3A_1399 = arith.index_cast %swap3A_1393 : i32 to index
      %swap3A_1400 = arith.index_cast %scan3A_1249 : i32 to index
      %swap3A_1401 = arith.constant 192 : index
      %swap3A_1402 = tpu.vector_load %swap3A_1398[%swap3A_1399, %swap3A_1400, %swap3A_1401] {strides = array<i32>} : memref<1x64x768xf32, #tpu.memory_space<vmem>>, vector<1x1x16xf32>,
      %swap3A_1403 = vector.shape_cast %swap3A_1402 : vector<1x1x16xf32> to vector<16xf32>
      %swap3A_1404 = vector.shape_cast %get3A_969 : vector<16xf32> to vector<1x1x16xf32>
      tpu.vector_store %swap3A_1398[%swap3A_1399, %swap3A_1400, %swap3A_1401], %swap3A_1404 {strides = array<i32>} : memref<1x64x768xf32, #tpu.memory_space<vmem>>, vector<1x1x16xf32>,
      %swap3A_1405 = arith.constant 0 : i32
      %swap3A_1406 = arith.constant 0 : i32
      %swap3A_1407 = arith.constant 0 : i32
      %swap3A_1408 = arith.constant 0 : i32
      %swap3A_1409 = tpu.memref_slice %arg6[%scan3A_1164, %swap3A_1406, %swap3A_1407, %swap3A_1408] : memref<2x1x64x768xf32, #tpu.memory_space<vmem>> -> memref<1x1x64x768xf32, #tpu.memory_space<vmem>>
      %swap3A_1410 = tpu.memref_squeeze %swap3A_1409 : memref<1x1x64x768xf32, #tpu.memory_space<vmem>> -> memref<1x64x768xf32, #tpu.memory_space<vmem>>
      %swap3A_1411 = arith.index_cast %swap3A_1405 : i32 to index
      %swap3A_1412 = arith.index_cast %scan3A_1249 : i32 to index
      %swap3A_1413 = arith.constant 208 : index
      %swap3A_1414 = tpu.vector_load %swap3A_1410[%swap3A_1411, %swap3A_1412, %swap3A_1413] {strides = array<i32>} : memref<1x64x768xf32, #tpu.memory_space<vmem>>, vector<1x1x16xf32>,
      %swap3A_1415 = vector.shape_cast %swap3A_1414 : vector<1x1x16xf32> to vector<16xf32>
      %swap3A_1416 = vector.shape_cast %get3A_974 : vector<16xf32> to vector<1x1x16xf32>
      tpu.vector_store %swap3A_1410[%swap3A_1411, %swap3A_1412, %swap3A_1413], %swap3A_1416 {strides = array<i32>} : memref<1x64x768xf32, #tpu.memory_space<vmem>>, vector<1x1x16xf32>,
      %swap3A_1417 = arith.constant 0 : i32
      %swap3A_1418 = arith.constant 0 : i32
      %swap3A_1419 = arith.constant 0 : i32
      %swap3A_1420 = arith.constant 0 : i32
      %swap3A_1421 = tpu.memref_slice %arg6[%scan3A_1164, %swap3A_1418, %swap3A_1419, %swap3A_1420] : memref<2x1x64x768xf32, #tpu.memory_space<vmem>> -> memref<1x1x64x768xf32, #tpu.memory_space<vmem>>
      %swap3A_1422 = tpu.memref_squeeze %swap3A_1421 : memref<1x1x64x768xf32, #tpu.memory_space<vmem>> -> memref<1x64x768xf32, #tpu.memory_space<vmem>>
      %swap3A_1423 = arith.index_cast %swap3A_1417 : i32 to index
      %swap3A_1424 = arith.index_cast %scan3A_1249 : i32 to index
      %swap3A_1425 = arith.constant 224 : index
      %swap3A_1426 = tpu.vector_load %swap3A_1422[%swap3A_1423, %swap3A_1424, %swap3A_1425] {strides = array<i32>} : memref<1x64x768xf32, #tpu.memory_space<vmem>>, vector<1x1x16xf32>,
      %swap3A_1427 = vector.shape_cast %swap3A_1426 : vector<1x1x16xf32> to vector<16xf32>
      %swap3A_1428 = vector.shape_cast %get3A_979 : vector<16xf32> to vector<1x1x16xf32>
      tpu.vector_store %swap3A_1422[%swap3A_1423, %swap3A_1424, %swap3A_1425], %swap3A_1428 {strides = array<i32>} : memref<1x64x768xf32, #tpu.memory_space<vmem>>, vector<1x1x16xf32>,
      %swap3A_1429 = arith.constant 0 : i32
      %swap3A_1430 = arith.constant 0 : i32
      %swap3A_1431 = arith.constant 0 : i32
      %swap3A_1432 = arith.constant 0 : i32
      %swap3A_1433 = tpu.memref_slice %arg6[%scan3A_1164, %swap3A_1430, %swap3A_1431, %swap3A_1432] : memref<2x1x64x768xf32, #tpu.memory_space<vmem>> -> memref<1x1x64x768xf32, #tpu.memory_space<vmem>>
      %swap3A_1434 = tpu.memref_squeeze %swap3A_1433 : memref<1x1x64x768xf32, #tpu.memory_space<vmem>> -> memref<1x64x768xf32, #tpu.memory_space<vmem>>
      %swap3A_1435 = arith.index_cast %swap3A_1429 : i32 to index
      %swap3A_1436 = arith.index_cast %scan3A_1249 : i32 to index
      %swap3A_1437 = arith.constant 240 : index
      %swap3A_1438 = tpu.vector_load %swap3A_1434[%swap3A_1435, %swap3A_1436, %swap3A_1437] {strides = array<i32>} : memref<1x64x768xf32, #tpu.memory_space<vmem>>, vector<1x1x16xf32>,
      %swap3A_1439 = vector.shape_cast %swap3A_1438 : vector<1x1x16xf32> to vector<16xf32>
      %swap3A_1440 = vector.shape_cast %get3A_984 : vector<16xf32> to vector<1x1x16xf32>
      tpu.vector_store %swap3A_1434[%swap3A_1435, %swap3A_1436, %swap3A_1437], %swap3A_1440 {strides = array<i32>} : memref<1x64x768xf32, #tpu.memory_space<vmem>>, vector<1x1x16xf32>,
      %swap3A_1441 = arith.constant 0 : i32
      %swap3A_1442 = arith.constant 0 : i32
      %swap3A_1443 = arith.constant 0 : i32
      %swap3A_1444 = arith.constant 0 : i32
      %swap3A_1445 = tpu.memref_slice %arg6[%scan3A_1164, %swap3A_1442, %swap3A_1443, %swap3A_1444] : memref<2x1x64x768xf32, #tpu.memory_space<vmem>> -> memref<1x1x64x768xf32, #tpu.memory_space<vmem>>
      %swap3A_1446 = tpu.memref_squeeze %swap3A_1445 : memref<1x1x64x768xf32, #tpu.memory_space<vmem>> -> memref<1x64x768xf32, #tpu.memory_space<vmem>>
      %swap3A_1447 = arith.index_cast %swap3A_1441 : i32 to index
      %swap3A_1448 = arith.index_cast %scan3A_1249 : i32 to index
      %swap3A_1449 = arith.constant 256 : index
      %swap3A_1450 = tpu.vector_load %swap3A_1446[%swap3A_1447, %swap3A_1448, %swap3A_1449] {strides = array<i32>} : memref<1x64x768xf32, #tpu.memory_space<vmem>>, vector<1x1x16xf32>,
      %swap3A_1451 = vector.shape_cast %swap3A_1450 : vector<1x1x16xf32> to vector<16xf32>
      %swap3A_1452 = vector.shape_cast %get3A_989 : vector<16xf32> to vector<1x1x16xf32>
      tpu.vector_store %swap3A_1446[%swap3A_1447, %swap3A_1448, %swap3A_1449], %swap3A_1452 {strides = array<i32>} : memref<1x64x768xf32, #tpu.memory_space<vmem>>, vector<1x1x16xf32>,
      %swap3A_1453 = arith.constant 0 : i32
      %swap3A_1454 = arith.constant 0 : i32
      %swap3A_1455 = arith.constant 0 : i32
      %swap3A_1456 = arith.constant 0 : i32
      %swap3A_1457 = tpu.memref_slice %arg6[%scan3A_1164, %swap3A_1454, %swap3A_1455, %swap3A_1456] : memref<2x1x64x768xf32, #tpu.memory_space<vmem>> -> memref<1x1x64x768xf32, #tpu.memory_space<vmem>>
      %swap3A_1458 = tpu.memref_squeeze %swap3A_1457 : memref<1x1x64x768xf32, #tpu.memory_space<vmem>> -> memref<1x64x768xf32, #tpu.memory_space<vmem>>
      %swap3A_1459 = arith.index_cast %swap3A_1453 : i32 to index
      %swap3A_1460 = arith.index_cast %scan3A_1249 : i32 to index
      %swap3A_1461 = arith.constant 272 : index
      %swap3A_1462 = tpu.vector_load %swap3A_1458[%swap3A_1459, %swap3A_1460, %swap3A_1461] {strides = array<i32>} : memref<1x64x768xf32, #tpu.memory_space<vmem>>, vector<1x1x16xf32>,
      %swap3A_1463 = vector.shape_cast %swap3A_1462 : vector<1x1x16xf32> to vector<16xf32>
      %swap3A_1464 = vector.shape_cast %get3A_994 : vector<16xf32> to vector<1x1x16xf32>
      tpu.vector_store %swap3A_1458[%swap3A_1459, %swap3A_1460, %swap3A_1461], %swap3A_1464 {strides = array<i32>} : memref<1x64x768xf32, #tpu.memory_space<vmem>>, vector<1x1x16xf32>,
      %swap3A_1465 = arith.constant 0 : i32
      %swap3A_1466 = arith.constant 0 : i32
      %swap3A_1467 = arith.constant 0 : i32
      %swap3A_1468 = arith.constant 0 : i32
      %swap3A_1469 = tpu.memref_slice %arg6[%scan3A_1164, %swap3A_1466, %swap3A_1467, %swap3A_1468] : memref<2x1x64x768xf32, #tpu.memory_space<vmem>> -> memref<1x1x64x768xf32, #tpu.memory_space<vmem>>
      %swap3A_1470 = tpu.memref_squeeze %swap3A_1469 : memref<1x1x64x768xf32, #tpu.memory_space<vmem>> -> memref<1x64x768xf32, #tpu.memory_space<vmem>>
      %swap3A_1471 = arith.index_cast %swap3A_1465 : i32 to index
      %swap3A_1472 = arith.index_cast %scan3A_1249 : i32 to index
      %swap3A_1473 = arith.constant 288 : index
      %swap3A_1474 = tpu.vector_load %swap3A_1470[%swap3A_1471, %swap3A_1472, %swap3A_1473] {strides = array<i32>} : memref<1x64x768xf32, #tpu.memory_space<vmem>>, vector<1x1x16xf32>,
      %swap3A_1475 = vector.shape_cast %swap3A_1474 : vector<1x1x16xf32> to vector<16xf32>
      %swap3A_1476 = vector.shape_cast %get3A_999 : vector<16xf32> to vector<1x1x16xf32>
      tpu.vector_store %swap3A_1470[%swap3A_1471, %swap3A_1472, %swap3A_1473], %swap3A_1476 {strides = array<i32>} : memref<1x64x768xf32, #tpu.memory_space<vmem>>, vector<1x1x16xf32>,
      %swap3A_1477 = arith.constant 0 : i32
      %swap3A_1478 = arith.constant 0 : i32
      %swap3A_1479 = arith.constant 0 : i32
      %swap3A_1480 = arith.constant 0 : i32
      %swap3A_1481 = tpu.memref_slice %arg6[%scan3A_1164, %swap3A_1478, %swap3A_1479, %swap3A_1480] : memref<2x1x64x768xf32, #tpu.memory_space<vmem>> -> memref<1x1x64x768xf32, #tpu.memory_space<vmem>>
      %swap3A_1482 = tpu.memref_squeeze %swap3A_1481 : memref<1x1x64x768xf32, #tpu.memory_space<vmem>> -> memref<1x64x768xf32, #tpu.memory_space<vmem>>
      %swap3A_1483 = arith.index_cast %swap3A_1477 : i32 to index
      %swap3A_1484 = arith.index_cast %scan3A_1249 : i32 to index
      %swap3A_1485 = arith.constant 304 : index
      %swap3A_1486 = tpu.vector_load %swap3A_1482[%swap3A_1483, %swap3A_1484, %swap3A_1485] {strides = array<i32>} : memref<1x64x768xf32, #tpu.memory_space<vmem>>, vector<1x1x16xf32>,
      %swap3A_1487 = vector.shape_cast %swap3A_1486 : vector<1x1x16xf32> to vector<16xf32>
      %swap3A_1488 = vector.shape_cast %get3A_1004 : vector<16xf32> to vector<1x1x16xf32>
      tpu.vector_store %swap3A_1482[%swap3A_1483, %swap3A_1484, %swap3A_1485], %swap3A_1488 {strides = array<i32>} : memref<1x64x768xf32, #tpu.memory_space<vmem>>, vector<1x1x16xf32>,
      %swap3A_1489 = arith.constant 0 : i32
      %swap3A_1490 = arith.constant 0 : i32
      %swap3A_1491 = arith.constant 0 : i32
      %swap3A_1492 = arith.constant 0 : i32
      %swap3A_1493 = tpu.memref_slice %arg6[%scan3A_1164, %swap3A_1490, %swap3A_1491, %swap3A_1492] : memref<2x1x64x768xf32, #tpu.memory_space<vmem>> -> memref<1x1x64x768xf32, #tpu.memory_space<vmem>>
      %swap3A_1494 = tpu.memref_squeeze %swap3A_1493 : memref<1x1x64x768xf32, #tpu.memory_space<vmem>> -> memref<1x64x768xf32, #tpu.memory_space<vmem>>
      %swap3A_1495 = arith.index_cast %swap3A_1489 : i32 to index
      %swap3A_1496 = arith.index_cast %scan3A_1249 : i32 to index
      %swap3A_1497 = arith.constant 320 : index
      %swap3A_1498 = tpu.vector_load %swap3A_1494[%swap3A_1495, %swap3A_1496, %swap3A_1497] {strides = array<i32>} : memref<1x64x768xf32, #tpu.memory_space<vmem>>, vector<1x1x16xf32>,
      %swap3A_1499 = vector.shape_cast %swap3A_1498 : vector<1x1x16xf32> to vector<16xf32>
      %swap3A_1500 = vector.shape_cast %get3A_1009 : vector<16xf32> to vector<1x1x16xf32>
      tpu.vector_store %swap3A_1494[%swap3A_1495, %swap3A_1496, %swap3A_1497], %swap3A_1500 {strides = array<i32>} : memref<1x64x768xf32, #tpu.memory_space<vmem>>, vector<1x1x16xf32>,
      %swap3A_1501 = arith.constant 0 : i32
      %swap3A_1502 = arith.constant 0 : i32
      %swap3A_1503 = arith.constant 0 : i32
      %swap3A_1504 = arith.constant 0 : i32
      %swap3A_1505 = tpu.memref_slice %arg6[%scan3A_1164, %swap3A_1502, %swap3A_1503, %swap3A_1504] : memref<2x1x64x768xf32, #tpu.memory_space<vmem>> -> memref<1x1x64x768xf32, #tpu.memory_space<vmem>>
      %swap3A_1506 = tpu.memref_squeeze %swap3A_1505 : memref<1x1x64x768xf32, #tpu.memory_space<vmem>> -> memref<1x64x768xf32, #tpu.memory_space<vmem>>
      %swap3A_1507 = arith.index_cast %swap3A_1501 : i32 to index
      %swap3A_1508 = arith.index_cast %scan3A_1249 : i32 to index
      %swap3A_1509 = arith.constant 336 : index
      %swap3A_1510 = tpu.vector_load %swap3A_1506[%swap3A_1507, %swap3A_1508, %swap3A_1509] {strides = array<i32>} : memref<1x64x768xf32, #tpu.memory_space<vmem>>, vector<1x1x16xf32>,
      %swap3A_1511 = vector.shape_cast %swap3A_1510 : vector<1x1x16xf32> to vector<16xf32>
      %swap3A_1512 = vector.shape_cast %get3A_1014 : vector<16xf32> to vector<1x1x16xf32>
      tpu.vector_store %swap3A_1506[%swap3A_1507, %swap3A_1508, %swap3A_1509], %swap3A_1512 {strides = array<i32>} : memref<1x64x768xf32, #tpu.memory_space<vmem>>, vector<1x1x16xf32>,
      %swap3A_1513 = arith.constant 0 : i32
      %swap3A_1514 = arith.constant 0 : i32
      %swap3A_1515 = arith.constant 0 : i32
      %swap3A_1516 = arith.constant 0 : i32
      %swap3A_1517 = tpu.memref_slice %arg6[%scan3A_1164, %swap3A_1514, %swap3A_1515, %swap3A_1516] : memref<2x1x64x768xf32, #tpu.memory_space<vmem>> -> memref<1x1x64x768xf32, #tpu.memory_space<vmem>>
      %swap3A_1518 = tpu.memref_squeeze %swap3A_1517 : memref<1x1x64x768xf32, #tpu.memory_space<vmem>> -> memref<1x64x768xf32, #tpu.memory_space<vmem>>
      %swap3A_1519 = arith.index_cast %swap3A_1513 : i32 to index
      %swap3A_1520 = arith.index_cast %scan3A_1249 : i32 to index
      %swap3A_1521 = arith.constant 352 : index
      %swap3A_1522 = tpu.vector_load %swap3A_1518[%swap3A_1519, %swap3A_1520, %swap3A_1521] {strides = array<i32>} : memref<1x64x768xf32, #tpu.memory_space<vmem>>, vector<1x1x16xf32>,
      %swap3A_1523 = vector.shape_cast %swap3A_1522 : vector<1x1x16xf32> to vector<16xf32>
      %swap3A_1524 = vector.shape_cast %get3A_1019 : vector<16xf32> to vector<1x1x16xf32>
      tpu.vector_store %swap3A_1518[%swap3A_1519, %swap3A_1520, %swap3A_1521], %swap3A_1524 {strides = array<i32>} : memref<1x64x768xf32, #tpu.memory_space<vmem>>, vector<1x1x16xf32>,
      %swap3A_1525 = arith.constant 0 : i32
      %swap3A_1526 = arith.constant 0 : i32
      %swap3A_1527 = arith.constant 0 : i32
      %swap3A_1528 = arith.constant 0 : i32
      %swap3A_1529 = tpu.memref_slice %arg6[%scan3A_1164, %swap3A_1526, %swap3A_1527, %swap3A_1528] : memref<2x1x64x768xf32, #tpu.memory_space<vmem>> -> memref<1x1x64x768xf32, #tpu.memory_space<vmem>>
      %swap3A_1530 = tpu.memref_squeeze %swap3A_1529 : memref<1x1x64x768xf32, #tpu.memory_space<vmem>> -> memref<1x64x768xf32, #tpu.memory_space<vmem>>
      %swap3A_1531 = arith.index_cast %swap3A_1525 : i32 to index
      %swap3A_1532 = arith.index_cast %scan3A_1249 : i32 to index
      %swap3A_1533 = arith.constant 368 : index
      %swap3A_1534 = tpu.vector_load %swap3A_1530[%swap3A_1531, %swap3A_1532, %swap3A_1533] {strides = array<i32>} : memref<1x64x768xf32, #tpu.memory_space<vmem>>, vector<1x1x16xf32>,
      %swap3A_1535 = vector.shape_cast %swap3A_1534 : vector<1x1x16xf32> to vector<16xf32>
      %swap3A_1536 = vector.shape_cast %get3A_1024 : vector<16xf32> to vector<1x1x16xf32>
      tpu.vector_store %swap3A_1530[%swap3A_1531, %swap3A_1532, %swap3A_1533], %swap3A_1536 {strides = array<i32>} : memref<1x64x768xf32, #tpu.memory_space<vmem>>, vector<1x1x16xf32>,
    }
    %scan3A_1169 = arith.constant 64 : i32
    %dma_wait3A_1170 = arith.constant 1 : i32
    %dma_wait3A_1171 = arith.constant 0 : i32
    %dma_wait3A_1172 = arith.constant 0 : i32
    %dma_wait3A_1173 = arith.constant 0 : i32
    %dma_wait3A_1174 = arith.constant 0 : i32
    %dma_wait3A_1175 = tpu.memref_slice %arg6[%dma_wait3A_1170, %dma_wait3A_1172, %dma_wait3A_1173, %dma_wait3A_1174] : memref<2x1x64x768xf32, #tpu.memory_space<vmem>> -> memref<1x1x64x768xf32, #tpu.memory_space<vmem>>
    %dma_wait3A_1176 = tpu.memref_squeeze %dma_wait3A_1175 : memref<1x1x64x768xf32, #tpu.memory_space<vmem>> -> memref<1x64x768xf32, #tpu.memory_space<vmem>>
    %dma_wait3A_1177 = arith.constant 0 : i32
    %dma_wait3A_1178 = arith.constant 384 : i32
    %dma_wait3A_1179 = tpu.memref_slice %dma_wait3A_1176[%dma_wait3A_1171, %dma_wait3A_1177, %dma_wait3A_1178] : memref<1x64x768xf32, #tpu.memory_space<vmem>> -> memref<1x64x384xf32, #tpu.memory_space<vmem>>
    %dma_wait3A_1180 = tpu.memref_squeeze %dma_wait3A_1179 : memref<1x64x384xf32, #tpu.memory_space<vmem>> -> memref<64x384xf32, #tpu.memory_space<vmem>>
    %dma_wait3A_1181 = arith.constant 64 : i32
    %dma_wait3A_1182 = arith.constant 0 : i32
    %dma_wait3A_1183 = tpu.memref_slice %arg5[%dma_wait3A_1181, %dma_wait3A_1182] : memref<128x384xf32, #tpu.memory_space<vmem_shared>> -> memref<64x384xf32, #tpu.memory_space<vmem_shared>>
    %dma_wait3A_1184 = arith.constant 0 : i32
    %dma_wait3A_1185 = arith.constant 0 : i32
    %dma_wait3A_1186 = arith.constant 0 : i32
    %dma_wait3A_1187 = tpu.memref_slice %arg6[%dma_wait3A_1170, %dma_wait3A_1184, %dma_wait3A_1185, %dma_wait3A_1186] : memref<2x1x64x768xf32, #tpu.memory_space<vmem>> -> memref<1x1x64x768xf32, #tpu.memory_space<vmem>>
    %dma_wait3A_1188 = tpu.memref_squeeze %dma_wait3A_1187 : memref<1x1x64x768xf32, #tpu.memory_space<vmem>> -> memref<1x64x768xf32, #tpu.memory_space<vmem>>
    %dma_wait3A_1189 = arith.constant 0 : i32
    %dma_wait3A_1190 = arith.constant 384 : i32
    %dma_wait3A_1191 = tpu.memref_slice %dma_wait3A_1188[%dma_wait3A_1171, %dma_wait3A_1189, %dma_wait3A_1190] : memref<1x64x768xf32, #tpu.memory_space<vmem>> -> memref<1x64x384xf32, #tpu.memory_space<vmem>>
    %dma_wait3A_1192 = tpu.memref_squeeze %dma_wait3A_1191 : memref<1x64x384xf32, #tpu.memory_space<vmem>> -> memref<64x384xf32, #tpu.memory_space<vmem>>
    %dma_wait3A_1193 = arith.constant 64 : i32
    %dma_wait3A_1194 = arith.constant 0 : i32
    %dma_wait3A_1195 = tpu.memref_slice %arg5[%dma_wait3A_1193, %dma_wait3A_1194] : memref<128x384xf32, #tpu.memory_space<vmem_shared>> -> memref<64x384xf32, #tpu.memory_space<vmem_shared>>
    tpu.wait_dma2 semaphore(%arg8 : memref<!tpu.dma_semaphore, #tpu.memory_space<semaphore_mem>>) src(%dma_wait3A_1195 : memref<64x384xf32, #tpu.memory_space<vmem_shared>>) dst(%dma_wait3A_1192 : memref<64x384xf32, #tpu.memory_space<vmem>>)
    %add3A_1196 = arith.constant 3 : i32
    %add3A_1197 = arith.addi %mul3A_2, %add3A_1196 : i32
    %dma_start3A_1198 = arith.constant 1 : i32
    %dma_start3A_1199 = arith.constant 0 : i32
    %dma_start3A_1200 = arith.constant 0 : i32
    %dma_start3A_1201 = arith.constant 0 : i32
    %dma_start3A_1202 = tpu.memref_slice %arg6[%dma_start3A_1198, %dma_start3A_1199, %dma_start3A_1200, %dma_start3A_1201] : memref<2x1x64x768xf32, #tpu.memory_space<vmem>> -> memref<1x1x64x768xf32, #tpu.memory_space<vmem>>
    %dma_start3A_1203 = tpu.memref_squeeze %dma_start3A_1202 : memref<1x1x64x768xf32, #tpu.memory_space<vmem>> -> memref<1x64x768xf32, #tpu.memory_space<vmem>>
    %dma_start3A_1204 = arith.constant 64 : i32
    %dma_start3A_1205 = arith.constant 0 : i32
    %dma_start3A_1206 = tpu.memref_slice %arg4[%add3A_1197, %dma_start3A_1204, %dma_start3A_1205] : memref<128x128x768xf32, #tpu.memory_space<hbm>> -> memref<1x64x768xf32, #tpu.memory_space<hbm>>
    %dma_start3A_1207 = arith.constant 64 : i32
    %dma_start3A_1208 = arith.constant 0 : i32
    %dma_start3A_1209 = tpu.memref_slice %arg4[%add3A_1197, %dma_start3A_1207, %dma_start3A_1208] : memref<128x128x768xf32, #tpu.memory_space<hbm>> -> memref<1x64x768xf32, #tpu.memory_space<hbm>>
    %dma_start3A_1210 = arith.constant 0 : i32
    %dma_start3A_1211 = arith.constant 0 : i32
    %dma_start3A_1212 = arith.constant 0 : i32
    %dma_start3A_1213 = tpu.memref_slice %arg6[%dma_start3A_1198, %dma_start3A_1210, %dma_start3A_1211, %dma_start3A_1212] : memref<2x1x64x768xf32, #tpu.memory_space<vmem>> -> memref<1x1x64x768xf32, #tpu.memory_space<vmem>>
    %dma_start3A_1214 = tpu.memref_squeeze %dma_start3A_1213 : memref<1x1x64x768xf32, #tpu.memory_space<vmem>> -> memref<1x64x768xf32, #tpu.memory_space<vmem>>
    tpu.enqueue_dma source(%dma_start3A_1214 : memref<1x64x768xf32, #tpu.memory_space<vmem>>) target(%dma_start3A_1209 : memref<1x64x768xf32, #tpu.memory_space<hbm>>) target_semaphore(%arg9 : memref<!tpu.dma_semaphore, #tpu.memory_space<semaphore_mem>>)
    %dma_wait3A_1215 = arith.constant 0 : i32
    %dma_wait3A_1216 = arith.constant 0 : i32
    %dma_wait3A_1217 = arith.constant 0 : i32
    %dma_wait3A_1218 = arith.constant 0 : i32
    %dma_wait3A_1219 = tpu.memref_slice %arg6[%dma_wait3A_1215, %dma_wait3A_1216, %dma_wait3A_1217, %dma_wait3A_1218] : memref<2x1x64x768xf32, #tpu.memory_space<vmem>> -> memref<1x1x64x768xf32, #tpu.memory_space<vmem>>
    %dma_wait3A_1220 = tpu.memref_squeeze %dma_wait3A_1219 : memref<1x1x64x768xf32, #tpu.memory_space<vmem>> -> memref<1x64x768xf32, #tpu.memory_space<vmem>>
    %dma_wait3A_1221 = arith.constant 0 : i32
    %dma_wait3A_1222 = arith.constant 0 : i32
    %dma_wait3A_1223 = tpu.memref_slice %arg4[%add3A_1102, %dma_wait3A_1221, %dma_wait3A_1222] : memref<128x128x768xf32, #tpu.memory_space<hbm>> -> memref<1x64x768xf32, #tpu.memory_space<hbm>>
    %dma_wait3A_1224 = arith.constant 0 : i32
    %dma_wait3A_1225 = arith.constant 0 : i32
    %dma_wait3A_1226 = tpu.memref_slice %arg4[%add3A_1102, %dma_wait3A_1224, %dma_wait3A_1225] : memref<128x128x768xf32, #tpu.memory_space<hbm>> -> memref<1x64x768xf32, #tpu.memory_space<hbm>>
    %dma_wait3A_1227 = arith.constant 0 : i32
    %dma_wait3A_1228 = arith.constant 0 : i32
    %dma_wait3A_1229 = arith.constant 0 : i32
    %dma_wait3A_1230 = tpu.memref_slice %arg6[%dma_wait3A_1215, %dma_wait3A_1227, %dma_wait3A_1228, %dma_wait3A_1229] : memref<2x1x64x768xf32, #tpu.memory_space<vmem>> -> memref<1x1x64x768xf32, #tpu.memory_space<vmem>>
    %dma_wait3A_1231 = tpu.memref_squeeze %dma_wait3A_1230 : memref<1x1x64x768xf32, #tpu.memory_space<vmem>> -> memref<1x64x768xf32, #tpu.memory_space<vmem>>
    tpu.wait_dma2 semaphore(%arg9 : memref<!tpu.dma_semaphore, #tpu.memory_space<semaphore_mem>>) src(%dma_wait3A_1231 : memref<1x64x768xf32, #tpu.memory_space<vmem>>) dst(%dma_wait3A_1226 : memref<1x64x768xf32, #tpu.memory_space<hbm>>)
    %dma_wait3A_1232 = arith.constant 1 : i32
    %dma_wait3A_1233 = arith.constant 0 : i32
    %dma_wait3A_1234 = arith.constant 0 : i32
    %dma_wait3A_1235 = arith.constant 0 : i32
    %dma_wait3A_1236 = tpu.memref_slice %arg6[%dma_wait3A_1232, %dma_wait3A_1233, %dma_wait3A_1234, %dma_wait3A_1235] : memref<2x1x64x768xf32, #tpu.memory_space<vmem>> -> memref<1x1x64x768xf32, #tpu.memory_space<vmem>>
    %dma_wait3A_1237 = tpu.memref_squeeze %dma_wait3A_1236 : memref<1x1x64x768xf32, #tpu.memory_space<vmem>> -> memref<1x64x768xf32, #tpu.memory_space<vmem>>
    %dma_wait3A_1238 = arith.constant 64 : i32
    %dma_wait3A_1239 = arith.constant 0 : i32
    %dma_wait3A_1240 = tpu.memref_slice %arg4[%add3A_1197, %dma_wait3A_1238, %dma_wait3A_1239] : memref<128x128x768xf32, #tpu.memory_space<hbm>> -> memref<1x64x768xf32, #tpu.memory_space<hbm>>
    %dma_wait3A_1241 = arith.constant 64 : i32
    %dma_wait3A_1242 = arith.constant 0 : i32
    %dma_wait3A_1243 = tpu.memref_slice %arg4[%add3A_1197, %dma_wait3A_1241, %dma_wait3A_1242] : memref<128x128x768xf32, #tpu.memory_space<hbm>> -> memref<1x64x768xf32, #tpu.memory_space<hbm>>
    %dma_wait3A_1244 = arith.constant 0 : i32
    %dma_wait3A_1245 = arith.constant 0 : i32
    %dma_wait3A_1246 = arith.constant 0 : i32
    %dma_wait3A_1247 = tpu.memref_slice %arg6[%dma_wait3A_1232, %dma_wait3A_1244, %dma_wait3A_1245, %dma_wait3A_1246] : memref<2x1x64x768xf32, #tpu.memory_space<vmem>> -> memref<1x1x64x768xf32, #tpu.memory_space<vmem>>
    %dma_wait3A_1248 = tpu.memref_squeeze %dma_wait3A_1247 : memref<1x1x64x768xf32, #tpu.memory_space<vmem>> -> memref<1x64x768xf32, #tpu.memory_space<vmem>>
    tpu.wait_dma2 semaphore(%arg9 : memref<!tpu.dma_semaphore, #tpu.memory_space<semaphore_mem>>) src(%dma_wait3A_1248 : memref<1x64x768xf32, #tpu.memory_space<vmem>>) dst(%dma_wait3A_1243 : memref<1x64x768xf32, #tpu.memory_space<hbm>>)
    return
  }
}

</mosaic_0001>

<sc_bundles>
// kernel: kernel.3.cloned.1.call-start
scs
__scs_entry_jumppad:
0x0: {  	(pc) =	sbr.rel $0x88, $3  }
0x1: {  	(tag) =	ssettag $0x0;
	lr =	simm.s32 $0x1  }
0x2: {  	[smem:$0x3F9F] =	sst lr;
	_ =	strace $0xD0000000  }
0x3: {  	_ = 	snop  }
0x4: {  	_ = 	snop  }
0x5: {  	_ = 	snop  }
0x6: {  	_ = 	snop  }
0x7: {  	_ = 	snop  }
__scs_overlays_trampoline_lowered:
0x8: {  	[smem:$0x3FAE] =	sst s0  }
0x9: {  	[smem:$0x3FAF] =	sst s1  }
0xa: {  	[smem:$0x3FB0] =	sst s2  }
0xb: {  	[smem:$0x3FB1] =	sst s3  }
0xc: {  	[smem:$0x3FB2] =	sst s4  }
0xd: {  	[smem:$0x3FB3] =	sst s5  }
0xe: {  	[smem:$0x3FB4] =	sst s6  }
0xf: {  	[smem:$0x3FB5] =	sst s7  }
0x10: {  	[smem:$0x3FB6] =	sst s8  }
0x11: {  	[smem:$0x3FB7] =	sst s9;
	s0 =	simm.s32 @!p0 $0x0  }
0x12: {  	s1 =	sld [smem:$0x3F9D];
	s0 =	simm.s32 @p0 $0x1  }
0x13: {  	[smem:$0x3FB8] =	sst s0;
	s0 =	simm.s32 @!p1 $0x0  }
0x14: {  	s2 =	sld [smem:$0x3F9C];
	s0 =	simm.s32 @p1 $0x1  }
0x15: {  	[smem:$0x3FB9] =	sst s0;
	s0 =	simm.s32 @!p2 $0x0  }
0x16: {  	s3 =	sld [smem:$0x3FDB];
	s0 =	simm.s32 @p2 $0x1  }
0x17: {  	s4 =	simm.s32 $0x1BF5;
	[smem:$0x3FBB] =	sst s0  }
0x18: {  	s0 =	sld [smem:$0x3F9E];
	_ =	swait.ge [sflag:s4], $0x0  }
0x19: {  	s7 =	sld [smem:$0x3F9F]  }
0x1a: {  	s8 =	sadd.s32 $0xFFFFE003, lr  }
0x1b: {  	s9 =	sadd.s32 $0xFFFFFEF7, lr;
	s5 =	simm.s32 $0xFFFFFFFF;
	p2 =	slt.u32 s8, $0xFFFFF086  }
0x1c: {  	p1 =	slt.u32 s9, $0xF7A;
	s5 =	simm.s32 @!p2 $0x0  }
0x1d: {  	s5 =	simm.s32 @p1 $0x1;
	p0 =	seq.s32 s7, s2  }
0x1e: {  	s7 =	smul.u32 @!p0 $0xF7A, s2;
	p2 =	seq.s32 @!p0 s5, $0x0  }
0x1f: {  	s9 =	smul.u32 $0xF7A, s1;
	s8 =	simm.s32 @!p0 $0x1BF5;
	p2 =	por !p2, p0  }
0x20: {  	[sflag:s8] =	ssyncset.s32 @!p0 $0xFFFFF086;
	s6 =	sadd.s32 @!p0 s3, s7;
	s7 =	simm.s32 @!p0 $0x108  }
0x21: {  	s3 =	sadd.s32 s3, s9;
	s6 =	sadd.s32 @!p0 $0x88, s6;
	s7 =	simm.s32 @p2 $0x1082  }
0x22: {  	[simem:s7], [sflag:s8] =	dma.local @!p0 [hbm:s6], $0xF7A  }
0x23: {  	s9 =	sor.u32 $0xD0000000, s2;
	s6 =	simm.s32 $0x108;
	_ =	swait.ge @!p0 [sflag:s8], $0x0  }
0x24: {  	s3 =	sadd.s32 $0x88, s3;
	s6 =	simm.s32 @!p1 $0x1082;
	[sflag:s4] =	ssyncset.s32 $0xFFFFF086  }
0x25: {  	[simem:s6], [sflag:s4] =	dma.local [hbm:s3], $0xF7A  }
0x26: {  	[smem:$0x3F9F] =	sst s1;
	(tag) =	ssettag s2;
	_ =	strace s9  }
0x27: {  	s1 =	sld [smem:$0x3FAF]  }
0x28: {  	s2 =	sld [smem:$0x3FB0]  }
0x29: {  	s4 =	sld [smem:$0x3FB2]  }
0x2a: {  	p0 =	seq.s32 s5, $0x0;
	s5 =	sld [smem:$0x3FB3]  }
0x2b: {  	s6 =	sld [smem:$0x3FB4]  }
0x2c: {  	s7 =	sld [smem:$0x3FB5]  }
0x2d: {  	s3 =	simm.s32 $0x108;
	s8 =	sld [smem:$0x3FB6]  }
0x2e: {  	s3 =	simm.s32 @!p0 $0x1082;
	s9 =	sld [smem:$0x3FB7]  }
0x2f: {  	lr =	sadd.s32 s0, s3;
	s0 =	sld [smem:$0x3FAE]  }
0x30: {  	s3 =	sld [smem:$0x3FB1]  }
0x31: {  	[smem:$0x3FBA] =	sst s10  }
0x32: {  	s10 =	sld [smem:$0x3FB8];
	_ =	sdelay $0x3  }
0x33: {  	p0 =	seq.s32 s10, $0x1;
	s10 =	sld [smem:$0x3FBA];
	_ =	sdelay $0x3  }
0x34: {  	[smem:$0x3FBA] =	sst s10  }
0x35: {  	s10 =	sld [smem:$0x3FB9];
	_ =	sdelay $0x3  }
0x36: {  	p1 =	seq.s32 s10, $0x1;
	s10 =	sld [smem:$0x3FBA];
	_ =	sdelay $0x3  }
0x37: {  	[smem:$0x3FBA] =	sst s10  }
0x38: {  	s10 =	sld [smem:$0x3FBB]  }
0x39: {  	_ = 	snop;
	(pc) =	sbr.ind lr, $3  }
0x3a: {  	_ = 	snop  }
0x3b: {  	_ = 	snop  }
0x3c: {  	p2 =	seq.s32 s10, $0x1;
	s10 =	sld [smem:$0x3FBA]  }
0x3d: {  	_ =	shalt  }
0x3e: {  	_ =	shalt  }
0x3f: {  	_ =	shalt  }
0x40: {  	_ =	shalt  }
0x41: {  	_ =	shalt  }
0x42: {  	_ =	shalt  }
0x43: {  	_ =	shalt  }
0x44: {  	_ =	shalt  }
0x45: {  	_ =	shalt  }
0x46: {  	_ =	shalt  }
0x47: {  	_ =	shalt  }
0x48: {  	_ =	shalt  }
0x49: {  	_ =	shalt  }
0x4a: {  	_ =	shalt  }
0x4b: {  	_ =	shalt  }
0x4c: {  	_ =	shalt  }
0x4d: {  	_ =	shalt  }
0x4e: {  	_ =	shalt  }
0x4f: {  	_ =	shalt  }
0x50: {  	_ =	shalt  }
0x51: {  	_ =	shalt  }
0x52: {  	_ =	shalt  }
0x53: {  	_ =	shalt  }
0x54: {  	_ =	shalt  }
0x55: {  	_ =	shalt  }
0x56: {  	_ =	shalt  }
0x57: {  	_ =	shalt  }
0x58: {  	_ =	shalt  }
0x59: {  	_ =	shalt  }
0x5a: {  	_ =	shalt  }
0x5b: {  	_ =	shalt  }
0x5c: {  	_ =	shalt  }
0x5d: {  	_ =	shalt  }
0x5e: {  	_ =	shalt  }
0x5f: {  	_ =	shalt  }
0x60: {  	_ =	shalt  }
0x61: {  	_ =	shalt  }
0x62: {  	_ =	shalt  }
0x63: {  	_ =	shalt  }
0x64: {  	_ =	shalt  }
0x65: {  	_ =	shalt  }
0x66: {  	_ =	shalt  }
0x67: {  	_ =	shalt  }
0x68: {  	_ =	shalt  }
0x69: {  	_ =	shalt  }
0x6a: {  	_ =	shalt  }
0x6b: {  	_ =	shalt  }
0x6c: {  	_ =	shalt  }
0x6d: {  	_ =	shalt  }
0x6e: {  	_ =	shalt  }
0x6f: {  	_ =	shalt  }
0x70: {  	_ =	shalt  }
0x71: {  	_ =	shalt  }
0x72: {  	_ =	shalt  }
0x73: {  	_ =	shalt  }
0x74: {  	_ =	shalt  }
0x75: {  	_ =	shalt  }
0x76: {  	_ =	shalt  }
0x77: {  	_ =	shalt  }
0x78: {  	_ =	shalt  }
0x79: {  	_ =	shalt  }
0x7a: {  	_ =	shalt  }
0x7b: {  	_ =	shalt  }
0x7c: {  	_ =	shalt  }
0x7d: {  	_ =	shalt  }
0x7e: {  	_ =	shalt  }
0x7f: {  	_ =	shalt  }
0x80: {  	_ =	shalt  }
0x81: {  	_ =	shalt  }
0x82: {  	_ =	shalt  }
0x83: {  	_ =	shalt  }
0x84: {  	_ =	shalt  }
0x85: {  	_ =	shalt  }
0x86: {  	_ =	shalt  }
0x87: {  	_ =	shalt  }
.Lfunc_end0:
.L_simem_size_0:
called_computation_lowered:
.L_overlay_start_0:
0x88: {  	s2 =	sld [smem:$0x3FD9]  }
0x89: {  	s3 =	sld [smem:$0x3FFE];
	_ =	sdelay $0x1  }
0x8a: {  	s1 =	srdreg.scid  }
0x8b: {  	s0 =	sand.u32 $0x1, s1  }
0x8c: {  	s18 =	sshll.u32 s0, $0xA;
	s2 =	sadd.s32 s3, s2  }
0x8d: {  	s2 =	sadd.s32 s2, s18  }
0x8e: {  	[smem:$0x3FC6] =	sst s2  }
0x8f: {  	_ = 	snop  }
0x90: {  	s2 =	sld [smem:$0x3FC9]  }
0x91: {  	s19 =	sld [smem:$0x3FC8]  }
0x92: {  	s4 =	sld [smem:$0x3FD0];
	(tm) =	ssettm $0x1  }
0x93: {  	s5 =	sld [smem:$0x3FFB];
	_ =	sdelay $0x3  }
0x94: {  	_ =	strace s5  }
0x95: {  	s5 =	sld [smem:$0x3FFC];
	_ =	sdelay $0x3  }
0x96: {  	_ =	strace s5  }
0x97: {  	s5 =	sld [smem:$0x3FFD];
	_ =	sdelay $0x3  }
0x98: {  	_ =	strace s5  }
0x99: {  	_ =	strace $0x8FFFFFFF  }
0x9a: {  	s20 =	sld [smem:$0x3FDB];
	_ =	sdelay $0x1  }
0x9b: {  	s6 =	simm.s32 $_scs_section_size  }
0x9c: {  	s7 =	simm.s32 $_size__tile_overlayer_lowered;
	s8 =	simm.s32 $_tile_overlayer_lowered  }
0x9d: {  	s23 =	simm.s32 $0x1BFF;
	s22 =	sshll.u32 s8, $0x1;
	s5 =	sadd.s32 s6, s20  }
0x9e: {  	s9 =	simm.s32 $0x0;
	s21 =	sshll.u32 s7, $0x1;
	s7 =	sadd.s32 s22, s5  }
0x9f: {  	[timem:s9], [sflag:s23] =	dma.local [hbm:s7], s21  }
0xa0: {  	_ =	swait.ge [sflag:s23], s21  }
0xa1: {  	s6 =	ssub.s32 $0x0, s21;
	[sflag:s23] =	ssyncset.done $0x0  }
0xa2: {  	[sflag:s23] =	ssyncadd.s32 s6;
	_ =	sdelay $0x1  }
0xa3: {  	s24 =	simm.s32 $0x1B8B  }
0xa4: {  	_ =	swait.ge [sflag:s24], $0x1  }
0xa5: {  	[sflag:s24] =	ssyncset.done $0x0  }
0xa6: {  	s25 =	simm.s32 $0x1B8E;
	[sflag:s24] =	ssyncadd.s32 $0xFFFFFFFF  }
0xa7: {  	s26 =	simm.s32 $execute0_lowered;
	[smem:$0x3FD2] =	sst s25  }
0xa8: {  	s6 =	sshll.u32 s26, $0x1;
	_ =	strace $0x80000046;
	[dreg:$0x1] =	wrdreg $0xFFFFFFFF  }
0xa9: {  	s28 =	simm.s32 $_size_execute0_lowered;
	s5 =	sadd.s32 s5, s6;
	[dreg:$0x0] =	wrdreg $0x0  }
0xaa: {  	s6 =	sshll.u32 s28, $0x1;
	[dreg:$0x2] =	wrdreg s5  }
0xab: {  	[dreg:$0x3] =	wrdreg s6  }
0xac: {  	[dreg:$0x4] =	wrdreg $0xC0  }
0xad: {  	_ =	task [dreg:s9], $0x5FFFF  }
0xae: {  	[dreg:$0x1] =	wrdreg $0xFFFFFFFF  }
0xaf: {  	[dreg:$0x0] =	wrdreg $0x60  }
0xb0: {  	[dreg:$0x2] =	wrdreg s2  }
0xb1: {  	[dreg:$0x3] =	wrdreg s19  }
0xb2: {  	[dreg:$0x4] =	wrdreg s4  }
0xb3: {  	[dreg:$0x5] =	wrdreg $0x0  }
0xb4: {  	[dreg:$0x6] =	wrdreg $0x9  }
0xb5: {  	_ =	task.clear_ibuf [dreg:s9], $0x7FFFF;
	_ =	strace $0x90000046  }
0xb6: {  	s29 =	simm.s32 $0x9;
	_ =	strace $0x80000048  }
0xb7: {  	_ =	swait.ge [sflag:s29], $0x1  }
0xb8: {  	[sflag:s29] =	ssyncadd.s32 $0xFFFFFFFF  }
0xb9: {  	_ =	strace $0x90000048  }
0xba: {  	_ =	sfence  }
0xbb: {  	s30 =	sld [smem:$0x0];
	_ =	sdelay $0x2  }
0xbc: {  	s31 =	sshll.u32 s1, $0xD;
	s1 =	sshrl.u32 s1, $0x2  }
0xbd: {  	s3 =	sand.u32 $0x4000, s31;
	s1 =	sadd.s32 s1, s30  }
0xbe: {  	s0 =	sor.u32 s3, s0;
	s1 =	sshll.u32 s1, $0x11  }
0xbf: {  	s0 =	sor.u32 s1, s0  }
0xc0: {  	s0 =	sadd.s32 $0x8F2B, s0  }
0xc1: {  	[sflag:s0] =	ssyncadd.remote.s32 $0x1  }
0xc2: {  	_ =	sfence.sel $0xFFFF  }
0xc3: {  	[dreg:$0x0] =	wrdreg $0xFFFFFFFF;
	(pc) =	sbr.abs _section_cstart, $3  }
0xc4: {  	[dreg:$0x1] =	wrdreg $0xFFFFFFFF  }
0xc5: {  	_ =	task.clear_ibuf [dreg:s9], $0x2FFFF;
	_ =	strace $0x9FFFFFFF  }
0xc6: {  	(tm) =	ssettm $0x7FFFFFFF  }
0xc7: {  	_ =	shalt  }
tec
execute0_lowered:
.L_overlay_start_1:
0x0: {  	(tag) =	ssettag $0x1  }
0x1: {  	s0 =	rddreg [dreg:$0x0]  }
0x2: {  	s1 =	rddreg [dreg:$0x2]  }
0x3: {  	s2 =	rddreg [dreg:$0x3];
	s3 =	srdreg.scid  }
0x4: {  	s4 =	stileid.u32;
	s12 =	simm.s32 $0x0;
	s10 =	simm.s32 $0x1  }
0x5: {  	s14 =	simm.s32 $0x10800;
	s30 =	simm.s32 $0x15000;
	s31 =	simm.s32 $0x16800  }
0x6: {  	s3 =	sand.u32 $0x1, s3;
	s5 =	sshll.u32 s4, $0x3;
	[smem:$0x7FF] =	sst s12  }
0x7: {  	s19 =	smul.u32 $0xC00, s4;
	s15 =	sadd.s32 $0xC00, s2;
	s16 =	sadd.s32 $0x1800, s2  }
0x8: {  	s17 =	sadd.s32 $0x2400, s2;
	s18 =	sadd.s32 $0x3000, s2;
	p0 =	sne.s32 s4, $0x0  }
0x9: {  	s6 =	sshll.u32 s3, $0x2;
	s7 =	ssub.s32 $0x2, s3;
	s3 =	sshll.u32 s3, $0x9  }
0xa: {  	s28 =	sadd.s32 $0xA800, s2;
	s5 =	sor.u32 s6, s5;
	s3 =	sor.u32 s3, s19  }
0xb: {  	s8 =	sshrl.u32 s7, $0x1;
	s5 =	smul.u32 $0x18000, s5;
	s3 =	sshrl.u32 s3, $0x3  }
0xc: {  	_ =	strace $0x80000047;
	s7 =	ssub.s32 s7, s8;
	s0 =	sadd.s32 s0, s3  }
0xd: {  	s26 =	smax.u32 s7, $0x1;
	s5 =	sshrl.u32 s5, $0x3;
	[dreg:$0x5] =	wrdreg s0  }
0xe: {  	s29 =	sadd.s32 $0xB400, s2;
	[dreg:$0xe] =	wrdreg s26;
	s20 =	sadd.s32 s1, s5  }
0xf: {  	s4 =	simm.s32 $0x2;
	s1 =	sadd.s32 $0x1800, s20;
	[dreg:$0x6] =	wrdreg s20  }
0x10: {  	s6 =	sadd.s32 $0x6000, s2;
	s21 =	sadd.s32 $0x3000, s20;
	[dreg:$0x7] =	wrdreg s1  }
0x11: {  	s19 =	sadd.s32 $0x3C00, s2;
	s22 =	sadd.s32 $0x4800, s20;
	[dreg:$0x8] =	wrdreg s21  }
0x12: {  	s3 =	simm.s32 $0xCC00;
	s23 =	sadd.s32 $0x6000, s20;
	[dreg:$0x9] =	wrdreg s22  }
0x13: {  	s7 =	simm.s32 $0x0;
	s24 =	sadd.s32 $0x7800, s20;
	[dreg:$0xa] =	wrdreg s23  }
0x14: {  	s26 =	sadd.s32 $0x9C00, s2;
	s25 =	sadd.s32 $0x9000, s20;
	[dreg:$0xb] =	wrdreg s24  }
0x15: {  	s5 =	simm.s32 $0x12000;
	s0 =	sadd.s32 $0xA800, s20;
	[dreg:$0xc] =	wrdreg s25  }
0x16: {  	s20 =	sadd.s32 $0x4800, s2;
	[dreg:$0xd] =	wrdreg s0;
	s21 =	sadd.s32 $0x5400, s2  }
0x17: {  	s22 =	sadd.s32 $0x6C00, s2;
	s23 =	sadd.s32 $0x7800, s2;
	s24 =	sadd.s32 $0x8400, s2  }
0x18: {  	s25 =	sadd.s32 $0x9000, s2;
	s1 =	simm.s32 $0x13800;
	s0 =	simm.s32 $0x18000  }
.LBB2_1:
0x19: {  	s8 =	rddreg [dreg:$0x5]  }
0x1a: {  	s9 =	simm.s32 $0x200;
	s11 =	simm.s32 $0x400;
	s13 =	simm.s32 $0x18C00  }
0x1b: {  	[tilespmem:s13], [sflag:$0x3] =	stream.strided.gather [hbm4b:s8+s9], $0x600, s11, s9, $0x38;
	[tilespmem:$0x19200] =	vst v63  }
0x1c: {  	s8 =	sshrl.u32 @!p0 s2, $0x3;
	s9 =	simm.s32 @!p0 $0x1C04;
	s11 =	rddreg [dreg:$0x1]  }
0x1d: {  	[spmem:s8], [sflag:s9] =	dma.local @!p0 [hbm:s11], $0x1800  }
0x1e: {  	s8 =	simm.s32 @!p0 $0x4  }
0x1f: {  	_ =	swait.ge @!p0 [sflag:s8], $0x1800  }
0x20: {  	[sflag:s8] =	ssyncset.done @!p0 $0x0  }
0x21: {  	[sflag:s8] =	ssyncadd.s32 @!p0 $0xFFFFE800  }
0x22: {  	s11 =	simm.s32 $0x3;
	[bflag:$0x0] =	sbarrier.arrive $0xFFFF  }
0x23: {  	_ =	swait.ge [sflag:s11], $0x600  }
0x24: {  	[sflag:s11] =	ssyncset.done $0x0  }
0x25: {  	[sflag:s11] =	ssyncadd.s32 $0xFFFFFA00  }
0x26: {  	v0 =	vld [tilespmem:$0x18C00]  }
0x27: {  	v1 =	vld [tilespmem:$0x18C10]  }
0x28: {  	v2 =	vld [tilespmem:$0x18C20]  }
0x29: {  	v3 =	vld [tilespmem:$0x18C30]  }
0x2a: {  	v4 =	vld [tilespmem:$0x18C40]  }
0x2b: {  	v5 =	vld [tilespmem:$0x18C50]  }
0x2c: {  	v6 =	vld [tilespmem:$0x18C60]  }
0x2d: {  	v7 =	vld [tilespmem:$0x18C70]  }
0x2e: {  	v8 =	vld [tilespmem:$0x18E00]  }
0x2f: {  	v9 =	vld [tilespmem:$0x18E10]  }
0x30: {  	v10 =	vld [tilespmem:$0x18E20]  }
0x31: {  	v11 =	vld [tilespmem:$0x18E30]  }
0x32: {  	v12 =	vld [tilespmem:$0x18E40]  }
0x33: {  	v13 =	vld [tilespmem:$0x18E50]  }
0x34: {  	v14 =	vld [tilespmem:$0x18E60]  }
0x35: {  	v15 =	vld [tilespmem:$0x18E70]  }
0x36: {  	v16 =	vld [tilespmem:$0x19000]  }
0x37: {  	v17 =	vld [tilespmem:$0x19010]  }
0x38: {  	v18 =	vld [tilespmem:$0x19020]  }
0x39: {  	v19 =	vld [tilespmem:$0x19030]  }
0x3a: {  	v20 =	vld [tilespmem:$0x19040]  }
0x3b: {  	v21 =	vld [tilespmem:$0x19050]  }
0x3c: {  	s13 =	simm.s32 $0x1800;
	v22 =	vld [tilespmem:$0x19060]  }
0x3d: {  	v23 =	vld [tilespmem:$0x19070];
	[tilespmem:s13], [sflag:$0x1] =	stream.linear.gather [spmem:s2], $0xC00, $0x38  }
0x3e: {  	s9 =	simm.s32 $0x3000  }
0x3f: {  	[tilespmem:s9], [sflag:$0x1] =	stream.linear.gather [spmem:s15], $0xC00, $0x38;
	[tilespmem:$0x19200] =	vst v63  }
0x40: {  	s11 =	simm.s32 $0x4800  }
0x41: {  	[tilespmem:s11], [sflag:$0x1] =	stream.linear.gather [spmem:s16], $0xC00, $0x38;
	[tilespmem:$0x19200] =	vst v63  }
0x42: {  	s13 =	simm.s32 $0x6000  }
0x43: {  	[tilespmem:s13], [sflag:$0x1] =	stream.linear.gather [spmem:s17], $0xC00, $0x38;
	[tilespmem:$0x19200] =	vst v63  }
0x44: {  	s9 =	simm.s32 $0x7800  }
0x45: {  	[tilespmem:s9], [sflag:$0x1] =	stream.linear.gather [spmem:s18], $0xC00, $0x38;
	[tilespmem:$0x19200] =	vst v63  }
0x46: {  	s11 =	simm.s32 $0x9000;
	s9 =	simm.s32 $0x0  }
0x47: {  	[tilespmem:s11], [sflag:$0x1] =	stream.linear.gather [spmem:s19], $0xC00, $0x38;
	[tilespmem:$0x19200] =	vst v63  }
0x48: {  	s13 =	simm.s32 $0xA800;
	s8 =	smul.u32 $0x6000, s9  }
0x49: {  	[tilespmem:s13], [sflag:$0x1] =	stream.linear.gather [spmem:s20], $0xC00, $0x38;
	[tilespmem:$0x19200] =	vst v63  }
0x4a: {  	s8 =	sshra.s32 s8, $0x2;
	s13 =	sand.u32 $0x380, s12  }
0x4b: {  	s11 =	simm.s32 $0xC000;
	s8 =	sor.u32 s13, s8  }
0x4c: {  	[tilespmem:s11], [sflag:$0x1] =	stream.linear.gather [spmem:s21], $0xC00, $0x38;
	[tilespmem:$0x19200] =	vst v63  }
0x4d: {  	[tilespmem:s8+$0x1470] =	vst v23  }
0x4e: {  	[tilespmem:s8+$0xC00] =	vst v0  }
0x4f: {  	[tilespmem:s8+$0xC10] =	vst v1  }
0x50: {  	[tilespmem:s8+$0xC20] =	vst v2  }
0x51: {  	[tilespmem:s8+$0xC30] =	vst v3  }
0x52: {  	[tilespmem:s8+$0xC40] =	vst v4  }
0x53: {  	[tilespmem:s8+$0xC50] =	vst v5  }
0x54: {  	[tilespmem:s8+$0xC60] =	vst v6  }
0x55: {  	[tilespmem:s8+$0xC70] =	vst v7  }
0x56: {  	[tilespmem:s8+$0x1000] =	vst v8  }
0x57: {  	[tilespmem:s8+$0x1010] =	vst v9  }
0x58: {  	[tilespmem:s8+$0x1020] =	vst v10  }
0x59: {  	[tilespmem:s8+$0x1030] =	vst v11  }
0x5a: {  	[tilespmem:s8+$0x1040] =	vst v12  }
0x5b: {  	[tilespmem:s8+$0x1050] =	vst v13  }
0x5c: {  	[tilespmem:s8+$0x1060] =	vst v14  }
0x5d: {  	[tilespmem:s8+$0x1070] =	vst v15  }
0x5e: {  	[tilespmem:s8+$0x1400] =	vst v16  }
0x5f: {  	[tilespmem:s8+$0x1410] =	vst v17  }
0x60: {  	s9 =	simm.s32 $0x0;
	s12 =	simm.s32 $0x0;
	s11 =	simm.s32 $0x2;
	[tilespmem:s8+$0x1420] =	vst v18  }
.LBB2_2:
0x61: {  	p1 =	sne.s32 s11, $0x3F;
	s12 =	smul.u32 $0x6000, s12;
	[tilespmem:s8+$0x1430] =	vst v19  }
0x62: {  	s9 =	sadd.s32 $0x80, s9;
	[tilespmem:s8+$0x1440] =	vst v20  }
0x63: {  	s13 =	sand.u32 $0x380, s9;
	s12 =	sshra.s32 s12, $0x2;
	[tilespmem:s8+$0x1450] =	vst v21  }
0x64: {  	[tilespmem:s8+$0x1460] =	vst v22;
	s8 =	sor.u32 s13, s12  }
0x65: {  	[tilespmem:s8+$0x1470] =	vst v23  }
0x66: {  	[tilespmem:s8+$0xC00] =	vst v0  }
0x67: {  	[tilespmem:s8+$0xC10] =	vst v1  }
0x68: {  	[tilespmem:s8+$0xC20] =	vst v2  }
0x69: {  	[tilespmem:s8+$0xC30] =	vst v3  }
0x6a: {  	[tilespmem:s8+$0xC40] =	vst v4  }
0x6b: {  	[tilespmem:s8+$0xC50] =	vst v5  }
0x6c: {  	[tilespmem:s8+$0xC60] =	vst v6  }
0x6d: {  	[tilespmem:s8+$0xC70] =	vst v7  }
0x6e: {  	[tilespmem:s8+$0x1000] =	vst v8  }
0x6f: {  	[tilespmem:s8+$0x1010] =	vst v9  }
0x70: {  	[tilespmem:s8+$0x1020] =	vst v10  }
0x71: {  	[tilespmem:s8+$0x1030] =	vst v11  }
0x72: {  	[tilespmem:s8+$0x1040] =	vst v12  }
0x73: {  	[tilespmem:s8+$0x1050] =	vst v13  }
.Ltmp0:
0x74: {  	[tilespmem:s8+$0x1060] =	vst v14;
	(pc) =	sbr.rel @p1 .LBB2_2-.Ltmp0, $4  }
0x75: {  	[tilespmem:s8+$0x1070] =	vst v15  }
0x76: {  	[tilespmem:s8+$0x1400] =	vst v16  }
0x77: {  	[tilespmem:s8+$0x1410] =	vst v17  }
0x78: {  	s12 =	sshrl.u32 s11, $0x3;
	s11 =	sadd.s32 $0x1, s11;
	[tilespmem:s8+$0x1420] =	vst v18  }
0x79: {  	s11 =	smul.u32 $0x6000, s12;
	[tilespmem:s8+$0x1430] =	vst v19  }
0x7a: {  	[tilespmem:s8+$0x1440] =	vst v20;
	s9 =	sadd.s32 $0x80, s9  }
0x7b: {  	[tilespmem:s8+$0x1450] =	vst v21;
	s9 =	sand.u32 $0x380, s9;
	s11 =	sshra.s32 s11, $0x2  }
0x7c: {  	[tilespmem:s8+$0x1460] =	vst v22;
	s9 =	sor.u32 s9, s11  }
0x7d: {  	[tilespmem:s9+$0x1470] =	vst v23  }
0x7e: {  	[tilespmem:s9+$0xC00] =	vst v0  }
0x7f: {  	[tilespmem:s9+$0xC10] =	vst v1  }
0x80: {  	[tilespmem:s9+$0xC20] =	vst v2  }
0x81: {  	[tilespmem:s9+$0xC30] =	vst v3  }
0x82: {  	[tilespmem:s9+$0xC40] =	vst v4  }
0x83: {  	[tilespmem:s9+$0xC50] =	vst v5  }
0x84: {  	[tilespmem:s9+$0xC60] =	vst v6  }
0x85: {  	[tilespmem:s9+$0xC70] =	vst v7  }
0x86: {  	[tilespmem:s9+$0x1000] =	vst v8  }
0x87: {  	[tilespmem:s9+$0x1010] =	vst v9  }
0x88: {  	[tilespmem:s9+$0x1020] =	vst v10  }
0x89: {  	[tilespmem:s9+$0x1030] =	vst v11  }
0x8a: {  	[tilespmem:s9+$0x1040] =	vst v12  }
0x8b: {  	[tilespmem:s9+$0x1050] =	vst v13  }
0x8c: {  	[tilespmem:s9+$0x1060] =	vst v14  }
0x8d: {  	[tilespmem:s9+$0x1070] =	vst v15  }
0x8e: {  	[tilespmem:s9+$0x1400] =	vst v16  }
0x8f: {  	[tilespmem:s9+$0x1410] =	vst v17  }
0x90: {  	[tilespmem:s9+$0x1420] =	vst v18  }
0x91: {  	[tilespmem:s9+$0x1430] =	vst v19  }
0x92: {  	[tilespmem:s9+$0x1440] =	vst v20  }
0x93: {  	[tilespmem:s9+$0x1450] =	vst v21  }
0x94: {  	[tilespmem:s9+$0x1460] =	vst v22  }
0x95: {  	_ =	swait.ge [sflag:s10], $0x6000  }
0x96: {  	s8 =	simm.s32 $0x0;
	[sflag:s10] =	ssyncset.done $0x0  }
0x97: {  	s12 =	simm.s32 $0xC00;
	s11 =	rddreg [dreg:$0x6];
	[sflag:s10] =	ssyncadd.s32 $0xFFFFA000  }
0x98: {  	[hbm4b:s11+s8] =	stream.linear.scatter [tilespmem:s12], [sflag:$0x2], $0xC000, $0x38;
	[tilespmem:$0x19200] =	vst v63  }
0x99: {  	s13 =	simm.s32 $0xD800  }
0x9a: {  	[tilespmem:s13], [sflag:$0x1] =	stream.linear.gather [spmem:s6], $0xC00, $0x38;
	[tilespmem:$0x19200] =	vst v63  }
0x9b: {  	s11 =	simm.s32 $0xF000  }
0x9c: {  	[tilespmem:s11], [sflag:$0x1] =	stream.linear.gather [spmem:s22], $0xC00, $0x38;
	[tilespmem:$0x19200] =	vst v63  }
0x9d: {  	_ = 	snop  }
0x9e: {  	[tilespmem:s14], [sflag:$0x1] =	stream.linear.gather [spmem:s23], $0xC00, $0x38;
	[tilespmem:$0x19200] =	vst v63  }
0x9f: {  	_ = 	snop  }
0xa0: {  	[tilespmem:s5], [sflag:$0x1] =	stream.linear.gather [spmem:s24], $0xC00, $0x38;
	[tilespmem:$0x19200] =	vst v63  }
0xa1: {  	s12 =	simm.s32 $0x0  }
0xa2: {  	[tilespmem:s1], [sflag:$0x1] =	stream.linear.gather [spmem:s25], $0xC00, $0x38;
	[tilespmem:$0x19200] =	vst v63  }
0xa3: {  	s9 =	smul.u32 $0x6000, s12  }
0xa4: {  	[tilespmem:s30], [sflag:$0x1] =	stream.linear.gather [spmem:s26], $0xC00, $0x38;
	[tilespmem:$0x19200] =	vst v63  }
0xa5: {  	s13 =	sand.u32 $0x380, s8;
	s9 =	sshra.s32 s9, $0x2  }
0xa6: {  	[tilespmem:s31], [sflag:$0x1] =	stream.linear.gather [spmem:s28], $0xC00, $0x38;
	[tilespmem:$0x19200] =	vst v63  }
0xa7: {  	s9 =	sor.u32 s13, s9  }
0xa8: {  	[tilespmem:s0], [sflag:$0x1] =	stream.linear.gather [spmem:s29], $0xC00, $0x38;
	[tilespmem:$0x19200] =	vst v63  }
0xa9: {  	[tilespmem:s9+$0xD470] =	vst v23  }
0xaa: {  	[tilespmem:s9+$0xCC00] =	vst v0  }
0xab: {  	[tilespmem:s9+$0xCC10] =	vst v1  }
0xac: {  	[tilespmem:s9+$0xCC20] =	vst v2  }
0xad: {  	[tilespmem:s9+$0xCC30] =	vst v3  }
0xae: {  	[tilespmem:s9+$0xCC40] =	vst v4  }
0xaf: {  	[tilespmem:s9+$0xCC50] =	vst v5  }
0xb0: {  	[tilespmem:s9+$0xCC60] =	vst v6  }
0xb1: {  	[tilespmem:s9+$0xCC70] =	vst v7  }
0xb2: {  	[tilespmem:s9+$0xD000] =	vst v8  }
0xb3: {  	[tilespmem:s9+$0xD010] =	vst v9  }
0xb4: {  	[tilespmem:s9+$0xD020] =	vst v10  }
0xb5: {  	[tilespmem:s9+$0xD030] =	vst v11  }
0xb6: {  	[tilespmem:s9+$0xD040] =	vst v12  }
0xb7: {  	[tilespmem:s9+$0xD050] =	vst v13  }
0xb8: {  	[tilespmem:s9+$0xD060] =	vst v14  }
0xb9: {  	[tilespmem:s9+$0xD070] =	vst v15  }
0xba: {  	[tilespmem:s9+$0xD400] =	vst v16  }
0xbb: {  	[tilespmem:s9+$0xD410] =	vst v17  }
0xbc: {  	s12 =	simm.s32 $0x0;
	s11 =	simm.s32 $0x2;
	[tilespmem:s9+$0xD420] =	vst v18  }
.LBB2_4:
0xbd: {  	p1 =	sne.s32 s11, $0x3F;
	s12 =	smul.u32 $0x6000, s12;
	[tilespmem:s9+$0xD430] =	vst v19  }
0xbe: {  	s8 =	sadd.s32 $0x80, s8;
	[tilespmem:s9+$0xD440] =	vst v20  }
0xbf: {  	s13 =	sand.u32 $0x380, s8;
	s12 =	sshra.s32 s12, $0x2;
	[tilespmem:s9+$0xD450] =	vst v21  }
0xc0: {  	[tilespmem:s9+$0xD460] =	vst v22;
	s9 =	sor.u32 s13, s12  }
0xc1: {  	[tilespmem:s9+$0xD470] =	vst v23  }
0xc2: {  	[tilespmem:s9+$0xCC00] =	vst v0  }
0xc3: {  	[tilespmem:s9+$0xCC10] =	vst v1  }
0xc4: {  	[tilespmem:s9+$0xCC20] =	vst v2  }
0xc5: {  	[tilespmem:s9+$0xCC30] =	vst v3  }
0xc6: {  	[tilespmem:s9+$0xCC40] =	vst v4  }
0xc7: {  	[tilespmem:s9+$0xCC50] =	vst v5  }
0xc8: {  	[tilespmem:s9+$0xCC60] =	vst v6  }
0xc9: {  	[tilespmem:s9+$0xCC70] =	vst v7  }
0xca: {  	[tilespmem:s9+$0xD000] =	vst v8  }
0xcb: {  	[tilespmem:s9+$0xD010] =	vst v9  }
0xcc: {  	[tilespmem:s9+$0xD020] =	vst v10  }
0xcd: {  	[tilespmem:s9+$0xD030] =	vst v11  }
0xce: {  	[tilespmem:s9+$0xD040] =	vst v12  }
0xcf: {  	[tilespmem:s9+$0xD050] =	vst v13  }
.Ltmp1:
0xd0: {  	[tilespmem:s9+$0xD060] =	vst v14;
	(pc) =	sbr.rel @p1 .LBB2_4-.Ltmp1, $4  }
0xd1: {  	[tilespmem:s9+$0xD070] =	vst v15  }
0xd2: {  	[tilespmem:s9+$0xD400] =	vst v16  }
0xd3: {  	[tilespmem:s9+$0xD410] =	vst v17  }
0xd4: {  	s12 =	sshrl.u32 s11, $0x3;
	s11 =	sadd.s32 $0x1, s11;
	[tilespmem:s9+$0xD420] =	vst v18  }
0xd5: {  	s11 =	smul.u32 $0x6000, s12;
	[tilespmem:s9+$0xD430] =	vst v19  }
0xd6: {  	[tilespmem:s9+$0xD440] =	vst v20;
	s8 =	sadd.s32 $0x80, s8  }
0xd7: {  	[tilespmem:s9+$0xD450] =	vst v21;
	s8 =	sand.u32 $0x380, s8;
	s11 =	sshra.s32 s11, $0x2  }
0xd8: {  	[tilespmem:s9+$0xD460] =	vst v22;
	s8 =	sor.u32 s8, s11  }
0xd9: {  	[tilespmem:s8+$0xD470] =	vst v23  }
0xda: {  	[tilespmem:s8+$0xCC00] =	vst v0  }
0xdb: {  	[tilespmem:s8+$0xCC10] =	vst v1  }
0xdc: {  	[tilespmem:s8+$0xCC20] =	vst v2  }
0xdd: {  	[tilespmem:s8+$0xCC30] =	vst v3  }
0xde: {  	[tilespmem:s8+$0xCC40] =	vst v4  }
0xdf: {  	[tilespmem:s8+$0xCC50] =	vst v5  }
0xe0: {  	[tilespmem:s8+$0xCC60] =	vst v6  }
0xe1: {  	[tilespmem:s8+$0xCC70] =	vst v7  }
0xe2: {  	[tilespmem:s8+$0xD000] =	vst v8  }
0xe3: {  	[tilespmem:s8+$0xD010] =	vst v9  }
0xe4: {  	[tilespmem:s8+$0xD020] =	vst v10  }
0xe5: {  	[tilespmem:s8+$0xD030] =	vst v11  }
0xe6: {  	[tilespmem:s8+$0xD040] =	vst v12  }
0xe7: {  	[tilespmem:s8+$0xD050] =	vst v13  }
0xe8: {  	[tilespmem:s8+$0xD060] =	vst v14  }
0xe9: {  	[tilespmem:s8+$0xD070] =	vst v15  }
0xea: {  	[tilespmem:s8+$0xD400] =	vst v16  }
0xeb: {  	[tilespmem:s8+$0xD410] =	vst v17  }
0xec: {  	[tilespmem:s8+$0xD420] =	vst v18  }
0xed: {  	[tilespmem:s8+$0xD430] =	vst v19  }
0xee: {  	[tilespmem:s8+$0xD440] =	vst v20  }
0xef: {  	[tilespmem:s8+$0xD450] =	vst v21  }
0xf0: {  	[tilespmem:s8+$0xD460] =	vst v22  }
0xf1: {  	_ =	swait.ge [sflag:s10], $0x6000  }
0xf2: {  	[sflag:s10] =	ssyncset.done $0x0  }
0xf3: {  	s8 =	simm.s32 $0x0;
	s12 =	rddreg [dreg:$0x7];
	[sflag:s10] =	ssyncadd.s32 $0xFFFFA000  }
0xf4: {  	[hbm4b:s12+s8] =	stream.linear.scatter [tilespmem:s3], [sflag:$0x2], $0xC000, $0x38;
	[tilespmem:$0x19200] =	vst v63  }
0xf5: {  	v0 =	vld [tilespmem:$0x18C80]  }
0xf6: {  	v1 =	vld [tilespmem:$0x18C90]  }
0xf7: {  	v2 =	vld [tilespmem:$0x18CA0]  }
0xf8: {  	v3 =	vld [tilespmem:$0x18CB0]  }
0xf9: {  	v4 =	vld [tilespmem:$0x18CC0]  }
0xfa: {  	v5 =	vld [tilespmem:$0x18CD0]  }
0xfb: {  	v6 =	vld [tilespmem:$0x18CE0]  }
0xfc: {  	v7 =	vld [tilespmem:$0x18CF0]  }
0xfd: {  	v8 =	vld [tilespmem:$0x18E80]  }
0xfe: {  	v9 =	vld [tilespmem:$0x18E90]  }
0xff: {  	v10 =	vld [tilespmem:$0x18EA0]  }
0x100: {  	v11 =	vld [tilespmem:$0x18EB0]  }
0x101: {  	v12 =	vld [tilespmem:$0x18EC0]  }
0x102: {  	v13 =	vld [tilespmem:$0x18ED0]  }
0x103: {  	v14 =	vld [tilespmem:$0x18EE0]  }
0x104: {  	v15 =	vld [tilespmem:$0x18EF0]  }
0x105: {  	v16 =	vld [tilespmem:$0x19080]  }
0x106: {  	v17 =	vld [tilespmem:$0x19090]  }
0x107: {  	v18 =	vld [tilespmem:$0x190A0]  }
0x108: {  	v19 =	vld [tilespmem:$0x190B0]  }
0x109: {  	v20 =	vld [tilespmem:$0x190C0]  }
0x10a: {  	v21 =	vld [tilespmem:$0x190D0]  }
0x10b: {  	v22 =	vld [tilespmem:$0x190E0]  }
0x10c: {  	v23 =	vld [tilespmem:$0x190F0];
	_ =	swait.ge [sflag:s4], $0xC000  }
0x10d: {  	[sflag:s4] =	ssyncset.done $0x0  }
0x10e: {  	s13 =	simm.s32 $0x1800;
	[sflag:s4] =	ssyncadd.s32 $0xFFFF4000  }
0x10f: {  	[tilespmem:s13], [sflag:$0x1] =	stream.linear.gather [spmem:s2], $0xC00, $0x38;
	[tilespmem:$0x19200] =	vst v63  }
0x110: {  	s11 =	simm.s32 $0x3000  }
0x111: {  	[tilespmem:s11], [sflag:$0x1] =	stream.linear.gather [spmem:s15], $0xC00, $0x38;
	[tilespmem:$0x19200] =	vst v63  }
0x112: {  	s12 =	simm.s32 $0x4800  }
0x113: {  	[tilespmem:s12], [sflag:$0x1] =	stream.linear.gather [spmem:s16], $0xC00, $0x38;
	[tilespmem:$0x19200] =	vst v63  }
0x114: {  	s13 =	simm.s32 $0x6000  }
0x115: {  	[tilespmem:s13], [sflag:$0x1] =	stream.linear.gather [spmem:s17], $0xC00, $0x38;
	[tilespmem:$0x19200] =	vst v63  }
0x116: {  	s11 =	simm.s32 $0x7800  }
0x117: {  	[tilespmem:s11], [sflag:$0x1] =	stream.linear.gather [spmem:s18], $0xC00, $0x38;
	[tilespmem:$0x19200] =	vst v63  }
0x118: {  	s12 =	simm.s32 $0x9000;
	s11 =	simm.s32 $0x0  }
0x119: {  	[tilespmem:s12], [sflag:$0x1] =	stream.linear.gather [spmem:s19], $0xC00, $0x38;
	[tilespmem:$0x19200] =	vst v63  }
0x11a: {  	s13 =	simm.s32 $0xA800;
	s9 =	smul.u32 $0x6000, s11  }
0x11b: {  	[tilespmem:s13], [sflag:$0x1] =	stream.linear.gather [spmem:s20], $0xC00, $0x38;
	[tilespmem:$0x19200] =	vst v63  }
0x11c: {  	s9 =	sshra.s32 s9, $0x2;
	s13 =	sand.u32 $0x380, s8  }
0x11d: {  	s12 =	simm.s32 $0xC000;
	s9 =	sor.u32 s13, s9  }
0x11e: {  	[tilespmem:s12], [sflag:$0x1] =	stream.linear.gather [spmem:s21], $0xC00, $0x38;
	[tilespmem:$0x19200] =	vst v63  }
0x11f: {  	[tilespmem:s9+$0x1470] =	vst v23  }
0x120: {  	[tilespmem:s9+$0xC00] =	vst v0  }
0x121: {  	[tilespmem:s9+$0xC10] =	vst v1  }
0x122: {  	[tilespmem:s9+$0xC20] =	vst v2  }
0x123: {  	[tilespmem:s9+$0xC30] =	vst v3  }
0x124: {  	[tilespmem:s9+$0xC40] =	vst v4  }
0x125: {  	[tilespmem:s9+$0xC50] =	vst v5  }
0x126: {  	[tilespmem:s9+$0xC60] =	vst v6  }
0x127: {  	[tilespmem:s9+$0xC70] =	vst v7  }
0x128: {  	[tilespmem:s9+$0x1000] =	vst v8  }
0x129: {  	[tilespmem:s9+$0x1010] =	vst v9  }
0x12a: {  	[tilespmem:s9+$0x1020] =	vst v10  }
0x12b: {  	[tilespmem:s9+$0x1030] =	vst v11  }
0x12c: {  	[tilespmem:s9+$0x1040] =	vst v12  }
0x12d: {  	[tilespmem:s9+$0x1050] =	vst v13  }
0x12e: {  	[tilespmem:s9+$0x1060] =	vst v14  }
0x12f: {  	[tilespmem:s9+$0x1070] =	vst v15  }
0x130: {  	[tilespmem:s9+$0x1400] =	vst v16  }
0x131: {  	[tilespmem:s9+$0x1410] =	vst v17  }
0x132: {  	s11 =	simm.s32 $0x2;
	s12 =	simm.s32 $0x0;
	[tilespmem:s9+$0x1420] =	vst v18  }
.LBB2_6:
0x133: {  	p1 =	sne.s32 s11, $0x3F;
	s12 =	smul.u32 $0x6000, s12;
	[tilespmem:s9+$0x1430] =	vst v19  }
0x134: {  	s8 =	sadd.s32 $0x80, s8;
	[tilespmem:s9+$0x1440] =	vst v20  }
0x135: {  	s13 =	sand.u32 $0x380, s8;
	s12 =	sshra.s32 s12, $0x2;
	[tilespmem:s9+$0x1450] =	vst v21  }
0x136: {  	[tilespmem:s9+$0x1460] =	vst v22;
	s9 =	sor.u32 s13, s12  }
0x137: {  	[tilespmem:s9+$0x1470] =	vst v23  }
0x138: {  	[tilespmem:s9+$0xC00] =	vst v0  }
0x139: {  	[tilespmem:s9+$0xC10] =	vst v1  }
0x13a: {  	[tilespmem:s9+$0xC20] =	vst v2  }
0x13b: {  	[tilespmem:s9+$0xC30] =	vst v3  }
0x13c: {  	[tilespmem:s9+$0xC40] =	vst v4  }
0x13d: {  	[tilespmem:s9+$0xC50] =	vst v5  }
0x13e: {  	[tilespmem:s9+$0xC60] =	vst v6  }
0x13f: {  	[tilespmem:s9+$0xC70] =	vst v7  }
0x140: {  	[tilespmem:s9+$0x1000] =	vst v8  }
0x141: {  	[tilespmem:s9+$0x1010] =	vst v9  }
0x142: {  	[tilespmem:s9+$0x1020] =	vst v10  }
0x143: {  	[tilespmem:s9+$0x1030] =	vst v11  }
0x144: {  	[tilespmem:s9+$0x1040] =	vst v12  }
0x145: {  	[tilespmem:s9+$0x1050] =	vst v13  }
.Ltmp2:
0x146: {  	[tilespmem:s9+$0x1060] =	vst v14;
	(pc) =	sbr.rel @p1 .LBB2_6-.Ltmp2, $4  }
0x147: {  	[tilespmem:s9+$0x1070] =	vst v15  }
0x148: {  	[tilespmem:s9+$0x1400] =	vst v16  }
0x149: {  	[tilespmem:s9+$0x1410] =	vst v17  }
0x14a: {  	s12 =	sshrl.u32 s11, $0x3;
	s11 =	sadd.s32 $0x1, s11;
	[tilespmem:s9+$0x1420] =	vst v18  }
0x14b: {  	s11 =	smul.u32 $0x6000, s12;
	[tilespmem:s9+$0x1430] =	vst v19  }
0x14c: {  	[tilespmem:s9+$0x1440] =	vst v20;
	s8 =	sadd.s32 $0x80, s8  }
0x14d: {  	[tilespmem:s9+$0x1450] =	vst v21;
	s8 =	sand.u32 $0x380, s8;
	s11 =	sshra.s32 s11, $0x2  }
0x14e: {  	[tilespmem:s9+$0x1460] =	vst v22;
	s8 =	sor.u32 s8, s11  }
0x14f: {  	[tilespmem:s8+$0x1470] =	vst v23  }
0x150: {  	[tilespmem:s8+$0xC00] =	vst v0  }
0x151: {  	[tilespmem:s8+$0xC10] =	vst v1  }
0x152: {  	[tilespmem:s8+$0xC20] =	vst v2  }
0x153: {  	[tilespmem:s8+$0xC30] =	vst v3  }
0x154: {  	[tilespmem:s8+$0xC40] =	vst v4  }
0x155: {  	[tilespmem:s8+$0xC50] =	vst v5  }
0x156: {  	[tilespmem:s8+$0xC60] =	vst v6  }
0x157: {  	[tilespmem:s8+$0xC70] =	vst v7  }
0x158: {  	[tilespmem:s8+$0x1000] =	vst v8  }
0x159: {  	[tilespmem:s8+$0x1010] =	vst v9  }
0x15a: {  	[tilespmem:s8+$0x1020] =	vst v10  }
0x15b: {  	[tilespmem:s8+$0x1030] =	vst v11  }
0x15c: {  	[tilespmem:s8+$0x1040] =	vst v12  }
0x15d: {  	[tilespmem:s8+$0x1050] =	vst v13  }
0x15e: {  	[tilespmem:s8+$0x1060] =	vst v14  }
0x15f: {  	[tilespmem:s8+$0x1070] =	vst v15  }
0x160: {  	[tilespmem:s8+$0x1400] =	vst v16  }
0x161: {  	[tilespmem:s8+$0x1410] =	vst v17  }
0x162: {  	[tilespmem:s8+$0x1420] =	vst v18  }
0x163: {  	[tilespmem:s8+$0x1430] =	vst v19  }
0x164: {  	[tilespmem:s8+$0x1440] =	vst v20  }
0x165: {  	[tilespmem:s8+$0x1450] =	vst v21  }
0x166: {  	[tilespmem:s8+$0x1460] =	vst v22  }
0x167: {  	_ =	swait.ge [sflag:s10], $0x6000  }
0x168: {  	s12 =	simm.s32 $0xC00;
	[sflag:s10] =	ssyncset.done $0x0  }
0x169: {  	s8 =	simm.s32 $0x0;
	s11 =	rddreg [dreg:$0x8];
	[sflag:s10] =	ssyncadd.s32 $0xFFFFA000  }
0x16a: {  	[hbm4b:s11+s8] =	stream.linear.scatter [tilespmem:s12], [sflag:$0x2], $0xC000, $0x38;
	[tilespmem:$0x19200] =	vst v63  }
0x16b: {  	_ =	swait.ge [sflag:s4], $0xC000  }
0x16c: {  	[sflag:s4] =	ssyncset.done $0x0  }
0x16d: {  	s13 =	simm.s32 $0xD800;
	[sflag:s4] =	ssyncadd.s32 $0xFFFF4000  }
0x16e: {  	[tilespmem:s13], [sflag:$0x1] =	stream.linear.gather [spmem:s6], $0xC00, $0x38;
	[tilespmem:$0x19200] =	vst v63  }
0x16f: {  	s11 =	simm.s32 $0xF000  }
0x170: {  	[tilespmem:s11], [sflag:$0x1] =	stream.linear.gather [spmem:s22], $0xC00, $0x38;
	[tilespmem:$0x19200] =	vst v63  }
0x171: {  	_ = 	snop  }
0x172: {  	[tilespmem:s14], [sflag:$0x1] =	stream.linear.gather [spmem:s23], $0xC00, $0x38;
	[tilespmem:$0x19200] =	vst v63  }
0x173: {  	_ = 	snop  }
0x174: {  	[tilespmem:s5], [sflag:$0x1] =	stream.linear.gather [spmem:s24], $0xC00, $0x38;
	[tilespmem:$0x19200] =	vst v63  }
0x175: {  	s12 =	simm.s32 $0x0  }
0x176: {  	[tilespmem:s1], [sflag:$0x1] =	stream.linear.gather [spmem:s25], $0xC00, $0x38;
	[tilespmem:$0x19200] =	vst v63  }
0x177: {  	s9 =	smul.u32 $0x6000, s12  }
0x178: {  	[tilespmem:s30], [sflag:$0x1] =	stream.linear.gather [spmem:s26], $0xC00, $0x38;
	[tilespmem:$0x19200] =	vst v63  }
0x179: {  	s9 =	sshra.s32 s9, $0x2;
	s13 =	sand.u32 $0x380, s8  }
0x17a: {  	[tilespmem:s31], [sflag:$0x1] =	stream.linear.gather [spmem:s28], $0xC00, $0x38;
	[tilespmem:$0x19200] =	vst v63  }
0x17b: {  	s9 =	sor.u32 s13, s9  }
0x17c: {  	[tilespmem:s0], [sflag:$0x1] =	stream.linear.gather [spmem:s29], $0xC00, $0x38;
	[tilespmem:$0x19200] =	vst v63  }
0x17d: {  	[tilespmem:s9+$0xD470] =	vst v23  }
0x17e: {  	[tilespmem:s9+$0xCC00] =	vst v0  }
0x17f: {  	[tilespmem:s9+$0xCC10] =	vst v1  }
0x180: {  	[tilespmem:s9+$0xCC20] =	vst v2  }
0x181: {  	[tilespmem:s9+$0xCC30] =	vst v3  }
0x182: {  	[tilespmem:s9+$0xCC40] =	vst v4  }
0x183: {  	[tilespmem:s9+$0xCC50] =	vst v5  }
0x184: {  	[tilespmem:s9+$0xCC60] =	vst v6  }
0x185: {  	[tilespmem:s9+$0xCC70] =	vst v7  }
0x186: {  	[tilespmem:s9+$0xD000] =	vst v8  }
0x187: {  	[tilespmem:s9+$0xD010] =	vst v9  }
0x188: {  	[tilespmem:s9+$0xD020] =	vst v10  }
0x189: {  	[tilespmem:s9+$0xD030] =	vst v11  }
0x18a: {  	[tilespmem:s9+$0xD040] =	vst v12  }
0x18b: {  	[tilespmem:s9+$0xD050] =	vst v13  }
0x18c: {  	[tilespmem:s9+$0xD060] =	vst v14  }
0x18d: {  	[tilespmem:s9+$0xD070] =	vst v15  }
0x18e: {  	[tilespmem:s9+$0xD400] =	vst v16  }
0x18f: {  	[tilespmem:s9+$0xD410] =	vst v17  }
0x190: {  	s12 =	simm.s32 $0x0;
	s11 =	simm.s32 $0x2;
	[tilespmem:s9+$0xD420] =	vst v18  }
.LBB2_8:
0x191: {  	p1 =	sne.s32 s11, $0x3F;
	s12 =	smul.u32 $0x6000, s12;
	[tilespmem:s9+$0xD430] =	vst v19  }
0x192: {  	s8 =	sadd.s32 $0x80, s8;
	[tilespmem:s9+$0xD440] =	vst v20  }
0x193: {  	s13 =	sand.u32 $0x380, s8;
	s12 =	sshra.s32 s12, $0x2;
	[tilespmem:s9+$0xD450] =	vst v21  }
0x194: {  	[tilespmem:s9+$0xD460] =	vst v22;
	s9 =	sor.u32 s13, s12  }
0x195: {  	[tilespmem:s9+$0xD470] =	vst v23  }
0x196: {  	[tilespmem:s9+$0xCC00] =	vst v0  }
0x197: {  	[tilespmem:s9+$0xCC10] =	vst v1  }
0x198: {  	[tilespmem:s9+$0xCC20] =	vst v2  }
0x199: {  	[tilespmem:s9+$0xCC30] =	vst v3  }
0x19a: {  	[tilespmem:s9+$0xCC40] =	vst v4  }
0x19b: {  	[tilespmem:s9+$0xCC50] =	vst v5  }
0x19c: {  	[tilespmem:s9+$0xCC60] =	vst v6  }
0x19d: {  	[tilespmem:s9+$0xCC70] =	vst v7  }
0x19e: {  	[tilespmem:s9+$0xD000] =	vst v8  }
0x19f: {  	[tilespmem:s9+$0xD010] =	vst v9  }
0x1a0: {  	[tilespmem:s9+$0xD020] =	vst v10  }
0x1a1: {  	[tilespmem:s9+$0xD030] =	vst v11  }
0x1a2: {  	[tilespmem:s9+$0xD040] =	vst v12  }
0x1a3: {  	[tilespmem:s9+$0xD050] =	vst v13  }
.Ltmp3:
0x1a4: {  	[tilespmem:s9+$0xD060] =	vst v14;
	(pc) =	sbr.rel @p1 .LBB2_8-.Ltmp3, $4  }
0x1a5: {  	[tilespmem:s9+$0xD070] =	vst v15  }
0x1a6: {  	[tilespmem:s9+$0xD400] =	vst v16  }
0x1a7: {  	[tilespmem:s9+$0xD410] =	vst v17  }
0x1a8: {  	s12 =	sshrl.u32 s11, $0x3;
	s11 =	sadd.s32 $0x1, s11;
	[tilespmem:s9+$0xD420] =	vst v18  }
0x1a9: {  	s11 =	smul.u32 $0x6000, s12;
	[tilespmem:s9+$0xD430] =	vst v19  }
0x1aa: {  	[tilespmem:s9+$0xD440] =	vst v20;
	s8 =	sadd.s32 $0x80, s8  }
0x1ab: {  	[tilespmem:s9+$0xD450] =	vst v21;
	s8 =	sand.u32 $0x380, s8;
	s11 =	sshra.s32 s11, $0x2  }
0x1ac: {  	[tilespmem:s9+$0xD460] =	vst v22;
	s8 =	sor.u32 s8, s11  }
0x1ad: {  	[tilespmem:s8+$0xD470] =	vst v23  }
0x1ae: {  	[tilespmem:s8+$0xCC00] =	vst v0  }
0x1af: {  	[tilespmem:s8+$0xCC10] =	vst v1  }
0x1b0: {  	[tilespmem:s8+$0xCC20] =	vst v2  }
0x1b1: {  	[tilespmem:s8+$0xCC30] =	vst v3  }
0x1b2: {  	[tilespmem:s8+$0xCC40] =	vst v4  }
0x1b3: {  	[tilespmem:s8+$0xCC50] =	vst v5  }
0x1b4: {  	[tilespmem:s8+$0xCC60] =	vst v6  }
0x1b5: {  	[tilespmem:s8+$0xCC70] =	vst v7  }
0x1b6: {  	[tilespmem:s8+$0xD000] =	vst v8  }
0x1b7: {  	[tilespmem:s8+$0xD010] =	vst v9  }
0x1b8: {  	[tilespmem:s8+$0xD020] =	vst v10  }
0x1b9: {  	[tilespmem:s8+$0xD030] =	vst v11  }
0x1ba: {  	[tilespmem:s8+$0xD040] =	vst v12  }
0x1bb: {  	[tilespmem:s8+$0xD050] =	vst v13  }
0x1bc: {  	[tilespmem:s8+$0xD060] =	vst v14  }
0x1bd: {  	[tilespmem:s8+$0xD070] =	vst v15  }
0x1be: {  	[tilespmem:s8+$0xD400] =	vst v16  }
0x1bf: {  	[tilespmem:s8+$0xD410] =	vst v17  }
0x1c0: {  	[tilespmem:s8+$0xD420] =	vst v18  }
0x1c1: {  	[tilespmem:s8+$0xD430] =	vst v19  }
0x1c2: {  	[tilespmem:s8+$0xD440] =	vst v20  }
0x1c3: {  	[tilespmem:s8+$0xD450] =	vst v21  }
0x1c4: {  	[tilespmem:s8+$0xD460] =	vst v22  }
0x1c5: {  	_ =	swait.ge [sflag:s10], $0x6000  }
0x1c6: {  	[sflag:s10] =	ssyncset.done $0x0  }
0x1c7: {  	s8 =	simm.s32 $0x0;
	s12 =	rddreg [dreg:$0x9];
	[sflag:s10] =	ssyncadd.s32 $0xFFFFA000  }
0x1c8: {  	[hbm4b:s12+s8] =	stream.linear.scatter [tilespmem:s3], [sflag:$0x2], $0xC000, $0x38;
	[tilespmem:$0x19200] =	vst v63  }
0x1c9: {  	v0 =	vld [tilespmem:$0x18D00]  }
0x1ca: {  	v1 =	vld [tilespmem:$0x18D10]  }
0x1cb: {  	v2 =	vld [tilespmem:$0x18D20]  }
0x1cc: {  	v3 =	vld [tilespmem:$0x18D30]  }
0x1cd: {  	v4 =	vld [tilespmem:$0x18D40]  }
0x1ce: {  	v5 =	vld [tilespmem:$0x18D50]  }
0x1cf: {  	v6 =	vld [tilespmem:$0x18D60]  }
0x1d0: {  	v7 =	vld [tilespmem:$0x18D70]  }
0x1d1: {  	v8 =	vld [tilespmem:$0x18F00]  }
0x1d2: {  	v9 =	vld [tilespmem:$0x18F10]  }
0x1d3: {  	v10 =	vld [tilespmem:$0x18F20]  }
0x1d4: {  	v11 =	vld [tilespmem:$0x18F30]  }
0x1d5: {  	v12 =	vld [tilespmem:$0x18F40]  }
0x1d6: {  	v13 =	vld [tilespmem:$0x18F50]  }
0x1d7: {  	v14 =	vld [tilespmem:$0x18F60]  }
0x1d8: {  	v15 =	vld [tilespmem:$0x18F70]  }
0x1d9: {  	v16 =	vld [tilespmem:$0x19100]  }
0x1da: {  	v17 =	vld [tilespmem:$0x19110]  }
0x1db: {  	v18 =	vld [tilespmem:$0x19120]  }
0x1dc: {  	v19 =	vld [tilespmem:$0x19130]  }
0x1dd: {  	v20 =	vld [tilespmem:$0x19140]  }
0x1de: {  	v21 =	vld [tilespmem:$0x19150]  }
0x1df: {  	v22 =	vld [tilespmem:$0x19160]  }
0x1e0: {  	v23 =	vld [tilespmem:$0x19170];
	_ =	swait.ge [sflag:s4], $0xC000  }
0x1e1: {  	[sflag:s4] =	ssyncset.done $0x0  }
0x1e2: {  	s13 =	simm.s32 $0x1800;
	[sflag:s4] =	ssyncadd.s32 $0xFFFF4000  }
0x1e3: {  	[tilespmem:s13], [sflag:$0x1] =	stream.linear.gather [spmem:s2], $0xC00, $0x38;
	[tilespmem:$0x19200] =	vst v63  }
0x1e4: {  	s11 =	simm.s32 $0x3000  }
0x1e5: {  	[tilespmem:s11], [sflag:$0x1] =	stream.linear.gather [spmem:s15], $0xC00, $0x38;
	[tilespmem:$0x19200] =	vst v63  }
0x1e6: {  	s12 =	simm.s32 $0x4800  }
0x1e7: {  	[tilespmem:s12], [sflag:$0x1] =	stream.linear.gather [spmem:s16], $0xC00, $0x38;
	[tilespmem:$0x19200] =	vst v63  }
0x1e8: {  	s13 =	simm.s32 $0x6000  }
0x1e9: {  	[tilespmem:s13], [sflag:$0x1] =	stream.linear.gather [spmem:s17], $0xC00, $0x38;
	[tilespmem:$0x19200] =	vst v63  }
0x1ea: {  	s11 =	simm.s32 $0x7800  }
0x1eb: {  	[tilespmem:s11], [sflag:$0x1] =	stream.linear.gather [spmem:s18], $0xC00, $0x38;
	[tilespmem:$0x19200] =	vst v63  }
0x1ec: {  	s12 =	simm.s32 $0x9000;
	s11 =	simm.s32 $0x0  }
0x1ed: {  	[tilespmem:s12], [sflag:$0x1] =	stream.linear.gather [spmem:s19], $0xC00, $0x38;
	[tilespmem:$0x19200] =	vst v63  }
0x1ee: {  	s13 =	simm.s32 $0xA800;
	s9 =	smul.u32 $0x6000, s11  }
0x1ef: {  	[tilespmem:s13], [sflag:$0x1] =	stream.linear.gather [spmem:s20], $0xC00, $0x38;
	[tilespmem:$0x19200] =	vst v63  }
0x1f0: {  	s9 =	sshra.s32 s9, $0x2;
	s13 =	sand.u32 $0x380, s8  }
0x1f1: {  	s12 =	simm.s32 $0xC000;
	s9 =	sor.u32 s13, s9  }
0x1f2: {  	[tilespmem:s12], [sflag:$0x1] =	stream.linear.gather [spmem:s21], $0xC00, $0x38;
	[tilespmem:$0x19200] =	vst v63  }
0x1f3: {  	[tilespmem:s9+$0x1470] =	vst v23  }
0x1f4: {  	[tilespmem:s9+$0xC00] =	vst v0  }
0x1f5: {  	[tilespmem:s9+$0xC10] =	vst v1  }
0x1f6: {  	[tilespmem:s9+$0xC20] =	vst v2  }
0x1f7: {  	[tilespmem:s9+$0xC30] =	vst v3  }
0x1f8: {  	[tilespmem:s9+$0xC40] =	vst v4  }
0x1f9: {  	[tilespmem:s9+$0xC50] =	vst v5  }
0x1fa: {  	[tilespmem:s9+$0xC60] =	vst v6  }
0x1fb: {  	[tilespmem:s9+$0xC70] =	vst v7  }
0x1fc: {  	[tilespmem:s9+$0x1000] =	vst v8  }
0x1fd: {  	[tilespmem:s9+$0x1010] =	vst v9  }
0x1fe: {  	[tilespmem:s9+$0x1020] =	vst v10  }
0x1ff: {  	[tilespmem:s9+$0x1030] =	vst v11  }
0x200: {  	[tilespmem:s9+$0x1040] =	vst v12  }
0x201: {  	[tilespmem:s9+$0x1050] =	vst v13  }
0x202: {  	[tilespmem:s9+$0x1060] =	vst v14  }
0x203: {  	[tilespmem:s9+$0x1070] =	vst v15  }
0x204: {  	[tilespmem:s9+$0x1400] =	vst v16  }
0x205: {  	[tilespmem:s9+$0x1410] =	vst v17  }
0x206: {  	s11 =	simm.s32 $0x2;
	s12 =	simm.s32 $0x0;
	[tilespmem:s9+$0x1420] =	vst v18  }
.LBB2_10:
0x207: {  	p1 =	sne.s32 s11, $0x3F;
	s12 =	smul.u32 $0x6000, s12;
	[tilespmem:s9+$0x1430] =	vst v19  }
0x208: {  	s8 =	sadd.s32 $0x80, s8;
	[tilespmem:s9+$0x1440] =	vst v20  }
0x209: {  	s13 =	sand.u32 $0x380, s8;
	s12 =	sshra.s32 s12, $0x2;
	[tilespmem:s9+$0x1450] =	vst v21  }
0x20a: {  	[tilespmem:s9+$0x1460] =	vst v22;
	s9 =	sor.u32 s13, s12  }
0x20b: {  	[tilespmem:s9+$0x1470] =	vst v23  }
0x20c: {  	[tilespmem:s9+$0xC00] =	vst v0  }
0x20d: {  	[tilespmem:s9+$0xC10] =	vst v1  }
0x20e: {  	[tilespmem:s9+$0xC20] =	vst v2  }
0x20f: {  	[tilespmem:s9+$0xC30] =	vst v3  }
0x210: {  	[tilespmem:s9+$0xC40] =	vst v4  }
0x211: {  	[tilespmem:s9+$0xC50] =	vst v5  }
0x212: {  	[tilespmem:s9+$0xC60] =	vst v6  }
0x213: {  	[tilespmem:s9+$0xC70] =	vst v7  }
0x214: {  	[tilespmem:s9+$0x1000] =	vst v8  }
0x215: {  	[tilespmem:s9+$0x1010] =	vst v9  }
0x216: {  	[tilespmem:s9+$0x1020] =	vst v10  }
0x217: {  	[tilespmem:s9+$0x1030] =	vst v11  }
0x218: {  	[tilespmem:s9+$0x1040] =	vst v12  }
0x219: {  	[tilespmem:s9+$0x1050] =	vst v13  }
.Ltmp4:
0x21a: {  	[tilespmem:s9+$0x1060] =	vst v14;
	(pc) =	sbr.rel @p1 .LBB2_10-.Ltmp4, $4  }
0x21b: {  	[tilespmem:s9+$0x1070] =	vst v15  }
0x21c: {  	[tilespmem:s9+$0x1400] =	vst v16  }
0x21d: {  	[tilespmem:s9+$0x1410] =	vst v17  }
0x21e: {  	s12 =	sshrl.u32 s11, $0x3;
	s11 =	sadd.s32 $0x1, s11;
	[tilespmem:s9+$0x1420] =	vst v18  }
0x21f: {  	s11 =	smul.u32 $0x6000, s12;
	[tilespmem:s9+$0x1430] =	vst v19  }
0x220: {  	[tilespmem:s9+$0x1440] =	vst v20;
	s8 =	sadd.s32 $0x80, s8  }
0x221: {  	[tilespmem:s9+$0x1450] =	vst v21;
	s8 =	sand.u32 $0x380, s8;
	s11 =	sshra.s32 s11, $0x2  }
0x222: {  	[tilespmem:s9+$0x1460] =	vst v22;
	s8 =	sor.u32 s8, s11  }
0x223: {  	[tilespmem:s8+$0x1470] =	vst v23  }
0x224: {  	[tilespmem:s8+$0xC00] =	vst v0  }
0x225: {  	[tilespmem:s8+$0xC10] =	vst v1  }
0x226: {  	[tilespmem:s8+$0xC20] =	vst v2  }
0x227: {  	[tilespmem:s8+$0xC30] =	vst v3  }
0x228: {  	[tilespmem:s8+$0xC40] =	vst v4  }
0x229: {  	[tilespmem:s8+$0xC50] =	vst v5  }
0x22a: {  	[tilespmem:s8+$0xC60] =	vst v6  }
0x22b: {  	[tilespmem:s8+$0xC70] =	vst v7  }
0x22c: {  	[tilespmem:s8+$0x1000] =	vst v8  }
0x22d: {  	[tilespmem:s8+$0x1010] =	vst v9  }
0x22e: {  	[tilespmem:s8+$0x1020] =	vst v10  }
0x22f: {  	[tilespmem:s8+$0x1030] =	vst v11  }
0x230: {  	[tilespmem:s8+$0x1040] =	vst v12  }
0x231: {  	[tilespmem:s8+$0x1050] =	vst v13  }
0x232: {  	[tilespmem:s8+$0x1060] =	vst v14  }
0x233: {  	[tilespmem:s8+$0x1070] =	vst v15  }
0x234: {  	[tilespmem:s8+$0x1400] =	vst v16  }
0x235: {  	[tilespmem:s8+$0x1410] =	vst v17  }
0x236: {  	[tilespmem:s8+$0x1420] =	vst v18  }
0x237: {  	[tilespmem:s8+$0x1430] =	vst v19  }
0x238: {  	[tilespmem:s8+$0x1440] =	vst v20  }
0x239: {  	[tilespmem:s8+$0x1450] =	vst v21  }
0x23a: {  	[tilespmem:s8+$0x1460] =	vst v22  }
0x23b: {  	_ =	swait.ge [sflag:s10], $0x6000  }
0x23c: {  	s12 =	simm.s32 $0xC00;
	[sflag:s10] =	ssyncset.done $0x0  }
0x23d: {  	s8 =	simm.s32 $0x0;
	s11 =	rddreg [dreg:$0xa];
	[sflag:s10] =	ssyncadd.s32 $0xFFFFA000  }
0x23e: {  	[hbm4b:s11+s8] =	stream.linear.scatter [tilespmem:s12], [sflag:$0x2], $0xC000, $0x38;
	[tilespmem:$0x19200] =	vst v63  }
0x23f: {  	_ =	swait.ge [sflag:s4], $0xC000  }
0x240: {  	[sflag:s4] =	ssyncset.done $0x0  }
0x241: {  	s13 =	simm.s32 $0xD800;
	[sflag:s4] =	ssyncadd.s32 $0xFFFF4000  }
0x242: {  	[tilespmem:s13], [sflag:$0x1] =	stream.linear.gather [spmem:s6], $0xC00, $0x38;
	[tilespmem:$0x19200] =	vst v63  }
0x243: {  	s11 =	simm.s32 $0xF000  }
0x244: {  	[tilespmem:s11], [sflag:$0x1] =	stream.linear.gather [spmem:s22], $0xC00, $0x38;
	[tilespmem:$0x19200] =	vst v63  }
0x245: {  	_ = 	snop  }
0x246: {  	[tilespmem:s14], [sflag:$0x1] =	stream.linear.gather [spmem:s23], $0xC00, $0x38;
	[tilespmem:$0x19200] =	vst v63  }
0x247: {  	_ = 	snop  }
0x248: {  	[tilespmem:s5], [sflag:$0x1] =	stream.linear.gather [spmem:s24], $0xC00, $0x38;
	[tilespmem:$0x19200] =	vst v63  }
0x249: {  	s12 =	simm.s32 $0x0  }
0x24a: {  	[tilespmem:s1], [sflag:$0x1] =	stream.linear.gather [spmem:s25], $0xC00, $0x38;
	[tilespmem:$0x19200] =	vst v63  }
0x24b: {  	s9 =	smul.u32 $0x6000, s12  }
0x24c: {  	[tilespmem:s30], [sflag:$0x1] =	stream.linear.gather [spmem:s26], $0xC00, $0x38;
	[tilespmem:$0x19200] =	vst v63  }
0x24d: {  	s9 =	sshra.s32 s9, $0x2;
	s13 =	sand.u32 $0x380, s8  }
0x24e: {  	[tilespmem:s31], [sflag:$0x1] =	stream.linear.gather [spmem:s28], $0xC00, $0x38;
	[tilespmem:$0x19200] =	vst v63  }
0x24f: {  	s9 =	sor.u32 s13, s9  }
0x250: {  	[tilespmem:s0], [sflag:$0x1] =	stream.linear.gather [spmem:s29], $0xC00, $0x38;
	[tilespmem:$0x19200] =	vst v63  }
0x251: {  	[tilespmem:s9+$0xD470] =	vst v23  }
0x252: {  	[tilespmem:s9+$0xCC00] =	vst v0  }
0x253: {  	[tilespmem:s9+$0xCC10] =	vst v1  }
0x254: {  	[tilespmem:s9+$0xCC20] =	vst v2  }
0x255: {  	[tilespmem:s9+$0xCC30] =	vst v3  }
0x256: {  	[tilespmem:s9+$0xCC40] =	vst v4  }
0x257: {  	[tilespmem:s9+$0xCC50] =	vst v5  }
0x258: {  	[tilespmem:s9+$0xCC60] =	vst v6  }
0x259: {  	[tilespmem:s9+$0xCC70] =	vst v7  }
0x25a: {  	[tilespmem:s9+$0xD000] =	vst v8  }
0x25b: {  	[tilespmem:s9+$0xD010] =	vst v9  }
0x25c: {  	[tilespmem:s9+$0xD020] =	vst v10  }
0x25d: {  	[tilespmem:s9+$0xD030] =	vst v11  }
0x25e: {  	[tilespmem:s9+$0xD040] =	vst v12  }
0x25f: {  	[tilespmem:s9+$0xD050] =	vst v13  }
0x260: {  	[tilespmem:s9+$0xD060] =	vst v14  }
0x261: {  	[tilespmem:s9+$0xD070] =	vst v15  }
0x262: {  	[tilespmem:s9+$0xD400] =	vst v16  }
0x263: {  	[tilespmem:s9+$0xD410] =	vst v17  }
0x264: {  	s12 =	simm.s32 $0x0;
	s11 =	simm.s32 $0x2;
	[tilespmem:s9+$0xD420] =	vst v18  }
.LBB2_12:
0x265: {  	p1 =	sne.s32 s11, $0x3F;
	s12 =	smul.u32 $0x6000, s12;
	[tilespmem:s9+$0xD430] =	vst v19  }
0x266: {  	s8 =	sadd.s32 $0x80, s8;
	[tilespmem:s9+$0xD440] =	vst v20  }
0x267: {  	s13 =	sand.u32 $0x380, s8;
	s12 =	sshra.s32 s12, $0x2;
	[tilespmem:s9+$0xD450] =	vst v21  }
0x268: {  	[tilespmem:s9+$0xD460] =	vst v22;
	s9 =	sor.u32 s13, s12  }
0x269: {  	[tilespmem:s9+$0xD470] =	vst v23  }
0x26a: {  	[tilespmem:s9+$0xCC00] =	vst v0  }
0x26b: {  	[tilespmem:s9+$0xCC10] =	vst v1  }
0x26c: {  	[tilespmem:s9+$0xCC20] =	vst v2  }
0x26d: {  	[tilespmem:s9+$0xCC30] =	vst v3  }
0x26e: {  	[tilespmem:s9+$0xCC40] =	vst v4  }
0x26f: {  	[tilespmem:s9+$0xCC50] =	vst v5  }
0x270: {  	[tilespmem:s9+$0xCC60] =	vst v6  }
0x271: {  	[tilespmem:s9+$0xCC70] =	vst v7  }
0x272: {  	[tilespmem:s9+$0xD000] =	vst v8  }
0x273: {  	[tilespmem:s9+$0xD010] =	vst v9  }
0x274: {  	[tilespmem:s9+$0xD020] =	vst v10  }
0x275: {  	[tilespmem:s9+$0xD030] =	vst v11  }
0x276: {  	[tilespmem:s9+$0xD040] =	vst v12  }
0x277: {  	[tilespmem:s9+$0xD050] =	vst v13  }
.Ltmp5:
0x278: {  	[tilespmem:s9+$0xD060] =	vst v14;
	(pc) =	sbr.rel @p1 .LBB2_12-.Ltmp5, $4  }
0x279: {  	[tilespmem:s9+$0xD070] =	vst v15  }
0x27a: {  	[tilespmem:s9+$0xD400] =	vst v16  }
0x27b: {  	[tilespmem:s9+$0xD410] =	vst v17  }
0x27c: {  	s12 =	sshrl.u32 s11, $0x3;
	s11 =	sadd.s32 $0x1, s11;
	[tilespmem:s9+$0xD420] =	vst v18  }
0x27d: {  	s11 =	smul.u32 $0x6000, s12;
	[tilespmem:s9+$0xD430] =	vst v19  }
0x27e: {  	[tilespmem:s9+$0xD440] =	vst v20;
	s8 =	sadd.s32 $0x80, s8  }
0x27f: {  	[tilespmem:s9+$0xD450] =	vst v21;
	s8 =	sand.u32 $0x380, s8;
	s11 =	sshra.s32 s11, $0x2  }
0x280: {  	[tilespmem:s9+$0xD460] =	vst v22;
	s8 =	sor.u32 s8, s11  }
0x281: {  	[tilespmem:s8+$0xD470] =	vst v23  }
0x282: {  	[tilespmem:s8+$0xCC00] =	vst v0  }
0x283: {  	[tilespmem:s8+$0xCC10] =	vst v1  }
0x284: {  	[tilespmem:s8+$0xCC20] =	vst v2  }
0x285: {  	[tilespmem:s8+$0xCC30] =	vst v3  }
0x286: {  	[tilespmem:s8+$0xCC40] =	vst v4  }
0x287: {  	[tilespmem:s8+$0xCC50] =	vst v5  }
0x288: {  	[tilespmem:s8+$0xCC60] =	vst v6  }
0x289: {  	[tilespmem:s8+$0xCC70] =	vst v7  }
0x28a: {  	[tilespmem:s8+$0xD000] =	vst v8  }
0x28b: {  	[tilespmem:s8+$0xD010] =	vst v9  }
0x28c: {  	[tilespmem:s8+$0xD020] =	vst v10  }
0x28d: {  	[tilespmem:s8+$0xD030] =	vst v11  }
0x28e: {  	[tilespmem:s8+$0xD040] =	vst v12  }
0x28f: {  	[tilespmem:s8+$0xD050] =	vst v13  }
0x290: {  	[tilespmem:s8+$0xD060] =	vst v14  }
0x291: {  	[tilespmem:s8+$0xD070] =	vst v15  }
0x292: {  	[tilespmem:s8+$0xD400] =	vst v16  }
0x293: {  	[tilespmem:s8+$0xD410] =	vst v17  }
0x294: {  	[tilespmem:s8+$0xD420] =	vst v18  }
0x295: {  	[tilespmem:s8+$0xD430] =	vst v19  }
0x296: {  	[tilespmem:s8+$0xD440] =	vst v20  }
0x297: {  	[tilespmem:s8+$0xD450] =	vst v21  }
0x298: {  	[tilespmem:s8+$0xD460] =	vst v22  }
0x299: {  	_ =	swait.ge [sflag:s10], $0x6000  }
0x29a: {  	[sflag:s10] =	ssyncset.done $0x0  }
0x29b: {  	s8 =	simm.s32 $0x0;
	s12 =	rddreg [dreg:$0xb];
	[sflag:s10] =	ssyncadd.s32 $0xFFFFA000  }
0x29c: {  	[hbm4b:s12+s8] =	stream.linear.scatter [tilespmem:s3], [sflag:$0x2], $0xC000, $0x38;
	[tilespmem:$0x19200] =	vst v63  }
0x29d: {  	v0 =	vld [tilespmem:$0x18D80]  }
0x29e: {  	v1 =	vld [tilespmem:$0x18D90]  }
0x29f: {  	v2 =	vld [tilespmem:$0x18DA0]  }
0x2a0: {  	v3 =	vld [tilespmem:$0x18DB0]  }
0x2a1: {  	v4 =	vld [tilespmem:$0x18DC0]  }
0x2a2: {  	v5 =	vld [tilespmem:$0x18DD0]  }
0x2a3: {  	v6 =	vld [tilespmem:$0x18DE0]  }
0x2a4: {  	v7 =	vld [tilespmem:$0x18DF0]  }
0x2a5: {  	v8 =	vld [tilespmem:$0x18F80]  }
0x2a6: {  	v9 =	vld [tilespmem:$0x18F90]  }
0x2a7: {  	v10 =	vld [tilespmem:$0x18FA0]  }
0x2a8: {  	v11 =	vld [tilespmem:$0x18FB0]  }
0x2a9: {  	v12 =	vld [tilespmem:$0x18FC0]  }
0x2aa: {  	v13 =	vld [tilespmem:$0x18FD0]  }
0x2ab: {  	v14 =	vld [tilespmem:$0x18FE0]  }
0x2ac: {  	v15 =	vld [tilespmem:$0x18FF0]  }
0x2ad: {  	v16 =	vld [tilespmem:$0x19180]  }
0x2ae: {  	v17 =	vld [tilespmem:$0x19190]  }
0x2af: {  	v18 =	vld [tilespmem:$0x191A0]  }
0x2b0: {  	v19 =	vld [tilespmem:$0x191B0]  }
0x2b1: {  	v20 =	vld [tilespmem:$0x191C0]  }
0x2b2: {  	v21 =	vld [tilespmem:$0x191D0]  }
0x2b3: {  	v22 =	vld [tilespmem:$0x191E0]  }
0x2b4: {  	v23 =	vld [tilespmem:$0x191F0];
	_ =	swait.ge [sflag:s4], $0xC000  }
0x2b5: {  	[sflag:s4] =	ssyncset.done $0x0  }
0x2b6: {  	s13 =	simm.s32 $0x1800;
	[sflag:s4] =	ssyncadd.s32 $0xFFFF4000  }
0x2b7: {  	[tilespmem:s13], [sflag:$0x1] =	stream.linear.gather [spmem:s2], $0xC00, $0x38;
	[tilespmem:$0x19200] =	vst v63  }
0x2b8: {  	s11 =	simm.s32 $0x3000  }
0x2b9: {  	[tilespmem:s11], [sflag:$0x1] =	stream.linear.gather [spmem:s15], $0xC00, $0x38;
	[tilespmem:$0x19200] =	vst v63  }
0x2ba: {  	s12 =	simm.s32 $0x4800  }
0x2bb: {  	[tilespmem:s12], [sflag:$0x1] =	stream.linear.gather [spmem:s16], $0xC00, $0x38;
	[tilespmem:$0x19200] =	vst v63  }
0x2bc: {  	s13 =	simm.s32 $0x6000  }
0x2bd: {  	[tilespmem:s13], [sflag:$0x1] =	stream.linear.gather [spmem:s17], $0xC00, $0x38;
	[tilespmem:$0x19200] =	vst v63  }
0x2be: {  	s11 =	simm.s32 $0x7800  }
0x2bf: {  	[tilespmem:s11], [sflag:$0x1] =	stream.linear.gather [spmem:s18], $0xC00, $0x38;
	[tilespmem:$0x19200] =	vst v63  }
0x2c0: {  	s12 =	simm.s32 $0x9000;
	s11 =	simm.s32 $0x0  }
0x2c1: {  	[tilespmem:s12], [sflag:$0x1] =	stream.linear.gather [spmem:s19], $0xC00, $0x38;
	[tilespmem:$0x19200] =	vst v63  }
0x2c2: {  	s13 =	simm.s32 $0xA800;
	s9 =	smul.u32 $0x6000, s11  }
0x2c3: {  	[tilespmem:s13], [sflag:$0x1] =	stream.linear.gather [spmem:s20], $0xC00, $0x38;
	[tilespmem:$0x19200] =	vst v63  }
0x2c4: {  	s9 =	sshra.s32 s9, $0x2;
	s13 =	sand.u32 $0x380, s8  }
0x2c5: {  	s12 =	simm.s32 $0xC000;
	s9 =	sor.u32 s13, s9  }
0x2c6: {  	[tilespmem:s12], [sflag:$0x1] =	stream.linear.gather [spmem:s21], $0xC00, $0x38;
	[tilespmem:$0x19200] =	vst v63  }
0x2c7: {  	[tilespmem:s9+$0x1470] =	vst v23  }
0x2c8: {  	[tilespmem:s9+$0xC00] =	vst v0  }
0x2c9: {  	[tilespmem:s9+$0xC10] =	vst v1  }
0x2ca: {  	[tilespmem:s9+$0xC20] =	vst v2  }
0x2cb: {  	[tilespmem:s9+$0xC30] =	vst v3  }
0x2cc: {  	[tilespmem:s9+$0xC40] =	vst v4  }
0x2cd: {  	[tilespmem:s9+$0xC50] =	vst v5  }
0x2ce: {  	[tilespmem:s9+$0xC60] =	vst v6  }
0x2cf: {  	[tilespmem:s9+$0xC70] =	vst v7  }
0x2d0: {  	[tilespmem:s9+$0x1000] =	vst v8  }
0x2d1: {  	[tilespmem:s9+$0x1010] =	vst v9  }
0x2d2: {  	[tilespmem:s9+$0x1020] =	vst v10  }
0x2d3: {  	[tilespmem:s9+$0x1030] =	vst v11  }
0x2d4: {  	[tilespmem:s9+$0x1040] =	vst v12  }
0x2d5: {  	[tilespmem:s9+$0x1050] =	vst v13  }
0x2d6: {  	[tilespmem:s9+$0x1060] =	vst v14  }
0x2d7: {  	[tilespmem:s9+$0x1070] =	vst v15  }
0x2d8: {  	[tilespmem:s9+$0x1400] =	vst v16  }
0x2d9: {  	[tilespmem:s9+$0x1410] =	vst v17  }
0x2da: {  	s11 =	simm.s32 $0x2;
	s12 =	simm.s32 $0x0;
	[tilespmem:s9+$0x1420] =	vst v18  }
.LBB2_14:
0x2db: {  	p1 =	sne.s32 s11, $0x3F;
	s12 =	smul.u32 $0x6000, s12;
	[tilespmem:s9+$0x1430] =	vst v19  }
0x2dc: {  	s8 =	sadd.s32 $0x80, s8;
	[tilespmem:s9+$0x1440] =	vst v20  }
0x2dd: {  	s13 =	sand.u32 $0x380, s8;
	s12 =	sshra.s32 s12, $0x2;
	[tilespmem:s9+$0x1450] =	vst v21  }
0x2de: {  	[tilespmem:s9+$0x1460] =	vst v22;
	s9 =	sor.u32 s13, s12  }
0x2df: {  	[tilespmem:s9+$0x1470] =	vst v23  }
0x2e0: {  	[tilespmem:s9+$0xC00] =	vst v0  }
0x2e1: {  	[tilespmem:s9+$0xC10] =	vst v1  }
0x2e2: {  	[tilespmem:s9+$0xC20] =	vst v2  }
0x2e3: {  	[tilespmem:s9+$0xC30] =	vst v3  }
0x2e4: {  	[tilespmem:s9+$0xC40] =	vst v4  }
0x2e5: {  	[tilespmem:s9+$0xC50] =	vst v5  }
0x2e6: {  	[tilespmem:s9+$0xC60] =	vst v6  }
0x2e7: {  	[tilespmem:s9+$0xC70] =	vst v7  }
0x2e8: {  	[tilespmem:s9+$0x1000] =	vst v8  }
0x2e9: {  	[tilespmem:s9+$0x1010] =	vst v9  }
0x2ea: {  	[tilespmem:s9+$0x1020] =	vst v10  }
0x2eb: {  	[tilespmem:s9+$0x1030] =	vst v11  }
0x2ec: {  	[tilespmem:s9+$0x1040] =	vst v12  }
0x2ed: {  	[tilespmem:s9+$0x1050] =	vst v13  }
.Ltmp6:
0x2ee: {  	[tilespmem:s9+$0x1060] =	vst v14;
	(pc) =	sbr.rel @p1 .LBB2_14-.Ltmp6, $4  }
0x2ef: {  	[tilespmem:s9+$0x1070] =	vst v15  }
0x2f0: {  	[tilespmem:s9+$0x1400] =	vst v16  }
0x2f1: {  	[tilespmem:s9+$0x1410] =	vst v17  }
0x2f2: {  	s12 =	sshrl.u32 s11, $0x3;
	s11 =	sadd.s32 $0x1, s11;
	[tilespmem:s9+$0x1420] =	vst v18  }
0x2f3: {  	s11 =	smul.u32 $0x6000, s12;
	[tilespmem:s9+$0x1430] =	vst v19  }
0x2f4: {  	[tilespmem:s9+$0x1440] =	vst v20;
	s8 =	sadd.s32 $0x80, s8  }
0x2f5: {  	[tilespmem:s9+$0x1450] =	vst v21;
	s8 =	sand.u32 $0x380, s8;
	s11 =	sshra.s32 s11, $0x2  }
0x2f6: {  	[tilespmem:s9+$0x1460] =	vst v22;
	s8 =	sor.u32 s8, s11  }
0x2f7: {  	[tilespmem:s8+$0x1470] =	vst v23  }
0x2f8: {  	[tilespmem:s8+$0xC00] =	vst v0  }
0x2f9: {  	[tilespmem:s8+$0xC10] =	vst v1  }
0x2fa: {  	[tilespmem:s8+$0xC20] =	vst v2  }
0x2fb: {  	[tilespmem:s8+$0xC30] =	vst v3  }
0x2fc: {  	[tilespmem:s8+$0xC40] =	vst v4  }
0x2fd: {  	[tilespmem:s8+$0xC50] =	vst v5  }
0x2fe: {  	[tilespmem:s8+$0xC60] =	vst v6  }
0x2ff: {  	[tilespmem:s8+$0xC70] =	vst v7  }
0x300: {  	[tilespmem:s8+$0x1000] =	vst v8  }
0x301: {  	[tilespmem:s8+$0x1010] =	vst v9  }
0x302: {  	[tilespmem:s8+$0x1020] =	vst v10  }
0x303: {  	[tilespmem:s8+$0x1030] =	vst v11  }
0x304: {  	[tilespmem:s8+$0x1040] =	vst v12  }
0x305: {  	[tilespmem:s8+$0x1050] =	vst v13  }
0x306: {  	[tilespmem:s8+$0x1060] =	vst v14  }
0x307: {  	[tilespmem:s8+$0x1070] =	vst v15  }
0x308: {  	[tilespmem:s8+$0x1400] =	vst v16  }
0x309: {  	[tilespmem:s8+$0x1410] =	vst v17  }
0x30a: {  	[tilespmem:s8+$0x1420] =	vst v18  }
0x30b: {  	[tilespmem:s8+$0x1430] =	vst v19  }
0x30c: {  	[tilespmem:s8+$0x1440] =	vst v20  }
0x30d: {  	[tilespmem:s8+$0x1450] =	vst v21  }
0x30e: {  	[tilespmem:s8+$0x1460] =	vst v22  }
0x30f: {  	_ =	swait.ge [sflag:s10], $0x6000  }
0x310: {  	s12 =	simm.s32 $0xC00;
	[sflag:s10] =	ssyncset.done $0x0  }
0x311: {  	s8 =	simm.s32 $0x0;
	s11 =	rddreg [dreg:$0xc];
	[sflag:s10] =	ssyncadd.s32 $0xFFFFA000  }
0x312: {  	[hbm4b:s11+s8] =	stream.linear.scatter [tilespmem:s12], [sflag:$0x2], $0xC000, $0x38;
	[tilespmem:$0x19200] =	vst v63  }
0x313: {  	_ =	swait.ge [sflag:s4], $0xC000  }
0x314: {  	[sflag:s4] =	ssyncset.done $0x0  }
0x315: {  	s13 =	simm.s32 $0xD800;
	[sflag:s4] =	ssyncadd.s32 $0xFFFF4000  }
0x316: {  	[tilespmem:s13], [sflag:$0x1] =	stream.linear.gather [spmem:s6], $0xC00, $0x38;
	[tilespmem:$0x19200] =	vst v63  }
0x317: {  	s11 =	simm.s32 $0xF000  }
0x318: {  	[tilespmem:s11], [sflag:$0x1] =	stream.linear.gather [spmem:s22], $0xC00, $0x38;
	[tilespmem:$0x19200] =	vst v63  }
0x319: {  	_ = 	snop  }
0x31a: {  	[tilespmem:s14], [sflag:$0x1] =	stream.linear.gather [spmem:s23], $0xC00, $0x38;
	[tilespmem:$0x19200] =	vst v63  }
0x31b: {  	_ = 	snop  }
0x31c: {  	[tilespmem:s5], [sflag:$0x1] =	stream.linear.gather [spmem:s24], $0xC00, $0x38;
	[tilespmem:$0x19200] =	vst v63  }
0x31d: {  	s12 =	simm.s32 $0x0  }
0x31e: {  	[tilespmem:s1], [sflag:$0x1] =	stream.linear.gather [spmem:s25], $0xC00, $0x38;
	[tilespmem:$0x19200] =	vst v63  }
0x31f: {  	s9 =	smul.u32 $0x6000, s12  }
0x320: {  	[tilespmem:s30], [sflag:$0x1] =	stream.linear.gather [spmem:s26], $0xC00, $0x38;
	[tilespmem:$0x19200] =	vst v63  }
0x321: {  	s9 =	sshra.s32 s9, $0x2;
	s13 =	sand.u32 $0x380, s8  }
0x322: {  	[tilespmem:s31], [sflag:$0x1] =	stream.linear.gather [spmem:s28], $0xC00, $0x38;
	[tilespmem:$0x19200] =	vst v63  }
0x323: {  	s9 =	sor.u32 s13, s9  }
0x324: {  	[tilespmem:s0], [sflag:$0x1] =	stream.linear.gather [spmem:s29], $0xC00, $0x38;
	[tilespmem:$0x19200] =	vst v63  }
0x325: {  	[tilespmem:s9+$0xD470] =	vst v23  }
0x326: {  	[tilespmem:s9+$0xCC00] =	vst v0  }
0x327: {  	[tilespmem:s9+$0xCC10] =	vst v1  }
0x328: {  	[tilespmem:s9+$0xCC20] =	vst v2  }
0x329: {  	[tilespmem:s9+$0xCC30] =	vst v3  }
0x32a: {  	[tilespmem:s9+$0xCC40] =	vst v4  }
0x32b: {  	[tilespmem:s9+$0xCC50] =	vst v5  }
0x32c: {  	[tilespmem:s9+$0xCC60] =	vst v6  }
0x32d: {  	[tilespmem:s9+$0xCC70] =	vst v7  }
0x32e: {  	[tilespmem:s9+$0xD000] =	vst v8  }
0x32f: {  	[tilespmem:s9+$0xD010] =	vst v9  }
0x330: {  	[tilespmem:s9+$0xD020] =	vst v10  }
0x331: {  	[tilespmem:s9+$0xD030] =	vst v11  }
0x332: {  	[tilespmem:s9+$0xD040] =	vst v12  }
0x333: {  	[tilespmem:s9+$0xD050] =	vst v13  }
0x334: {  	[tilespmem:s9+$0xD060] =	vst v14  }
0x335: {  	[tilespmem:s9+$0xD070] =	vst v15  }
0x336: {  	[tilespmem:s9+$0xD400] =	vst v16  }
0x337: {  	[tilespmem:s9+$0xD410] =	vst v17  }
0x338: {  	s12 =	simm.s32 $0x0;
	s11 =	simm.s32 $0x2;
	[tilespmem:s9+$0xD420] =	vst v18  }
.LBB2_16:
0x339: {  	p1 =	sne.s32 s11, $0x3F;
	s12 =	smul.u32 $0x6000, s12;
	[tilespmem:s9+$0xD430] =	vst v19  }
0x33a: {  	s8 =	sadd.s32 $0x80, s8;
	[tilespmem:s9+$0xD440] =	vst v20  }
0x33b: {  	s13 =	sand.u32 $0x380, s8;
	s12 =	sshra.s32 s12, $0x2;
	[tilespmem:s9+$0xD450] =	vst v21  }
0x33c: {  	[tilespmem:s9+$0xD460] =	vst v22;
	s9 =	sor.u32 s13, s12  }
0x33d: {  	[tilespmem:s9+$0xD470] =	vst v23  }
0x33e: {  	[tilespmem:s9+$0xCC00] =	vst v0  }
0x33f: {  	[tilespmem:s9+$0xCC10] =	vst v1  }
0x340: {  	[tilespmem:s9+$0xCC20] =	vst v2  }
0x341: {  	[tilespmem:s9+$0xCC30] =	vst v3  }
0x342: {  	[tilespmem:s9+$0xCC40] =	vst v4  }
0x343: {  	[tilespmem:s9+$0xCC50] =	vst v5  }
0x344: {  	[tilespmem:s9+$0xCC60] =	vst v6  }
0x345: {  	[tilespmem:s9+$0xCC70] =	vst v7  }
0x346: {  	[tilespmem:s9+$0xD000] =	vst v8  }
0x347: {  	[tilespmem:s9+$0xD010] =	vst v9  }
0x348: {  	[tilespmem:s9+$0xD020] =	vst v10  }
0x349: {  	[tilespmem:s9+$0xD030] =	vst v11  }
0x34a: {  	[tilespmem:s9+$0xD040] =	vst v12  }
0x34b: {  	[tilespmem:s9+$0xD050] =	vst v13  }
.Ltmp7:
0x34c: {  	[tilespmem:s9+$0xD060] =	vst v14;
	(pc) =	sbr.rel @p1 .LBB2_16-.Ltmp7, $4  }
0x34d: {  	[tilespmem:s9+$0xD070] =	vst v15  }
0x34e: {  	[tilespmem:s9+$0xD400] =	vst v16  }
0x34f: {  	[tilespmem:s9+$0xD410] =	vst v17  }
0x350: {  	s12 =	sshrl.u32 s11, $0x3;
	s11 =	sadd.s32 $0x1, s11;
	[tilespmem:s9+$0xD420] =	vst v18  }
0x351: {  	s11 =	smul.u32 $0x6000, s12;
	[tilespmem:s9+$0xD430] =	vst v19  }
0x352: {  	[tilespmem:s9+$0xD440] =	vst v20;
	s8 =	sadd.s32 $0x80, s8  }
0x353: {  	[tilespmem:s9+$0xD450] =	vst v21;
	s8 =	sand.u32 $0x380, s8;
	s11 =	sshra.s32 s11, $0x2  }
0x354: {  	[tilespmem:s9+$0xD460] =	vst v22;
	s8 =	sor.u32 s8, s11  }
0x355: {  	[tilespmem:s8+$0xD470] =	vst v23  }
0x356: {  	[tilespmem:s8+$0xCC00] =	vst v0  }
0x357: {  	[tilespmem:s8+$0xCC10] =	vst v1  }
0x358: {  	[tilespmem:s8+$0xCC20] =	vst v2  }
0x359: {  	[tilespmem:s8+$0xCC30] =	vst v3  }
0x35a: {  	[tilespmem:s8+$0xCC40] =	vst v4  }
0x35b: {  	[tilespmem:s8+$0xCC50] =	vst v5  }
0x35c: {  	[tilespmem:s8+$0xCC60] =	vst v6  }
0x35d: {  	[tilespmem:s8+$0xCC70] =	vst v7  }
0x35e: {  	[tilespmem:s8+$0xD000] =	vst v8  }
0x35f: {  	[tilespmem:s8+$0xD010] =	vst v9  }
0x360: {  	[tilespmem:s8+$0xD020] =	vst v10  }
0x361: {  	[tilespmem:s8+$0xD030] =	vst v11  }
0x362: {  	[tilespmem:s8+$0xD040] =	vst v12  }
0x363: {  	[tilespmem:s8+$0xD050] =	vst v13  }
0x364: {  	[tilespmem:s8+$0xD060] =	vst v14  }
0x365: {  	[tilespmem:s8+$0xD070] =	vst v15  }
0x366: {  	[tilespmem:s8+$0xD400] =	vst v16  }
0x367: {  	[tilespmem:s8+$0xD410] =	vst v17  }
0x368: {  	[tilespmem:s8+$0xD420] =	vst v18  }
0x369: {  	[tilespmem:s8+$0xD430] =	vst v19  }
0x36a: {  	[tilespmem:s8+$0xD440] =	vst v20  }
0x36b: {  	[tilespmem:s8+$0xD450] =	vst v21  }
0x36c: {  	[tilespmem:s8+$0xD460] =	vst v22  }
0x36d: {  	_ =	swait.ge [sflag:s10], $0x6000  }
0x36e: {  	[sflag:s10] =	ssyncset.done $0x0  }
0x36f: {  	s12 =	simm.s32 $0x0;
	s11 =	rddreg [dreg:$0xd];
	[sflag:s10] =	ssyncadd.s32 $0xFFFFA000  }
0x370: {  	[hbm4b:s11+s12] =	stream.linear.scatter [tilespmem:s3], [sflag:$0x2], $0xC000, $0x38;
	[tilespmem:$0x19200] =	vst v63  }
0x371: {  	_ =	swait.ge [sflag:s4], $0xC000  }
0x372: {  	[sflag:s4] =	ssyncset.done $0x0  }
0x373: {  	[sflag:s4] =	ssyncadd.s32 $0xFFFF4000  }
0x374: {  	_ =	swait.ge [sflag:s4], $0xC000  }
0x375: {  	s7 =	sadd.s32 $0x1, s7;
	s13 =	rddreg [dreg:$0xe]  }
0x376: {  	p1 =	sne.s32 s7, s13  }
.Ltmp8:
0x377: {  	_ = 	snop;
	(pc) =	sbr.rel @p1 .LBB2_1-.Ltmp8, $3  }
0x378: {  	_ =	sdelay $0x1  }
0x379: {  	[sflag:s4] =	ssyncset.done $0x0  }
0x37a: {  	[sflag:s4] =	ssyncadd.s32 $0xFFFF4000  }
0x37b: {  	_ =	sfence.sel $0x180000  }
0x37c: {  	[bflag:$0x0] =	sbarrier.arrive $0xFFFF  }
0x37d: {  	_ =	strace $0x90000047  }
0x37e: {  	[bflag:$0x2] =	sbarrier.arrive $0xFFFF  }
0x37f: {  	s0 =	rddreg [dreg:$0x4]  }
0x380: {  	s0 =	sadd.s32 @!p0 $0x100000, s0  }
0x381: {  	[sflag:s0] =	ssyncadd.tile.s32 @!p0 $0x1;
	_ =	shalt  }
.Lfunc_end2:
_tile_overlayer_lowered:
.L_overlay_start_2:
0x382: {  	(tag) =	ssettag $0x2  }
0x383: {  	s0 =	rddreg [dreg:$0x0];
	s2 =	stileid.u32  }
0x384: {  	s1 =	rddreg [dreg:$0x1];
	p0 =	sne.s32 s2, $0x0  }
0x385: {  	s3 =	rddreg [dreg:$0x2];
	[bflag:$0x3] =	sbarrier.arrive $0xFFFF;
	s2 =	simm.s32 @!p0 $0x1C04  }
0x386: {  	[timem:s3], [sflag:s2] =	dma.local @!p0 [hbm:s0], s1  }
0x387: {  	s0 =	simm.s32 @!p0 $0x4  }
0x388: {  	_ =	swait.ge @!p0 [sflag:s0], s1  }
0x389: {  	s1 =	ssub.s32 @!p0 $0x0, s1;
	[sflag:s0] =	ssyncset.done @!p0 $0x0  }
0x38a: {  	[sflag:s0] =	ssyncadd.s32 @!p0 s1  }
0x38b: {  	[bflag:$0x3] =	sbarrier.arrive $0xFFFF  }
0x38c: {  	_ =	shalt  }

</sc_bundles>
